<compile_context>
chip_gen: v7x
topology: tpu7x:2x2x1
jax: 0.10.2.dev20260603
libtpu: 0.0.44.dev20260713+nightly
codegen_flags: <defaults>
</compile_context>

<pallas_src>
import functools

import jax
import jax.numpy as jnp
from jax import lax
from jax.experimental import pallas as pl
from jax.experimental.pallas import tpu as pltpu
from jax.experimental.pallas import tpu_sc as plsc

N = 10000
E = 320000
D = 128
EPS = 1e-5

NPAD = 10240
NC = 2
NS = 16
NW = NC * NS
EPT = E // NW
CH = 80
NCH = EPT // CH
RPT = NPAD // NS

BR = 1024
GRID = NPAD // BR

_mesh = plsc.VectorSubcoreMesh(core_axis_name="c", subcore_axis_name="s")



@functools.partial(
    pl.kernel,
    mesh=_mesh,
    out_type=jax.ShapeDtypeStruct((NC, 2, NPAD), jnp.float32),
    scratch_types=[
        pltpu.VMEM((NCH, CH), jnp.int32),
        pltpu.VMEM((NCH, CH), jnp.int32),
        pltpu.VMEM((CH,), jnp.float32),
        pltpu.VMEM((RPT,), jnp.float32),
        pltpu.VMEM_SHARED((NPAD,), jnp.float32),
        pltpu.VMEM_SHARED((NPAD,), jnp.float32),
        pltpu.SemaphoreType.DMA,
    ],
)
def _deg_sc(src_hbm, dst_hbm, out_hbm, sidx, didx, ones_v, zer_v, od_sh, id_sh,
            semd):
    c = lax.axis_index("c")
    s = lax.axis_index("s")
    wid = s * NC + c
    one = jnp.ones((16,), jnp.float32)
    zero = jnp.zeros((16,), jnp.float32)
    for k in range(CH // 16):
        ones_v[pl.ds(k * 16, 16)] = one
    for k in range(RPT // 16):
        zer_v[pl.ds(k * 16, 16)] = zero
    pltpu.sync_copy(src_hbm.at[wid], sidx)
    pltpu.sync_copy(dst_hbm.at[wid], didx)
    pltpu.sync_copy(zer_v, od_sh.at[pl.ds(s * RPT, RPT)])
    pltpu.sync_copy(zer_v, id_sh.at[pl.ds(s * RPT, RPT)])
    plsc.subcore_barrier()

    def body(j, carry):
        @pl.when(j < NCH)
        def _():
            pltpu.async_copy(ones_v, od_sh.at[sidx.at[j]], semd, add=True)
            pltpu.async_copy(ones_v, id_sh.at[didx.at[j]], semd, add=True)

        @pl.when(j >= 4)
        def _():
            pltpu.make_async_copy(ones_v, od_sh.at[sidx.at[j - 4]], semd).wait()
            pltpu.make_async_copy(ones_v, id_sh.at[didx.at[j - 4]], semd).wait()

        return carry

    lax.fori_loop(0, NCH + 4, body, 0)
    plsc.subcore_barrier()
    pltpu.sync_copy(od_sh.at[pl.ds(s * RPT, RPT)], out_hbm.at[c, 0, pl.ds(s * RPT, RPT)])
    pltpu.sync_copy(id_sh.at[pl.ds(s * RPT, RPT)], out_hbm.at[c, 1, pl.ds(s * RPT, RPT)])


@functools.partial(
    pl.kernel,
    mesh=_mesh,
    out_type=jax.ShapeDtypeStruct((NC, NPAD, D), jnp.float32),
    scratch_types=[
        pltpu.VMEM((NCH, CH), jnp.int32),
        pltpu.VMEM((2, CH), jnp.int32),
        pltpu.VMEM((2, CH), jnp.int32),
        pltpu.VMEM((2, CH, D), jnp.float32),
        pltpu.VMEM_SHARED((NPAD, D), jnp.float32),
        pltpu.SemaphoreType.DMA,
        pltpu.SemaphoreType.DMA,
        pltpu.SemaphoreType.DMA,
    ],
)
def _agg_sc(pidx_hbm, z_hbm, m_hbm, out_hbm, pidx, sidx, didx, rows, agg_sh,
            semg, sems, semz):
    c = lax.axis_index("c")
    s = lax.axis_index("s")
    wid = s * NC + c

    pltpu.async_copy(z_hbm, agg_sh.at[pl.ds(s * RPT, RPT)], semz)
    pltpu.sync_copy(pidx_hbm.at[wid], pidx)

    def unpack(j, b):
        for k in range(CH // 16):
            p = pidx[j, pl.ds(k * 16, 16)]
            sidx[b, pl.ds(k * 16, 16)] = lax.shift_right_logical(p, 16)
            didx[b, pl.ds(k * 16, 16)] = lax.bitwise_and(p, 0xFFFF)

    unpack(0, 0)
    pltpu.async_copy(m_hbm.at[sidx.at[0]], rows.at[0], semg)
    pltpu.make_async_copy(z_hbm, agg_sh.at[pl.ds(s * RPT, RPT)], semz).wait()
    plsc.subcore_barrier()

    def body(j, carry):
        b = lax.rem(j, 2)

        @pl.when(j + 1 < NCH)
        def _():
            unpack(j + 1, 1 - b)
            pltpu.async_copy(m_hbm.at[sidx.at[1 - b]], rows.at[1 - b], semg)

        pltpu.make_async_copy(m_hbm.at[sidx.at[b]], rows.at[b], semg).wait()
        pltpu.sync_copy(rows.at[b], agg_sh.at[didx.at[b]], add=True)
        return carry

    lax.fori_loop(0, NCH, body, 0)
    plsc.subcore_barrier()
    pltpu.sync_copy(agg_sh.at[pl.ds(s * RPT, RPT)], out_hbm.at[c, pl.ds(s * RPT, RPT)])



def _rsqrt1(x):
    y = lax.rsqrt(x)
    return y * (1.5 - 0.5 * x * y * y)


def _bdot(a, b):
    return jnp.dot(a, b, preferred_element_type=jnp.float32,
                   precision=lax.Precision.HIGHEST)


def _first_tc_body(degt_ref, x_ref, w_ref, m_ref):
    ns = _rsqrt1(jnp.maximum(degt_ref[:, 0:1] + degt_ref[:, 2:3], 1.0))
    m_ref[...] = _bdot(x_ref[...] * ns, w_ref[...])


def _layer_tc_body(aggp_ref, degt_ref, b_ref, w_ref, m_ref):
    agg = aggp_ref[0] + aggp_ref[1]
    nd = _rsqrt1(jnp.maximum(degt_ref[:, 1:2] + degt_ref[:, 3:4], 1.0))
    ns = _rsqrt1(jnp.maximum(degt_ref[:, 0:1] + degt_ref[:, 2:3], 1.0))
    h = jnp.maximum(agg * nd + b_ref[...], 0.0)
    m_ref[...] = _bdot(h * ns, w_ref[...])


def _final_tc_body(aggp_ref, degt_ref, b_ref, w1_ref, b1_ref, g_ref, be_ref,
                   w2_ref, b2_ref, out_ref, ssum, smax):
    i = pl.program_id(0)
    agg = aggp_ref[0] + aggp_ref[1]
    nd = _rsqrt1(jnp.maximum(degt_ref[:, 1:2] + degt_ref[:, 3:4], 1.0))
    h = jnp.maximum(agg * nd + b_ref[...], 0.0)
    rid = i * BR + lax.broadcasted_iota(jnp.int32, (BR, 1), 0)
    valid = rid < N
    hs = jnp.where(valid, h, 0.0)
    hm = jnp.where(valid, h, -jnp.inf)
    bsum = jnp.dot(jnp.ones((1, BR), jnp.float32), hs,
                   preferred_element_type=jnp.float32,
                   precision=lax.Precision.HIGHEST)
    bmax = jnp.max(hm, axis=0, keepdims=True)

    @pl.when(i == 0)
    def _():
        ssum[0:1, :] = bsum
        smax[0:1, :] = bmax

    @pl.when(i > 0)
    def _():
        ssum[0:1, :] = ssum[0:1, :] + bsum
        smax[0:1, :] = jnp.maximum(smax[0:1, :], bmax)

    @pl.when(i == GRID - 1)
    def _():
        r_sum = ssum[0:1, :]
        r_max = smax[0:1, :]
        r_mean = r_sum * (1.0 / N)
        readout = jnp.concatenate([r_sum, r_mean, r_max], axis=1)
        z = _bdot(readout, w1_ref[...]) + b1_ref[...]
        z = z * (g_ref[...] * (1.0 / jnp.sqrt(1.0 + EPS))) + be_ref[...]
        z = jnp.maximum(z, 0.0)
        out_ref[...] = _bdot(z, w2_ref[...]) + b2_ref[...]


def _row_spec():
    return pl.BlockSpec((BR, D), lambda i: (i, 0))


def _full_spec(shape):
    return pl.BlockSpec(shape, lambda i: tuple(0 for _ in shape))


_first_tc = pl.pallas_call(
    _first_tc_body,
    grid=(GRID,),
    in_specs=[
        pl.BlockSpec((BR, 4), lambda i: (i, 0)),
        _row_spec(),
        _full_spec((D, D)),
    ],
    out_specs=_row_spec(),
    out_shape=jax.ShapeDtypeStruct((NPAD, D), jnp.float32),
)

_layer_tc = pl.pallas_call(
    _layer_tc_body,
    grid=(GRID,),
    in_specs=[
        pl.BlockSpec((NC, BR, D), lambda i: (0, i, 0)),
        pl.BlockSpec((BR, 4), lambda i: (i, 0)),
        _full_spec((1, D)),
        _full_spec((D, D)),
    ],
    out_specs=_row_spec(),
    out_shape=jax.ShapeDtypeStruct((NPAD, D), jnp.float32),
)

_final_tc = pl.pallas_call(
    _final_tc_body,
    grid=(GRID,),
    in_specs=[
        pl.BlockSpec((NC, BR, D), lambda i: (0, i, 0)),
        pl.BlockSpec((BR, 4), lambda i: (i, 0)),
        _full_spec((1, D)),
        _full_spec((3 * D, D)),
        _full_spec((1, D)),
        _full_spec((1, D)),
        _full_spec((1, D)),
        _full_spec((D, 1)),
        _full_spec((1, 1)),
    ],
    out_specs=_full_spec((1, 1)),
    out_shape=jax.ShapeDtypeStruct((1, 1), jnp.float32),
    scratch_shapes=[
        pltpu.VMEM((8, D), jnp.float32),
        pltpu.VMEM((8, D), jnp.float32),
    ],
)


def kernel(x, edge_index, W0, b0, W1, b1, W2, b2, W3, b3, W4, b4,
           mlpW1, mlpb1, gamma, beta, mlpW2, mlpb2):
    src = edge_index[0].astype(jnp.int32).reshape(NW, NCH, CH)
    dst = edge_index[1].astype(jnp.int32).reshape(NW, NCH, CH)
    pidx = jnp.bitwise_or(jnp.left_shift(src, 16), dst)
    x_pad = jnp.zeros((NPAD, D), jnp.float32).at[:N].set(x)

    zeros_rows = jnp.zeros((RPT, D), jnp.float32)

    degp = _deg_sc(src, dst)
    degt = degp.transpose(2, 0, 1).reshape(NPAD, NC * 2)

    m = _first_tc(degt, x_pad, W0)
    for b_prev, W in ((b0, W1), (b1, W2), (b2, W3), (b3, W4)):
        aggp = _agg_sc(pidx, zeros_rows, m)
        m = _layer_tc(aggp, degt, b_prev.reshape(1, D), W)

    aggp = _agg_sc(pidx, zeros_rows, m)
    out = _final_tc(aggp, degt, b4.reshape(1, D),
                    mlpW1, mlpb1.reshape(1, D), gamma.reshape(1, D),
                    beta.reshape(1, D), mlpW2, mlpb2.reshape(1, 1))
    return out

# --- scband reference (transcript-rebuilt; emitter-appended) ---
"""Pipeline reference for scband-gcn-6614249636267 (READ-ONLY COPY).

The authoritative reference and input builder live on the scoring server;
editing this copy changes nothing except your own understanding.
"""

import jax, jax.numpy as jnp
import numpy as np

N = 10000
E = 320000
NODE_DIM = 128
HIDDEN = 128
TARGET = 1
DEPTH = 5
EPS = 1e-5


def _glorot(key, shape):
    fan_in, fan_out = shape[0], shape[1]
    limit = np.sqrt(6.0 / (fan_in + fan_out))
    return jax.random.uniform(key, shape, dtype=jnp.float32, minval=-limit, maxval=limit)


def setup_inputs(seed: int = 0) -> dict:
    key = jax.random.key(seed)
    ks = jax.random.split(key, 32)
    inp = {}
    inp['x'] = jax.random.normal(ks[0], (N, NODE_DIM), dtype=jnp.float32)
    inp['edge_index'] = jax.random.randint(ks[1], (2, E), 0, N)
    # 5 GraphConv layers
    dims = [NODE_DIM] + [HIDDEN] * DEPTH
    for i in range(DEPTH):
        inp['W%d' % i] = _glorot(ks[2 + i], (dims[i], dims[i + 1]))
        inp['b%d' % i] = jnp.zeros((dims[i + 1],), dtype=jnp.float32)
    # readout MLP: in = HIDDEN * 3 aggregators, layers=2 with mid batchnorm
    inp['mlpW1'] = _glorot(ks[10], (HIDDEN * 3, HIDDEN))
    inp['mlpb1'] = jnp.zeros((HIDDEN,), dtype=jnp.float32)
    inp['gamma'] = jnp.ones((HIDDEN,), dtype=jnp.float32)
    inp['beta'] = jnp.zeros((HIDDEN,), dtype=jnp.float32)
    inp['mlpW2'] = _glorot(ks[11], (HIDDEN, TARGET))
    inp['mlpb2'] = jnp.zeros((TARGET,), dtype=jnp.float32)
    return inp


def _graph_conv(h, src, dst, W, b):
    # DGL GraphConv with norm='both': D^{-1/2} A D^{-1/2} h W + b
    out_deg = jnp.zeros((N,), jnp.float32).at[src].add(1.0)
    in_deg = jnp.zeros((N,), jnp.float32).at[dst].add(1.0)
    norm_src = jax.lax.rsqrt(jnp.clip(out_deg, 1.0, None))
    norm_dst = jax.lax.rsqrt(jnp.clip(in_deg, 1.0, None))
    h = h * norm_src[:, None]
    h = h @ W
    agg = jnp.zeros((N, W.shape[1]), h.dtype).at[dst].add(jnp.take(h, src, axis=0))
    return agg * norm_dst[:, None] + b


def reference(x, edge_index, W0, b0, W1, b1, W2, b2, W3, b3, W4, b4, mlpW1, mlpb1, gamma, beta, mlpW2, mlpb2):
    src = edge_index[0]
    dst = edge_index[1]
    h = x
    Ws = [W0, W1, W2, W3, W4]
    bs = [b0, b1, b2, b3, b4]
    for W, b in zip(Ws, bs):
        h = jax.nn.relu(_graph_conv(h, src, dst, W, b))
    # readout over single graph: sum, mean, max
    r_sum = jnp.sum(h, axis=0)
    r_mean = jnp.mean(h, axis=0)
    r_max = jnp.max(h, axis=0)
    readout = jnp.concatenate([r_sum, r_mean, r_max], axis=-1)[None, :]
    # MLP with mid batch norm (eval mode: running_mean=0, running_var=1)
    z = readout @ mlpW1 + mlpb1
    z = (z - 0.0) / jnp.sqrt(1.0 + EPS) * gamma + beta
    z = jax.nn.relu(z)
    out = z @ mlpW2 + mlpb2
    return out

if __name__ == "__main__":
    import jax
    _d = setup_inputs()
    print(jax.jit(kernel)(*tuple(_d.values())))

</pallas_src>

<mosaic_0001>
#map = affine_map<(d0, d1) -> (0, 0, 0)>
#map1 = affine_map<(d0, d1) -> (0, 0)>
module attributes {stable_mosaic.version = 14 : i64} {
  func.func @_agg_sc(%arg0: i32, %arg1: i32, %arg2: memref<32x125x80xi32, #tpu.memory_space<hbm>>, %arg3: memref<640x128xf32, #tpu.memory_space<hbm>>, %arg4: memref<10240x128xf32, #tpu.memory_space<hbm>>, %arg5: memref<2x10240x128xf32, #tpu.memory_space<hbm>>, %arg6: memref<125x80xi32, #tpu.memory_space<vmem>>, %arg7: memref<2x80xi32, #tpu.memory_space<vmem>>, %arg8: memref<2x80xi32, #tpu.memory_space<vmem>>, %arg9: memref<2x80x128xf32, #tpu.memory_space<vmem>>, %arg10: memref<10240x128xf32, #tpu.memory_space<vmem_shared>>, %arg11: memref<!tpu.dma_semaphore, #tpu.memory_space<semaphore_mem>>, %arg12: memref<!tpu.dma_semaphore, #tpu.memory_space<semaphore_mem>>, %arg13: memref<!tpu.dma_semaphore, #tpu.memory_space<semaphore_mem>>) attributes {dimension_semantics = [#tpu.dimension_semantics<core_parallel>, #tpu.dimension_semantics<subcore_parallel>], iteration_bounds = array<i64: 2, 16>, scalar_prefetch = 0 : i64, scratch_operands = 8 : i64, tpu.core_type = #tpu.core_type<sc_vector_subcore>, window_params = [{transform_indices = #map}, {transform_indices = #map1}, {transform_indices = #map1}, {transform_indices = #map}]} {
    %mul3A = arith.constant 2 : i32
    %mul3A_0 = arith.muli %arg1, %mul3A : i32
    %add3A = arith.addi %mul3A_0, %arg0 : i32
    %mul3A_1 = arith.constant 640 : i32
    %mul3A_2 = arith.muli %arg1, %mul3A_1 : i32
    %dma_start3A = arith.constant 0 : i32
    %dma_start3A_3 = tpu.memref_slice %arg10[%mul3A_2, %dma_start3A] : memref<10240x128xf32, #tpu.memory_space<vmem_shared>> -> memref<640x128xf32, #tpu.memory_space<vmem_shared>>
    tpu.enqueue_dma source(%arg3 : memref<640x128xf32, #tpu.memory_space<hbm>>) target(%dma_start3A_3 : memref<640x128xf32, #tpu.memory_space<vmem_shared>>) target_semaphore(%arg13 : memref<!tpu.dma_semaphore, #tpu.memory_space<semaphore_mem>>)
    "tpu.region"() ({
      %run_scoped3A = tpu.sem_alloc : memref<!tpu.dma_semaphore, #tpu.memory_space<semaphore_mem>>
      %dma_start3A_140 = arith.constant 0 : i32
      %dma_start3A_141 = arith.constant 0 : i32
      %dma_start3A_142 = tpu.memref_slice %arg2[%add3A, %dma_start3A_140, %dma_start3A_141] : memref<32x125x80xi32, #tpu.memory_space<hbm>> -> memref<1x125x80xi32, #tpu.memory_space<hbm>>
      %dma_start3A_143 = tpu.memref_squeeze %dma_start3A_142 : memref<1x125x80xi32, #tpu.memory_space<hbm>> -> memref<125x80xi32, #tpu.memory_space<hbm>>
      %dma_start3A_144 = arith.constant 0 : i32
      %dma_start3A_145 = arith.constant 0 : i32
      %dma_start3A_146 = tpu.memref_slice %arg2[%add3A, %dma_start3A_144, %dma_start3A_145] : memref<32x125x80xi32, #tpu.memory_space<hbm>> -> memref<1x125x80xi32, #tpu.memory_space<hbm>>
      %dma_start3A_147 = tpu.memref_squeeze %dma_start3A_146 : memref<1x125x80xi32, #tpu.memory_space<hbm>> -> memref<125x80xi32, #tpu.memory_space<hbm>>
      tpu.enqueue_dma source(%dma_start3A_147 : memref<125x80xi32, #tpu.memory_space<hbm>>) target(%arg6 : memref<125x80xi32, #tpu.memory_space<vmem>>) target_semaphore(%run_scoped3A : memref<!tpu.dma_semaphore, #tpu.memory_space<semaphore_mem>>)
      %dma_wait3A_148 = arith.constant 0 : i32
      %dma_wait3A_149 = arith.constant 0 : i32
      %dma_wait3A_150 = tpu.memref_slice %arg2[%add3A, %dma_wait3A_148, %dma_wait3A_149] : memref<32x125x80xi32, #tpu.memory_space<hbm>> -> memref<1x125x80xi32, #tpu.memory_space<hbm>>
      %dma_wait3A_151 = tpu.memref_squeeze %dma_wait3A_150 : memref<1x125x80xi32, #tpu.memory_space<hbm>> -> memref<125x80xi32, #tpu.memory_space<hbm>>
      %dma_wait3A_152 = arith.constant 0 : i32
      %dma_wait3A_153 = arith.constant 0 : i32
      %dma_wait3A_154 = tpu.memref_slice %arg2[%add3A, %dma_wait3A_152, %dma_wait3A_153] : memref<32x125x80xi32, #tpu.memory_space<hbm>> -> memref<1x125x80xi32, #tpu.memory_space<hbm>>
      %dma_wait3A_155 = tpu.memref_squeeze %dma_wait3A_154 : memref<1x125x80xi32, #tpu.memory_space<hbm>> -> memref<125x80xi32, #tpu.memory_space<hbm>>
      tpu.wait_dma2 semaphore(%run_scoped3A : memref<!tpu.dma_semaphore, #tpu.memory_space<semaphore_mem>>) src(%dma_wait3A_155 : memref<125x80xi32, #tpu.memory_space<hbm>>) dst(%arg6 : memref<125x80xi32, #tpu.memory_space<vmem>>)
      tpu.yield
    }) : () -> ()
    %get3A = arith.constant 0 : i32
    %get3A_4 = arith.index_cast %get3A : i32 to index
    %get3A_5 = arith.constant 0 : index
    %get3A_6 = tpu.vector_load %arg6[%get3A_4, %get3A_5] {strides = array<i32>} : memref<125x80xi32, #tpu.memory_space<vmem>>, vector<1x16xi32>,
    %get3A_7 = vector.shape_cast %get3A_6 : vector<1x16xi32> to vector<16xi32>
    %shift_right_logical3A = arith.constant 16 : i32
    %shift_right_logical3A_8 = vector.broadcast %shift_right_logical3A : i32 to vector<16xi32>
    %shift_right_logical3A_9 = arith.shrui %get3A_7, %shift_right_logical3A_8 : vector<16xi32>
    %swap3A = arith.constant 0 : i32
    %swap3A_10 = arith.index_cast %swap3A : i32 to index
    %swap3A_11 = arith.constant 0 : index
    %swap3A_12 = tpu.vector_load %arg7[%swap3A_10, %swap3A_11] {strides = array<i32>} : memref<2x80xi32, #tpu.memory_space<vmem>>, vector<1x16xi32>,
    %swap3A_13 = vector.shape_cast %swap3A_12 : vector<1x16xi32> to vector<16xi32>
    %swap3A_14 = vector.shape_cast %shift_right_logical3A_9 : vector<16xi32> to vector<1x16xi32>
    tpu.vector_store %arg7[%swap3A_10, %swap3A_11], %swap3A_14 {strides = array<i32>} : memref<2x80xi32, #tpu.memory_space<vmem>>, vector<1x16xi32>,
    %and3A = arith.constant 65535 : i32
    %and3A_15 = vector.broadcast %and3A : i32 to vector<16xi32>
    %and3A_16 = arith.andi %get3A_7, %and3A_15 : vector<16xi32>
    %swap3A_17 = arith.constant 0 : i32
    %swap3A_18 = arith.index_cast %swap3A_17 : i32 to index
    %swap3A_19 = arith.constant 0 : index
    %swap3A_20 = tpu.vector_load %arg8[%swap3A_18, %swap3A_19] {strides = array<i32>} : memref<2x80xi32, #tpu.memory_space<vmem>>, vector<1x16xi32>,
    %swap3A_21 = vector.shape_cast %swap3A_20 : vector<1x16xi32> to vector<16xi32>
    %swap3A_22 = vector.shape_cast %and3A_16 : vector<16xi32> to vector<1x16xi32>
    tpu.vector_store %arg8[%swap3A_18, %swap3A_19], %swap3A_22 {strides = array<i32>} : memref<2x80xi32, #tpu.memory_space<vmem>>, vector<1x16xi32>,
    %get3A_23 = arith.constant 0 : i32
    %get3A_24 = arith.index_cast %get3A_23 : i32 to index
    %get3A_25 = arith.constant 16 : index
    %get3A_26 = tpu.vector_load %arg6[%get3A_24, %get3A_25] {strides = array<i32>} : memref<125x80xi32, #tpu.memory_space<vmem>>, vector<1x16xi32>,
    %get3A_27 = vector.shape_cast %get3A_26 : vector<1x16xi32> to vector<16xi32>
    %shift_right_logical3A_28 = arith.constant 16 : i32
    %shift_right_logical3A_29 = vector.broadcast %shift_right_logical3A_28 : i32 to vector<16xi32>
    %shift_right_logical3A_30 = arith.shrui %get3A_27, %shift_right_logical3A_29 : vector<16xi32>
    %swap3A_31 = arith.constant 0 : i32
    %swap3A_32 = arith.index_cast %swap3A_31 : i32 to index
    %swap3A_33 = arith.constant 16 : index
    %swap3A_34 = tpu.vector_load %arg7[%swap3A_32, %swap3A_33] {strides = array<i32>} : memref<2x80xi32, #tpu.memory_space<vmem>>, vector<1x16xi32>,
    %swap3A_35 = vector.shape_cast %swap3A_34 : vector<1x16xi32> to vector<16xi32>
    %swap3A_36 = vector.shape_cast %shift_right_logical3A_30 : vector<16xi32> to vector<1x16xi32>
    tpu.vector_store %arg7[%swap3A_32, %swap3A_33], %swap3A_36 {strides = array<i32>} : memref<2x80xi32, #tpu.memory_space<vmem>>, vector<1x16xi32>,
    %and3A_37 = arith.constant 65535 : i32
    %and3A_38 = vector.broadcast %and3A_37 : i32 to vector<16xi32>
    %and3A_39 = arith.andi %get3A_27, %and3A_38 : vector<16xi32>
    %swap3A_40 = arith.constant 0 : i32
    %swap3A_41 = arith.index_cast %swap3A_40 : i32 to index
    %swap3A_42 = arith.constant 16 : index
    %swap3A_43 = tpu.vector_load %arg8[%swap3A_41, %swap3A_42] {strides = array<i32>} : memref<2x80xi32, #tpu.memory_space<vmem>>, vector<1x16xi32>,
    %swap3A_44 = vector.shape_cast %swap3A_43 : vector<1x16xi32> to vector<16xi32>
    %swap3A_45 = vector.shape_cast %and3A_39 : vector<16xi32> to vector<1x16xi32>
    tpu.vector_store %arg8[%swap3A_41, %swap3A_42], %swap3A_45 {strides = array<i32>} : memref<2x80xi32, #tpu.memory_space<vmem>>, vector<1x16xi32>,
    %get3A_46 = arith.constant 0 : i32
    %get3A_47 = arith.index_cast %get3A_46 : i32 to index
    %get3A_48 = arith.constant 32 : index
    %get3A_49 = tpu.vector_load %arg6[%get3A_47, %get3A_48] {strides = array<i32>} : memref<125x80xi32, #tpu.memory_space<vmem>>, vector<1x16xi32>,
    %get3A_50 = vector.shape_cast %get3A_49 : vector<1x16xi32> to vector<16xi32>
    %shift_right_logical3A_51 = arith.constant 16 : i32
    %shift_right_logical3A_52 = vector.broadcast %shift_right_logical3A_51 : i32 to vector<16xi32>
    %shift_right_logical3A_53 = arith.shrui %get3A_50, %shift_right_logical3A_52 : vector<16xi32>
    %swap3A_54 = arith.constant 0 : i32
    %swap3A_55 = arith.index_cast %swap3A_54 : i32 to index
    %swap3A_56 = arith.constant 32 : index
    %swap3A_57 = tpu.vector_load %arg7[%swap3A_55, %swap3A_56] {strides = array<i32>} : memref<2x80xi32, #tpu.memory_space<vmem>>, vector<1x16xi32>,
    %swap3A_58 = vector.shape_cast %swap3A_57 : vector<1x16xi32> to vector<16xi32>
    %swap3A_59 = vector.shape_cast %shift_right_logical3A_53 : vector<16xi32> to vector<1x16xi32>
    tpu.vector_store %arg7[%swap3A_55, %swap3A_56], %swap3A_59 {strides = array<i32>} : memref<2x80xi32, #tpu.memory_space<vmem>>, vector<1x16xi32>,
    %and3A_60 = arith.constant 65535 : i32
    %and3A_61 = vector.broadcast %and3A_60 : i32 to vector<16xi32>
    %and3A_62 = arith.andi %get3A_50, %and3A_61 : vector<16xi32>
    %swap3A_63 = arith.constant 0 : i32
    %swap3A_64 = arith.index_cast %swap3A_63 : i32 to index
    %swap3A_65 = arith.constant 32 : index
    %swap3A_66 = tpu.vector_load %arg8[%swap3A_64, %swap3A_65] {strides = array<i32>} : memref<2x80xi32, #tpu.memory_space<vmem>>, vector<1x16xi32>,
    %swap3A_67 = vector.shape_cast %swap3A_66 : vector<1x16xi32> to vector<16xi32>
    %swap3A_68 = vector.shape_cast %and3A_62 : vector<16xi32> to vector<1x16xi32>
    tpu.vector_store %arg8[%swap3A_64, %swap3A_65], %swap3A_68 {strides = array<i32>} : memref<2x80xi32, #tpu.memory_space<vmem>>, vector<1x16xi32>,
    %get3A_69 = arith.constant 0 : i32
    %get3A_70 = arith.index_cast %get3A_69 : i32 to index
    %get3A_71 = arith.constant 48 : index
    %get3A_72 = tpu.vector_load %arg6[%get3A_70, %get3A_71] {strides = array<i32>} : memref<125x80xi32, #tpu.memory_space<vmem>>, vector<1x16xi32>,
    %get3A_73 = vector.shape_cast %get3A_72 : vector<1x16xi32> to vector<16xi32>
    %shift_right_logical3A_74 = arith.constant 16 : i32
    %shift_right_logical3A_75 = vector.broadcast %shift_right_logical3A_74 : i32 to vector<16xi32>
    %shift_right_logical3A_76 = arith.shrui %get3A_73, %shift_right_logical3A_75 : vector<16xi32>
    %swap3A_77 = arith.constant 0 : i32
    %swap3A_78 = arith.index_cast %swap3A_77 : i32 to index
    %swap3A_79 = arith.constant 48 : index
    %swap3A_80 = tpu.vector_load %arg7[%swap3A_78, %swap3A_79] {strides = array<i32>} : memref<2x80xi32, #tpu.memory_space<vmem>>, vector<1x16xi32>,
    %swap3A_81 = vector.shape_cast %swap3A_80 : vector<1x16xi32> to vector<16xi32>
    %swap3A_82 = vector.shape_cast %shift_right_logical3A_76 : vector<16xi32> to vector<1x16xi32>
    tpu.vector_store %arg7[%swap3A_78, %swap3A_79], %swap3A_82 {strides = array<i32>} : memref<2x80xi32, #tpu.memory_space<vmem>>, vector<1x16xi32>,
    %and3A_83 = arith.constant 65535 : i32
    %and3A_84 = vector.broadcast %and3A_83 : i32 to vector<16xi32>
    %and3A_85 = arith.andi %get3A_73, %and3A_84 : vector<16xi32>
    %swap3A_86 = arith.constant 0 : i32
    %swap3A_87 = arith.index_cast %swap3A_86 : i32 to index
    %swap3A_88 = arith.constant 48 : index
    %swap3A_89 = tpu.vector_load %arg8[%swap3A_87, %swap3A_88] {strides = array<i32>} : memref<2x80xi32, #tpu.memory_space<vmem>>, vector<1x16xi32>,
    %swap3A_90 = vector.shape_cast %swap3A_89 : vector<1x16xi32> to vector<16xi32>
    %swap3A_91 = vector.shape_cast %and3A_85 : vector<16xi32> to vector<1x16xi32>
    tpu.vector_store %arg8[%swap3A_87, %swap3A_88], %swap3A_91 {strides = array<i32>} : memref<2x80xi32, #tpu.memory_space<vmem>>, vector<1x16xi32>,
    %get3A_92 = arith.constant 0 : i32
    %get3A_93 = arith.index_cast %get3A_92 : i32 to index
    %get3A_94 = arith.constant 64 : index
    %get3A_95 = tpu.vector_load %arg6[%get3A_93, %get3A_94] {strides = array<i32>} : memref<125x80xi32, #tpu.memory_space<vmem>>, vector<1x16xi32>,
    %get3A_96 = vector.shape_cast %get3A_95 : vector<1x16xi32> to vector<16xi32>
    %shift_right_logical3A_97 = arith.constant 16 : i32
    %shift_right_logical3A_98 = vector.broadcast %shift_right_logical3A_97 : i32 to vector<16xi32>
    %shift_right_logical3A_99 = arith.shrui %get3A_96, %shift_right_logical3A_98 : vector<16xi32>
    %swap3A_100 = arith.constant 0 : i32
    %swap3A_101 = arith.index_cast %swap3A_100 : i32 to index
    %swap3A_102 = arith.constant 64 : index
    %swap3A_103 = tpu.vector_load %arg7[%swap3A_101, %swap3A_102] {strides = array<i32>} : memref<2x80xi32, #tpu.memory_space<vmem>>, vector<1x16xi32>,
    %swap3A_104 = vector.shape_cast %swap3A_103 : vector<1x16xi32> to vector<16xi32>
    %swap3A_105 = vector.shape_cast %shift_right_logical3A_99 : vector<16xi32> to vector<1x16xi32>
    tpu.vector_store %arg7[%swap3A_101, %swap3A_102], %swap3A_105 {strides = array<i32>} : memref<2x80xi32, #tpu.memory_space<vmem>>, vector<1x16xi32>,
    %and3A_106 = arith.constant 65535 : i32
    %and3A_107 = vector.broadcast %and3A_106 : i32 to vector<16xi32>
    %and3A_108 = arith.andi %get3A_96, %and3A_107 : vector<16xi32>
    %swap3A_109 = arith.constant 0 : i32
    %swap3A_110 = arith.index_cast %swap3A_109 : i32 to index
    %swap3A_111 = arith.constant 64 : index
    %swap3A_112 = tpu.vector_load %arg8[%swap3A_110, %swap3A_111] {strides = array<i32>} : memref<2x80xi32, #tpu.memory_space<vmem>>, vector<1x16xi32>,
    %swap3A_113 = vector.shape_cast %swap3A_112 : vector<1x16xi32> to vector<16xi32>
    %swap3A_114 = vector.shape_cast %and3A_108 : vector<16xi32> to vector<1x16xi32>
    tpu.vector_store %arg8[%swap3A_110, %swap3A_111], %swap3A_114 {strides = array<i32>} : memref<2x80xi32, #tpu.memory_space<vmem>>, vector<1x16xi32>,
    %dma_start3A_115 = arith.constant 0 : i32
    %dma_start3A_116 = arith.constant 0 : i32
    %dma_start3A_117 = arith.constant 0 : i32
    %dma_start3A_118 = arith.constant 0 : i32
    %dma_start3A_119 = tpu.memref_slice %arg9[%dma_start3A_116, %dma_start3A_117, %dma_start3A_118] : memref<2x80x128xf32, #tpu.memory_space<vmem>> -> memref<1x80x128xf32, #tpu.memory_space<vmem>>
    %dma_start3A_120 = tpu.memref_squeeze %dma_start3A_119 : memref<1x80x128xf32, #tpu.memory_space<vmem>> -> memref<80x128xf32, #tpu.memory_space<vmem>>
    %dma_start3A_121 = arith.constant 0 : i32
    %dma_start3A_122 = tpu.memref_slice %arg7[%dma_start3A_115, %dma_start3A_121] : memref<2x80xi32, #tpu.memory_space<vmem>> -> memref<1x80xi32, #tpu.memory_space<vmem>>
    %dma_start3A_123 = tpu.memref_squeeze %dma_start3A_122 : memref<1x80xi32, #tpu.memory_space<vmem>> -> memref<80xi32, #tpu.memory_space<vmem>>
    %dma_start3A_124 = arith.constant 0 : i32
    %dma_start3A_125 = arith.constant 0 : i32
    %dma_start3A_126 = tpu.memref_slice %arg4[%dma_start3A_124, %dma_start3A_125] : memref<10240x128xf32, #tpu.memory_space<hbm>> -> memref<10240x128xf32, #tpu.memory_space<hbm>>
    tpu.enqueue_indirect_dma source(%dma_start3A_126 : memref<10240x128xf32, #tpu.memory_space<hbm>>) target(%dma_start3A_120 : memref<80x128xf32, #tpu.memory_space<vmem>>) offsets(%dma_start3A_123 : memref<80xi32, #tpu.memory_space<vmem>>) semaphore(%arg11 : memref<!tpu.dma_semaphore, #tpu.memory_space<semaphore_mem>>)
    %mul3A_127 = arith.constant 640 : i32
    %mul3A_128 = arith.muli %arg1, %mul3A_127 : i32
    %dma_wait3A = arith.constant 0 : i32
    %dma_wait3A_129 = tpu.memref_slice %arg10[%mul3A_128, %dma_wait3A] : memref<10240x128xf32, #tpu.memory_space<vmem_shared>> -> memref<640x128xf32, #tpu.memory_space<vmem_shared>>
    tpu.wait_dma2 semaphore(%arg13 : memref<!tpu.dma_semaphore, #tpu.memory_space<semaphore_mem>>) src(%arg3 : memref<640x128xf32, #tpu.memory_space<hbm>>) dst(%dma_wait3A_129 : memref<640x128xf32, #tpu.memory_space<vmem_shared>>)
    %barrier3A = arith.constant 0 : index
    tpu.barrier barrier_id(%barrier3A)
    %scan3A = arith.constant 0 : i32
    %scan3A_130 = arith.constant 0 : i32
    %scan3A_131 = arith.constant 125 : i32
    %scan3A_132 = arith.addi %scan3A_130, %scan3A_131 : i32
    %scan3A_133 = arith.constant 1 : i32
    scf.for %scan3A_140 = %scan3A_130 to %scan3A_132 step %scan3A_133  : i32 {
      %rem3A = arith.constant 2 : i32
      %rem3A_141 = arith.remsi %scan3A_140, %rem3A : i32
      %add3A_142 = arith.constant 1 : i32
      %add3A_143 = arith.addi %scan3A_140, %add3A_142 : i32
      %lt3A = arith.constant 125 : i32
      %lt3A_144 = arith.cmpi slt, %add3A_143, %lt3A : i32
      %convert_element_type3A = arith.extui %lt3A_144 : i1 to i32
      %cond3A = arith.constant 0 : i32
      %cond3A_145 = arith.cmpi ne, %convert_element_type3A, %cond3A : i32
      scf.if %cond3A_145 {
        %add3A_156 = arith.constant 1 : i32
        %add3A_157 = arith.addi %scan3A_140, %add3A_156 : i32
        %sub3A = arith.constant 1 : i32
        %sub3A_158 = arith.subi %sub3A, %rem3A_141 : i32
        %get3A_159 = arith.index_cast %add3A_157 : i32 to index
        %get3A_160 = arith.constant 0 : index
        %get3A_161 = tpu.vector_load %arg6[%get3A_159, %get3A_160] {strides = array<i32>} : memref<125x80xi32, #tpu.memory_space<vmem>>, vector<1x16xi32>,
        %get3A_162 = vector.shape_cast %get3A_161 : vector<1x16xi32> to vector<16xi32>
        %shift_right_logical3A_163 = arith.constant 16 : i32
        %shift_right_logical3A_164 = vector.broadcast %shift_right_logical3A_163 : i32 to vector<16xi32>
        %shift_right_logical3A_165 = arith.shrui %get3A_162, %shift_right_logical3A_164 : vector<16xi32>
        %swap3A_166 = arith.index_cast %sub3A_158 : i32 to index
        %swap3A_167 = arith.constant 0 : index
        %swap3A_168 = tpu.vector_load %arg7[%swap3A_166, %swap3A_167] {strides = array<i32>} : memref<2x80xi32, #tpu.memory_space<vmem>>, vector<1x16xi32>,
        %swap3A_169 = vector.shape_cast %swap3A_168 : vector<1x16xi32> to vector<16xi32>
        %swap3A_170 = vector.shape_cast %shift_right_logical3A_165 : vector<16xi32> to vector<1x16xi32>
        tpu.vector_store %arg7[%swap3A_166, %swap3A_167], %swap3A_170 {strides = array<i32>} : memref<2x80xi32, #tpu.memory_space<vmem>>, vector<1x16xi32>,
        %and3A_171 = arith.constant 65535 : i32
        %and3A_172 = vector.broadcast %and3A_171 : i32 to vector<16xi32>
        %and3A_173 = arith.andi %get3A_162, %and3A_172 : vector<16xi32>
        %swap3A_174 = arith.index_cast %sub3A_158 : i32 to index
        %swap3A_175 = arith.constant 0 : index
        %swap3A_176 = tpu.vector_load %arg8[%swap3A_174, %swap3A_175] {strides = array<i32>} : memref<2x80xi32, #tpu.memory_space<vmem>>, vector<1x16xi32>,
        %swap3A_177 = vector.shape_cast %swap3A_176 : vector<1x16xi32> to vector<16xi32>
        %swap3A_178 = vector.shape_cast %and3A_173 : vector<16xi32> to vector<1x16xi32>
        tpu.vector_store %arg8[%swap3A_174, %swap3A_175], %swap3A_178 {strides = array<i32>} : memref<2x80xi32, #tpu.memory_space<vmem>>, vector<1x16xi32>,
        %get3A_179 = arith.index_cast %add3A_157 : i32 to index
        %get3A_180 = arith.constant 16 : index
        %get3A_181 = tpu.vector_load %arg6[%get3A_179, %get3A_180] {strides = array<i32>} : memref<125x80xi32, #tpu.memory_space<vmem>>, vector<1x16xi32>,
        %get3A_182 = vector.shape_cast %get3A_181 : vector<1x16xi32> to vector<16xi32>
        %shift_right_logical3A_183 = arith.constant 16 : i32
        %shift_right_logical3A_184 = vector.broadcast %shift_right_logical3A_183 : i32 to vector<16xi32>
        %shift_right_logical3A_185 = arith.shrui %get3A_182, %shift_right_logical3A_184 : vector<16xi32>
        %swap3A_186 = arith.index_cast %sub3A_158 : i32 to index
        %swap3A_187 = arith.constant 16 : index
        %swap3A_188 = tpu.vector_load %arg7[%swap3A_186, %swap3A_187] {strides = array<i32>} : memref<2x80xi32, #tpu.memory_space<vmem>>, vector<1x16xi32>,
        %swap3A_189 = vector.shape_cast %swap3A_188 : vector<1x16xi32> to vector<16xi32>
        %swap3A_190 = vector.shape_cast %shift_right_logical3A_185 : vector<16xi32> to vector<1x16xi32>
        tpu.vector_store %arg7[%swap3A_186, %swap3A_187], %swap3A_190 {strides = array<i32>} : memref<2x80xi32, #tpu.memory_space<vmem>>, vector<1x16xi32>,
        %and3A_191 = arith.constant 65535 : i32
        %and3A_192 = vector.broadcast %and3A_191 : i32 to vector<16xi32>
        %and3A_193 = arith.andi %get3A_182, %and3A_192 : vector<16xi32>
        %swap3A_194 = arith.index_cast %sub3A_158 : i32 to index
        %swap3A_195 = arith.constant 16 : index
        %swap3A_196 = tpu.vector_load %arg8[%swap3A_194, %swap3A_195] {strides = array<i32>} : memref<2x80xi32, #tpu.memory_space<vmem>>, vector<1x16xi32>,
        %swap3A_197 = vector.shape_cast %swap3A_196 : vector<1x16xi32> to vector<16xi32>
        %swap3A_198 = vector.shape_cast %and3A_193 : vector<16xi32> to vector<1x16xi32>
        tpu.vector_store %arg8[%swap3A_194, %swap3A_195], %swap3A_198 {strides = array<i32>} : memref<2x80xi32, #tpu.memory_space<vmem>>, vector<1x16xi32>,
        %get3A_199 = arith.index_cast %add3A_157 : i32 to index
        %get3A_200 = arith.constant 32 : index
        %get3A_201 = tpu.vector_load %arg6[%get3A_199, %get3A_200] {strides = array<i32>} : memref<125x80xi32, #tpu.memory_space<vmem>>, vector<1x16xi32>,
        %get3A_202 = vector.shape_cast %get3A_201 : vector<1x16xi32> to vector<16xi32>
        %shift_right_logical3A_203 = arith.constant 16 : i32
        %shift_right_logical3A_204 = vector.broadcast %shift_right_logical3A_203 : i32 to vector<16xi32>
        %shift_right_logical3A_205 = arith.shrui %get3A_202, %shift_right_logical3A_204 : vector<16xi32>
        %swap3A_206 = arith.index_cast %sub3A_158 : i32 to index
        %swap3A_207 = arith.constant 32 : index
        %swap3A_208 = tpu.vector_load %arg7[%swap3A_206, %swap3A_207] {strides = array<i32>} : memref<2x80xi32, #tpu.memory_space<vmem>>, vector<1x16xi32>,
        %swap3A_209 = vector.shape_cast %swap3A_208 : vector<1x16xi32> to vector<16xi32>
        %swap3A_210 = vector.shape_cast %shift_right_logical3A_205 : vector<16xi32> to vector<1x16xi32>
        tpu.vector_store %arg7[%swap3A_206, %swap3A_207], %swap3A_210 {strides = array<i32>} : memref<2x80xi32, #tpu.memory_space<vmem>>, vector<1x16xi32>,
        %and3A_211 = arith.constant 65535 : i32
        %and3A_212 = vector.broadcast %and3A_211 : i32 to vector<16xi32>
        %and3A_213 = arith.andi %get3A_202, %and3A_212 : vector<16xi32>
        %swap3A_214 = arith.index_cast %sub3A_158 : i32 to index
        %swap3A_215 = arith.constant 32 : index
        %swap3A_216 = tpu.vector_load %arg8[%swap3A_214, %swap3A_215] {strides = array<i32>} : memref<2x80xi32, #tpu.memory_space<vmem>>, vector<1x16xi32>,
        %swap3A_217 = vector.shape_cast %swap3A_216 : vector<1x16xi32> to vector<16xi32>
        %swap3A_218 = vector.shape_cast %and3A_213 : vector<16xi32> to vector<1x16xi32>
        tpu.vector_store %arg8[%swap3A_214, %swap3A_215], %swap3A_218 {strides = array<i32>} : memref<2x80xi32, #tpu.memory_space<vmem>>, vector<1x16xi32>,
        %get3A_219 = arith.index_cast %add3A_157 : i32 to index
        %get3A_220 = arith.constant 48 : index
        %get3A_221 = tpu.vector_load %arg6[%get3A_219, %get3A_220] {strides = array<i32>} : memref<125x80xi32, #tpu.memory_space<vmem>>, vector<1x16xi32>,
        %get3A_222 = vector.shape_cast %get3A_221 : vector<1x16xi32> to vector<16xi32>
        %shift_right_logical3A_223 = arith.constant 16 : i32
        %shift_right_logical3A_224 = vector.broadcast %shift_right_logical3A_223 : i32 to vector<16xi32>
        %shift_right_logical3A_225 = arith.shrui %get3A_222, %shift_right_logical3A_224 : vector<16xi32>
        %swap3A_226 = arith.index_cast %sub3A_158 : i32 to index
        %swap3A_227 = arith.constant 48 : index
        %swap3A_228 = tpu.vector_load %arg7[%swap3A_226, %swap3A_227] {strides = array<i32>} : memref<2x80xi32, #tpu.memory_space<vmem>>, vector<1x16xi32>,
        %swap3A_229 = vector.shape_cast %swap3A_228 : vector<1x16xi32> to vector<16xi32>
        %swap3A_230 = vector.shape_cast %shift_right_logical3A_225 : vector<16xi32> to vector<1x16xi32>
        tpu.vector_store %arg7[%swap3A_226, %swap3A_227], %swap3A_230 {strides = array<i32>} : memref<2x80xi32, #tpu.memory_space<vmem>>, vector<1x16xi32>,
        %and3A_231 = arith.constant 65535 : i32
        %and3A_232 = vector.broadcast %and3A_231 : i32 to vector<16xi32>
        %and3A_233 = arith.andi %get3A_222, %and3A_232 : vector<16xi32>
        %swap3A_234 = arith.index_cast %sub3A_158 : i32 to index
        %swap3A_235 = arith.constant 48 : index
        %swap3A_236 = tpu.vector_load %arg8[%swap3A_234, %swap3A_235] {strides = array<i32>} : memref<2x80xi32, #tpu.memory_space<vmem>>, vector<1x16xi32>,
        %swap3A_237 = vector.shape_cast %swap3A_236 : vector<1x16xi32> to vector<16xi32>
        %swap3A_238 = vector.shape_cast %and3A_233 : vector<16xi32> to vector<1x16xi32>
        tpu.vector_store %arg8[%swap3A_234, %swap3A_235], %swap3A_238 {strides = array<i32>} : memref<2x80xi32, #tpu.memory_space<vmem>>, vector<1x16xi32>,
        %get3A_239 = arith.index_cast %add3A_157 : i32 to index
        %get3A_240 = arith.constant 64 : index
        %get3A_241 = tpu.vector_load %arg6[%get3A_239, %get3A_240] {strides = array<i32>} : memref<125x80xi32, #tpu.memory_space<vmem>>, vector<1x16xi32>,
        %get3A_242 = vector.shape_cast %get3A_241 : vector<1x16xi32> to vector<16xi32>
        %shift_right_logical3A_243 = arith.constant 16 : i32
        %shift_right_logical3A_244 = vector.broadcast %shift_right_logical3A_243 : i32 to vector<16xi32>
        %shift_right_logical3A_245 = arith.shrui %get3A_242, %shift_right_logical3A_244 : vector<16xi32>
        %swap3A_246 = arith.index_cast %sub3A_158 : i32 to index
        %swap3A_247 = arith.constant 64 : index
        %swap3A_248 = tpu.vector_load %arg7[%swap3A_246, %swap3A_247] {strides = array<i32>} : memref<2x80xi32, #tpu.memory_space<vmem>>, vector<1x16xi32>,
        %swap3A_249 = vector.shape_cast %swap3A_248 : vector<1x16xi32> to vector<16xi32>
        %swap3A_250 = vector.shape_cast %shift_right_logical3A_245 : vector<16xi32> to vector<1x16xi32>
        tpu.vector_store %arg7[%swap3A_246, %swap3A_247], %swap3A_250 {strides = array<i32>} : memref<2x80xi32, #tpu.memory_space<vmem>>, vector<1x16xi32>,
        %and3A_251 = arith.constant 65535 : i32
        %and3A_252 = vector.broadcast %and3A_251 : i32 to vector<16xi32>
        %and3A_253 = arith.andi %get3A_242, %and3A_252 : vector<16xi32>
        %swap3A_254 = arith.index_cast %sub3A_158 : i32 to index
        %swap3A_255 = arith.constant 64 : index
        %swap3A_256 = tpu.vector_load %arg8[%swap3A_254, %swap3A_255] {strides = array<i32>} : memref<2x80xi32, #tpu.memory_space<vmem>>, vector<1x16xi32>,
        %swap3A_257 = vector.shape_cast %swap3A_256 : vector<1x16xi32> to vector<16xi32>
        %swap3A_258 = vector.shape_cast %and3A_253 : vector<16xi32> to vector<1x16xi32>
        tpu.vector_store %arg8[%swap3A_254, %swap3A_255], %swap3A_258 {strides = array<i32>} : memref<2x80xi32, #tpu.memory_space<vmem>>, vector<1x16xi32>,
        %sub3A_259 = arith.constant 1 : i32
        %sub3A_260 = arith.subi %sub3A_259, %rem3A_141 : i32
        %sub3A_261 = arith.constant 1 : i32
        %sub3A_262 = arith.subi %sub3A_261, %rem3A_141 : i32
        %dma_start3A_263 = arith.constant 0 : i32
        %dma_start3A_264 = arith.constant 0 : i32
        %dma_start3A_265 = tpu.memref_slice %arg9[%sub3A_262, %dma_start3A_263, %dma_start3A_264] : memref<2x80x128xf32, #tpu.memory_space<vmem>> -> memref<1x80x128xf32, #tpu.memory_space<vmem>>
        %dma_start3A_266 = tpu.memref_squeeze %dma_start3A_265 : memref<1x80x128xf32, #tpu.memory_space<vmem>> -> memref<80x128xf32, #tpu.memory_space<vmem>>
        %dma_start3A_267 = arith.constant 0 : i32
        %dma_start3A_268 = tpu.memref_slice %arg7[%sub3A_260, %dma_start3A_267] : memref<2x80xi32, #tpu.memory_space<vmem>> -> memref<1x80xi32, #tpu.memory_space<vmem>>
        %dma_start3A_269 = tpu.memref_squeeze %dma_start3A_268 : memref<1x80xi32, #tpu.memory_space<vmem>> -> memref<80xi32, #tpu.memory_space<vmem>>
        %dma_start3A_270 = arith.constant 0 : i32
        %dma_start3A_271 = arith.constant 0 : i32
        %dma_start3A_272 = tpu.memref_slice %arg4[%dma_start3A_270, %dma_start3A_271] : memref<10240x128xf32, #tpu.memory_space<hbm>> -> memref<10240x128xf32, #tpu.memory_space<hbm>>
        tpu.enqueue_indirect_dma source(%dma_start3A_272 : memref<10240x128xf32, #tpu.memory_space<hbm>>) target(%dma_start3A_266 : memref<80x128xf32, #tpu.memory_space<vmem>>) offsets(%dma_start3A_269 : memref<80xi32, #tpu.memory_space<vmem>>) semaphore(%arg11 : memref<!tpu.dma_semaphore, #tpu.memory_space<semaphore_mem>>)
      } else {
      }
      %dma_wait3A_146 = arith.constant 0 : i32
      %dma_wait3A_147 = arith.constant 0 : i32
      %dma_wait3A_148 = tpu.memref_slice %arg9[%rem3A_141, %dma_wait3A_146, %dma_wait3A_147] : memref<2x80x128xf32, #tpu.memory_space<vmem>> -> memref<1x80x128xf32, #tpu.memory_space<vmem>>
      %dma_wait3A_149 = tpu.memref_squeeze %dma_wait3A_148 : memref<1x80x128xf32, #tpu.memory_space<vmem>> -> memref<80x128xf32, #tpu.memory_space<vmem>>
      %dma_wait3A_150 = arith.constant 0 : i32
      %dma_wait3A_151 = tpu.memref_slice %arg7[%rem3A_141, %dma_wait3A_150] : memref<2x80xi32, #tpu.memory_space<vmem>> -> memref<1x80xi32, #tpu.memory_space<vmem>>
      %dma_wait3A_152 = tpu.memref_squeeze %dma_wait3A_151 : memref<1x80xi32, #tpu.memory_space<vmem>> -> memref<80xi32, #tpu.memory_space<vmem>>
      %dma_wait3A_153 = arith.constant 0 : i32
      %dma_wait3A_154 = arith.constant 0 : i32
      %dma_wait3A_155 = tpu.memref_slice %arg4[%dma_wait3A_153, %dma_wait3A_154] : memref<10240x128xf32, #tpu.memory_space<hbm>> -> memref<10240x128xf32, #tpu.memory_space<hbm>>
      tpu.wait_indirect_dma semaphore(%arg11 : memref<!tpu.dma_semaphore, #tpu.memory_space<semaphore_mem>>) src(%dma_wait3A_155 : memref<10240x128xf32, #tpu.memory_space<hbm>>) dst(%dma_wait3A_149 : memref<80x128xf32, #tpu.memory_space<vmem>>)
      "tpu.region"() ({
        %run_scoped3A = tpu.sem_alloc : memref<!tpu.dma_semaphore, #tpu.memory_space<semaphore_mem>>
        %dma_start3A_156 = arith.constant 0 : i32
        %dma_start3A_157 = arith.constant 0 : i32
        %dma_start3A_158 = tpu.memref_slice %arg9[%rem3A_141, %dma_start3A_156, %dma_start3A_157] : memref<2x80x128xf32, #tpu.memory_space<vmem>> -> memref<1x80x128xf32, #tpu.memory_space<vmem>>
        %dma_start3A_159 = tpu.memref_squeeze %dma_start3A_158 : memref<1x80x128xf32, #tpu.memory_space<vmem>> -> memref<80x128xf32, #tpu.memory_space<vmem>>
        %dma_start3A_160 = arith.constant 0 : i32
        %dma_start3A_161 = tpu.memref_slice %arg8[%rem3A_141, %dma_start3A_160] : memref<2x80xi32, #tpu.memory_space<vmem>> -> memref<1x80xi32, #tpu.memory_space<vmem>>
        %dma_start3A_162 = tpu.memref_squeeze %dma_start3A_161 : memref<1x80xi32, #tpu.memory_space<vmem>> -> memref<80xi32, #tpu.memory_space<vmem>>
        %dma_start3A_163 = arith.constant 0 : i32
        %dma_start3A_164 = arith.constant 0 : i32
        %dma_start3A_165 = tpu.memref_slice %arg10[%dma_start3A_163, %dma_start3A_164] : memref<10240x128xf32, #tpu.memory_space<vmem_shared>> -> memref<10240x128xf32, #tpu.memory_space<vmem_shared>>
        tpu.enqueue_indirect_dma source(%dma_start3A_159 : memref<80x128xf32, #tpu.memory_space<vmem>>) target(%dma_start3A_165 : memref<10240x128xf32, #tpu.memory_space<vmem_shared>>) offsets(%dma_start3A_162 : memref<80xi32, #tpu.memory_space<vmem>>) semaphore(%run_scoped3A : memref<!tpu.dma_semaphore, #tpu.memory_space<semaphore_mem>>) {add = true}
        %dma_wait3A_166 = arith.constant 0 : i32
        %dma_wait3A_167 = arith.constant 0 : i32
        %dma_wait3A_168 = tpu.memref_slice %arg9[%rem3A_141, %dma_wait3A_166, %dma_wait3A_167] : memref<2x80x128xf32, #tpu.memory_space<vmem>> -> memref<1x80x128xf32, #tpu.memory_space<vmem>>
        %dma_wait3A_169 = tpu.memref_squeeze %dma_wait3A_168 : memref<1x80x128xf32, #tpu.memory_space<vmem>> -> memref<80x128xf32, #tpu.memory_space<vmem>>
        %dma_wait3A_170 = arith.constant 0 : i32
        %dma_wait3A_171 = tpu.memref_slice %arg8[%rem3A_141, %dma_wait3A_170] : memref<2x80xi32, #tpu.memory_space<vmem>> -> memref<1x80xi32, #tpu.memory_space<vmem>>
        %dma_wait3A_172 = tpu.memref_squeeze %dma_wait3A_171 : memref<1x80xi32, #tpu.memory_space<vmem>> -> memref<80xi32, #tpu.memory_space<vmem>>
        %dma_wait3A_173 = arith.constant 0 : i32
        %dma_wait3A_174 = arith.constant 0 : i32
        %dma_wait3A_175 = tpu.memref_slice %arg10[%dma_wait3A_173, %dma_wait3A_174] : memref<10240x128xf32, #tpu.memory_space<vmem_shared>> -> memref<10240x128xf32, #tpu.memory_space<vmem_shared>>
        tpu.wait_indirect_dma semaphore(%run_scoped3A : memref<!tpu.dma_semaphore, #tpu.memory_space<semaphore_mem>>) src(%dma_wait3A_169 : memref<80x128xf32, #tpu.memory_space<vmem>>) dst(%dma_wait3A_175 : memref<10240x128xf32, #tpu.memory_space<vmem_shared>>)
        tpu.yield
      }) : () -> ()
    }
    %scan3A_134 = arith.constant 125 : i32
    %barrier3A_135 = arith.constant 0 : index
    tpu.barrier barrier_id(%barrier3A_135)
    %mul3A_136 = arith.constant 640 : i32
    %mul3A_137 = arith.muli %arg1, %mul3A_136 : i32
    %mul3A_138 = arith.constant 640 : i32
    %mul3A_139 = arith.muli %arg1, %mul3A_138 : i32
    "tpu.region"() ({
      %run_scoped3A = tpu.sem_alloc : memref<!tpu.dma_semaphore, #tpu.memory_space<semaphore_mem>>
      %dma_start3A_140 = arith.constant 0 : i32
      %dma_start3A_141 = tpu.memref_slice %arg5[%arg0, %mul3A_139, %dma_start3A_140] : memref<2x10240x128xf32, #tpu.memory_space<hbm>> -> memref<1x640x128xf32, #tpu.memory_space<hbm>>
      %dma_start3A_142 = tpu.memref_squeeze %dma_start3A_141 : memref<1x640x128xf32, #tpu.memory_space<hbm>> -> memref<640x128xf32, #tpu.memory_space<hbm>>
      %dma_start3A_143 = arith.constant 0 : i32
      %dma_start3A_144 = tpu.memref_slice %arg10[%mul3A_137, %dma_start3A_143] : memref<10240x128xf32, #tpu.memory_space<vmem_shared>> -> memref<640x128xf32, #tpu.memory_space<vmem_shared>>
      tpu.enqueue_dma source(%dma_start3A_144 : memref<640x128xf32, #tpu.memory_space<vmem_shared>>) target(%dma_start3A_142 : memref<640x128xf32, #tpu.memory_space<hbm>>) target_semaphore(%run_scoped3A : memref<!tpu.dma_semaphore, #tpu.memory_space<semaphore_mem>>)
      %dma_wait3A_145 = arith.constant 0 : i32
      %dma_wait3A_146 = tpu.memref_slice %arg5[%arg0, %mul3A_139, %dma_wait3A_145] : memref<2x10240x128xf32, #tpu.memory_space<hbm>> -> memref<1x640x128xf32, #tpu.memory_space<hbm>>
      %dma_wait3A_147 = tpu.memref_squeeze %dma_wait3A_146 : memref<1x640x128xf32, #tpu.memory_space<hbm>> -> memref<640x128xf32, #tpu.memory_space<hbm>>
      %dma_wait3A_148 = arith.constant 0 : i32
      %dma_wait3A_149 = tpu.memref_slice %arg10[%mul3A_137, %dma_wait3A_148] : memref<10240x128xf32, #tpu.memory_space<vmem_shared>> -> memref<640x128xf32, #tpu.memory_space<vmem_shared>>
      tpu.wait_dma2 semaphore(%run_scoped3A : memref<!tpu.dma_semaphore, #tpu.memory_space<semaphore_mem>>) src(%dma_wait3A_149 : memref<640x128xf32, #tpu.memory_space<vmem_shared>>) dst(%dma_wait3A_147 : memref<640x128xf32, #tpu.memory_space<hbm>>)
      tpu.yield
    }) : () -> ()
    return
  }
}

#map = affine_map<(d0, d1) -> (0, 0, 0)>
#map1 = affine_map<(d0, d1) -> (0, 0)>
module attributes {stable_mosaic.version = 14 : i64} {
  func.func @_agg_sc(%arg0: i32, %arg1: i32, %arg2: memref<32x125x80xi32, #tpu.memory_space<hbm>>, %arg3: memref<640x128xf32, #tpu.memory_space<hbm>>, %arg4: memref<10240x128xf32, #tpu.memory_space<hbm>>, %arg5: memref<2x10240x128xf32, #tpu.memory_space<hbm>>, %arg6: memref<125x80xi32, #tpu.memory_space<vmem>>, %arg7: memref<2x80xi32, #tpu.memory_space<vmem>>, %arg8: memref<2x80xi32, #tpu.memory_space<vmem>>, %arg9: memref<2x80x128xf32, #tpu.memory_space<vmem>>, %arg10: memref<10240x128xf32, #tpu.memory_space<vmem_shared>>, %arg11: memref<!tpu.dma_semaphore, #tpu.memory_space<semaphore_mem>>, %arg12: memref<!tpu.dma_semaphore, #tpu.memory_space<semaphore_mem>>, %arg13: memref<!tpu.dma_semaphore, #tpu.memory_space<semaphore_mem>>) attributes {dimension_semantics = [#tpu.dimension_semantics<core_parallel>, #tpu.dimension_semantics<subcore_parallel>], iteration_bounds = array<i64: 2, 16>, scalar_prefetch = 0 : i64, scratch_operands = 8 : i64, tpu.core_type = #tpu.core_type<sc_vector_subcore>, window_params = [{transform_indices = #map}, {transform_indices = #map1}, {transform_indices = #map1}, {transform_indices = #map}]} {
    %mul3A = arith.constant 2 : i32
    %mul3A_0 = arith.muli %arg1, %mul3A : i32
    %add3A = arith.addi %mul3A_0, %arg0 : i32
    %mul3A_1 = arith.constant 640 : i32
    %mul3A_2 = arith.muli %arg1, %mul3A_1 : i32
    %dma_start3A = arith.constant 0 : i32
    %dma_start3A_3 = tpu.memref_slice %arg10[%mul3A_2, %dma_start3A] : memref<10240x128xf32, #tpu.memory_space<vmem_shared>> -> memref<640x128xf32, #tpu.memory_space<vmem_shared>>
    tpu.enqueue_dma source(%arg3 : memref<640x128xf32, #tpu.memory_space<hbm>>) target(%dma_start3A_3 : memref<640x128xf32, #tpu.memory_space<vmem_shared>>) target_semaphore(%arg13 : memref<!tpu.dma_semaphore, #tpu.memory_space<semaphore_mem>>)
    "tpu.region"() ({
      %run_scoped3A = tpu.sem_alloc : memref<!tpu.dma_semaphore, #tpu.memory_space<semaphore_mem>>
      %dma_start3A_140 = arith.constant 0 : i32
      %dma_start3A_141 = arith.constant 0 : i32
      %dma_start3A_142 = tpu.memref_slice %arg2[%add3A, %dma_start3A_140, %dma_start3A_141] : memref<32x125x80xi32, #tpu.memory_space<hbm>> -> memref<1x125x80xi32, #tpu.memory_space<hbm>>
      %dma_start3A_143 = tpu.memref_squeeze %dma_start3A_142 : memref<1x125x80xi32, #tpu.memory_space<hbm>> -> memref<125x80xi32, #tpu.memory_space<hbm>>
      %dma_start3A_144 = arith.constant 0 : i32
      %dma_start3A_145 = arith.constant 0 : i32
      %dma_start3A_146 = tpu.memref_slice %arg2[%add3A, %dma_start3A_144, %dma_start3A_145] : memref<32x125x80xi32, #tpu.memory_space<hbm>> -> memref<1x125x80xi32, #tpu.memory_space<hbm>>
      %dma_start3A_147 = tpu.memref_squeeze %dma_start3A_146 : memref<1x125x80xi32, #tpu.memory_space<hbm>> -> memref<125x80xi32, #tpu.memory_space<hbm>>
      tpu.enqueue_dma source(%dma_start3A_147 : memref<125x80xi32, #tpu.memory_space<hbm>>) target(%arg6 : memref<125x80xi32, #tpu.memory_space<vmem>>) target_semaphore(%run_scoped3A : memref<!tpu.dma_semaphore, #tpu.memory_space<semaphore_mem>>)
      %dma_wait3A_148 = arith.constant 0 : i32
      %dma_wait3A_149 = arith.constant 0 : i32
      %dma_wait3A_150 = tpu.memref_slice %arg2[%add3A, %dma_wait3A_148, %dma_wait3A_149] : memref<32x125x80xi32, #tpu.memory_space<hbm>> -> memref<1x125x80xi32, #tpu.memory_space<hbm>>
      %dma_wait3A_151 = tpu.memref_squeeze %dma_wait3A_150 : memref<1x125x80xi32, #tpu.memory_space<hbm>> -> memref<125x80xi32, #tpu.memory_space<hbm>>
      %dma_wait3A_152 = arith.constant 0 : i32
      %dma_wait3A_153 = arith.constant 0 : i32
      %dma_wait3A_154 = tpu.memref_slice %arg2[%add3A, %dma_wait3A_152, %dma_wait3A_153] : memref<32x125x80xi32, #tpu.memory_space<hbm>> -> memref<1x125x80xi32, #tpu.memory_space<hbm>>
      %dma_wait3A_155 = tpu.memref_squeeze %dma_wait3A_154 : memref<1x125x80xi32, #tpu.memory_space<hbm>> -> memref<125x80xi32, #tpu.memory_space<hbm>>
      tpu.wait_dma2 semaphore(%run_scoped3A : memref<!tpu.dma_semaphore, #tpu.memory_space<semaphore_mem>>) src(%dma_wait3A_155 : memref<125x80xi32, #tpu.memory_space<hbm>>) dst(%arg6 : memref<125x80xi32, #tpu.memory_space<vmem>>)
      tpu.yield
    }) : () -> ()
    %get3A = arith.constant 0 : i32
    %get3A_4 = arith.index_cast %get3A : i32 to index
    %get3A_5 = arith.constant 0 : index
    %get3A_6 = tpu.vector_load %arg6[%get3A_4, %get3A_5] {strides = array<i32>} : memref<125x80xi32, #tpu.memory_space<vmem>>, vector<1x16xi32>,
    %get3A_7 = vector.shape_cast %get3A_6 : vector<1x16xi32> to vector<16xi32>
    %shift_right_logical3A = arith.constant 16 : i32
    %shift_right_logical3A_8 = vector.broadcast %shift_right_logical3A : i32 to vector<16xi32>
    %shift_right_logical3A_9 = arith.shrui %get3A_7, %shift_right_logical3A_8 : vector<16xi32>
    %swap3A = arith.constant 0 : i32
    %swap3A_10 = arith.index_cast %swap3A : i32 to index
    %swap3A_11 = arith.constant 0 : index
    %swap3A_12 = tpu.vector_load %arg7[%swap3A_10, %swap3A_11] {strides = array<i32>} : memref<2x80xi32, #tpu.memory_space<vmem>>, vector<1x16xi32>,
    %swap3A_13 = vector.shape_cast %swap3A_12 : vector<1x16xi32> to vector<16xi32>
    %swap3A_14 = vector.shape_cast %shift_right_logical3A_9 : vector<16xi32> to vector<1x16xi32>
    tpu.vector_store %arg7[%swap3A_10, %swap3A_11], %swap3A_14 {strides = array<i32>} : memref<2x80xi32, #tpu.memory_space<vmem>>, vector<1x16xi32>,
    %and3A = arith.constant 65535 : i32
    %and3A_15 = vector.broadcast %and3A : i32 to vector<16xi32>
    %and3A_16 = arith.andi %get3A_7, %and3A_15 : vector<16xi32>
    %swap3A_17 = arith.constant 0 : i32
    %swap3A_18 = arith.index_cast %swap3A_17 : i32 to index
    %swap3A_19 = arith.constant 0 : index
    %swap3A_20 = tpu.vector_load %arg8[%swap3A_18, %swap3A_19] {strides = array<i32>} : memref<2x80xi32, #tpu.memory_space<vmem>>, vector<1x16xi32>,
    %swap3A_21 = vector.shape_cast %swap3A_20 : vector<1x16xi32> to vector<16xi32>
    %swap3A_22 = vector.shape_cast %and3A_16 : vector<16xi32> to vector<1x16xi32>
    tpu.vector_store %arg8[%swap3A_18, %swap3A_19], %swap3A_22 {strides = array<i32>} : memref<2x80xi32, #tpu.memory_space<vmem>>, vector<1x16xi32>,
    %get3A_23 = arith.constant 0 : i32
    %get3A_24 = arith.index_cast %get3A_23 : i32 to index
    %get3A_25 = arith.constant 16 : index
    %get3A_26 = tpu.vector_load %arg6[%get3A_24, %get3A_25] {strides = array<i32>} : memref<125x80xi32, #tpu.memory_space<vmem>>, vector<1x16xi32>,
    %get3A_27 = vector.shape_cast %get3A_26 : vector<1x16xi32> to vector<16xi32>
    %shift_right_logical3A_28 = arith.constant 16 : i32
    %shift_right_logical3A_29 = vector.broadcast %shift_right_logical3A_28 : i32 to vector<16xi32>
    %shift_right_logical3A_30 = arith.shrui %get3A_27, %shift_right_logical3A_29 : vector<16xi32>
    %swap3A_31 = arith.constant 0 : i32
    %swap3A_32 = arith.index_cast %swap3A_31 : i32 to index
    %swap3A_33 = arith.constant 16 : index
    %swap3A_34 = tpu.vector_load %arg7[%swap3A_32, %swap3A_33] {strides = array<i32>} : memref<2x80xi32, #tpu.memory_space<vmem>>, vector<1x16xi32>,
    %swap3A_35 = vector.shape_cast %swap3A_34 : vector<1x16xi32> to vector<16xi32>
    %swap3A_36 = vector.shape_cast %shift_right_logical3A_30 : vector<16xi32> to vector<1x16xi32>
    tpu.vector_store %arg7[%swap3A_32, %swap3A_33], %swap3A_36 {strides = array<i32>} : memref<2x80xi32, #tpu.memory_space<vmem>>, vector<1x16xi32>,
    %and3A_37 = arith.constant 65535 : i32
    %and3A_38 = vector.broadcast %and3A_37 : i32 to vector<16xi32>
    %and3A_39 = arith.andi %get3A_27, %and3A_38 : vector<16xi32>
    %swap3A_40 = arith.constant 0 : i32
    %swap3A_41 = arith.index_cast %swap3A_40 : i32 to index
    %swap3A_42 = arith.constant 16 : index
    %swap3A_43 = tpu.vector_load %arg8[%swap3A_41, %swap3A_42] {strides = array<i32>} : memref<2x80xi32, #tpu.memory_space<vmem>>, vector<1x16xi32>,
    %swap3A_44 = vector.shape_cast %swap3A_43 : vector<1x16xi32> to vector<16xi32>
    %swap3A_45 = vector.shape_cast %and3A_39 : vector<16xi32> to vector<1x16xi32>
    tpu.vector_store %arg8[%swap3A_41, %swap3A_42], %swap3A_45 {strides = array<i32>} : memref<2x80xi32, #tpu.memory_space<vmem>>, vector<1x16xi32>,
    %get3A_46 = arith.constant 0 : i32
    %get3A_47 = arith.index_cast %get3A_46 : i32 to index
    %get3A_48 = arith.constant 32 : index
    %get3A_49 = tpu.vector_load %arg6[%get3A_47, %get3A_48] {strides = array<i32>} : memref<125x80xi32, #tpu.memory_space<vmem>>, vector<1x16xi32>,
    %get3A_50 = vector.shape_cast %get3A_49 : vector<1x16xi32> to vector<16xi32>
    %shift_right_logical3A_51 = arith.constant 16 : i32
    %shift_right_logical3A_52 = vector.broadcast %shift_right_logical3A_51 : i32 to vector<16xi32>
    %shift_right_logical3A_53 = arith.shrui %get3A_50, %shift_right_logical3A_52 : vector<16xi32>
    %swap3A_54 = arith.constant 0 : i32
    %swap3A_55 = arith.index_cast %swap3A_54 : i32 to index
    %swap3A_56 = arith.constant 32 : index
    %swap3A_57 = tpu.vector_load %arg7[%swap3A_55, %swap3A_56] {strides = array<i32>} : memref<2x80xi32, #tpu.memory_space<vmem>>, vector<1x16xi32>,
    %swap3A_58 = vector.shape_cast %swap3A_57 : vector<1x16xi32> to vector<16xi32>
    %swap3A_59 = vector.shape_cast %shift_right_logical3A_53 : vector<16xi32> to vector<1x16xi32>
    tpu.vector_store %arg7[%swap3A_55, %swap3A_56], %swap3A_59 {strides = array<i32>} : memref<2x80xi32, #tpu.memory_space<vmem>>, vector<1x16xi32>,
    %and3A_60 = arith.constant 65535 : i32
    %and3A_61 = vector.broadcast %and3A_60 : i32 to vector<16xi32>
    %and3A_62 = arith.andi %get3A_50, %and3A_61 : vector<16xi32>
    %swap3A_63 = arith.constant 0 : i32
    %swap3A_64 = arith.index_cast %swap3A_63 : i32 to index
    %swap3A_65 = arith.constant 32 : index
    %swap3A_66 = tpu.vector_load %arg8[%swap3A_64, %swap3A_65] {strides = array<i32>} : memref<2x80xi32, #tpu.memory_space<vmem>>, vector<1x16xi32>,
    %swap3A_67 = vector.shape_cast %swap3A_66 : vector<1x16xi32> to vector<16xi32>
    %swap3A_68 = vector.shape_cast %and3A_62 : vector<16xi32> to vector<1x16xi32>
    tpu.vector_store %arg8[%swap3A_64, %swap3A_65], %swap3A_68 {strides = array<i32>} : memref<2x80xi32, #tpu.memory_space<vmem>>, vector<1x16xi32>,
    %get3A_69 = arith.constant 0 : i32
    %get3A_70 = arith.index_cast %get3A_69 : i32 to index
    %get3A_71 = arith.constant 48 : index
    %get3A_72 = tpu.vector_load %arg6[%get3A_70, %get3A_71] {strides = array<i32>} : memref<125x80xi32, #tpu.memory_space<vmem>>, vector<1x16xi32>,
    %get3A_73 = vector.shape_cast %get3A_72 : vector<1x16xi32> to vector<16xi32>
    %shift_right_logical3A_74 = arith.constant 16 : i32
    %shift_right_logical3A_75 = vector.broadcast %shift_right_logical3A_74 : i32 to vector<16xi32>
    %shift_right_logical3A_76 = arith.shrui %get3A_73, %shift_right_logical3A_75 : vector<16xi32>
    %swap3A_77 = arith.constant 0 : i32
    %swap3A_78 = arith.index_cast %swap3A_77 : i32 to index
    %swap3A_79 = arith.constant 48 : index
    %swap3A_80 = tpu.vector_load %arg7[%swap3A_78, %swap3A_79] {strides = array<i32>} : memref<2x80xi32, #tpu.memory_space<vmem>>, vector<1x16xi32>,
    %swap3A_81 = vector.shape_cast %swap3A_80 : vector<1x16xi32> to vector<16xi32>
    %swap3A_82 = vector.shape_cast %shift_right_logical3A_76 : vector<16xi32> to vector<1x16xi32>
    tpu.vector_store %arg7[%swap3A_78, %swap3A_79], %swap3A_82 {strides = array<i32>} : memref<2x80xi32, #tpu.memory_space<vmem>>, vector<1x16xi32>,
    %and3A_83 = arith.constant 65535 : i32
    %and3A_84 = vector.broadcast %and3A_83 : i32 to vector<16xi32>
    %and3A_85 = arith.andi %get3A_73, %and3A_84 : vector<16xi32>
    %swap3A_86 = arith.constant 0 : i32
    %swap3A_87 = arith.index_cast %swap3A_86 : i32 to index
    %swap3A_88 = arith.constant 48 : index
    %swap3A_89 = tpu.vector_load %arg8[%swap3A_87, %swap3A_88] {strides = array<i32>} : memref<2x80xi32, #tpu.memory_space<vmem>>, vector<1x16xi32>,
    %swap3A_90 = vector.shape_cast %swap3A_89 : vector<1x16xi32> to vector<16xi32>
    %swap3A_91 = vector.shape_cast %and3A_85 : vector<16xi32> to vector<1x16xi32>
    tpu.vector_store %arg8[%swap3A_87, %swap3A_88], %swap3A_91 {strides = array<i32>} : memref<2x80xi32, #tpu.memory_space<vmem>>, vector<1x16xi32>,
    %get3A_92 = arith.constant 0 : i32
    %get3A_93 = arith.index_cast %get3A_92 : i32 to index
    %get3A_94 = arith.constant 64 : index
    %get3A_95 = tpu.vector_load %arg6[%get3A_93, %get3A_94] {strides = array<i32>} : memref<125x80xi32, #tpu.memory_space<vmem>>, vector<1x16xi32>,
    %get3A_96 = vector.shape_cast %get3A_95 : vector<1x16xi32> to vector<16xi32>
    %shift_right_logical3A_97 = arith.constant 16 : i32
    %shift_right_logical3A_98 = vector.broadcast %shift_right_logical3A_97 : i32 to vector<16xi32>
    %shift_right_logical3A_99 = arith.shrui %get3A_96, %shift_right_logical3A_98 : vector<16xi32>
    %swap3A_100 = arith.constant 0 : i32
    %swap3A_101 = arith.index_cast %swap3A_100 : i32 to index
    %swap3A_102 = arith.constant 64 : index
    %swap3A_103 = tpu.vector_load %arg7[%swap3A_101, %swap3A_102] {strides = array<i32>} : memref<2x80xi32, #tpu.memory_space<vmem>>, vector<1x16xi32>,
    %swap3A_104 = vector.shape_cast %swap3A_103 : vector<1x16xi32> to vector<16xi32>
    %swap3A_105 = vector.shape_cast %shift_right_logical3A_99 : vector<16xi32> to vector<1x16xi32>
    tpu.vector_store %arg7[%swap3A_101, %swap3A_102], %swap3A_105 {strides = array<i32>} : memref<2x80xi32, #tpu.memory_space<vmem>>, vector<1x16xi32>,
    %and3A_106 = arith.constant 65535 : i32
    %and3A_107 = vector.broadcast %and3A_106 : i32 to vector<16xi32>
    %and3A_108 = arith.andi %get3A_96, %and3A_107 : vector<16xi32>
    %swap3A_109 = arith.constant 0 : i32
    %swap3A_110 = arith.index_cast %swap3A_109 : i32 to index
    %swap3A_111 = arith.constant 64 : index
    %swap3A_112 = tpu.vector_load %arg8[%swap3A_110, %swap3A_111] {strides = array<i32>} : memref<2x80xi32, #tpu.memory_space<vmem>>, vector<1x16xi32>,
    %swap3A_113 = vector.shape_cast %swap3A_112 : vector<1x16xi32> to vector<16xi32>
    %swap3A_114 = vector.shape_cast %and3A_108 : vector<16xi32> to vector<1x16xi32>
    tpu.vector_store %arg8[%swap3A_110, %swap3A_111], %swap3A_114 {strides = array<i32>} : memref<2x80xi32, #tpu.memory_space<vmem>>, vector<1x16xi32>,
    %dma_start3A_115 = arith.constant 0 : i32
    %dma_start3A_116 = arith.constant 0 : i32
    %dma_start3A_117 = arith.constant 0 : i32
    %dma_start3A_118 = arith.constant 0 : i32
    %dma_start3A_119 = tpu.memref_slice %arg9[%dma_start3A_116, %dma_start3A_117, %dma_start3A_118] : memref<2x80x128xf32, #tpu.memory_space<vmem>> -> memref<1x80x128xf32, #tpu.memory_space<vmem>>
    %dma_start3A_120 = tpu.memref_squeeze %dma_start3A_119 : memref<1x80x128xf32, #tpu.memory_space<vmem>> -> memref<80x128xf32, #tpu.memory_space<vmem>>
    %dma_start3A_121 = arith.constant 0 : i32
    %dma_start3A_122 = tpu.memref_slice %arg7[%dma_start3A_115, %dma_start3A_121] : memref<2x80xi32, #tpu.memory_space<vmem>> -> memref<1x80xi32, #tpu.memory_space<vmem>>
    %dma_start3A_123 = tpu.memref_squeeze %dma_start3A_122 : memref<1x80xi32, #tpu.memory_space<vmem>> -> memref<80xi32, #tpu.memory_space<vmem>>
    %dma_start3A_124 = arith.constant 0 : i32
    %dma_start3A_125 = arith.constant 0 : i32
    %dma_start3A_126 = tpu.memref_slice %arg4[%dma_start3A_124, %dma_start3A_125] : memref<10240x128xf32, #tpu.memory_space<hbm>> -> memref<10240x128xf32, #tpu.memory_space<hbm>>
    tpu.enqueue_indirect_dma source(%dma_start3A_126 : memref<10240x128xf32, #tpu.memory_space<hbm>>) target(%dma_start3A_120 : memref<80x128xf32, #tpu.memory_space<vmem>>) offsets(%dma_start3A_123 : memref<80xi32, #tpu.memory_space<vmem>>) semaphore(%arg11 : memref<!tpu.dma_semaphore, #tpu.memory_space<semaphore_mem>>)
    %mul3A_127 = arith.constant 640 : i32
    %mul3A_128 = arith.muli %arg1, %mul3A_127 : i32
    %dma_wait3A = arith.constant 0 : i32
    %dma_wait3A_129 = tpu.memref_slice %arg10[%mul3A_128, %dma_wait3A] : memref<10240x128xf32, #tpu.memory_space<vmem_shared>> -> memref<640x128xf32, #tpu.memory_space<vmem_shared>>
    tpu.wait_dma2 semaphore(%arg13 : memref<!tpu.dma_semaphore, #tpu.memory_space<semaphore_mem>>) src(%arg3 : memref<640x128xf32, #tpu.memory_space<hbm>>) dst(%dma_wait3A_129 : memref<640x128xf32, #tpu.memory_space<vmem_shared>>)
    %barrier3A = arith.constant 0 : index
    tpu.barrier barrier_id(%barrier3A)
    %scan3A = arith.constant 0 : i32
    %scan3A_130 = arith.constant 0 : i32
    %scan3A_131 = arith.constant 125 : i32
    %scan3A_132 = arith.addi %scan3A_130, %scan3A_131 : i32
    %scan3A_133 = arith.constant 1 : i32
    scf.for %scan3A_140 = %scan3A_130 to %scan3A_132 step %scan3A_133  : i32 {
      %rem3A = arith.constant 2 : i32
      %rem3A_141 = arith.remsi %scan3A_140, %rem3A : i32
      %add3A_142 = arith.constant 1 : i32
      %add3A_143 = arith.addi %scan3A_140, %add3A_142 : i32
      %lt3A = arith.constant 125 : i32
      %lt3A_144 = arith.cmpi slt, %add3A_143, %lt3A : i32
      %convert_element_type3A = arith.extui %lt3A_144 : i1 to i32
      %cond3A = arith.constant 0 : i32
      %cond3A_145 = arith.cmpi ne, %convert_element_type3A, %cond3A : i32
      scf.if %cond3A_145 {
        %add3A_156 = arith.constant 1 : i32
        %add3A_157 = arith.addi %scan3A_140, %add3A_156 : i32
        %sub3A = arith.constant 1 : i32
        %sub3A_158 = arith.subi %sub3A, %rem3A_141 : i32
        %get3A_159 = arith.index_cast %add3A_157 : i32 to index
        %get3A_160 = arith.constant 0 : index
        %get3A_161 = tpu.vector_load %arg6[%get3A_159, %get3A_160] {strides = array<i32>} : memref<125x80xi32, #tpu.memory_space<vmem>>, vector<1x16xi32>,
        %get3A_162 = vector.shape_cast %get3A_161 : vector<1x16xi32> to vector<16xi32>
        %shift_right_logical3A_163 = arith.constant 16 : i32
        %shift_right_logical3A_164 = vector.broadcast %shift_right_logical3A_163 : i32 to vector<16xi32>
        %shift_right_logical3A_165 = arith.shrui %get3A_162, %shift_right_logical3A_164 : vector<16xi32>
        %swap3A_166 = arith.index_cast %sub3A_158 : i32 to index
        %swap3A_167 = arith.constant 0 : index
        %swap3A_168 = tpu.vector_load %arg7[%swap3A_166, %swap3A_167] {strides = array<i32>} : memref<2x80xi32, #tpu.memory_space<vmem>>, vector<1x16xi32>,
        %swap3A_169 = vector.shape_cast %swap3A_168 : vector<1x16xi32> to vector<16xi32>
        %swap3A_170 = vector.shape_cast %shift_right_logical3A_165 : vector<16xi32> to vector<1x16xi32>
        tpu.vector_store %arg7[%swap3A_166, %swap3A_167], %swap3A_170 {strides = array<i32>} : memref<2x80xi32, #tpu.memory_space<vmem>>, vector<1x16xi32>,
        %and3A_171 = arith.constant 65535 : i32
        %and3A_172 = vector.broadcast %and3A_171 : i32 to vector<16xi32>
        %and3A_173 = arith.andi %get3A_162, %and3A_172 : vector<16xi32>
        %swap3A_174 = arith.index_cast %sub3A_158 : i32 to index
        %swap3A_175 = arith.constant 0 : index
        %swap3A_176 = tpu.vector_load %arg8[%swap3A_174, %swap3A_175] {strides = array<i32>} : memref<2x80xi32, #tpu.memory_space<vmem>>, vector<1x16xi32>,
        %swap3A_177 = vector.shape_cast %swap3A_176 : vector<1x16xi32> to vector<16xi32>
        %swap3A_178 = vector.shape_cast %and3A_173 : vector<16xi32> to vector<1x16xi32>
        tpu.vector_store %arg8[%swap3A_174, %swap3A_175], %swap3A_178 {strides = array<i32>} : memref<2x80xi32, #tpu.memory_space<vmem>>, vector<1x16xi32>,
        %get3A_179 = arith.index_cast %add3A_157 : i32 to index
        %get3A_180 = arith.constant 16 : index
        %get3A_181 = tpu.vector_load %arg6[%get3A_179, %get3A_180] {strides = array<i32>} : memref<125x80xi32, #tpu.memory_space<vmem>>, vector<1x16xi32>,
        %get3A_182 = vector.shape_cast %get3A_181 : vector<1x16xi32> to vector<16xi32>
        %shift_right_logical3A_183 = arith.constant 16 : i32
        %shift_right_logical3A_184 = vector.broadcast %shift_right_logical3A_183 : i32 to vector<16xi32>
        %shift_right_logical3A_185 = arith.shrui %get3A_182, %shift_right_logical3A_184 : vector<16xi32>
        %swap3A_186 = arith.index_cast %sub3A_158 : i32 to index
        %swap3A_187 = arith.constant 16 : index
        %swap3A_188 = tpu.vector_load %arg7[%swap3A_186, %swap3A_187] {strides = array<i32>} : memref<2x80xi32, #tpu.memory_space<vmem>>, vector<1x16xi32>,
        %swap3A_189 = vector.shape_cast %swap3A_188 : vector<1x16xi32> to vector<16xi32>
        %swap3A_190 = vector.shape_cast %shift_right_logical3A_185 : vector<16xi32> to vector<1x16xi32>
        tpu.vector_store %arg7[%swap3A_186, %swap3A_187], %swap3A_190 {strides = array<i32>} : memref<2x80xi32, #tpu.memory_space<vmem>>, vector<1x16xi32>,
        %and3A_191 = arith.constant 65535 : i32
        %and3A_192 = vector.broadcast %and3A_191 : i32 to vector<16xi32>
        %and3A_193 = arith.andi %get3A_182, %and3A_192 : vector<16xi32>
        %swap3A_194 = arith.index_cast %sub3A_158 : i32 to index
        %swap3A_195 = arith.constant 16 : index
        %swap3A_196 = tpu.vector_load %arg8[%swap3A_194, %swap3A_195] {strides = array<i32>} : memref<2x80xi32, #tpu.memory_space<vmem>>, vector<1x16xi32>,
        %swap3A_197 = vector.shape_cast %swap3A_196 : vector<1x16xi32> to vector<16xi32>
        %swap3A_198 = vector.shape_cast %and3A_193 : vector<16xi32> to vector<1x16xi32>
        tpu.vector_store %arg8[%swap3A_194, %swap3A_195], %swap3A_198 {strides = array<i32>} : memref<2x80xi32, #tpu.memory_space<vmem>>, vector<1x16xi32>,
        %get3A_199 = arith.index_cast %add3A_157 : i32 to index
        %get3A_200 = arith.constant 32 : index
        %get3A_201 = tpu.vector_load %arg6[%get3A_199, %get3A_200] {strides = array<i32>} : memref<125x80xi32, #tpu.memory_space<vmem>>, vector<1x16xi32>,
        %get3A_202 = vector.shape_cast %get3A_201 : vector<1x16xi32> to vector<16xi32>
        %shift_right_logical3A_203 = arith.constant 16 : i32
        %shift_right_logical3A_204 = vector.broadcast %shift_right_logical3A_203 : i32 to vector<16xi32>
        %shift_right_logical3A_205 = arith.shrui %get3A_202, %shift_right_logical3A_204 : vector<16xi32>
        %swap3A_206 = arith.index_cast %sub3A_158 : i32 to index
        %swap3A_207 = arith.constant 32 : index
        %swap3A_208 = tpu.vector_load %arg7[%swap3A_206, %swap3A_207] {strides = array<i32>} : memref<2x80xi32, #tpu.memory_space<vmem>>, vector<1x16xi32>,
        %swap3A_209 = vector.shape_cast %swap3A_208 : vector<1x16xi32> to vector<16xi32>
        %swap3A_210 = vector.shape_cast %shift_right_logical3A_205 : vector<16xi32> to vector<1x16xi32>
        tpu.vector_store %arg7[%swap3A_206, %swap3A_207], %swap3A_210 {strides = array<i32>} : memref<2x80xi32, #tpu.memory_space<vmem>>, vector<1x16xi32>,
        %and3A_211 = arith.constant 65535 : i32
        %and3A_212 = vector.broadcast %and3A_211 : i32 to vector<16xi32>
        %and3A_213 = arith.andi %get3A_202, %and3A_212 : vector<16xi32>
        %swap3A_214 = arith.index_cast %sub3A_158 : i32 to index
        %swap3A_215 = arith.constant 32 : index
        %swap3A_216 = tpu.vector_load %arg8[%swap3A_214, %swap3A_215] {strides = array<i32>} : memref<2x80xi32, #tpu.memory_space<vmem>>, vector<1x16xi32>,
        %swap3A_217 = vector.shape_cast %swap3A_216 : vector<1x16xi32> to vector<16xi32>
        %swap3A_218 = vector.shape_cast %and3A_213 : vector<16xi32> to vector<1x16xi32>
        tpu.vector_store %arg8[%swap3A_214, %swap3A_215], %swap3A_218 {strides = array<i32>} : memref<2x80xi32, #tpu.memory_space<vmem>>, vector<1x16xi32>,
        %get3A_219 = arith.index_cast %add3A_157 : i32 to index
        %get3A_220 = arith.constant 48 : index
        %get3A_221 = tpu.vector_load %arg6[%get3A_219, %get3A_220] {strides = array<i32>} : memref<125x80xi32, #tpu.memory_space<vmem>>, vector<1x16xi32>,
        %get3A_222 = vector.shape_cast %get3A_221 : vector<1x16xi32> to vector<16xi32>
        %shift_right_logical3A_223 = arith.constant 16 : i32
        %shift_right_logical3A_224 = vector.broadcast %shift_right_logical3A_223 : i32 to vector<16xi32>
        %shift_right_logical3A_225 = arith.shrui %get3A_222, %shift_right_logical3A_224 : vector<16xi32>
        %swap3A_226 = arith.index_cast %sub3A_158 : i32 to index
        %swap3A_227 = arith.constant 48 : index
        %swap3A_228 = tpu.vector_load %arg7[%swap3A_226, %swap3A_227] {strides = array<i32>} : memref<2x80xi32, #tpu.memory_space<vmem>>, vector<1x16xi32>,
        %swap3A_229 = vector.shape_cast %swap3A_228 : vector<1x16xi32> to vector<16xi32>
        %swap3A_230 = vector.shape_cast %shift_right_logical3A_225 : vector<16xi32> to vector<1x16xi32>
        tpu.vector_store %arg7[%swap3A_226, %swap3A_227], %swap3A_230 {strides = array<i32>} : memref<2x80xi32, #tpu.memory_space<vmem>>, vector<1x16xi32>,
        %and3A_231 = arith.constant 65535 : i32
        %and3A_232 = vector.broadcast %and3A_231 : i32 to vector<16xi32>
        %and3A_233 = arith.andi %get3A_222, %and3A_232 : vector<16xi32>
        %swap3A_234 = arith.index_cast %sub3A_158 : i32 to index
        %swap3A_235 = arith.constant 48 : index
        %swap3A_236 = tpu.vector_load %arg8[%swap3A_234, %swap3A_235] {strides = array<i32>} : memref<2x80xi32, #tpu.memory_space<vmem>>, vector<1x16xi32>,
        %swap3A_237 = vector.shape_cast %swap3A_236 : vector<1x16xi32> to vector<16xi32>
        %swap3A_238 = vector.shape_cast %and3A_233 : vector<16xi32> to vector<1x16xi32>
        tpu.vector_store %arg8[%swap3A_234, %swap3A_235], %swap3A_238 {strides = array<i32>} : memref<2x80xi32, #tpu.memory_space<vmem>>, vector<1x16xi32>,
        %get3A_239 = arith.index_cast %add3A_157 : i32 to index
        %get3A_240 = arith.constant 64 : index
        %get3A_241 = tpu.vector_load %arg6[%get3A_239, %get3A_240] {strides = array<i32>} : memref<125x80xi32, #tpu.memory_space<vmem>>, vector<1x16xi32>,
        %get3A_242 = vector.shape_cast %get3A_241 : vector<1x16xi32> to vector<16xi32>
        %shift_right_logical3A_243 = arith.constant 16 : i32
        %shift_right_logical3A_244 = vector.broadcast %shift_right_logical3A_243 : i32 to vector<16xi32>
        %shift_right_logical3A_245 = arith.shrui %get3A_242, %shift_right_logical3A_244 : vector<16xi32>
        %swap3A_246 = arith.index_cast %sub3A_158 : i32 to index
        %swap3A_247 = arith.constant 64 : index
        %swap3A_248 = tpu.vector_load %arg7[%swap3A_246, %swap3A_247] {strides = array<i32>} : memref<2x80xi32, #tpu.memory_space<vmem>>, vector<1x16xi32>,
        %swap3A_249 = vector.shape_cast %swap3A_248 : vector<1x16xi32> to vector<16xi32>
        %swap3A_250 = vector.shape_cast %shift_right_logical3A_245 : vector<16xi32> to vector<1x16xi32>
        tpu.vector_store %arg7[%swap3A_246, %swap3A_247], %swap3A_250 {strides = array<i32>} : memref<2x80xi32, #tpu.memory_space<vmem>>, vector<1x16xi32>,
        %and3A_251 = arith.constant 65535 : i32
        %and3A_252 = vector.broadcast %and3A_251 : i32 to vector<16xi32>
        %and3A_253 = arith.andi %get3A_242, %and3A_252 : vector<16xi32>
        %swap3A_254 = arith.index_cast %sub3A_158 : i32 to index
        %swap3A_255 = arith.constant 64 : index
        %swap3A_256 = tpu.vector_load %arg8[%swap3A_254, %swap3A_255] {strides = array<i32>} : memref<2x80xi32, #tpu.memory_space<vmem>>, vector<1x16xi32>,
        %swap3A_257 = vector.shape_cast %swap3A_256 : vector<1x16xi32> to vector<16xi32>
        %swap3A_258 = vector.shape_cast %and3A_253 : vector<16xi32> to vector<1x16xi32>
        tpu.vector_store %arg8[%swap3A_254, %swap3A_255], %swap3A_258 {strides = array<i32>} : memref<2x80xi32, #tpu.memory_space<vmem>>, vector<1x16xi32>,
        %sub3A_259 = arith.constant 1 : i32
        %sub3A_260 = arith.subi %sub3A_259, %rem3A_141 : i32
        %sub3A_261 = arith.constant 1 : i32
        %sub3A_262 = arith.subi %sub3A_261, %rem3A_141 : i32
        %dma_start3A_263 = arith.constant 0 : i32
        %dma_start3A_264 = arith.constant 0 : i32
        %dma_start3A_265 = tpu.memref_slice %arg9[%sub3A_262, %dma_start3A_263, %dma_start3A_264] : memref<2x80x128xf32, #tpu.memory_space<vmem>> -> memref<1x80x128xf32, #tpu.memory_space<vmem>>
        %dma_start3A_266 = tpu.memref_squeeze %dma_start3A_265 : memref<1x80x128xf32, #tpu.memory_space<vmem>> -> memref<80x128xf32, #tpu.memory_space<vmem>>
        %dma_start3A_267 = arith.constant 0 : i32
        %dma_start3A_268 = tpu.memref_slice %arg7[%sub3A_260, %dma_start3A_267] : memref<2x80xi32, #tpu.memory_space<vmem>> -> memref<1x80xi32, #tpu.memory_space<vmem>>
        %dma_start3A_269 = tpu.memref_squeeze %dma_start3A_268 : memref<1x80xi32, #tpu.memory_space<vmem>> -> memref<80xi32, #tpu.memory_space<vmem>>
        %dma_start3A_270 = arith.constant 0 : i32
        %dma_start3A_271 = arith.constant 0 : i32
        %dma_start3A_272 = tpu.memref_slice %arg4[%dma_start3A_270, %dma_start3A_271] : memref<10240x128xf32, #tpu.memory_space<hbm>> -> memref<10240x128xf32, #tpu.memory_space<hbm>>
        tpu.enqueue_indirect_dma source(%dma_start3A_272 : memref<10240x128xf32, #tpu.memory_space<hbm>>) target(%dma_start3A_266 : memref<80x128xf32, #tpu.memory_space<vmem>>) offsets(%dma_start3A_269 : memref<80xi32, #tpu.memory_space<vmem>>) semaphore(%arg11 : memref<!tpu.dma_semaphore, #tpu.memory_space<semaphore_mem>>)
      } else {
      }
      %dma_wait3A_146 = arith.constant 0 : i32
      %dma_wait3A_147 = arith.constant 0 : i32
      %dma_wait3A_148 = tpu.memref_slice %arg9[%rem3A_141, %dma_wait3A_146, %dma_wait3A_147] : memref<2x80x128xf32, #tpu.memory_space<vmem>> -> memref<1x80x128xf32, #tpu.memory_space<vmem>>
      %dma_wait3A_149 = tpu.memref_squeeze %dma_wait3A_148 : memref<1x80x128xf32, #tpu.memory_space<vmem>> -> memref<80x128xf32, #tpu.memory_space<vmem>>
      %dma_wait3A_150 = arith.constant 0 : i32
      %dma_wait3A_151 = tpu.memref_slice %arg7[%rem3A_141, %dma_wait3A_150] : memref<2x80xi32, #tpu.memory_space<vmem>> -> memref<1x80xi32, #tpu.memory_space<vmem>>
      %dma_wait3A_152 = tpu.memref_squeeze %dma_wait3A_151 : memref<1x80xi32, #tpu.memory_space<vmem>> -> memref<80xi32, #tpu.memory_space<vmem>>
      %dma_wait3A_153 = arith.constant 0 : i32
      %dma_wait3A_154 = arith.constant 0 : i32
      %dma_wait3A_155 = tpu.memref_slice %arg4[%dma_wait3A_153, %dma_wait3A_154] : memref<10240x128xf32, #tpu.memory_space<hbm>> -> memref<10240x128xf32, #tpu.memory_space<hbm>>
      tpu.wait_indirect_dma semaphore(%arg11 : memref<!tpu.dma_semaphore, #tpu.memory_space<semaphore_mem>>) src(%dma_wait3A_155 : memref<10240x128xf32, #tpu.memory_space<hbm>>) dst(%dma_wait3A_149 : memref<80x128xf32, #tpu.memory_space<vmem>>)
      "tpu.region"() ({
        %run_scoped3A = tpu.sem_alloc : memref<!tpu.dma_semaphore, #tpu.memory_space<semaphore_mem>>
        %dma_start3A_156 = arith.constant 0 : i32
        %dma_start3A_157 = arith.constant 0 : i32
        %dma_start3A_158 = tpu.memref_slice %arg9[%rem3A_141, %dma_start3A_156, %dma_start3A_157] : memref<2x80x128xf32, #tpu.memory_space<vmem>> -> memref<1x80x128xf32, #tpu.memory_space<vmem>>
        %dma_start3A_159 = tpu.memref_squeeze %dma_start3A_158 : memref<1x80x128xf32, #tpu.memory_space<vmem>> -> memref<80x128xf32, #tpu.memory_space<vmem>>
        %dma_start3A_160 = arith.constant 0 : i32
        %dma_start3A_161 = tpu.memref_slice %arg8[%rem3A_141, %dma_start3A_160] : memref<2x80xi32, #tpu.memory_space<vmem>> -> memref<1x80xi32, #tpu.memory_space<vmem>>
        %dma_start3A_162 = tpu.memref_squeeze %dma_start3A_161 : memref<1x80xi32, #tpu.memory_space<vmem>> -> memref<80xi32, #tpu.memory_space<vmem>>
        %dma_start3A_163 = arith.constant 0 : i32
        %dma_start3A_164 = arith.constant 0 : i32
        %dma_start3A_165 = tpu.memref_slice %arg10[%dma_start3A_163, %dma_start3A_164] : memref<10240x128xf32, #tpu.memory_space<vmem_shared>> -> memref<10240x128xf32, #tpu.memory_space<vmem_shared>>
        tpu.enqueue_indirect_dma source(%dma_start3A_159 : memref<80x128xf32, #tpu.memory_space<vmem>>) target(%dma_start3A_165 : memref<10240x128xf32, #tpu.memory_space<vmem_shared>>) offsets(%dma_start3A_162 : memref<80xi32, #tpu.memory_space<vmem>>) semaphore(%run_scoped3A : memref<!tpu.dma_semaphore, #tpu.memory_space<semaphore_mem>>) {add = true}
        %dma_wait3A_166 = arith.constant 0 : i32
        %dma_wait3A_167 = arith.constant 0 : i32
        %dma_wait3A_168 = tpu.memref_slice %arg9[%rem3A_141, %dma_wait3A_166, %dma_wait3A_167] : memref<2x80x128xf32, #tpu.memory_space<vmem>> -> memref<1x80x128xf32, #tpu.memory_space<vmem>>
        %dma_wait3A_169 = tpu.memref_squeeze %dma_wait3A_168 : memref<1x80x128xf32, #tpu.memory_space<vmem>> -> memref<80x128xf32, #tpu.memory_space<vmem>>
        %dma_wait3A_170 = arith.constant 0 : i32
        %dma_wait3A_171 = tpu.memref_slice %arg8[%rem3A_141, %dma_wait3A_170] : memref<2x80xi32, #tpu.memory_space<vmem>> -> memref<1x80xi32, #tpu.memory_space<vmem>>
        %dma_wait3A_172 = tpu.memref_squeeze %dma_wait3A_171 : memref<1x80xi32, #tpu.memory_space<vmem>> -> memref<80xi32, #tpu.memory_space<vmem>>
        %dma_wait3A_173 = arith.constant 0 : i32
        %dma_wait3A_174 = arith.constant 0 : i32
        %dma_wait3A_175 = tpu.memref_slice %arg10[%dma_wait3A_173, %dma_wait3A_174] : memref<10240x128xf32, #tpu.memory_space<vmem_shared>> -> memref<10240x128xf32, #tpu.memory_space<vmem_shared>>
        tpu.wait_indirect_dma semaphore(%run_scoped3A : memref<!tpu.dma_semaphore, #tpu.memory_space<semaphore_mem>>) src(%dma_wait3A_169 : memref<80x128xf32, #tpu.memory_space<vmem>>) dst(%dma_wait3A_175 : memref<10240x128xf32, #tpu.memory_space<vmem_shared>>)
        tpu.yield
      }) : () -> ()
    }
    %scan3A_134 = arith.constant 125 : i32
    %barrier3A_135 = arith.constant 0 : index
    tpu.barrier barrier_id(%barrier3A_135)
    %mul3A_136 = arith.constant 640 : i32
    %mul3A_137 = arith.muli %arg1, %mul3A_136 : i32
    %mul3A_138 = arith.constant 640 : i32
    %mul3A_139 = arith.muli %arg1, %mul3A_138 : i32
    "tpu.region"() ({
      %run_scoped3A = tpu.sem_alloc : memref<!tpu.dma_semaphore, #tpu.memory_space<semaphore_mem>>
      %dma_start3A_140 = arith.constant 0 : i32
      %dma_start3A_141 = tpu.memref_slice %arg5[%arg0, %mul3A_139, %dma_start3A_140] : memref<2x10240x128xf32, #tpu.memory_space<hbm>> -> memref<1x640x128xf32, #tpu.memory_space<hbm>>
      %dma_start3A_142 = tpu.memref_squeeze %dma_start3A_141 : memref<1x640x128xf32, #tpu.memory_space<hbm>> -> memref<640x128xf32, #tpu.memory_space<hbm>>
      %dma_start3A_143 = arith.constant 0 : i32
      %dma_start3A_144 = tpu.memref_slice %arg10[%mul3A_137, %dma_start3A_143] : memref<10240x128xf32, #tpu.memory_space<vmem_shared>> -> memref<640x128xf32, #tpu.memory_space<vmem_shared>>
      tpu.enqueue_dma source(%dma_start3A_144 : memref<640x128xf32, #tpu.memory_space<vmem_shared>>) target(%dma_start3A_142 : memref<640x128xf32, #tpu.memory_space<hbm>>) target_semaphore(%run_scoped3A : memref<!tpu.dma_semaphore, #tpu.memory_space<semaphore_mem>>)
      %dma_wait3A_145 = arith.constant 0 : i32
      %dma_wait3A_146 = tpu.memref_slice %arg5[%arg0, %mul3A_139, %dma_wait3A_145] : memref<2x10240x128xf32, #tpu.memory_space<hbm>> -> memref<1x640x128xf32, #tpu.memory_space<hbm>>
      %dma_wait3A_147 = tpu.memref_squeeze %dma_wait3A_146 : memref<1x640x128xf32, #tpu.memory_space<hbm>> -> memref<640x128xf32, #tpu.memory_space<hbm>>
      %dma_wait3A_148 = arith.constant 0 : i32
      %dma_wait3A_149 = tpu.memref_slice %arg10[%mul3A_137, %dma_wait3A_148] : memref<10240x128xf32, #tpu.memory_space<vmem_shared>> -> memref<640x128xf32, #tpu.memory_space<vmem_shared>>
      tpu.wait_dma2 semaphore(%run_scoped3A : memref<!tpu.dma_semaphore, #tpu.memory_space<semaphore_mem>>) src(%dma_wait3A_149 : memref<640x128xf32, #tpu.memory_space<vmem_shared>>) dst(%dma_wait3A_147 : memref<640x128xf32, #tpu.memory_space<hbm>>)
      tpu.yield
    }) : () -> ()
    return
  }
}

#map = affine_map<(d0, d1) -> (0, 0, 0)>
module attributes {stable_mosaic.version = 14 : i64} {
  func.func @_deg_sc(%arg0: i32, %arg1: i32, %arg2: memref<32x125x80xi32, #tpu.memory_space<hbm>>, %arg3: memref<32x125x80xi32, #tpu.memory_space<hbm>>, %arg4: memref<2x2x10240xf32, #tpu.memory_space<hbm>>, %arg5: memref<125x80xi32, #tpu.memory_space<vmem>>, %arg6: memref<125x80xi32, #tpu.memory_space<vmem>>, %arg7: memref<80xf32, #tpu.memory_space<vmem>>, %arg8: memref<640xf32, #tpu.memory_space<vmem>>, %arg9: memref<10240xf32, #tpu.memory_space<vmem_shared>>, %arg10: memref<10240xf32, #tpu.memory_space<vmem_shared>>, %arg11: memref<!tpu.dma_semaphore, #tpu.memory_space<semaphore_mem>>) attributes {dimension_semantics = [#tpu.dimension_semantics<core_parallel>, #tpu.dimension_semantics<subcore_parallel>], iteration_bounds = array<i64: 2, 16>, scalar_prefetch = 0 : i64, scratch_operands = 7 : i64, tpu.core_type = #tpu.core_type<sc_vector_subcore>, window_params = [{transform_indices = #map}, {transform_indices = #map}, {transform_indices = #map}]} {
    %mul3A = arith.constant 2 : i32
    %mul3A_0 = arith.muli %arg1, %mul3A : i32
    %add3A = arith.addi %mul3A_0, %arg0 : i32
    %broadcast_in_dim3A = arith.constant 1.000000e+00 : f32
    %broadcast_in_dim3A_1 = vector.broadcast %broadcast_in_dim3A : f32 to vector<16xf32>
    %broadcast_in_dim3A_2 = arith.constant 0.000000e+00 : f32
    %broadcast_in_dim3A_3 = vector.broadcast %broadcast_in_dim3A_2 : f32 to vector<16xf32>
    %swap3A = arith.constant 0 : index
    %swap3A_4 = tpu.vector_load %arg7[%swap3A] {strides = array<i32>} : memref<80xf32, #tpu.memory_space<vmem>>, vector<16xf32>,
    %swap3A_5 = vector.shape_cast %swap3A_4 : vector<16xf32> to vector<16xf32>
    %swap3A_6 = vector.shape_cast %broadcast_in_dim3A_1 : vector<16xf32> to vector<16xf32>
    tpu.vector_store %arg7[%swap3A], %swap3A_6 {strides = array<i32>} : memref<80xf32, #tpu.memory_space<vmem>>, vector<16xf32>,
    %swap3A_7 = arith.constant 16 : index
    %swap3A_8 = tpu.vector_load %arg7[%swap3A_7] {strides = array<i32>} : memref<80xf32, #tpu.memory_space<vmem>>, vector<16xf32>,
    %swap3A_9 = vector.shape_cast %swap3A_8 : vector<16xf32> to vector<16xf32>
    %swap3A_10 = vector.shape_cast %broadcast_in_dim3A_1 : vector<16xf32> to vector<16xf32>
    tpu.vector_store %arg7[%swap3A_7], %swap3A_10 {strides = array<i32>} : memref<80xf32, #tpu.memory_space<vmem>>, vector<16xf32>,
    %swap3A_11 = arith.constant 32 : index
    %swap3A_12 = tpu.vector_load %arg7[%swap3A_11] {strides = array<i32>} : memref<80xf32, #tpu.memory_space<vmem>>, vector<16xf32>,
    %swap3A_13 = vector.shape_cast %swap3A_12 : vector<16xf32> to vector<16xf32>
    %swap3A_14 = vector.shape_cast %broadcast_in_dim3A_1 : vector<16xf32> to vector<16xf32>
    tpu.vector_store %arg7[%swap3A_11], %swap3A_14 {strides = array<i32>} : memref<80xf32, #tpu.memory_space<vmem>>, vector<16xf32>,
    %swap3A_15 = arith.constant 48 : index
    %swap3A_16 = tpu.vector_load %arg7[%swap3A_15] {strides = array<i32>} : memref<80xf32, #tpu.memory_space<vmem>>, vector<16xf32>,
    %swap3A_17 = vector.shape_cast %swap3A_16 : vector<16xf32> to vector<16xf32>
    %swap3A_18 = vector.shape_cast %broadcast_in_dim3A_1 : vector<16xf32> to vector<16xf32>
    tpu.vector_store %arg7[%swap3A_15], %swap3A_18 {strides = array<i32>} : memref<80xf32, #tpu.memory_space<vmem>>, vector<16xf32>,
    %swap3A_19 = arith.constant 64 : index
    %swap3A_20 = tpu.vector_load %arg7[%swap3A_19] {strides = array<i32>} : memref<80xf32, #tpu.memory_space<vmem>>, vector<16xf32>,
    %swap3A_21 = vector.shape_cast %swap3A_20 : vector<16xf32> to vector<16xf32>
    %swap3A_22 = vector.shape_cast %broadcast_in_dim3A_1 : vector<16xf32> to vector<16xf32>
    tpu.vector_store %arg7[%swap3A_19], %swap3A_22 {strides = array<i32>} : memref<80xf32, #tpu.memory_space<vmem>>, vector<16xf32>,
    %swap3A_23 = arith.constant 0 : index
    %swap3A_24 = tpu.vector_load %arg8[%swap3A_23] {strides = array<i32>} : memref<640xf32, #tpu.memory_space<vmem>>, vector<16xf32>,
    %swap3A_25 = vector.shape_cast %swap3A_24 : vector<16xf32> to vector<16xf32>
    %swap3A_26 = vector.shape_cast %broadcast_in_dim3A_3 : vector<16xf32> to vector<16xf32>
    tpu.vector_store %arg8[%swap3A_23], %swap3A_26 {strides = array<i32>} : memref<640xf32, #tpu.memory_space<vmem>>, vector<16xf32>,
    %swap3A_27 = arith.constant 16 : index
    %swap3A_28 = tpu.vector_load %arg8[%swap3A_27] {strides = array<i32>} : memref<640xf32, #tpu.memory_space<vmem>>, vector<16xf32>,
    %swap3A_29 = vector.shape_cast %swap3A_28 : vector<16xf32> to vector<16xf32>
    %swap3A_30 = vector.shape_cast %broadcast_in_dim3A_3 : vector<16xf32> to vector<16xf32>
    tpu.vector_store %arg8[%swap3A_27], %swap3A_30 {strides = array<i32>} : memref<640xf32, #tpu.memory_space<vmem>>, vector<16xf32>,
    %swap3A_31 = arith.constant 32 : index
    %swap3A_32 = tpu.vector_load %arg8[%swap3A_31] {strides = array<i32>} : memref<640xf32, #tpu.memory_space<vmem>>, vector<16xf32>,
    %swap3A_33 = vector.shape_cast %swap3A_32 : vector<16xf32> to vector<16xf32>
    %swap3A_34 = vector.shape_cast %broadcast_in_dim3A_3 : vector<16xf32> to vector<16xf32>
    tpu.vector_store %arg8[%swap3A_31], %swap3A_34 {strides = array<i32>} : memref<640xf32, #tpu.memory_space<vmem>>, vector<16xf32>,
    %swap3A_35 = arith.constant 48 : index
    %swap3A_36 = tpu.vector_load %arg8[%swap3A_35] {strides = array<i32>} : memref<640xf32, #tpu.memory_space<vmem>>, vector<16xf32>,
    %swap3A_37 = vector.shape_cast %swap3A_36 : vector<16xf32> to vector<16xf32>
    %swap3A_38 = vector.shape_cast %broadcast_in_dim3A_3 : vector<16xf32> to vector<16xf32>
    tpu.vector_store %arg8[%swap3A_35], %swap3A_38 {strides = array<i32>} : memref<640xf32, #tpu.memory_space<vmem>>, vector<16xf32>,
    %swap3A_39 = arith.constant 64 : index
    %swap3A_40 = tpu.vector_load %arg8[%swap3A_39] {strides = array<i32>} : memref<640xf32, #tpu.memory_space<vmem>>, vector<16xf32>,
    %swap3A_41 = vector.shape_cast %swap3A_40 : vector<16xf32> to vector<16xf32>
    %swap3A_42 = vector.shape_cast %broadcast_in_dim3A_3 : vector<16xf32> to vector<16xf32>
    tpu.vector_store %arg8[%swap3A_39], %swap3A_42 {strides = array<i32>} : memref<640xf32, #tpu.memory_space<vmem>>, vector<16xf32>,
    %swap3A_43 = arith.constant 80 : index
    %swap3A_44 = tpu.vector_load %arg8[%swap3A_43] {strides = array<i32>} : memref<640xf32, #tpu.memory_space<vmem>>, vector<16xf32>,
    %swap3A_45 = vector.shape_cast %swap3A_44 : vector<16xf32> to vector<16xf32>
    %swap3A_46 = vector.shape_cast %broadcast_in_dim3A_3 : vector<16xf32> to vector<16xf32>
    tpu.vector_store %arg8[%swap3A_43], %swap3A_46 {strides = array<i32>} : memref<640xf32, #tpu.memory_space<vmem>>, vector<16xf32>,
    %swap3A_47 = arith.constant 96 : index
    %swap3A_48 = tpu.vector_load %arg8[%swap3A_47] {strides = array<i32>} : memref<640xf32, #tpu.memory_space<vmem>>, vector<16xf32>,
    %swap3A_49 = vector.shape_cast %swap3A_48 : vector<16xf32> to vector<16xf32>
    %swap3A_50 = vector.shape_cast %broadcast_in_dim3A_3 : vector<16xf32> to vector<16xf32>
    tpu.vector_store %arg8[%swap3A_47], %swap3A_50 {strides = array<i32>} : memref<640xf32, #tpu.memory_space<vmem>>, vector<16xf32>,
    %swap3A_51 = arith.constant 112 : index
    %swap3A_52 = tpu.vector_load %arg8[%swap3A_51] {strides = array<i32>} : memref<640xf32, #tpu.memory_space<vmem>>, vector<16xf32>,
    %swap3A_53 = vector.shape_cast %swap3A_52 : vector<16xf32> to vector<16xf32>
    %swap3A_54 = vector.shape_cast %broadcast_in_dim3A_3 : vector<16xf32> to vector<16xf32>
    tpu.vector_store %arg8[%swap3A_51], %swap3A_54 {strides = array<i32>} : memref<640xf32, #tpu.memory_space<vmem>>, vector<16xf32>,
    %swap3A_55 = arith.constant 128 : index
    %swap3A_56 = tpu.vector_load %arg8[%swap3A_55] {strides = array<i32>} : memref<640xf32, #tpu.memory_space<vmem>>, vector<16xf32>,
    %swap3A_57 = vector.shape_cast %swap3A_56 : vector<16xf32> to vector<16xf32>
    %swap3A_58 = vector.shape_cast %broadcast_in_dim3A_3 : vector<16xf32> to vector<16xf32>
    tpu.vector_store %arg8[%swap3A_55], %swap3A_58 {strides = array<i32>} : memref<640xf32, #tpu.memory_space<vmem>>, vector<16xf32>,
    %swap3A_59 = arith.constant 144 : index
    %swap3A_60 = tpu.vector_load %arg8[%swap3A_59] {strides = array<i32>} : memref<640xf32, #tpu.memory_space<vmem>>, vector<16xf32>,
    %swap3A_61 = vector.shape_cast %swap3A_60 : vector<16xf32> to vector<16xf32>
    %swap3A_62 = vector.shape_cast %broadcast_in_dim3A_3 : vector<16xf32> to vector<16xf32>
    tpu.vector_store %arg8[%swap3A_59], %swap3A_62 {strides = array<i32>} : memref<640xf32, #tpu.memory_space<vmem>>, vector<16xf32>,
    %swap3A_63 = arith.constant 160 : index
    %swap3A_64 = tpu.vector_load %arg8[%swap3A_63] {strides = array<i32>} : memref<640xf32, #tpu.memory_space<vmem>>, vector<16xf32>,
    %swap3A_65 = vector.shape_cast %swap3A_64 : vector<16xf32> to vector<16xf32>
    %swap3A_66 = vector.shape_cast %broadcast_in_dim3A_3 : vector<16xf32> to vector<16xf32>
    tpu.vector_store %arg8[%swap3A_63], %swap3A_66 {strides = array<i32>} : memref<640xf32, #tpu.memory_space<vmem>>, vector<16xf32>,
    %swap3A_67 = arith.constant 176 : index
    %swap3A_68 = tpu.vector_load %arg8[%swap3A_67] {strides = array<i32>} : memref<640xf32, #tpu.memory_space<vmem>>, vector<16xf32>,
    %swap3A_69 = vector.shape_cast %swap3A_68 : vector<16xf32> to vector<16xf32>
    %swap3A_70 = vector.shape_cast %broadcast_in_dim3A_3 : vector<16xf32> to vector<16xf32>
    tpu.vector_store %arg8[%swap3A_67], %swap3A_70 {strides = array<i32>} : memref<640xf32, #tpu.memory_space<vmem>>, vector<16xf32>,
    %swap3A_71 = arith.constant 192 : index
    %swap3A_72 = tpu.vector_load %arg8[%swap3A_71] {strides = array<i32>} : memref<640xf32, #tpu.memory_space<vmem>>, vector<16xf32>,
    %swap3A_73 = vector.shape_cast %swap3A_72 : vector<16xf32> to vector<16xf32>
    %swap3A_74 = vector.shape_cast %broadcast_in_dim3A_3 : vector<16xf32> to vector<16xf32>
    tpu.vector_store %arg8[%swap3A_71], %swap3A_74 {strides = array<i32>} : memref<640xf32, #tpu.memory_space<vmem>>, vector<16xf32>,
    %swap3A_75 = arith.constant 208 : index
    %swap3A_76 = tpu.vector_load %arg8[%swap3A_75] {strides = array<i32>} : memref<640xf32, #tpu.memory_space<vmem>>, vector<16xf32>,
    %swap3A_77 = vector.shape_cast %swap3A_76 : vector<16xf32> to vector<16xf32>
    %swap3A_78 = vector.shape_cast %broadcast_in_dim3A_3 : vector<16xf32> to vector<16xf32>
    tpu.vector_store %arg8[%swap3A_75], %swap3A_78 {strides = array<i32>} : memref<640xf32, #tpu.memory_space<vmem>>, vector<16xf32>,
    %swap3A_79 = arith.constant 224 : index
    %swap3A_80 = tpu.vector_load %arg8[%swap3A_79] {strides = array<i32>} : memref<640xf32, #tpu.memory_space<vmem>>, vector<16xf32>,
    %swap3A_81 = vector.shape_cast %swap3A_80 : vector<16xf32> to vector<16xf32>
    %swap3A_82 = vector.shape_cast %broadcast_in_dim3A_3 : vector<16xf32> to vector<16xf32>
    tpu.vector_store %arg8[%swap3A_79], %swap3A_82 {strides = array<i32>} : memref<640xf32, #tpu.memory_space<vmem>>, vector<16xf32>,
    %swap3A_83 = arith.constant 240 : index
    %swap3A_84 = tpu.vector_load %arg8[%swap3A_83] {strides = array<i32>} : memref<640xf32, #tpu.memory_space<vmem>>, vector<16xf32>,
    %swap3A_85 = vector.shape_cast %swap3A_84 : vector<16xf32> to vector<16xf32>
    %swap3A_86 = vector.shape_cast %broadcast_in_dim3A_3 : vector<16xf32> to vector<16xf32>
    tpu.vector_store %arg8[%swap3A_83], %swap3A_86 {strides = array<i32>} : memref<640xf32, #tpu.memory_space<vmem>>, vector<16xf32>,
    %swap3A_87 = arith.constant 256 : index
    %swap3A_88 = tpu.vector_load %arg8[%swap3A_87] {strides = array<i32>} : memref<640xf32, #tpu.memory_space<vmem>>, vector<16xf32>,
    %swap3A_89 = vector.shape_cast %swap3A_88 : vector<16xf32> to vector<16xf32>
    %swap3A_90 = vector.shape_cast %broadcast_in_dim3A_3 : vector<16xf32> to vector<16xf32>
    tpu.vector_store %arg8[%swap3A_87], %swap3A_90 {strides = array<i32>} : memref<640xf32, #tpu.memory_space<vmem>>, vector<16xf32>,
    %swap3A_91 = arith.constant 272 : index
    %swap3A_92 = tpu.vector_load %arg8[%swap3A_91] {strides = array<i32>} : memref<640xf32, #tpu.memory_space<vmem>>, vector<16xf32>,
    %swap3A_93 = vector.shape_cast %swap3A_92 : vector<16xf32> to vector<16xf32>
    %swap3A_94 = vector.shape_cast %broadcast_in_dim3A_3 : vector<16xf32> to vector<16xf32>
    tpu.vector_store %arg8[%swap3A_91], %swap3A_94 {strides = array<i32>} : memref<640xf32, #tpu.memory_space<vmem>>, vector<16xf32>,
    %swap3A_95 = arith.constant 288 : index
    %swap3A_96 = tpu.vector_load %arg8[%swap3A_95] {strides = array<i32>} : memref<640xf32, #tpu.memory_space<vmem>>, vector<16xf32>,
    %swap3A_97 = vector.shape_cast %swap3A_96 : vector<16xf32> to vector<16xf32>
    %swap3A_98 = vector.shape_cast %broadcast_in_dim3A_3 : vector<16xf32> to vector<16xf32>
    tpu.vector_store %arg8[%swap3A_95], %swap3A_98 {strides = array<i32>} : memref<640xf32, #tpu.memory_space<vmem>>, vector<16xf32>,
    %swap3A_99 = arith.constant 304 : index
    %swap3A_100 = tpu.vector_load %arg8[%swap3A_99] {strides = array<i32>} : memref<640xf32, #tpu.memory_space<vmem>>, vector<16xf32>,
    %swap3A_101 = vector.shape_cast %swap3A_100 : vector<16xf32> to vector<16xf32>
    %swap3A_102 = vector.shape_cast %broadcast_in_dim3A_3 : vector<16xf32> to vector<16xf32>
    tpu.vector_store %arg8[%swap3A_99], %swap3A_102 {strides = array<i32>} : memref<640xf32, #tpu.memory_space<vmem>>, vector<16xf32>,
    %swap3A_103 = arith.constant 320 : index
    %swap3A_104 = tpu.vector_load %arg8[%swap3A_103] {strides = array<i32>} : memref<640xf32, #tpu.memory_space<vmem>>, vector<16xf32>,
    %swap3A_105 = vector.shape_cast %swap3A_104 : vector<16xf32> to vector<16xf32>
    %swap3A_106 = vector.shape_cast %broadcast_in_dim3A_3 : vector<16xf32> to vector<16xf32>
    tpu.vector_store %arg8[%swap3A_103], %swap3A_106 {strides = array<i32>} : memref<640xf32, #tpu.memory_space<vmem>>, vector<16xf32>,
    %swap3A_107 = arith.constant 336 : index
    %swap3A_108 = tpu.vector_load %arg8[%swap3A_107] {strides = array<i32>} : memref<640xf32, #tpu.memory_space<vmem>>, vector<16xf32>,
    %swap3A_109 = vector.shape_cast %swap3A_108 : vector<16xf32> to vector<16xf32>
    %swap3A_110 = vector.shape_cast %broadcast_in_dim3A_3 : vector<16xf32> to vector<16xf32>
    tpu.vector_store %arg8[%swap3A_107], %swap3A_110 {strides = array<i32>} : memref<640xf32, #tpu.memory_space<vmem>>, vector<16xf32>,
    %swap3A_111 = arith.constant 352 : index
    %swap3A_112 = tpu.vector_load %arg8[%swap3A_111] {strides = array<i32>} : memref<640xf32, #tpu.memory_space<vmem>>, vector<16xf32>,
    %swap3A_113 = vector.shape_cast %swap3A_112 : vector<16xf32> to vector<16xf32>
    %swap3A_114 = vector.shape_cast %broadcast_in_dim3A_3 : vector<16xf32> to vector<16xf32>
    tpu.vector_store %arg8[%swap3A_111], %swap3A_114 {strides = array<i32>} : memref<640xf32, #tpu.memory_space<vmem>>, vector<16xf32>,
    %swap3A_115 = arith.constant 368 : index
    %swap3A_116 = tpu.vector_load %arg8[%swap3A_115] {strides = array<i32>} : memref<640xf32, #tpu.memory_space<vmem>>, vector<16xf32>,
    %swap3A_117 = vector.shape_cast %swap3A_116 : vector<16xf32> to vector<16xf32>
    %swap3A_118 = vector.shape_cast %broadcast_in_dim3A_3 : vector<16xf32> to vector<16xf32>
    tpu.vector_store %arg8[%swap3A_115], %swap3A_118 {strides = array<i32>} : memref<640xf32, #tpu.memory_space<vmem>>, vector<16xf32>,
    %swap3A_119 = arith.constant 384 : index
    %swap3A_120 = tpu.vector_load %arg8[%swap3A_119] {strides = array<i32>} : memref<640xf32, #tpu.memory_space<vmem>>, vector<16xf32>,
    %swap3A_121 = vector.shape_cast %swap3A_120 : vector<16xf32> to vector<16xf32>
    %swap3A_122 = vector.shape_cast %broadcast_in_dim3A_3 : vector<16xf32> to vector<16xf32>
    tpu.vector_store %arg8[%swap3A_119], %swap3A_122 {strides = array<i32>} : memref<640xf32, #tpu.memory_space<vmem>>, vector<16xf32>,
    %swap3A_123 = arith.constant 400 : index
    %swap3A_124 = tpu.vector_load %arg8[%swap3A_123] {strides = array<i32>} : memref<640xf32, #tpu.memory_space<vmem>>, vector<16xf32>,
    %swap3A_125 = vector.shape_cast %swap3A_124 : vector<16xf32> to vector<16xf32>
    %swap3A_126 = vector.shape_cast %broadcast_in_dim3A_3 : vector<16xf32> to vector<16xf32>
    tpu.vector_store %arg8[%swap3A_123], %swap3A_126 {strides = array<i32>} : memref<640xf32, #tpu.memory_space<vmem>>, vector<16xf32>,
    %swap3A_127 = arith.constant 416 : index
    %swap3A_128 = tpu.vector_load %arg8[%swap3A_127] {strides = array<i32>} : memref<640xf32, #tpu.memory_space<vmem>>, vector<16xf32>,
    %swap3A_129 = vector.shape_cast %swap3A_128 : vector<16xf32> to vector<16xf32>
    %swap3A_130 = vector.shape_cast %broadcast_in_dim3A_3 : vector<16xf32> to vector<16xf32>
    tpu.vector_store %arg8[%swap3A_127], %swap3A_130 {strides = array<i32>} : memref<640xf32, #tpu.memory_space<vmem>>, vector<16xf32>,
    %swap3A_131 = arith.constant 432 : index
    %swap3A_132 = tpu.vector_load %arg8[%swap3A_131] {strides = array<i32>} : memref<640xf32, #tpu.memory_space<vmem>>, vector<16xf32>,
    %swap3A_133 = vector.shape_cast %swap3A_132 : vector<16xf32> to vector<16xf32>
    %swap3A_134 = vector.shape_cast %broadcast_in_dim3A_3 : vector<16xf32> to vector<16xf32>
    tpu.vector_store %arg8[%swap3A_131], %swap3A_134 {strides = array<i32>} : memref<640xf32, #tpu.memory_space<vmem>>, vector<16xf32>,
    %swap3A_135 = arith.constant 448 : index
    %swap3A_136 = tpu.vector_load %arg8[%swap3A_135] {strides = array<i32>} : memref<640xf32, #tpu.memory_space<vmem>>, vector<16xf32>,
    %swap3A_137 = vector.shape_cast %swap3A_136 : vector<16xf32> to vector<16xf32>
    %swap3A_138 = vector.shape_cast %broadcast_in_dim3A_3 : vector<16xf32> to vector<16xf32>
    tpu.vector_store %arg8[%swap3A_135], %swap3A_138 {strides = array<i32>} : memref<640xf32, #tpu.memory_space<vmem>>, vector<16xf32>,
    %swap3A_139 = arith.constant 464 : index
    %swap3A_140 = tpu.vector_load %arg8[%swap3A_139] {strides = array<i32>} : memref<640xf32, #tpu.memory_space<vmem>>, vector<16xf32>,
    %swap3A_141 = vector.shape_cast %swap3A_140 : vector<16xf32> to vector<16xf32>
    %swap3A_142 = vector.shape_cast %broadcast_in_dim3A_3 : vector<16xf32> to vector<16xf32>
    tpu.vector_store %arg8[%swap3A_139], %swap3A_142 {strides = array<i32>} : memref<640xf32, #tpu.memory_space<vmem>>, vector<16xf32>,
    %swap3A_143 = arith.constant 480 : index
    %swap3A_144 = tpu.vector_load %arg8[%swap3A_143] {strides = array<i32>} : memref<640xf32, #tpu.memory_space<vmem>>, vector<16xf32>,
    %swap3A_145 = vector.shape_cast %swap3A_144 : vector<16xf32> to vector<16xf32>
    %swap3A_146 = vector.shape_cast %broadcast_in_dim3A_3 : vector<16xf32> to vector<16xf32>
    tpu.vector_store %arg8[%swap3A_143], %swap3A_146 {strides = array<i32>} : memref<640xf32, #tpu.memory_space<vmem>>, vector<16xf32>,
    %swap3A_147 = arith.constant 496 : index
    %swap3A_148 = tpu.vector_load %arg8[%swap3A_147] {strides = array<i32>} : memref<640xf32, #tpu.memory_space<vmem>>, vector<16xf32>,
    %swap3A_149 = vector.shape_cast %swap3A_148 : vector<16xf32> to vector<16xf32>
    %swap3A_150 = vector.shape_cast %broadcast_in_dim3A_3 : vector<16xf32> to vector<16xf32>
    tpu.vector_store %arg8[%swap3A_147], %swap3A_150 {strides = array<i32>} : memref<640xf32, #tpu.memory_space<vmem>>, vector<16xf32>,
    %swap3A_151 = arith.constant 512 : index
    %swap3A_152 = tpu.vector_load %arg8[%swap3A_151] {strides = array<i32>} : memref<640xf32, #tpu.memory_space<vmem>>, vector<16xf32>,
    %swap3A_153 = vector.shape_cast %swap3A_152 : vector<16xf32> to vector<16xf32>
    %swap3A_154 = vector.shape_cast %broadcast_in_dim3A_3 : vector<16xf32> to vector<16xf32>
    tpu.vector_store %arg8[%swap3A_151], %swap3A_154 {strides = array<i32>} : memref<640xf32, #tpu.memory_space<vmem>>, vector<16xf32>,
    %swap3A_155 = arith.constant 528 : index
    %swap3A_156 = tpu.vector_load %arg8[%swap3A_155] {strides = array<i32>} : memref<640xf32, #tpu.memory_space<vmem>>, vector<16xf32>,
    %swap3A_157 = vector.shape_cast %swap3A_156 : vector<16xf32> to vector<16xf32>
    %swap3A_158 = vector.shape_cast %broadcast_in_dim3A_3 : vector<16xf32> to vector<16xf32>
    tpu.vector_store %arg8[%swap3A_155], %swap3A_158 {strides = array<i32>} : memref<640xf32, #tpu.memory_space<vmem>>, vector<16xf32>,
    %swap3A_159 = arith.constant 544 : index
    %swap3A_160 = tpu.vector_load %arg8[%swap3A_159] {strides = array<i32>} : memref<640xf32, #tpu.memory_space<vmem>>, vector<16xf32>,
    %swap3A_161 = vector.shape_cast %swap3A_160 : vector<16xf32> to vector<16xf32>
    %swap3A_162 = vector.shape_cast %broadcast_in_dim3A_3 : vector<16xf32> to vector<16xf32>
    tpu.vector_store %arg8[%swap3A_159], %swap3A_162 {strides = array<i32>} : memref<640xf32, #tpu.memory_space<vmem>>, vector<16xf32>,
    %swap3A_163 = arith.constant 560 : index
    %swap3A_164 = tpu.vector_load %arg8[%swap3A_163] {strides = array<i32>} : memref<640xf32, #tpu.memory_space<vmem>>, vector<16xf32>,
    %swap3A_165 = vector.shape_cast %swap3A_164 : vector<16xf32> to vector<16xf32>
    %swap3A_166 = vector.shape_cast %broadcast_in_dim3A_3 : vector<16xf32> to vector<16xf32>
    tpu.vector_store %arg8[%swap3A_163], %swap3A_166 {strides = array<i32>} : memref<640xf32, #tpu.memory_space<vmem>>, vector<16xf32>,
    %swap3A_167 = arith.constant 576 : index
    %swap3A_168 = tpu.vector_load %arg8[%swap3A_167] {strides = array<i32>} : memref<640xf32, #tpu.memory_space<vmem>>, vector<16xf32>,
    %swap3A_169 = vector.shape_cast %swap3A_168 : vector<16xf32> to vector<16xf32>
    %swap3A_170 = vector.shape_cast %broadcast_in_dim3A_3 : vector<16xf32> to vector<16xf32>
    tpu.vector_store %arg8[%swap3A_167], %swap3A_170 {strides = array<i32>} : memref<640xf32, #tpu.memory_space<vmem>>, vector<16xf32>,
    %swap3A_171 = arith.constant 592 : index
    %swap3A_172 = tpu.vector_load %arg8[%swap3A_171] {strides = array<i32>} : memref<640xf32, #tpu.memory_space<vmem>>, vector<16xf32>,
    %swap3A_173 = vector.shape_cast %swap3A_172 : vector<16xf32> to vector<16xf32>
    %swap3A_174 = vector.shape_cast %broadcast_in_dim3A_3 : vector<16xf32> to vector<16xf32>
    tpu.vector_store %arg8[%swap3A_171], %swap3A_174 {strides = array<i32>} : memref<640xf32, #tpu.memory_space<vmem>>, vector<16xf32>,
    %swap3A_175 = arith.constant 608 : index
    %swap3A_176 = tpu.vector_load %arg8[%swap3A_175] {strides = array<i32>} : memref<640xf32, #tpu.memory_space<vmem>>, vector<16xf32>,
    %swap3A_177 = vector.shape_cast %swap3A_176 : vector<16xf32> to vector<16xf32>
    %swap3A_178 = vector.shape_cast %broadcast_in_dim3A_3 : vector<16xf32> to vector<16xf32>
    tpu.vector_store %arg8[%swap3A_175], %swap3A_178 {strides = array<i32>} : memref<640xf32, #tpu.memory_space<vmem>>, vector<16xf32>,
    %swap3A_179 = arith.constant 624 : index
    %swap3A_180 = tpu.vector_load %arg8[%swap3A_179] {strides = array<i32>} : memref<640xf32, #tpu.memory_space<vmem>>, vector<16xf32>,
    %swap3A_181 = vector.shape_cast %swap3A_180 : vector<16xf32> to vector<16xf32>
    %swap3A_182 = vector.shape_cast %broadcast_in_dim3A_3 : vector<16xf32> to vector<16xf32>
    tpu.vector_store %arg8[%swap3A_179], %swap3A_182 {strides = array<i32>} : memref<640xf32, #tpu.memory_space<vmem>>, vector<16xf32>,
    "tpu.region"() ({
      %run_scoped3A_202 = tpu.sem_alloc : memref<!tpu.dma_semaphore, #tpu.memory_space<semaphore_mem>>
      %dma_start3A = arith.constant 0 : i32
      %dma_start3A_203 = arith.constant 0 : i32
      %dma_start3A_204 = tpu.memref_slice %arg2[%add3A, %dma_start3A, %dma_start3A_203] : memref<32x125x80xi32, #tpu.memory_space<hbm>> -> memref<1x125x80xi32, #tpu.memory_space<hbm>>
      %dma_start3A_205 = tpu.memref_squeeze %dma_start3A_204 : memref<1x125x80xi32, #tpu.memory_space<hbm>> -> memref<125x80xi32, #tpu.memory_space<hbm>>
      %dma_start3A_206 = arith.constant 0 : i32
      %dma_start3A_207 = arith.constant 0 : i32
      %dma_start3A_208 = tpu.memref_slice %arg2[%add3A, %dma_start3A_206, %dma_start3A_207] : memref<32x125x80xi32, #tpu.memory_space<hbm>> -> memref<1x125x80xi32, #tpu.memory_space<hbm>>
      %dma_start3A_209 = tpu.memref_squeeze %dma_start3A_208 : memref<1x125x80xi32, #tpu.memory_space<hbm>> -> memref<125x80xi32, #tpu.memory_space<hbm>>
      tpu.enqueue_dma source(%dma_start3A_209 : memref<125x80xi32, #tpu.memory_space<hbm>>) target(%arg5 : memref<125x80xi32, #tpu.memory_space<vmem>>) target_semaphore(%run_scoped3A_202 : memref<!tpu.dma_semaphore, #tpu.memory_space<semaphore_mem>>)
      %dma_wait3A = arith.constant 0 : i32
      %dma_wait3A_210 = arith.constant 0 : i32
      %dma_wait3A_211 = tpu.memref_slice %arg2[%add3A, %dma_wait3A, %dma_wait3A_210] : memref<32x125x80xi32, #tpu.memory_space<hbm>> -> memref<1x125x80xi32, #tpu.memory_space<hbm>>
      %dma_wait3A_212 = tpu.memref_squeeze %dma_wait3A_211 : memref<1x125x80xi32, #tpu.memory_space<hbm>> -> memref<125x80xi32, #tpu.memory_space<hbm>>
      %dma_wait3A_213 = arith.constant 0 : i32
      %dma_wait3A_214 = arith.constant 0 : i32
      %dma_wait3A_215 = tpu.memref_slice %arg2[%add3A, %dma_wait3A_213, %dma_wait3A_214] : memref<32x125x80xi32, #tpu.memory_space<hbm>> -> memref<1x125x80xi32, #tpu.memory_space<hbm>>
      %dma_wait3A_216 = tpu.memref_squeeze %dma_wait3A_215 : memref<1x125x80xi32, #tpu.memory_space<hbm>> -> memref<125x80xi32, #tpu.memory_space<hbm>>
      tpu.wait_dma2 semaphore(%run_scoped3A_202 : memref<!tpu.dma_semaphore, #tpu.memory_space<semaphore_mem>>) src(%dma_wait3A_216 : memref<125x80xi32, #tpu.memory_space<hbm>>) dst(%arg5 : memref<125x80xi32, #tpu.memory_space<vmem>>)
      tpu.yield
    }) : () -> ()
    "tpu.region"() ({
      %run_scoped3A_202 = tpu.sem_alloc : memref<!tpu.dma_semaphore, #tpu.memory_space<semaphore_mem>>
      %dma_start3A = arith.constant 0 : i32
      %dma_start3A_203 = arith.constant 0 : i32
      %dma_start3A_204 = tpu.memref_slice %arg3[%add3A, %dma_start3A, %dma_start3A_203] : memref<32x125x80xi32, #tpu.memory_space<hbm>> -> memref<1x125x80xi32, #tpu.memory_space<hbm>>
      %dma_start3A_205 = tpu.memref_squeeze %dma_start3A_204 : memref<1x125x80xi32, #tpu.memory_space<hbm>> -> memref<125x80xi32, #tpu.memory_space<hbm>>
      %dma_start3A_206 = arith.constant 0 : i32
      %dma_start3A_207 = arith.constant 0 : i32
      %dma_start3A_208 = tpu.memref_slice %arg3[%add3A, %dma_start3A_206, %dma_start3A_207] : memref<32x125x80xi32, #tpu.memory_space<hbm>> -> memref<1x125x80xi32, #tpu.memory_space<hbm>>
      %dma_start3A_209 = tpu.memref_squeeze %dma_start3A_208 : memref<1x125x80xi32, #tpu.memory_space<hbm>> -> memref<125x80xi32, #tpu.memory_space<hbm>>
      tpu.enqueue_dma source(%dma_start3A_209 : memref<125x80xi32, #tpu.memory_space<hbm>>) target(%arg6 : memref<125x80xi32, #tpu.memory_space<vmem>>) target_semaphore(%run_scoped3A_202 : memref<!tpu.dma_semaphore, #tpu.memory_space<semaphore_mem>>)
      %dma_wait3A = arith.constant 0 : i32
      %dma_wait3A_210 = arith.constant 0 : i32
      %dma_wait3A_211 = tpu.memref_slice %arg3[%add3A, %dma_wait3A, %dma_wait3A_210] : memref<32x125x80xi32, #tpu.memory_space<hbm>> -> memref<1x125x80xi32, #tpu.memory_space<hbm>>
      %dma_wait3A_212 = tpu.memref_squeeze %dma_wait3A_211 : memref<1x125x80xi32, #tpu.memory_space<hbm>> -> memref<125x80xi32, #tpu.memory_space<hbm>>
      %dma_wait3A_213 = arith.constant 0 : i32
      %dma_wait3A_214 = arith.constant 0 : i32
      %dma_wait3A_215 = tpu.memref_slice %arg3[%add3A, %dma_wait3A_213, %dma_wait3A_214] : memref<32x125x80xi32, #tpu.memory_space<hbm>> -> memref<1x125x80xi32, #tpu.memory_space<hbm>>
      %dma_wait3A_216 = tpu.memref_squeeze %dma_wait3A_215 : memref<1x125x80xi32, #tpu.memory_space<hbm>> -> memref<125x80xi32, #tpu.memory_space<hbm>>
      tpu.wait_dma2 semaphore(%run_scoped3A_202 : memref<!tpu.dma_semaphore, #tpu.memory_space<semaphore_mem>>) src(%dma_wait3A_216 : memref<125x80xi32, #tpu.memory_space<hbm>>) dst(%arg6 : memref<125x80xi32, #tpu.memory_space<vmem>>)
      tpu.yield
    }) : () -> ()
    %mul3A_183 = arith.constant 640 : i32
    %mul3A_184 = arith.muli %arg1, %mul3A_183 : i32
    "tpu.region"() ({
      %run_scoped3A_202 = tpu.sem_alloc : memref<!tpu.dma_semaphore, #tpu.memory_space<semaphore_mem>>
      %dma_start3A = tpu.memref_slice %arg9[%mul3A_184] : memref<10240xf32, #tpu.memory_space<vmem_shared>> -> memref<640xf32, #tpu.memory_space<vmem_shared>>
      %dma_start3A_203 = tpu.memref_slice %arg9[%mul3A_184] : memref<10240xf32, #tpu.memory_space<vmem_shared>> -> memref<640xf32, #tpu.memory_space<vmem_shared>>
      tpu.enqueue_dma source(%arg8 : memref<640xf32, #tpu.memory_space<vmem>>) target(%dma_start3A_203 : memref<640xf32, #tpu.memory_space<vmem_shared>>) target_semaphore(%run_scoped3A_202 : memref<!tpu.dma_semaphore, #tpu.memory_space<semaphore_mem>>)
      %dma_wait3A = tpu.memref_slice %arg9[%mul3A_184] : memref<10240xf32, #tpu.memory_space<vmem_shared>> -> memref<640xf32, #tpu.memory_space<vmem_shared>>
      %dma_wait3A_204 = tpu.memref_slice %arg9[%mul3A_184] : memref<10240xf32, #tpu.memory_space<vmem_shared>> -> memref<640xf32, #tpu.memory_space<vmem_shared>>
      tpu.wait_dma2 semaphore(%run_scoped3A_202 : memref<!tpu.dma_semaphore, #tpu.memory_space<semaphore_mem>>) src(%arg8 : memref<640xf32, #tpu.memory_space<vmem>>) dst(%dma_wait3A_204 : memref<640xf32, #tpu.memory_space<vmem_shared>>)
      tpu.yield
    }) : () -> ()
    %mul3A_185 = arith.constant 640 : i32
    %mul3A_186 = arith.muli %arg1, %mul3A_185 : i32
    "tpu.region"() ({
      %run_scoped3A_202 = tpu.sem_alloc : memref<!tpu.dma_semaphore, #tpu.memory_space<semaphore_mem>>
      %dma_start3A = tpu.memref_slice %arg10[%mul3A_186] : memref<10240xf32, #tpu.memory_space<vmem_shared>> -> memref<640xf32, #tpu.memory_space<vmem_shared>>
      %dma_start3A_203 = tpu.memref_slice %arg10[%mul3A_186] : memref<10240xf32, #tpu.memory_space<vmem_shared>> -> memref<640xf32, #tpu.memory_space<vmem_shared>>
      tpu.enqueue_dma source(%arg8 : memref<640xf32, #tpu.memory_space<vmem>>) target(%dma_start3A_203 : memref<640xf32, #tpu.memory_space<vmem_shared>>) target_semaphore(%run_scoped3A_202 : memref<!tpu.dma_semaphore, #tpu.memory_space<semaphore_mem>>)
      %dma_wait3A = tpu.memref_slice %arg10[%mul3A_186] : memref<10240xf32, #tpu.memory_space<vmem_shared>> -> memref<640xf32, #tpu.memory_space<vmem_shared>>
      %dma_wait3A_204 = tpu.memref_slice %arg10[%mul3A_186] : memref<10240xf32, #tpu.memory_space<vmem_shared>> -> memref<640xf32, #tpu.memory_space<vmem_shared>>
      tpu.wait_dma2 semaphore(%run_scoped3A_202 : memref<!tpu.dma_semaphore, #tpu.memory_space<semaphore_mem>>) src(%arg8 : memref<640xf32, #tpu.memory_space<vmem>>) dst(%dma_wait3A_204 : memref<640xf32, #tpu.memory_space<vmem_shared>>)
      tpu.yield
    }) : () -> ()
    %barrier3A = arith.constant 0 : index
    tpu.barrier barrier_id(%barrier3A)
    %scan3A = arith.constant 0 : i32
    %scan3A_187 = arith.constant 0 : i32
    %scan3A_188 = arith.constant 129 : i32
    %scan3A_189 = arith.addi %scan3A_187, %scan3A_188 : i32
    %scan3A_190 = arith.constant 1 : i32
    scf.for %scan3A_202 = %scan3A_187 to %scan3A_189 step %scan3A_190  : i32 {
      %lt3A = arith.constant 125 : i32
      %lt3A_203 = arith.cmpi slt, %scan3A_202, %lt3A : i32
      %convert_element_type3A = arith.extui %lt3A_203 : i1 to i32
      %cond3A = arith.constant 0 : i32
      %cond3A_204 = arith.cmpi ne, %convert_element_type3A, %cond3A : i32
      scf.if %cond3A_204 {
        %dma_start3A = arith.constant 0 : i32
        %dma_start3A_209 = tpu.memref_slice %arg5[%scan3A_202, %dma_start3A] : memref<125x80xi32, #tpu.memory_space<vmem>> -> memref<1x80xi32, #tpu.memory_space<vmem>>
        %dma_start3A_210 = tpu.memref_squeeze %dma_start3A_209 : memref<1x80xi32, #tpu.memory_space<vmem>> -> memref<80xi32, #tpu.memory_space<vmem>>
        %dma_start3A_211 = arith.constant 0 : i32
        %dma_start3A_212 = tpu.memref_slice %arg9[%dma_start3A_211] : memref<10240xf32, #tpu.memory_space<vmem_shared>> -> memref<10240xf32, #tpu.memory_space<vmem_shared>>
        tpu.enqueue_indirect_dma source(%arg7 : memref<80xf32, #tpu.memory_space<vmem>>) target(%dma_start3A_212 : memref<10240xf32, #tpu.memory_space<vmem_shared>>) offsets(%dma_start3A_210 : memref<80xi32, #tpu.memory_space<vmem>>) semaphore(%arg11 : memref<!tpu.dma_semaphore, #tpu.memory_space<semaphore_mem>>) {add = true}
        %dma_start3A_213 = arith.constant 0 : i32
        %dma_start3A_214 = tpu.memref_slice %arg6[%scan3A_202, %dma_start3A_213] : memref<125x80xi32, #tpu.memory_space<vmem>> -> memref<1x80xi32, #tpu.memory_space<vmem>>
        %dma_start3A_215 = tpu.memref_squeeze %dma_start3A_214 : memref<1x80xi32, #tpu.memory_space<vmem>> -> memref<80xi32, #tpu.memory_space<vmem>>
        %dma_start3A_216 = arith.constant 0 : i32
        %dma_start3A_217 = tpu.memref_slice %arg10[%dma_start3A_216] : memref<10240xf32, #tpu.memory_space<vmem_shared>> -> memref<10240xf32, #tpu.memory_space<vmem_shared>>
        tpu.enqueue_indirect_dma source(%arg7 : memref<80xf32, #tpu.memory_space<vmem>>) target(%dma_start3A_217 : memref<10240xf32, #tpu.memory_space<vmem_shared>>) offsets(%dma_start3A_215 : memref<80xi32, #tpu.memory_space<vmem>>) semaphore(%arg11 : memref<!tpu.dma_semaphore, #tpu.memory_space<semaphore_mem>>) {add = true}
      } else {
      }
      %ge3A = arith.constant 4 : i32
      %ge3A_205 = arith.cmpi sge, %scan3A_202, %ge3A : i32
      %convert_element_type3A_206 = arith.extui %ge3A_205 : i1 to i32
      %cond3A_207 = arith.constant 0 : i32
      %cond3A_208 = arith.cmpi ne, %convert_element_type3A_206, %cond3A_207 : i32
      scf.if %cond3A_208 {
        %sub3A = arith.constant 4 : i32
        %sub3A_209 = arith.subi %scan3A_202, %sub3A : i32
        %dma_wait3A = arith.constant 0 : i32
        %dma_wait3A_210 = tpu.memref_slice %arg5[%sub3A_209, %dma_wait3A] : memref<125x80xi32, #tpu.memory_space<vmem>> -> memref<1x80xi32, #tpu.memory_space<vmem>>
        %dma_wait3A_211 = tpu.memref_squeeze %dma_wait3A_210 : memref<1x80xi32, #tpu.memory_space<vmem>> -> memref<80xi32, #tpu.memory_space<vmem>>
        %dma_wait3A_212 = arith.constant 0 : i32
        %dma_wait3A_213 = tpu.memref_slice %arg9[%dma_wait3A_212] : memref<10240xf32, #tpu.memory_space<vmem_shared>> -> memref<10240xf32, #tpu.memory_space<vmem_shared>>
        tpu.wait_indirect_dma semaphore(%arg11 : memref<!tpu.dma_semaphore, #tpu.memory_space<semaphore_mem>>) src(%arg7 : memref<80xf32, #tpu.memory_space<vmem>>) dst(%dma_wait3A_213 : memref<10240xf32, #tpu.memory_space<vmem_shared>>)
        %sub3A_214 = arith.constant 4 : i32
        %sub3A_215 = arith.subi %scan3A_202, %sub3A_214 : i32
        %dma_wait3A_216 = arith.constant 0 : i32
        %dma_wait3A_217 = tpu.memref_slice %arg6[%sub3A_215, %dma_wait3A_216] : memref<125x80xi32, #tpu.memory_space<vmem>> -> memref<1x80xi32, #tpu.memory_space<vmem>>
        %dma_wait3A_218 = tpu.memref_squeeze %dma_wait3A_217 : memref<1x80xi32, #tpu.memory_space<vmem>> -> memref<80xi32, #tpu.memory_space<vmem>>
        %dma_wait3A_219 = arith.constant 0 : i32
        %dma_wait3A_220 = tpu.memref_slice %arg10[%dma_wait3A_219] : memref<10240xf32, #tpu.memory_space<vmem_shared>> -> memref<10240xf32, #tpu.memory_space<vmem_shared>>
        tpu.wait_indirect_dma semaphore(%arg11 : memref<!tpu.dma_semaphore, #tpu.memory_space<semaphore_mem>>) src(%arg7 : memref<80xf32, #tpu.memory_space<vmem>>) dst(%dma_wait3A_220 : memref<10240xf32, #tpu.memory_space<vmem_shared>>)
      } else {
      }
    }
    %scan3A_191 = arith.constant 129 : i32
    %barrier3A_192 = arith.constant 0 : index
    tpu.barrier barrier_id(%barrier3A_192)
    %mul3A_193 = arith.constant 640 : i32
    %mul3A_194 = arith.muli %arg1, %mul3A_193 : i32
    %mul3A_195 = arith.constant 640 : i32
    %mul3A_196 = arith.muli %arg1, %mul3A_195 : i32
    %run_scoped3A = arith.constant 0 : i32
    "tpu.region"() ({
      %run_scoped3A_202 = tpu.sem_alloc : memref<!tpu.dma_semaphore, #tpu.memory_space<semaphore_mem>>
      %dma_start3A = tpu.memref_slice %arg4[%arg0, %run_scoped3A, %mul3A_196] : memref<2x2x10240xf32, #tpu.memory_space<hbm>> -> memref<1x1x640xf32, #tpu.memory_space<hbm>>
      %dma_start3A_203 = tpu.memref_squeeze %dma_start3A : memref<1x1x640xf32, #tpu.memory_space<hbm>> -> memref<640xf32, #tpu.memory_space<hbm>>
      %dma_start3A_204 = tpu.memref_slice %arg9[%mul3A_194] : memref<10240xf32, #tpu.memory_space<vmem_shared>> -> memref<640xf32, #tpu.memory_space<vmem_shared>>
      tpu.enqueue_dma source(%dma_start3A_204 : memref<640xf32, #tpu.memory_space<vmem_shared>>) target(%dma_start3A_203 : memref<640xf32, #tpu.memory_space<hbm>>) target_semaphore(%run_scoped3A_202 : memref<!tpu.dma_semaphore, #tpu.memory_space<semaphore_mem>>)
      %dma_wait3A = tpu.memref_slice %arg4[%arg0, %run_scoped3A, %mul3A_196] : memref<2x2x10240xf32, #tpu.memory_space<hbm>> -> memref<1x1x640xf32, #tpu.memory_space<hbm>>
      %dma_wait3A_205 = tpu.memref_squeeze %dma_wait3A : memref<1x1x640xf32, #tpu.memory_space<hbm>> -> memref<640xf32, #tpu.memory_space<hbm>>
      %dma_wait3A_206 = tpu.memref_slice %arg9[%mul3A_194] : memref<10240xf32, #tpu.memory_space<vmem_shared>> -> memref<640xf32, #tpu.memory_space<vmem_shared>>
      tpu.wait_dma2 semaphore(%run_scoped3A_202 : memref<!tpu.dma_semaphore, #tpu.memory_space<semaphore_mem>>) src(%dma_wait3A_206 : memref<640xf32, #tpu.memory_space<vmem_shared>>) dst(%dma_wait3A_205 : memref<640xf32, #tpu.memory_space<hbm>>)
      tpu.yield
    }) : () -> ()
    %mul3A_197 = arith.constant 640 : i32
    %mul3A_198 = arith.muli %arg1, %mul3A_197 : i32
    %mul3A_199 = arith.constant 640 : i32
    %mul3A_200 = arith.muli %arg1, %mul3A_199 : i32
    %run_scoped3A_201 = arith.constant 1 : i32
    "tpu.region"() ({
      %run_scoped3A_202 = tpu.sem_alloc : memref<!tpu.dma_semaphore, #tpu.memory_space<semaphore_mem>>
      %dma_start3A = tpu.memref_slice %arg4[%arg0, %run_scoped3A_201, %mul3A_200] : memref<2x2x10240xf32, #tpu.memory_space<hbm>> -> memref<1x1x640xf32, #tpu.memory_space<hbm>>
      %dma_start3A_203 = tpu.memref_squeeze %dma_start3A : memref<1x1x640xf32, #tpu.memory_space<hbm>> -> memref<640xf32, #tpu.memory_space<hbm>>
      %dma_start3A_204 = tpu.memref_slice %arg10[%mul3A_198] : memref<10240xf32, #tpu.memory_space<vmem_shared>> -> memref<640xf32, #tpu.memory_space<vmem_shared>>
      tpu.enqueue_dma source(%dma_start3A_204 : memref<640xf32, #tpu.memory_space<vmem_shared>>) target(%dma_start3A_203 : memref<640xf32, #tpu.memory_space<hbm>>) target_semaphore(%run_scoped3A_202 : memref<!tpu.dma_semaphore, #tpu.memory_space<semaphore_mem>>)
      %dma_wait3A = tpu.memref_slice %arg4[%arg0, %run_scoped3A_201, %mul3A_200] : memref<2x2x10240xf32, #tpu.memory_space<hbm>> -> memref<1x1x640xf32, #tpu.memory_space<hbm>>
      %dma_wait3A_205 = tpu.memref_squeeze %dma_wait3A : memref<1x1x640xf32, #tpu.memory_space<hbm>> -> memref<640xf32, #tpu.memory_space<hbm>>
      %dma_wait3A_206 = tpu.memref_slice %arg10[%mul3A_198] : memref<10240xf32, #tpu.memory_space<vmem_shared>> -> memref<640xf32, #tpu.memory_space<vmem_shared>>
      tpu.wait_dma2 semaphore(%run_scoped3A_202 : memref<!tpu.dma_semaphore, #tpu.memory_space<semaphore_mem>>) src(%dma_wait3A_206 : memref<640xf32, #tpu.memory_space<vmem_shared>>) dst(%dma_wait3A_205 : memref<640xf32, #tpu.memory_space<hbm>>)
      tpu.yield
    }) : () -> ()
    return
  }
}

#map = affine_map<(d0, d1) -> (0, 0, 0)>
#map1 = affine_map<(d0, d1) -> (0, 0)>
module attributes {stable_mosaic.version = 14 : i64} {
  func.func @_agg_sc(%arg0: i32, %arg1: i32, %arg2: memref<32x125x80xi32, #tpu.memory_space<hbm>>, %arg3: memref<640x128xf32, #tpu.memory_space<hbm>>, %arg4: memref<10240x128xf32, #tpu.memory_space<hbm>>, %arg5: memref<2x10240x128xf32, #tpu.memory_space<hbm>>, %arg6: memref<125x80xi32, #tpu.memory_space<vmem>>, %arg7: memref<2x80xi32, #tpu.memory_space<vmem>>, %arg8: memref<2x80xi32, #tpu.memory_space<vmem>>, %arg9: memref<2x80x128xf32, #tpu.memory_space<vmem>>, %arg10: memref<10240x128xf32, #tpu.memory_space<vmem_shared>>, %arg11: memref<!tpu.dma_semaphore, #tpu.memory_space<semaphore_mem>>, %arg12: memref<!tpu.dma_semaphore, #tpu.memory_space<semaphore_mem>>, %arg13: memref<!tpu.dma_semaphore, #tpu.memory_space<semaphore_mem>>) attributes {dimension_semantics = [#tpu.dimension_semantics<core_parallel>, #tpu.dimension_semantics<subcore_parallel>], iteration_bounds = array<i64: 2, 16>, scalar_prefetch = 0 : i64, scratch_operands = 8 : i64, tpu.core_type = #tpu.core_type<sc_vector_subcore>, window_params = [{transform_indices = #map}, {transform_indices = #map1}, {transform_indices = #map1}, {transform_indices = #map}]} {
    %mul3A = arith.constant 2 : i32
    %mul3A_0 = arith.muli %arg1, %mul3A : i32
    %add3A = arith.addi %mul3A_0, %arg0 : i32
    %mul3A_1 = arith.constant 640 : i32
    %mul3A_2 = arith.muli %arg1, %mul3A_1 : i32
    %dma_start3A = arith.constant 0 : i32
    %dma_start3A_3 = tpu.memref_slice %arg10[%mul3A_2, %dma_start3A] : memref<10240x128xf32, #tpu.memory_space<vmem_shared>> -> memref<640x128xf32, #tpu.memory_space<vmem_shared>>
    tpu.enqueue_dma source(%arg3 : memref<640x128xf32, #tpu.memory_space<hbm>>) target(%dma_start3A_3 : memref<640x128xf32, #tpu.memory_space<vmem_shared>>) target_semaphore(%arg13 : memref<!tpu.dma_semaphore, #tpu.memory_space<semaphore_mem>>)
    "tpu.region"() ({
      %run_scoped3A = tpu.sem_alloc : memref<!tpu.dma_semaphore, #tpu.memory_space<semaphore_mem>>
      %dma_start3A_140 = arith.constant 0 : i32
      %dma_start3A_141 = arith.constant 0 : i32
      %dma_start3A_142 = tpu.memref_slice %arg2[%add3A, %dma_start3A_140, %dma_start3A_141] : memref<32x125x80xi32, #tpu.memory_space<hbm>> -> memref<1x125x80xi32, #tpu.memory_space<hbm>>
      %dma_start3A_143 = tpu.memref_squeeze %dma_start3A_142 : memref<1x125x80xi32, #tpu.memory_space<hbm>> -> memref<125x80xi32, #tpu.memory_space<hbm>>
      %dma_start3A_144 = arith.constant 0 : i32
      %dma_start3A_145 = arith.constant 0 : i32
      %dma_start3A_146 = tpu.memref_slice %arg2[%add3A, %dma_start3A_144, %dma_start3A_145] : memref<32x125x80xi32, #tpu.memory_space<hbm>> -> memref<1x125x80xi32, #tpu.memory_space<hbm>>
      %dma_start3A_147 = tpu.memref_squeeze %dma_start3A_146 : memref<1x125x80xi32, #tpu.memory_space<hbm>> -> memref<125x80xi32, #tpu.memory_space<hbm>>
      tpu.enqueue_dma source(%dma_start3A_147 : memref<125x80xi32, #tpu.memory_space<hbm>>) target(%arg6 : memref<125x80xi32, #tpu.memory_space<vmem>>) target_semaphore(%run_scoped3A : memref<!tpu.dma_semaphore, #tpu.memory_space<semaphore_mem>>)
      %dma_wait3A_148 = arith.constant 0 : i32
      %dma_wait3A_149 = arith.constant 0 : i32
      %dma_wait3A_150 = tpu.memref_slice %arg2[%add3A, %dma_wait3A_148, %dma_wait3A_149] : memref<32x125x80xi32, #tpu.memory_space<hbm>> -> memref<1x125x80xi32, #tpu.memory_space<hbm>>
      %dma_wait3A_151 = tpu.memref_squeeze %dma_wait3A_150 : memref<1x125x80xi32, #tpu.memory_space<hbm>> -> memref<125x80xi32, #tpu.memory_space<hbm>>
      %dma_wait3A_152 = arith.constant 0 : i32
      %dma_wait3A_153 = arith.constant 0 : i32
      %dma_wait3A_154 = tpu.memref_slice %arg2[%add3A, %dma_wait3A_152, %dma_wait3A_153] : memref<32x125x80xi32, #tpu.memory_space<hbm>> -> memref<1x125x80xi32, #tpu.memory_space<hbm>>
      %dma_wait3A_155 = tpu.memref_squeeze %dma_wait3A_154 : memref<1x125x80xi32, #tpu.memory_space<hbm>> -> memref<125x80xi32, #tpu.memory_space<hbm>>
      tpu.wait_dma2 semaphore(%run_scoped3A : memref<!tpu.dma_semaphore, #tpu.memory_space<semaphore_mem>>) src(%dma_wait3A_155 : memref<125x80xi32, #tpu.memory_space<hbm>>) dst(%arg6 : memref<125x80xi32, #tpu.memory_space<vmem>>)
      tpu.yield
    }) : () -> ()
    %get3A = arith.constant 0 : i32
    %get3A_4 = arith.index_cast %get3A : i32 to index
    %get3A_5 = arith.constant 0 : index
    %get3A_6 = tpu.vector_load %arg6[%get3A_4, %get3A_5] {strides = array<i32>} : memref<125x80xi32, #tpu.memory_space<vmem>>, vector<1x16xi32>,
    %get3A_7 = vector.shape_cast %get3A_6 : vector<1x16xi32> to vector<16xi32>
    %shift_right_logical3A = arith.constant 16 : i32
    %shift_right_logical3A_8 = vector.broadcast %shift_right_logical3A : i32 to vector<16xi32>
    %shift_right_logical3A_9 = arith.shrui %get3A_7, %shift_right_logical3A_8 : vector<16xi32>
    %swap3A = arith.constant 0 : i32
    %swap3A_10 = arith.index_cast %swap3A : i32 to index
    %swap3A_11 = arith.constant 0 : index
    %swap3A_12 = tpu.vector_load %arg7[%swap3A_10, %swap3A_11] {strides = array<i32>} : memref<2x80xi32, #tpu.memory_space<vmem>>, vector<1x16xi32>,
    %swap3A_13 = vector.shape_cast %swap3A_12 : vector<1x16xi32> to vector<16xi32>
    %swap3A_14 = vector.shape_cast %shift_right_logical3A_9 : vector<16xi32> to vector<1x16xi32>
    tpu.vector_store %arg7[%swap3A_10, %swap3A_11], %swap3A_14 {strides = array<i32>} : memref<2x80xi32, #tpu.memory_space<vmem>>, vector<1x16xi32>,
    %and3A = arith.constant 65535 : i32
    %and3A_15 = vector.broadcast %and3A : i32 to vector<16xi32>
    %and3A_16 = arith.andi %get3A_7, %and3A_15 : vector<16xi32>
    %swap3A_17 = arith.constant 0 : i32
    %swap3A_18 = arith.index_cast %swap3A_17 : i32 to index
    %swap3A_19 = arith.constant 0 : index
    %swap3A_20 = tpu.vector_load %arg8[%swap3A_18, %swap3A_19] {strides = array<i32>} : memref<2x80xi32, #tpu.memory_space<vmem>>, vector<1x16xi32>,
    %swap3A_21 = vector.shape_cast %swap3A_20 : vector<1x16xi32> to vector<16xi32>
    %swap3A_22 = vector.shape_cast %and3A_16 : vector<16xi32> to vector<1x16xi32>
    tpu.vector_store %arg8[%swap3A_18, %swap3A_19], %swap3A_22 {strides = array<i32>} : memref<2x80xi32, #tpu.memory_space<vmem>>, vector<1x16xi32>,
    %get3A_23 = arith.constant 0 : i32
    %get3A_24 = arith.index_cast %get3A_23 : i32 to index
    %get3A_25 = arith.constant 16 : index
    %get3A_26 = tpu.vector_load %arg6[%get3A_24, %get3A_25] {strides = array<i32>} : memref<125x80xi32, #tpu.memory_space<vmem>>, vector<1x16xi32>,
    %get3A_27 = vector.shape_cast %get3A_26 : vector<1x16xi32> to vector<16xi32>
    %shift_right_logical3A_28 = arith.constant 16 : i32
    %shift_right_logical3A_29 = vector.broadcast %shift_right_logical3A_28 : i32 to vector<16xi32>
    %shift_right_logical3A_30 = arith.shrui %get3A_27, %shift_right_logical3A_29 : vector<16xi32>
    %swap3A_31 = arith.constant 0 : i32
    %swap3A_32 = arith.index_cast %swap3A_31 : i32 to index
    %swap3A_33 = arith.constant 16 : index
    %swap3A_34 = tpu.vector_load %arg7[%swap3A_32, %swap3A_33] {strides = array<i32>} : memref<2x80xi32, #tpu.memory_space<vmem>>, vector<1x16xi32>,
    %swap3A_35 = vector.shape_cast %swap3A_34 : vector<1x16xi32> to vector<16xi32>
    %swap3A_36 = vector.shape_cast %shift_right_logical3A_30 : vector<16xi32> to vector<1x16xi32>
    tpu.vector_store %arg7[%swap3A_32, %swap3A_33], %swap3A_36 {strides = array<i32>} : memref<2x80xi32, #tpu.memory_space<vmem>>, vector<1x16xi32>,
    %and3A_37 = arith.constant 65535 : i32
    %and3A_38 = vector.broadcast %and3A_37 : i32 to vector<16xi32>
    %and3A_39 = arith.andi %get3A_27, %and3A_38 : vector<16xi32>
    %swap3A_40 = arith.constant 0 : i32
    %swap3A_41 = arith.index_cast %swap3A_40 : i32 to index
    %swap3A_42 = arith.constant 16 : index
    %swap3A_43 = tpu.vector_load %arg8[%swap3A_41, %swap3A_42] {strides = array<i32>} : memref<2x80xi32, #tpu.memory_space<vmem>>, vector<1x16xi32>,
    %swap3A_44 = vector.shape_cast %swap3A_43 : vector<1x16xi32> to vector<16xi32>
    %swap3A_45 = vector.shape_cast %and3A_39 : vector<16xi32> to vector<1x16xi32>
    tpu.vector_store %arg8[%swap3A_41, %swap3A_42], %swap3A_45 {strides = array<i32>} : memref<2x80xi32, #tpu.memory_space<vmem>>, vector<1x16xi32>,
    %get3A_46 = arith.constant 0 : i32
    %get3A_47 = arith.index_cast %get3A_46 : i32 to index
    %get3A_48 = arith.constant 32 : index
    %get3A_49 = tpu.vector_load %arg6[%get3A_47, %get3A_48] {strides = array<i32>} : memref<125x80xi32, #tpu.memory_space<vmem>>, vector<1x16xi32>,
    %get3A_50 = vector.shape_cast %get3A_49 : vector<1x16xi32> to vector<16xi32>
    %shift_right_logical3A_51 = arith.constant 16 : i32
    %shift_right_logical3A_52 = vector.broadcast %shift_right_logical3A_51 : i32 to vector<16xi32>
    %shift_right_logical3A_53 = arith.shrui %get3A_50, %shift_right_logical3A_52 : vector<16xi32>
    %swap3A_54 = arith.constant 0 : i32
    %swap3A_55 = arith.index_cast %swap3A_54 : i32 to index
    %swap3A_56 = arith.constant 32 : index
    %swap3A_57 = tpu.vector_load %arg7[%swap3A_55, %swap3A_56] {strides = array<i32>} : memref<2x80xi32, #tpu.memory_space<vmem>>, vector<1x16xi32>,
    %swap3A_58 = vector.shape_cast %swap3A_57 : vector<1x16xi32> to vector<16xi32>
    %swap3A_59 = vector.shape_cast %shift_right_logical3A_53 : vector<16xi32> to vector<1x16xi32>
    tpu.vector_store %arg7[%swap3A_55, %swap3A_56], %swap3A_59 {strides = array<i32>} : memref<2x80xi32, #tpu.memory_space<vmem>>, vector<1x16xi32>,
    %and3A_60 = arith.constant 65535 : i32
    %and3A_61 = vector.broadcast %and3A_60 : i32 to vector<16xi32>
    %and3A_62 = arith.andi %get3A_50, %and3A_61 : vector<16xi32>
    %swap3A_63 = arith.constant 0 : i32
    %swap3A_64 = arith.index_cast %swap3A_63 : i32 to index
    %swap3A_65 = arith.constant 32 : index
    %swap3A_66 = tpu.vector_load %arg8[%swap3A_64, %swap3A_65] {strides = array<i32>} : memref<2x80xi32, #tpu.memory_space<vmem>>, vector<1x16xi32>,
    %swap3A_67 = vector.shape_cast %swap3A_66 : vector<1x16xi32> to vector<16xi32>
    %swap3A_68 = vector.shape_cast %and3A_62 : vector<16xi32> to vector<1x16xi32>
    tpu.vector_store %arg8[%swap3A_64, %swap3A_65], %swap3A_68 {strides = array<i32>} : memref<2x80xi32, #tpu.memory_space<vmem>>, vector<1x16xi32>,
    %get3A_69 = arith.constant 0 : i32
    %get3A_70 = arith.index_cast %get3A_69 : i32 to index
    %get3A_71 = arith.constant 48 : index
    %get3A_72 = tpu.vector_load %arg6[%get3A_70, %get3A_71] {strides = array<i32>} : memref<125x80xi32, #tpu.memory_space<vmem>>, vector<1x16xi32>,
    %get3A_73 = vector.shape_cast %get3A_72 : vector<1x16xi32> to vector<16xi32>
    %shift_right_logical3A_74 = arith.constant 16 : i32
    %shift_right_logical3A_75 = vector.broadcast %shift_right_logical3A_74 : i32 to vector<16xi32>
    %shift_right_logical3A_76 = arith.shrui %get3A_73, %shift_right_logical3A_75 : vector<16xi32>
    %swap3A_77 = arith.constant 0 : i32
    %swap3A_78 = arith.index_cast %swap3A_77 : i32 to index
    %swap3A_79 = arith.constant 48 : index
    %swap3A_80 = tpu.vector_load %arg7[%swap3A_78, %swap3A_79] {strides = array<i32>} : memref<2x80xi32, #tpu.memory_space<vmem>>, vector<1x16xi32>,
    %swap3A_81 = vector.shape_cast %swap3A_80 : vector<1x16xi32> to vector<16xi32>
    %swap3A_82 = vector.shape_cast %shift_right_logical3A_76 : vector<16xi32> to vector<1x16xi32>
    tpu.vector_store %arg7[%swap3A_78, %swap3A_79], %swap3A_82 {strides = array<i32>} : memref<2x80xi32, #tpu.memory_space<vmem>>, vector<1x16xi32>,
    %and3A_83 = arith.constant 65535 : i32
    %and3A_84 = vector.broadcast %and3A_83 : i32 to vector<16xi32>
    %and3A_85 = arith.andi %get3A_73, %and3A_84 : vector<16xi32>
    %swap3A_86 = arith.constant 0 : i32
    %swap3A_87 = arith.index_cast %swap3A_86 : i32 to index
    %swap3A_88 = arith.constant 48 : index
    %swap3A_89 = tpu.vector_load %arg8[%swap3A_87, %swap3A_88] {strides = array<i32>} : memref<2x80xi32, #tpu.memory_space<vmem>>, vector<1x16xi32>,
    %swap3A_90 = vector.shape_cast %swap3A_89 : vector<1x16xi32> to vector<16xi32>
    %swap3A_91 = vector.shape_cast %and3A_85 : vector<16xi32> to vector<1x16xi32>
    tpu.vector_store %arg8[%swap3A_87, %swap3A_88], %swap3A_91 {strides = array<i32>} : memref<2x80xi32, #tpu.memory_space<vmem>>, vector<1x16xi32>,
    %get3A_92 = arith.constant 0 : i32
    %get3A_93 = arith.index_cast %get3A_92 : i32 to index
    %get3A_94 = arith.constant 64 : index
    %get3A_95 = tpu.vector_load %arg6[%get3A_93, %get3A_94] {strides = array<i32>} : memref<125x80xi32, #tpu.memory_space<vmem>>, vector<1x16xi32>,
    %get3A_96 = vector.shape_cast %get3A_95 : vector<1x16xi32> to vector<16xi32>
    %shift_right_logical3A_97 = arith.constant 16 : i32
    %shift_right_logical3A_98 = vector.broadcast %shift_right_logical3A_97 : i32 to vector<16xi32>
    %shift_right_logical3A_99 = arith.shrui %get3A_96, %shift_right_logical3A_98 : vector<16xi32>
    %swap3A_100 = arith.constant 0 : i32
    %swap3A_101 = arith.index_cast %swap3A_100 : i32 to index
    %swap3A_102 = arith.constant 64 : index
    %swap3A_103 = tpu.vector_load %arg7[%swap3A_101, %swap3A_102] {strides = array<i32>} : memref<2x80xi32, #tpu.memory_space<vmem>>, vector<1x16xi32>,
    %swap3A_104 = vector.shape_cast %swap3A_103 : vector<1x16xi32> to vector<16xi32>
    %swap3A_105 = vector.shape_cast %shift_right_logical3A_99 : vector<16xi32> to vector<1x16xi32>
    tpu.vector_store %arg7[%swap3A_101, %swap3A_102], %swap3A_105 {strides = array<i32>} : memref<2x80xi32, #tpu.memory_space<vmem>>, vector<1x16xi32>,
    %and3A_106 = arith.constant 65535 : i32
    %and3A_107 = vector.broadcast %and3A_106 : i32 to vector<16xi32>
    %and3A_108 = arith.andi %get3A_96, %and3A_107 : vector<16xi32>
    %swap3A_109 = arith.constant 0 : i32
    %swap3A_110 = arith.index_cast %swap3A_109 : i32 to index
    %swap3A_111 = arith.constant 64 : index
    %swap3A_112 = tpu.vector_load %arg8[%swap3A_110, %swap3A_111] {strides = array<i32>} : memref<2x80xi32, #tpu.memory_space<vmem>>, vector<1x16xi32>,
    %swap3A_113 = vector.shape_cast %swap3A_112 : vector<1x16xi32> to vector<16xi32>
    %swap3A_114 = vector.shape_cast %and3A_108 : vector<16xi32> to vector<1x16xi32>
    tpu.vector_store %arg8[%swap3A_110, %swap3A_111], %swap3A_114 {strides = array<i32>} : memref<2x80xi32, #tpu.memory_space<vmem>>, vector<1x16xi32>,
    %dma_start3A_115 = arith.constant 0 : i32
    %dma_start3A_116 = arith.constant 0 : i32
    %dma_start3A_117 = arith.constant 0 : i32
    %dma_start3A_118 = arith.constant 0 : i32
    %dma_start3A_119 = tpu.memref_slice %arg9[%dma_start3A_116, %dma_start3A_117, %dma_start3A_118] : memref<2x80x128xf32, #tpu.memory_space<vmem>> -> memref<1x80x128xf32, #tpu.memory_space<vmem>>
    %dma_start3A_120 = tpu.memref_squeeze %dma_start3A_119 : memref<1x80x128xf32, #tpu.memory_space<vmem>> -> memref<80x128xf32, #tpu.memory_space<vmem>>
    %dma_start3A_121 = arith.constant 0 : i32
    %dma_start3A_122 = tpu.memref_slice %arg7[%dma_start3A_115, %dma_start3A_121] : memref<2x80xi32, #tpu.memory_space<vmem>> -> memref<1x80xi32, #tpu.memory_space<vmem>>
    %dma_start3A_123 = tpu.memref_squeeze %dma_start3A_122 : memref<1x80xi32, #tpu.memory_space<vmem>> -> memref<80xi32, #tpu.memory_space<vmem>>
    %dma_start3A_124 = arith.constant 0 : i32
    %dma_start3A_125 = arith.constant 0 : i32
    %dma_start3A_126 = tpu.memref_slice %arg4[%dma_start3A_124, %dma_start3A_125] : memref<10240x128xf32, #tpu.memory_space<hbm>> -> memref<10240x128xf32, #tpu.memory_space<hbm>>
    tpu.enqueue_indirect_dma source(%dma_start3A_126 : memref<10240x128xf32, #tpu.memory_space<hbm>>) target(%dma_start3A_120 : memref<80x128xf32, #tpu.memory_space<vmem>>) offsets(%dma_start3A_123 : memref<80xi32, #tpu.memory_space<vmem>>) semaphore(%arg11 : memref<!tpu.dma_semaphore, #tpu.memory_space<semaphore_mem>>)
    %mul3A_127 = arith.constant 640 : i32
    %mul3A_128 = arith.muli %arg1, %mul3A_127 : i32
    %dma_wait3A = arith.constant 0 : i32
    %dma_wait3A_129 = tpu.memref_slice %arg10[%mul3A_128, %dma_wait3A] : memref<10240x128xf32, #tpu.memory_space<vmem_shared>> -> memref<640x128xf32, #tpu.memory_space<vmem_shared>>
    tpu.wait_dma2 semaphore(%arg13 : memref<!tpu.dma_semaphore, #tpu.memory_space<semaphore_mem>>) src(%arg3 : memref<640x128xf32, #tpu.memory_space<hbm>>) dst(%dma_wait3A_129 : memref<640x128xf32, #tpu.memory_space<vmem_shared>>)
    %barrier3A = arith.constant 0 : index
    tpu.barrier barrier_id(%barrier3A)
    %scan3A = arith.constant 0 : i32
    %scan3A_130 = arith.constant 0 : i32
    %scan3A_131 = arith.constant 125 : i32
    %scan3A_132 = arith.addi %scan3A_130, %scan3A_131 : i32
    %scan3A_133 = arith.constant 1 : i32
    scf.for %scan3A_140 = %scan3A_130 to %scan3A_132 step %scan3A_133  : i32 {
      %rem3A = arith.constant 2 : i32
      %rem3A_141 = arith.remsi %scan3A_140, %rem3A : i32
      %add3A_142 = arith.constant 1 : i32
      %add3A_143 = arith.addi %scan3A_140, %add3A_142 : i32
      %lt3A = arith.constant 125 : i32
      %lt3A_144 = arith.cmpi slt, %add3A_143, %lt3A : i32
      %convert_element_type3A = arith.extui %lt3A_144 : i1 to i32
      %cond3A = arith.constant 0 : i32
      %cond3A_145 = arith.cmpi ne, %convert_element_type3A, %cond3A : i32
      scf.if %cond3A_145 {
        %add3A_156 = arith.constant 1 : i32
        %add3A_157 = arith.addi %scan3A_140, %add3A_156 : i32
        %sub3A = arith.constant 1 : i32
        %sub3A_158 = arith.subi %sub3A, %rem3A_141 : i32
        %get3A_159 = arith.index_cast %add3A_157 : i32 to index
        %get3A_160 = arith.constant 0 : index
        %get3A_161 = tpu.vector_load %arg6[%get3A_159, %get3A_160] {strides = array<i32>} : memref<125x80xi32, #tpu.memory_space<vmem>>, vector<1x16xi32>,
        %get3A_162 = vector.shape_cast %get3A_161 : vector<1x16xi32> to vector<16xi32>
        %shift_right_logical3A_163 = arith.constant 16 : i32
        %shift_right_logical3A_164 = vector.broadcast %shift_right_logical3A_163 : i32 to vector<16xi32>
        %shift_right_logical3A_165 = arith.shrui %get3A_162, %shift_right_logical3A_164 : vector<16xi32>
        %swap3A_166 = arith.index_cast %sub3A_158 : i32 to index
        %swap3A_167 = arith.constant 0 : index
        %swap3A_168 = tpu.vector_load %arg7[%swap3A_166, %swap3A_167] {strides = array<i32>} : memref<2x80xi32, #tpu.memory_space<vmem>>, vector<1x16xi32>,
        %swap3A_169 = vector.shape_cast %swap3A_168 : vector<1x16xi32> to vector<16xi32>
        %swap3A_170 = vector.shape_cast %shift_right_logical3A_165 : vector<16xi32> to vector<1x16xi32>
        tpu.vector_store %arg7[%swap3A_166, %swap3A_167], %swap3A_170 {strides = array<i32>} : memref<2x80xi32, #tpu.memory_space<vmem>>, vector<1x16xi32>,
        %and3A_171 = arith.constant 65535 : i32
        %and3A_172 = vector.broadcast %and3A_171 : i32 to vector<16xi32>
        %and3A_173 = arith.andi %get3A_162, %and3A_172 : vector<16xi32>
        %swap3A_174 = arith.index_cast %sub3A_158 : i32 to index
        %swap3A_175 = arith.constant 0 : index
        %swap3A_176 = tpu.vector_load %arg8[%swap3A_174, %swap3A_175] {strides = array<i32>} : memref<2x80xi32, #tpu.memory_space<vmem>>, vector<1x16xi32>,
        %swap3A_177 = vector.shape_cast %swap3A_176 : vector<1x16xi32> to vector<16xi32>
        %swap3A_178 = vector.shape_cast %and3A_173 : vector<16xi32> to vector<1x16xi32>
        tpu.vector_store %arg8[%swap3A_174, %swap3A_175], %swap3A_178 {strides = array<i32>} : memref<2x80xi32, #tpu.memory_space<vmem>>, vector<1x16xi32>,
        %get3A_179 = arith.index_cast %add3A_157 : i32 to index
        %get3A_180 = arith.constant 16 : index
        %get3A_181 = tpu.vector_load %arg6[%get3A_179, %get3A_180] {strides = array<i32>} : memref<125x80xi32, #tpu.memory_space<vmem>>, vector<1x16xi32>,
        %get3A_182 = vector.shape_cast %get3A_181 : vector<1x16xi32> to vector<16xi32>
        %shift_right_logical3A_183 = arith.constant 16 : i32
        %shift_right_logical3A_184 = vector.broadcast %shift_right_logical3A_183 : i32 to vector<16xi32>
        %shift_right_logical3A_185 = arith.shrui %get3A_182, %shift_right_logical3A_184 : vector<16xi32>
        %swap3A_186 = arith.index_cast %sub3A_158 : i32 to index
        %swap3A_187 = arith.constant 16 : index
        %swap3A_188 = tpu.vector_load %arg7[%swap3A_186, %swap3A_187] {strides = array<i32>} : memref<2x80xi32, #tpu.memory_space<vmem>>, vector<1x16xi32>,
        %swap3A_189 = vector.shape_cast %swap3A_188 : vector<1x16xi32> to vector<16xi32>
        %swap3A_190 = vector.shape_cast %shift_right_logical3A_185 : vector<16xi32> to vector<1x16xi32>
        tpu.vector_store %arg7[%swap3A_186, %swap3A_187], %swap3A_190 {strides = array<i32>} : memref<2x80xi32, #tpu.memory_space<vmem>>, vector<1x16xi32>,
        %and3A_191 = arith.constant 65535 : i32
        %and3A_192 = vector.broadcast %and3A_191 : i32 to vector<16xi32>
        %and3A_193 = arith.andi %get3A_182, %and3A_192 : vector<16xi32>
        %swap3A_194 = arith.index_cast %sub3A_158 : i32 to index
        %swap3A_195 = arith.constant 16 : index
        %swap3A_196 = tpu.vector_load %arg8[%swap3A_194, %swap3A_195] {strides = array<i32>} : memref<2x80xi32, #tpu.memory_space<vmem>>, vector<1x16xi32>,
        %swap3A_197 = vector.shape_cast %swap3A_196 : vector<1x16xi32> to vector<16xi32>
        %swap3A_198 = vector.shape_cast %and3A_193 : vector<16xi32> to vector<1x16xi32>
        tpu.vector_store %arg8[%swap3A_194, %swap3A_195], %swap3A_198 {strides = array<i32>} : memref<2x80xi32, #tpu.memory_space<vmem>>, vector<1x16xi32>,
        %get3A_199 = arith.index_cast %add3A_157 : i32 to index
        %get3A_200 = arith.constant 32 : index
        %get3A_201 = tpu.vector_load %arg6[%get3A_199, %get3A_200] {strides = array<i32>} : memref<125x80xi32, #tpu.memory_space<vmem>>, vector<1x16xi32>,
        %get3A_202 = vector.shape_cast %get3A_201 : vector<1x16xi32> to vector<16xi32>
        %shift_right_logical3A_203 = arith.constant 16 : i32
        %shift_right_logical3A_204 = vector.broadcast %shift_right_logical3A_203 : i32 to vector<16xi32>
        %shift_right_logical3A_205 = arith.shrui %get3A_202, %shift_right_logical3A_204 : vector<16xi32>
        %swap3A_206 = arith.index_cast %sub3A_158 : i32 to index
        %swap3A_207 = arith.constant 32 : index
        %swap3A_208 = tpu.vector_load %arg7[%swap3A_206, %swap3A_207] {strides = array<i32>} : memref<2x80xi32, #tpu.memory_space<vmem>>, vector<1x16xi32>,
        %swap3A_209 = vector.shape_cast %swap3A_208 : vector<1x16xi32> to vector<16xi32>
        %swap3A_210 = vector.shape_cast %shift_right_logical3A_205 : vector<16xi32> to vector<1x16xi32>
        tpu.vector_store %arg7[%swap3A_206, %swap3A_207], %swap3A_210 {strides = array<i32>} : memref<2x80xi32, #tpu.memory_space<vmem>>, vector<1x16xi32>,
        %and3A_211 = arith.constant 65535 : i32
        %and3A_212 = vector.broadcast %and3A_211 : i32 to vector<16xi32>
        %and3A_213 = arith.andi %get3A_202, %and3A_212 : vector<16xi32>
        %swap3A_214 = arith.index_cast %sub3A_158 : i32 to index
        %swap3A_215 = arith.constant 32 : index
        %swap3A_216 = tpu.vector_load %arg8[%swap3A_214, %swap3A_215] {strides = array<i32>} : memref<2x80xi32, #tpu.memory_space<vmem>>, vector<1x16xi32>,
        %swap3A_217 = vector.shape_cast %swap3A_216 : vector<1x16xi32> to vector<16xi32>
        %swap3A_218 = vector.shape_cast %and3A_213 : vector<16xi32> to vector<1x16xi32>
        tpu.vector_store %arg8[%swap3A_214, %swap3A_215], %swap3A_218 {strides = array<i32>} : memref<2x80xi32, #tpu.memory_space<vmem>>, vector<1x16xi32>,
        %get3A_219 = arith.index_cast %add3A_157 : i32 to index
        %get3A_220 = arith.constant 48 : index
        %get3A_221 = tpu.vector_load %arg6[%get3A_219, %get3A_220] {strides = array<i32>} : memref<125x80xi32, #tpu.memory_space<vmem>>, vector<1x16xi32>,
        %get3A_222 = vector.shape_cast %get3A_221 : vector<1x16xi32> to vector<16xi32>
        %shift_right_logical3A_223 = arith.constant 16 : i32
        %shift_right_logical3A_224 = vector.broadcast %shift_right_logical3A_223 : i32 to vector<16xi32>
        %shift_right_logical3A_225 = arith.shrui %get3A_222, %shift_right_logical3A_224 : vector<16xi32>
        %swap3A_226 = arith.index_cast %sub3A_158 : i32 to index
        %swap3A_227 = arith.constant 48 : index
        %swap3A_228 = tpu.vector_load %arg7[%swap3A_226, %swap3A_227] {strides = array<i32>} : memref<2x80xi32, #tpu.memory_space<vmem>>, vector<1x16xi32>,
        %swap3A_229 = vector.shape_cast %swap3A_228 : vector<1x16xi32> to vector<16xi32>
        %swap3A_230 = vector.shape_cast %shift_right_logical3A_225 : vector<16xi32> to vector<1x16xi32>
        tpu.vector_store %arg7[%swap3A_226, %swap3A_227], %swap3A_230 {strides = array<i32>} : memref<2x80xi32, #tpu.memory_space<vmem>>, vector<1x16xi32>,
        %and3A_231 = arith.constant 65535 : i32
        %and3A_232 = vector.broadcast %and3A_231 : i32 to vector<16xi32>
        %and3A_233 = arith.andi %get3A_222, %and3A_232 : vector<16xi32>
        %swap3A_234 = arith.index_cast %sub3A_158 : i32 to index
        %swap3A_235 = arith.constant 48 : index
        %swap3A_236 = tpu.vector_load %arg8[%swap3A_234, %swap3A_235] {strides = array<i32>} : memref<2x80xi32, #tpu.memory_space<vmem>>, vector<1x16xi32>,
        %swap3A_237 = vector.shape_cast %swap3A_236 : vector<1x16xi32> to vector<16xi32>
        %swap3A_238 = vector.shape_cast %and3A_233 : vector<16xi32> to vector<1x16xi32>
        tpu.vector_store %arg8[%swap3A_234, %swap3A_235], %swap3A_238 {strides = array<i32>} : memref<2x80xi32, #tpu.memory_space<vmem>>, vector<1x16xi32>,
        %get3A_239 = arith.index_cast %add3A_157 : i32 to index
        %get3A_240 = arith.constant 64 : index
        %get3A_241 = tpu.vector_load %arg6[%get3A_239, %get3A_240] {strides = array<i32>} : memref<125x80xi32, #tpu.memory_space<vmem>>, vector<1x16xi32>,
        %get3A_242 = vector.shape_cast %get3A_241 : vector<1x16xi32> to vector<16xi32>
        %shift_right_logical3A_243 = arith.constant 16 : i32
        %shift_right_logical3A_244 = vector.broadcast %shift_right_logical3A_243 : i32 to vector<16xi32>
        %shift_right_logical3A_245 = arith.shrui %get3A_242, %shift_right_logical3A_244 : vector<16xi32>
        %swap3A_246 = arith.index_cast %sub3A_158 : i32 to index
        %swap3A_247 = arith.constant 64 : index
        %swap3A_248 = tpu.vector_load %arg7[%swap3A_246, %swap3A_247] {strides = array<i32>} : memref<2x80xi32, #tpu.memory_space<vmem>>, vector<1x16xi32>,
        %swap3A_249 = vector.shape_cast %swap3A_248 : vector<1x16xi32> to vector<16xi32>
        %swap3A_250 = vector.shape_cast %shift_right_logical3A_245 : vector<16xi32> to vector<1x16xi32>
        tpu.vector_store %arg7[%swap3A_246, %swap3A_247], %swap3A_250 {strides = array<i32>} : memref<2x80xi32, #tpu.memory_space<vmem>>, vector<1x16xi32>,
        %and3A_251 = arith.constant 65535 : i32
        %and3A_252 = vector.broadcast %and3A_251 : i32 to vector<16xi32>
        %and3A_253 = arith.andi %get3A_242, %and3A_252 : vector<16xi32>
        %swap3A_254 = arith.index_cast %sub3A_158 : i32 to index
        %swap3A_255 = arith.constant 64 : index
        %swap3A_256 = tpu.vector_load %arg8[%swap3A_254, %swap3A_255] {strides = array<i32>} : memref<2x80xi32, #tpu.memory_space<vmem>>, vector<1x16xi32>,
        %swap3A_257 = vector.shape_cast %swap3A_256 : vector<1x16xi32> to vector<16xi32>
        %swap3A_258 = vector.shape_cast %and3A_253 : vector<16xi32> to vector<1x16xi32>
        tpu.vector_store %arg8[%swap3A_254, %swap3A_255], %swap3A_258 {strides = array<i32>} : memref<2x80xi32, #tpu.memory_space<vmem>>, vector<1x16xi32>,
        %sub3A_259 = arith.constant 1 : i32
        %sub3A_260 = arith.subi %sub3A_259, %rem3A_141 : i32
        %sub3A_261 = arith.constant 1 : i32
        %sub3A_262 = arith.subi %sub3A_261, %rem3A_141 : i32
        %dma_start3A_263 = arith.constant 0 : i32
        %dma_start3A_264 = arith.constant 0 : i32
        %dma_start3A_265 = tpu.memref_slice %arg9[%sub3A_262, %dma_start3A_263, %dma_start3A_264] : memref<2x80x128xf32, #tpu.memory_space<vmem>> -> memref<1x80x128xf32, #tpu.memory_space<vmem>>
        %dma_start3A_266 = tpu.memref_squeeze %dma_start3A_265 : memref<1x80x128xf32, #tpu.memory_space<vmem>> -> memref<80x128xf32, #tpu.memory_space<vmem>>
        %dma_start3A_267 = arith.constant 0 : i32
        %dma_start3A_268 = tpu.memref_slice %arg7[%sub3A_260, %dma_start3A_267] : memref<2x80xi32, #tpu.memory_space<vmem>> -> memref<1x80xi32, #tpu.memory_space<vmem>>
        %dma_start3A_269 = tpu.memref_squeeze %dma_start3A_268 : memref<1x80xi32, #tpu.memory_space<vmem>> -> memref<80xi32, #tpu.memory_space<vmem>>
        %dma_start3A_270 = arith.constant 0 : i32
        %dma_start3A_271 = arith.constant 0 : i32
        %dma_start3A_272 = tpu.memref_slice %arg4[%dma_start3A_270, %dma_start3A_271] : memref<10240x128xf32, #tpu.memory_space<hbm>> -> memref<10240x128xf32, #tpu.memory_space<hbm>>
        tpu.enqueue_indirect_dma source(%dma_start3A_272 : memref<10240x128xf32, #tpu.memory_space<hbm>>) target(%dma_start3A_266 : memref<80x128xf32, #tpu.memory_space<vmem>>) offsets(%dma_start3A_269 : memref<80xi32, #tpu.memory_space<vmem>>) semaphore(%arg11 : memref<!tpu.dma_semaphore, #tpu.memory_space<semaphore_mem>>)
      } else {
      }
      %dma_wait3A_146 = arith.constant 0 : i32
      %dma_wait3A_147 = arith.constant 0 : i32
      %dma_wait3A_148 = tpu.memref_slice %arg9[%rem3A_141, %dma_wait3A_146, %dma_wait3A_147] : memref<2x80x128xf32, #tpu.memory_space<vmem>> -> memref<1x80x128xf32, #tpu.memory_space<vmem>>
      %dma_wait3A_149 = tpu.memref_squeeze %dma_wait3A_148 : memref<1x80x128xf32, #tpu.memory_space<vmem>> -> memref<80x128xf32, #tpu.memory_space<vmem>>
      %dma_wait3A_150 = arith.constant 0 : i32
      %dma_wait3A_151 = tpu.memref_slice %arg7[%rem3A_141, %dma_wait3A_150] : memref<2x80xi32, #tpu.memory_space<vmem>> -> memref<1x80xi32, #tpu.memory_space<vmem>>
      %dma_wait3A_152 = tpu.memref_squeeze %dma_wait3A_151 : memref<1x80xi32, #tpu.memory_space<vmem>> -> memref<80xi32, #tpu.memory_space<vmem>>
      %dma_wait3A_153 = arith.constant 0 : i32
      %dma_wait3A_154 = arith.constant 0 : i32
      %dma_wait3A_155 = tpu.memref_slice %arg4[%dma_wait3A_153, %dma_wait3A_154] : memref<10240x128xf32, #tpu.memory_space<hbm>> -> memref<10240x128xf32, #tpu.memory_space<hbm>>
      tpu.wait_indirect_dma semaphore(%arg11 : memref<!tpu.dma_semaphore, #tpu.memory_space<semaphore_mem>>) src(%dma_wait3A_155 : memref<10240x128xf32, #tpu.memory_space<hbm>>) dst(%dma_wait3A_149 : memref<80x128xf32, #tpu.memory_space<vmem>>)
      "tpu.region"() ({
        %run_scoped3A = tpu.sem_alloc : memref<!tpu.dma_semaphore, #tpu.memory_space<semaphore_mem>>
        %dma_start3A_156 = arith.constant 0 : i32
        %dma_start3A_157 = arith.constant 0 : i32
        %dma_start3A_158 = tpu.memref_slice %arg9[%rem3A_141, %dma_start3A_156, %dma_start3A_157] : memref<2x80x128xf32, #tpu.memory_space<vmem>> -> memref<1x80x128xf32, #tpu.memory_space<vmem>>
        %dma_start3A_159 = tpu.memref_squeeze %dma_start3A_158 : memref<1x80x128xf32, #tpu.memory_space<vmem>> -> memref<80x128xf32, #tpu.memory_space<vmem>>
        %dma_start3A_160 = arith.constant 0 : i32
        %dma_start3A_161 = tpu.memref_slice %arg8[%rem3A_141, %dma_start3A_160] : memref<2x80xi32, #tpu.memory_space<vmem>> -> memref<1x80xi32, #tpu.memory_space<vmem>>
        %dma_start3A_162 = tpu.memref_squeeze %dma_start3A_161 : memref<1x80xi32, #tpu.memory_space<vmem>> -> memref<80xi32, #tpu.memory_space<vmem>>
        %dma_start3A_163 = arith.constant 0 : i32
        %dma_start3A_164 = arith.constant 0 : i32
        %dma_start3A_165 = tpu.memref_slice %arg10[%dma_start3A_163, %dma_start3A_164] : memref<10240x128xf32, #tpu.memory_space<vmem_shared>> -> memref<10240x128xf32, #tpu.memory_space<vmem_shared>>
        tpu.enqueue_indirect_dma source(%dma_start3A_159 : memref<80x128xf32, #tpu.memory_space<vmem>>) target(%dma_start3A_165 : memref<10240x128xf32, #tpu.memory_space<vmem_shared>>) offsets(%dma_start3A_162 : memref<80xi32, #tpu.memory_space<vmem>>) semaphore(%run_scoped3A : memref<!tpu.dma_semaphore, #tpu.memory_space<semaphore_mem>>) {add = true}
        %dma_wait3A_166 = arith.constant 0 : i32
        %dma_wait3A_167 = arith.constant 0 : i32
        %dma_wait3A_168 = tpu.memref_slice %arg9[%rem3A_141, %dma_wait3A_166, %dma_wait3A_167] : memref<2x80x128xf32, #tpu.memory_space<vmem>> -> memref<1x80x128xf32, #tpu.memory_space<vmem>>
        %dma_wait3A_169 = tpu.memref_squeeze %dma_wait3A_168 : memref<1x80x128xf32, #tpu.memory_space<vmem>> -> memref<80x128xf32, #tpu.memory_space<vmem>>
        %dma_wait3A_170 = arith.constant 0 : i32
        %dma_wait3A_171 = tpu.memref_slice %arg8[%rem3A_141, %dma_wait3A_170] : memref<2x80xi32, #tpu.memory_space<vmem>> -> memref<1x80xi32, #tpu.memory_space<vmem>>
        %dma_wait3A_172 = tpu.memref_squeeze %dma_wait3A_171 : memref<1x80xi32, #tpu.memory_space<vmem>> -> memref<80xi32, #tpu.memory_space<vmem>>
        %dma_wait3A_173 = arith.constant 0 : i32
        %dma_wait3A_174 = arith.constant 0 : i32
        %dma_wait3A_175 = tpu.memref_slice %arg10[%dma_wait3A_173, %dma_wait3A_174] : memref<10240x128xf32, #tpu.memory_space<vmem_shared>> -> memref<10240x128xf32, #tpu.memory_space<vmem_shared>>
        tpu.wait_indirect_dma semaphore(%run_scoped3A : memref<!tpu.dma_semaphore, #tpu.memory_space<semaphore_mem>>) src(%dma_wait3A_169 : memref<80x128xf32, #tpu.memory_space<vmem>>) dst(%dma_wait3A_175 : memref<10240x128xf32, #tpu.memory_space<vmem_shared>>)
        tpu.yield
      }) : () -> ()
    }
    %scan3A_134 = arith.constant 125 : i32
    %barrier3A_135 = arith.constant 0 : index
    tpu.barrier barrier_id(%barrier3A_135)
    %mul3A_136 = arith.constant 640 : i32
    %mul3A_137 = arith.muli %arg1, %mul3A_136 : i32
    %mul3A_138 = arith.constant 640 : i32
    %mul3A_139 = arith.muli %arg1, %mul3A_138 : i32
    "tpu.region"() ({
      %run_scoped3A = tpu.sem_alloc : memref<!tpu.dma_semaphore, #tpu.memory_space<semaphore_mem>>
      %dma_start3A_140 = arith.constant 0 : i32
      %dma_start3A_141 = tpu.memref_slice %arg5[%arg0, %mul3A_139, %dma_start3A_140] : memref<2x10240x128xf32, #tpu.memory_space<hbm>> -> memref<1x640x128xf32, #tpu.memory_space<hbm>>
      %dma_start3A_142 = tpu.memref_squeeze %dma_start3A_141 : memref<1x640x128xf32, #tpu.memory_space<hbm>> -> memref<640x128xf32, #tpu.memory_space<hbm>>
      %dma_start3A_143 = arith.constant 0 : i32
      %dma_start3A_144 = tpu.memref_slice %arg10[%mul3A_137, %dma_start3A_143] : memref<10240x128xf32, #tpu.memory_space<vmem_shared>> -> memref<640x128xf32, #tpu.memory_space<vmem_shared>>
      tpu.enqueue_dma source(%dma_start3A_144 : memref<640x128xf32, #tpu.memory_space<vmem_shared>>) target(%dma_start3A_142 : memref<640x128xf32, #tpu.memory_space<hbm>>) target_semaphore(%run_scoped3A : memref<!tpu.dma_semaphore, #tpu.memory_space<semaphore_mem>>)
      %dma_wait3A_145 = arith.constant 0 : i32
      %dma_wait3A_146 = tpu.memref_slice %arg5[%arg0, %mul3A_139, %dma_wait3A_145] : memref<2x10240x128xf32, #tpu.memory_space<hbm>> -> memref<1x640x128xf32, #tpu.memory_space<hbm>>
      %dma_wait3A_147 = tpu.memref_squeeze %dma_wait3A_146 : memref<1x640x128xf32, #tpu.memory_space<hbm>> -> memref<640x128xf32, #tpu.memory_space<hbm>>
      %dma_wait3A_148 = arith.constant 0 : i32
      %dma_wait3A_149 = tpu.memref_slice %arg10[%mul3A_137, %dma_wait3A_148] : memref<10240x128xf32, #tpu.memory_space<vmem_shared>> -> memref<640x128xf32, #tpu.memory_space<vmem_shared>>
      tpu.wait_dma2 semaphore(%run_scoped3A : memref<!tpu.dma_semaphore, #tpu.memory_space<semaphore_mem>>) src(%dma_wait3A_149 : memref<640x128xf32, #tpu.memory_space<vmem_shared>>) dst(%dma_wait3A_147 : memref<640x128xf32, #tpu.memory_space<hbm>>)
      tpu.yield
    }) : () -> ()
    return
  }
}

#map = affine_map<(d0, d1) -> (0, 0, 0)>
#map1 = affine_map<(d0, d1) -> (0, 0)>
module attributes {stable_mosaic.version = 14 : i64} {
  func.func @_agg_sc(%arg0: i32, %arg1: i32, %arg2: memref<32x125x80xi32, #tpu.memory_space<hbm>>, %arg3: memref<640x128xf32, #tpu.memory_space<hbm>>, %arg4: memref<10240x128xf32, #tpu.memory_space<hbm>>, %arg5: memref<2x10240x128xf32, #tpu.memory_space<hbm>>, %arg6: memref<125x80xi32, #tpu.memory_space<vmem>>, %arg7: memref<2x80xi32, #tpu.memory_space<vmem>>, %arg8: memref<2x80xi32, #tpu.memory_space<vmem>>, %arg9: memref<2x80x128xf32, #tpu.memory_space<vmem>>, %arg10: memref<10240x128xf32, #tpu.memory_space<vmem_shared>>, %arg11: memref<!tpu.dma_semaphore, #tpu.memory_space<semaphore_mem>>, %arg12: memref<!tpu.dma_semaphore, #tpu.memory_space<semaphore_mem>>, %arg13: memref<!tpu.dma_semaphore, #tpu.memory_space<semaphore_mem>>) attributes {dimension_semantics = [#tpu.dimension_semantics<core_parallel>, #tpu.dimension_semantics<subcore_parallel>], iteration_bounds = array<i64: 2, 16>, scalar_prefetch = 0 : i64, scratch_operands = 8 : i64, tpu.core_type = #tpu.core_type<sc_vector_subcore>, window_params = [{transform_indices = #map}, {transform_indices = #map1}, {transform_indices = #map1}, {transform_indices = #map}]} {
    %mul3A = arith.constant 2 : i32
    %mul3A_0 = arith.muli %arg1, %mul3A : i32
    %add3A = arith.addi %mul3A_0, %arg0 : i32
    %mul3A_1 = arith.constant 640 : i32
    %mul3A_2 = arith.muli %arg1, %mul3A_1 : i32
    %dma_start3A = arith.constant 0 : i32
    %dma_start3A_3 = tpu.memref_slice %arg10[%mul3A_2, %dma_start3A] : memref<10240x128xf32, #tpu.memory_space<vmem_shared>> -> memref<640x128xf32, #tpu.memory_space<vmem_shared>>
    tpu.enqueue_dma source(%arg3 : memref<640x128xf32, #tpu.memory_space<hbm>>) target(%dma_start3A_3 : memref<640x128xf32, #tpu.memory_space<vmem_shared>>) target_semaphore(%arg13 : memref<!tpu.dma_semaphore, #tpu.memory_space<semaphore_mem>>)
    "tpu.region"() ({
      %run_scoped3A = tpu.sem_alloc : memref<!tpu.dma_semaphore, #tpu.memory_space<semaphore_mem>>
      %dma_start3A_140 = arith.constant 0 : i32
      %dma_start3A_141 = arith.constant 0 : i32
      %dma_start3A_142 = tpu.memref_slice %arg2[%add3A, %dma_start3A_140, %dma_start3A_141] : memref<32x125x80xi32, #tpu.memory_space<hbm>> -> memref<1x125x80xi32, #tpu.memory_space<hbm>>
      %dma_start3A_143 = tpu.memref_squeeze %dma_start3A_142 : memref<1x125x80xi32, #tpu.memory_space<hbm>> -> memref<125x80xi32, #tpu.memory_space<hbm>>
      %dma_start3A_144 = arith.constant 0 : i32
      %dma_start3A_145 = arith.constant 0 : i32
      %dma_start3A_146 = tpu.memref_slice %arg2[%add3A, %dma_start3A_144, %dma_start3A_145] : memref<32x125x80xi32, #tpu.memory_space<hbm>> -> memref<1x125x80xi32, #tpu.memory_space<hbm>>
      %dma_start3A_147 = tpu.memref_squeeze %dma_start3A_146 : memref<1x125x80xi32, #tpu.memory_space<hbm>> -> memref<125x80xi32, #tpu.memory_space<hbm>>
      tpu.enqueue_dma source(%dma_start3A_147 : memref<125x80xi32, #tpu.memory_space<hbm>>) target(%arg6 : memref<125x80xi32, #tpu.memory_space<vmem>>) target_semaphore(%run_scoped3A : memref<!tpu.dma_semaphore, #tpu.memory_space<semaphore_mem>>)
      %dma_wait3A_148 = arith.constant 0 : i32
      %dma_wait3A_149 = arith.constant 0 : i32
      %dma_wait3A_150 = tpu.memref_slice %arg2[%add3A, %dma_wait3A_148, %dma_wait3A_149] : memref<32x125x80xi32, #tpu.memory_space<hbm>> -> memref<1x125x80xi32, #tpu.memory_space<hbm>>
      %dma_wait3A_151 = tpu.memref_squeeze %dma_wait3A_150 : memref<1x125x80xi32, #tpu.memory_space<hbm>> -> memref<125x80xi32, #tpu.memory_space<hbm>>
      %dma_wait3A_152 = arith.constant 0 : i32
      %dma_wait3A_153 = arith.constant 0 : i32
      %dma_wait3A_154 = tpu.memref_slice %arg2[%add3A, %dma_wait3A_152, %dma_wait3A_153] : memref<32x125x80xi32, #tpu.memory_space<hbm>> -> memref<1x125x80xi32, #tpu.memory_space<hbm>>
      %dma_wait3A_155 = tpu.memref_squeeze %dma_wait3A_154 : memref<1x125x80xi32, #tpu.memory_space<hbm>> -> memref<125x80xi32, #tpu.memory_space<hbm>>
      tpu.wait_dma2 semaphore(%run_scoped3A : memref<!tpu.dma_semaphore, #tpu.memory_space<semaphore_mem>>) src(%dma_wait3A_155 : memref<125x80xi32, #tpu.memory_space<hbm>>) dst(%arg6 : memref<125x80xi32, #tpu.memory_space<vmem>>)
      tpu.yield
    }) : () -> ()
    %get3A = arith.constant 0 : i32
    %get3A_4 = arith.index_cast %get3A : i32 to index
    %get3A_5 = arith.constant 0 : index
    %get3A_6 = tpu.vector_load %arg6[%get3A_4, %get3A_5] {strides = array<i32>} : memref<125x80xi32, #tpu.memory_space<vmem>>, vector<1x16xi32>,
    %get3A_7 = vector.shape_cast %get3A_6 : vector<1x16xi32> to vector<16xi32>
    %shift_right_logical3A = arith.constant 16 : i32
    %shift_right_logical3A_8 = vector.broadcast %shift_right_logical3A : i32 to vector<16xi32>
    %shift_right_logical3A_9 = arith.shrui %get3A_7, %shift_right_logical3A_8 : vector<16xi32>
    %swap3A = arith.constant 0 : i32
    %swap3A_10 = arith.index_cast %swap3A : i32 to index
    %swap3A_11 = arith.constant 0 : index
    %swap3A_12 = tpu.vector_load %arg7[%swap3A_10, %swap3A_11] {strides = array<i32>} : memref<2x80xi32, #tpu.memory_space<vmem>>, vector<1x16xi32>,
    %swap3A_13 = vector.shape_cast %swap3A_12 : vector<1x16xi32> to vector<16xi32>
    %swap3A_14 = vector.shape_cast %shift_right_logical3A_9 : vector<16xi32> to vector<1x16xi32>
    tpu.vector_store %arg7[%swap3A_10, %swap3A_11], %swap3A_14 {strides = array<i32>} : memref<2x80xi32, #tpu.memory_space<vmem>>, vector<1x16xi32>,
    %and3A = arith.constant 65535 : i32
    %and3A_15 = vector.broadcast %and3A : i32 to vector<16xi32>
    %and3A_16 = arith.andi %get3A_7, %and3A_15 : vector<16xi32>
    %swap3A_17 = arith.constant 0 : i32
    %swap3A_18 = arith.index_cast %swap3A_17 : i32 to index
    %swap3A_19 = arith.constant 0 : index
    %swap3A_20 = tpu.vector_load %arg8[%swap3A_18, %swap3A_19] {strides = array<i32>} : memref<2x80xi32, #tpu.memory_space<vmem>>, vector<1x16xi32>,
    %swap3A_21 = vector.shape_cast %swap3A_20 : vector<1x16xi32> to vector<16xi32>
    %swap3A_22 = vector.shape_cast %and3A_16 : vector<16xi32> to vector<1x16xi32>
    tpu.vector_store %arg8[%swap3A_18, %swap3A_19], %swap3A_22 {strides = array<i32>} : memref<2x80xi32, #tpu.memory_space<vmem>>, vector<1x16xi32>,
    %get3A_23 = arith.constant 0 : i32
    %get3A_24 = arith.index_cast %get3A_23 : i32 to index
    %get3A_25 = arith.constant 16 : index
    %get3A_26 = tpu.vector_load %arg6[%get3A_24, %get3A_25] {strides = array<i32>} : memref<125x80xi32, #tpu.memory_space<vmem>>, vector<1x16xi32>,
    %get3A_27 = vector.shape_cast %get3A_26 : vector<1x16xi32> to vector<16xi32>
    %shift_right_logical3A_28 = arith.constant 16 : i32
    %shift_right_logical3A_29 = vector.broadcast %shift_right_logical3A_28 : i32 to vector<16xi32>
    %shift_right_logical3A_30 = arith.shrui %get3A_27, %shift_right_logical3A_29 : vector<16xi32>
    %swap3A_31 = arith.constant 0 : i32
    %swap3A_32 = arith.index_cast %swap3A_31 : i32 to index
    %swap3A_33 = arith.constant 16 : index
    %swap3A_34 = tpu.vector_load %arg7[%swap3A_32, %swap3A_33] {strides = array<i32>} : memref<2x80xi32, #tpu.memory_space<vmem>>, vector<1x16xi32>,
    %swap3A_35 = vector.shape_cast %swap3A_34 : vector<1x16xi32> to vector<16xi32>
    %swap3A_36 = vector.shape_cast %shift_right_logical3A_30 : vector<16xi32> to vector<1x16xi32>
    tpu.vector_store %arg7[%swap3A_32, %swap3A_33], %swap3A_36 {strides = array<i32>} : memref<2x80xi32, #tpu.memory_space<vmem>>, vector<1x16xi32>,
    %and3A_37 = arith.constant 65535 : i32
    %and3A_38 = vector.broadcast %and3A_37 : i32 to vector<16xi32>
    %and3A_39 = arith.andi %get3A_27, %and3A_38 : vector<16xi32>
    %swap3A_40 = arith.constant 0 : i32
    %swap3A_41 = arith.index_cast %swap3A_40 : i32 to index
    %swap3A_42 = arith.constant 16 : index
    %swap3A_43 = tpu.vector_load %arg8[%swap3A_41, %swap3A_42] {strides = array<i32>} : memref<2x80xi32, #tpu.memory_space<vmem>>, vector<1x16xi32>,
    %swap3A_44 = vector.shape_cast %swap3A_43 : vector<1x16xi32> to vector<16xi32>
    %swap3A_45 = vector.shape_cast %and3A_39 : vector<16xi32> to vector<1x16xi32>
    tpu.vector_store %arg8[%swap3A_41, %swap3A_42], %swap3A_45 {strides = array<i32>} : memref<2x80xi32, #tpu.memory_space<vmem>>, vector<1x16xi32>,
    %get3A_46 = arith.constant 0 : i32
    %get3A_47 = arith.index_cast %get3A_46 : i32 to index
    %get3A_48 = arith.constant 32 : index
    %get3A_49 = tpu.vector_load %arg6[%get3A_47, %get3A_48] {strides = array<i32>} : memref<125x80xi32, #tpu.memory_space<vmem>>, vector<1x16xi32>,
    %get3A_50 = vector.shape_cast %get3A_49 : vector<1x16xi32> to vector<16xi32>
    %shift_right_logical3A_51 = arith.constant 16 : i32
    %shift_right_logical3A_52 = vector.broadcast %shift_right_logical3A_51 : i32 to vector<16xi32>
    %shift_right_logical3A_53 = arith.shrui %get3A_50, %shift_right_logical3A_52 : vector<16xi32>
    %swap3A_54 = arith.constant 0 : i32
    %swap3A_55 = arith.index_cast %swap3A_54 : i32 to index
    %swap3A_56 = arith.constant 32 : index
    %swap3A_57 = tpu.vector_load %arg7[%swap3A_55, %swap3A_56] {strides = array<i32>} : memref<2x80xi32, #tpu.memory_space<vmem>>, vector<1x16xi32>,
    %swap3A_58 = vector.shape_cast %swap3A_57 : vector<1x16xi32> to vector<16xi32>
    %swap3A_59 = vector.shape_cast %shift_right_logical3A_53 : vector<16xi32> to vector<1x16xi32>
    tpu.vector_store %arg7[%swap3A_55, %swap3A_56], %swap3A_59 {strides = array<i32>} : memref<2x80xi32, #tpu.memory_space<vmem>>, vector<1x16xi32>,
    %and3A_60 = arith.constant 65535 : i32
    %and3A_61 = vector.broadcast %and3A_60 : i32 to vector<16xi32>
    %and3A_62 = arith.andi %get3A_50, %and3A_61 : vector<16xi32>
    %swap3A_63 = arith.constant 0 : i32
    %swap3A_64 = arith.index_cast %swap3A_63 : i32 to index
    %swap3A_65 = arith.constant 32 : index
    %swap3A_66 = tpu.vector_load %arg8[%swap3A_64, %swap3A_65] {strides = array<i32>} : memref<2x80xi32, #tpu.memory_space<vmem>>, vector<1x16xi32>,
    %swap3A_67 = vector.shape_cast %swap3A_66 : vector<1x16xi32> to vector<16xi32>
    %swap3A_68 = vector.shape_cast %and3A_62 : vector<16xi32> to vector<1x16xi32>
    tpu.vector_store %arg8[%swap3A_64, %swap3A_65], %swap3A_68 {strides = array<i32>} : memref<2x80xi32, #tpu.memory_space<vmem>>, vector<1x16xi32>,
    %get3A_69 = arith.constant 0 : i32
    %get3A_70 = arith.index_cast %get3A_69 : i32 to index
    %get3A_71 = arith.constant 48 : index
    %get3A_72 = tpu.vector_load %arg6[%get3A_70, %get3A_71] {strides = array<i32>} : memref<125x80xi32, #tpu.memory_space<vmem>>, vector<1x16xi32>,
    %get3A_73 = vector.shape_cast %get3A_72 : vector<1x16xi32> to vector<16xi32>
    %shift_right_logical3A_74 = arith.constant 16 : i32
    %shift_right_logical3A_75 = vector.broadcast %shift_right_logical3A_74 : i32 to vector<16xi32>
    %shift_right_logical3A_76 = arith.shrui %get3A_73, %shift_right_logical3A_75 : vector<16xi32>
    %swap3A_77 = arith.constant 0 : i32
    %swap3A_78 = arith.index_cast %swap3A_77 : i32 to index
    %swap3A_79 = arith.constant 48 : index
    %swap3A_80 = tpu.vector_load %arg7[%swap3A_78, %swap3A_79] {strides = array<i32>} : memref<2x80xi32, #tpu.memory_space<vmem>>, vector<1x16xi32>,
    %swap3A_81 = vector.shape_cast %swap3A_80 : vector<1x16xi32> to vector<16xi32>
    %swap3A_82 = vector.shape_cast %shift_right_logical3A_76 : vector<16xi32> to vector<1x16xi32>
    tpu.vector_store %arg7[%swap3A_78, %swap3A_79], %swap3A_82 {strides = array<i32>} : memref<2x80xi32, #tpu.memory_space<vmem>>, vector<1x16xi32>,
    %and3A_83 = arith.constant 65535 : i32
    %and3A_84 = vector.broadcast %and3A_83 : i32 to vector<16xi32>
    %and3A_85 = arith.andi %get3A_73, %and3A_84 : vector<16xi32>
    %swap3A_86 = arith.constant 0 : i32
    %swap3A_87 = arith.index_cast %swap3A_86 : i32 to index
    %swap3A_88 = arith.constant 48 : index
    %swap3A_89 = tpu.vector_load %arg8[%swap3A_87, %swap3A_88] {strides = array<i32>} : memref<2x80xi32, #tpu.memory_space<vmem>>, vector<1x16xi32>,
    %swap3A_90 = vector.shape_cast %swap3A_89 : vector<1x16xi32> to vector<16xi32>
    %swap3A_91 = vector.shape_cast %and3A_85 : vector<16xi32> to vector<1x16xi32>
    tpu.vector_store %arg8[%swap3A_87, %swap3A_88], %swap3A_91 {strides = array<i32>} : memref<2x80xi32, #tpu.memory_space<vmem>>, vector<1x16xi32>,
    %get3A_92 = arith.constant 0 : i32
    %get3A_93 = arith.index_cast %get3A_92 : i32 to index
    %get3A_94 = arith.constant 64 : index
    %get3A_95 = tpu.vector_load %arg6[%get3A_93, %get3A_94] {strides = array<i32>} : memref<125x80xi32, #tpu.memory_space<vmem>>, vector<1x16xi32>,
    %get3A_96 = vector.shape_cast %get3A_95 : vector<1x16xi32> to vector<16xi32>
    %shift_right_logical3A_97 = arith.constant 16 : i32
    %shift_right_logical3A_98 = vector.broadcast %shift_right_logical3A_97 : i32 to vector<16xi32>
    %shift_right_logical3A_99 = arith.shrui %get3A_96, %shift_right_logical3A_98 : vector<16xi32>
    %swap3A_100 = arith.constant 0 : i32
    %swap3A_101 = arith.index_cast %swap3A_100 : i32 to index
    %swap3A_102 = arith.constant 64 : index
    %swap3A_103 = tpu.vector_load %arg7[%swap3A_101, %swap3A_102] {strides = array<i32>} : memref<2x80xi32, #tpu.memory_space<vmem>>, vector<1x16xi32>,
    %swap3A_104 = vector.shape_cast %swap3A_103 : vector<1x16xi32> to vector<16xi32>
    %swap3A_105 = vector.shape_cast %shift_right_logical3A_99 : vector<16xi32> to vector<1x16xi32>
    tpu.vector_store %arg7[%swap3A_101, %swap3A_102], %swap3A_105 {strides = array<i32>} : memref<2x80xi32, #tpu.memory_space<vmem>>, vector<1x16xi32>,
    %and3A_106 = arith.constant 65535 : i32
    %and3A_107 = vector.broadcast %and3A_106 : i32 to vector<16xi32>
    %and3A_108 = arith.andi %get3A_96, %and3A_107 : vector<16xi32>
    %swap3A_109 = arith.constant 0 : i32
    %swap3A_110 = arith.index_cast %swap3A_109 : i32 to index
    %swap3A_111 = arith.constant 64 : index
    %swap3A_112 = tpu.vector_load %arg8[%swap3A_110, %swap3A_111] {strides = array<i32>} : memref<2x80xi32, #tpu.memory_space<vmem>>, vector<1x16xi32>,
    %swap3A_113 = vector.shape_cast %swap3A_112 : vector<1x16xi32> to vector<16xi32>
    %swap3A_114 = vector.shape_cast %and3A_108 : vector<16xi32> to vector<1x16xi32>
    tpu.vector_store %arg8[%swap3A_110, %swap3A_111], %swap3A_114 {strides = array<i32>} : memref<2x80xi32, #tpu.memory_space<vmem>>, vector<1x16xi32>,
    %dma_start3A_115 = arith.constant 0 : i32
    %dma_start3A_116 = arith.constant 0 : i32
    %dma_start3A_117 = arith.constant 0 : i32
    %dma_start3A_118 = arith.constant 0 : i32
    %dma_start3A_119 = tpu.memref_slice %arg9[%dma_start3A_116, %dma_start3A_117, %dma_start3A_118] : memref<2x80x128xf32, #tpu.memory_space<vmem>> -> memref<1x80x128xf32, #tpu.memory_space<vmem>>
    %dma_start3A_120 = tpu.memref_squeeze %dma_start3A_119 : memref<1x80x128xf32, #tpu.memory_space<vmem>> -> memref<80x128xf32, #tpu.memory_space<vmem>>
    %dma_start3A_121 = arith.constant 0 : i32
    %dma_start3A_122 = tpu.memref_slice %arg7[%dma_start3A_115, %dma_start3A_121] : memref<2x80xi32, #tpu.memory_space<vmem>> -> memref<1x80xi32, #tpu.memory_space<vmem>>
    %dma_start3A_123 = tpu.memref_squeeze %dma_start3A_122 : memref<1x80xi32, #tpu.memory_space<vmem>> -> memref<80xi32, #tpu.memory_space<vmem>>
    %dma_start3A_124 = arith.constant 0 : i32
    %dma_start3A_125 = arith.constant 0 : i32
    %dma_start3A_126 = tpu.memref_slice %arg4[%dma_start3A_124, %dma_start3A_125] : memref<10240x128xf32, #tpu.memory_space<hbm>> -> memref<10240x128xf32, #tpu.memory_space<hbm>>
    tpu.enqueue_indirect_dma source(%dma_start3A_126 : memref<10240x128xf32, #tpu.memory_space<hbm>>) target(%dma_start3A_120 : memref<80x128xf32, #tpu.memory_space<vmem>>) offsets(%dma_start3A_123 : memref<80xi32, #tpu.memory_space<vmem>>) semaphore(%arg11 : memref<!tpu.dma_semaphore, #tpu.memory_space<semaphore_mem>>)
    %mul3A_127 = arith.constant 640 : i32
    %mul3A_128 = arith.muli %arg1, %mul3A_127 : i32
    %dma_wait3A = arith.constant 0 : i32
    %dma_wait3A_129 = tpu.memref_slice %arg10[%mul3A_128, %dma_wait3A] : memref<10240x128xf32, #tpu.memory_space<vmem_shared>> -> memref<640x128xf32, #tpu.memory_space<vmem_shared>>
    tpu.wait_dma2 semaphore(%arg13 : memref<!tpu.dma_semaphore, #tpu.memory_space<semaphore_mem>>) src(%arg3 : memref<640x128xf32, #tpu.memory_space<hbm>>) dst(%dma_wait3A_129 : memref<640x128xf32, #tpu.memory_space<vmem_shared>>)
    %barrier3A = arith.constant 0 : index
    tpu.barrier barrier_id(%barrier3A)
    %scan3A = arith.constant 0 : i32
    %scan3A_130 = arith.constant 0 : i32
    %scan3A_131 = arith.constant 125 : i32
    %scan3A_132 = arith.addi %scan3A_130, %scan3A_131 : i32
    %scan3A_133 = arith.constant 1 : i32
    scf.for %scan3A_140 = %scan3A_130 to %scan3A_132 step %scan3A_133  : i32 {
      %rem3A = arith.constant 2 : i32
      %rem3A_141 = arith.remsi %scan3A_140, %rem3A : i32
      %add3A_142 = arith.constant 1 : i32
      %add3A_143 = arith.addi %scan3A_140, %add3A_142 : i32
      %lt3A = arith.constant 125 : i32
      %lt3A_144 = arith.cmpi slt, %add3A_143, %lt3A : i32
      %convert_element_type3A = arith.extui %lt3A_144 : i1 to i32
      %cond3A = arith.constant 0 : i32
      %cond3A_145 = arith.cmpi ne, %convert_element_type3A, %cond3A : i32
      scf.if %cond3A_145 {
        %add3A_156 = arith.constant 1 : i32
        %add3A_157 = arith.addi %scan3A_140, %add3A_156 : i32
        %sub3A = arith.constant 1 : i32
        %sub3A_158 = arith.subi %sub3A, %rem3A_141 : i32
        %get3A_159 = arith.index_cast %add3A_157 : i32 to index
        %get3A_160 = arith.constant 0 : index
        %get3A_161 = tpu.vector_load %arg6[%get3A_159, %get3A_160] {strides = array<i32>} : memref<125x80xi32, #tpu.memory_space<vmem>>, vector<1x16xi32>,
        %get3A_162 = vector.shape_cast %get3A_161 : vector<1x16xi32> to vector<16xi32>
        %shift_right_logical3A_163 = arith.constant 16 : i32
        %shift_right_logical3A_164 = vector.broadcast %shift_right_logical3A_163 : i32 to vector<16xi32>
        %shift_right_logical3A_165 = arith.shrui %get3A_162, %shift_right_logical3A_164 : vector<16xi32>
        %swap3A_166 = arith.index_cast %sub3A_158 : i32 to index
        %swap3A_167 = arith.constant 0 : index
        %swap3A_168 = tpu.vector_load %arg7[%swap3A_166, %swap3A_167] {strides = array<i32>} : memref<2x80xi32, #tpu.memory_space<vmem>>, vector<1x16xi32>,
        %swap3A_169 = vector.shape_cast %swap3A_168 : vector<1x16xi32> to vector<16xi32>
        %swap3A_170 = vector.shape_cast %shift_right_logical3A_165 : vector<16xi32> to vector<1x16xi32>
        tpu.vector_store %arg7[%swap3A_166, %swap3A_167], %swap3A_170 {strides = array<i32>} : memref<2x80xi32, #tpu.memory_space<vmem>>, vector<1x16xi32>,
        %and3A_171 = arith.constant 65535 : i32
        %and3A_172 = vector.broadcast %and3A_171 : i32 to vector<16xi32>
        %and3A_173 = arith.andi %get3A_162, %and3A_172 : vector<16xi32>
        %swap3A_174 = arith.index_cast %sub3A_158 : i32 to index
        %swap3A_175 = arith.constant 0 : index
        %swap3A_176 = tpu.vector_load %arg8[%swap3A_174, %swap3A_175] {strides = array<i32>} : memref<2x80xi32, #tpu.memory_space<vmem>>, vector<1x16xi32>,
        %swap3A_177 = vector.shape_cast %swap3A_176 : vector<1x16xi32> to vector<16xi32>
        %swap3A_178 = vector.shape_cast %and3A_173 : vector<16xi32> to vector<1x16xi32>
        tpu.vector_store %arg8[%swap3A_174, %swap3A_175], %swap3A_178 {strides = array<i32>} : memref<2x80xi32, #tpu.memory_space<vmem>>, vector<1x16xi32>,
        %get3A_179 = arith.index_cast %add3A_157 : i32 to index
        %get3A_180 = arith.constant 16 : index
        %get3A_181 = tpu.vector_load %arg6[%get3A_179, %get3A_180] {strides = array<i32>} : memref<125x80xi32, #tpu.memory_space<vmem>>, vector<1x16xi32>,
        %get3A_182 = vector.shape_cast %get3A_181 : vector<1x16xi32> to vector<16xi32>
        %shift_right_logical3A_183 = arith.constant 16 : i32
        %shift_right_logical3A_184 = vector.broadcast %shift_right_logical3A_183 : i32 to vector<16xi32>
        %shift_right_logical3A_185 = arith.shrui %get3A_182, %shift_right_logical3A_184 : vector<16xi32>
        %swap3A_186 = arith.index_cast %sub3A_158 : i32 to index
        %swap3A_187 = arith.constant 16 : index
        %swap3A_188 = tpu.vector_load %arg7[%swap3A_186, %swap3A_187] {strides = array<i32>} : memref<2x80xi32, #tpu.memory_space<vmem>>, vector<1x16xi32>,
        %swap3A_189 = vector.shape_cast %swap3A_188 : vector<1x16xi32> to vector<16xi32>
        %swap3A_190 = vector.shape_cast %shift_right_logical3A_185 : vector<16xi32> to vector<1x16xi32>
        tpu.vector_store %arg7[%swap3A_186, %swap3A_187], %swap3A_190 {strides = array<i32>} : memref<2x80xi32, #tpu.memory_space<vmem>>, vector<1x16xi32>,
        %and3A_191 = arith.constant 65535 : i32
        %and3A_192 = vector.broadcast %and3A_191 : i32 to vector<16xi32>
        %and3A_193 = arith.andi %get3A_182, %and3A_192 : vector<16xi32>
        %swap3A_194 = arith.index_cast %sub3A_158 : i32 to index
        %swap3A_195 = arith.constant 16 : index
        %swap3A_196 = tpu.vector_load %arg8[%swap3A_194, %swap3A_195] {strides = array<i32>} : memref<2x80xi32, #tpu.memory_space<vmem>>, vector<1x16xi32>,
        %swap3A_197 = vector.shape_cast %swap3A_196 : vector<1x16xi32> to vector<16xi32>
        %swap3A_198 = vector.shape_cast %and3A_193 : vector<16xi32> to vector<1x16xi32>
        tpu.vector_store %arg8[%swap3A_194, %swap3A_195], %swap3A_198 {strides = array<i32>} : memref<2x80xi32, #tpu.memory_space<vmem>>, vector<1x16xi32>,
        %get3A_199 = arith.index_cast %add3A_157 : i32 to index
        %get3A_200 = arith.constant 32 : index
        %get3A_201 = tpu.vector_load %arg6[%get3A_199, %get3A_200] {strides = array<i32>} : memref<125x80xi32, #tpu.memory_space<vmem>>, vector<1x16xi32>,
        %get3A_202 = vector.shape_cast %get3A_201 : vector<1x16xi32> to vector<16xi32>
        %shift_right_logical3A_203 = arith.constant 16 : i32
        %shift_right_logical3A_204 = vector.broadcast %shift_right_logical3A_203 : i32 to vector<16xi32>
        %shift_right_logical3A_205 = arith.shrui %get3A_202, %shift_right_logical3A_204 : vector<16xi32>
        %swap3A_206 = arith.index_cast %sub3A_158 : i32 to index
        %swap3A_207 = arith.constant 32 : index
        %swap3A_208 = tpu.vector_load %arg7[%swap3A_206, %swap3A_207] {strides = array<i32>} : memref<2x80xi32, #tpu.memory_space<vmem>>, vector<1x16xi32>,
        %swap3A_209 = vector.shape_cast %swap3A_208 : vector<1x16xi32> to vector<16xi32>
        %swap3A_210 = vector.shape_cast %shift_right_logical3A_205 : vector<16xi32> to vector<1x16xi32>
        tpu.vector_store %arg7[%swap3A_206, %swap3A_207], %swap3A_210 {strides = array<i32>} : memref<2x80xi32, #tpu.memory_space<vmem>>, vector<1x16xi32>,
        %and3A_211 = arith.constant 65535 : i32
        %and3A_212 = vector.broadcast %and3A_211 : i32 to vector<16xi32>
        %and3A_213 = arith.andi %get3A_202, %and3A_212 : vector<16xi32>
        %swap3A_214 = arith.index_cast %sub3A_158 : i32 to index
        %swap3A_215 = arith.constant 32 : index
        %swap3A_216 = tpu.vector_load %arg8[%swap3A_214, %swap3A_215] {strides = array<i32>} : memref<2x80xi32, #tpu.memory_space<vmem>>, vector<1x16xi32>,
        %swap3A_217 = vector.shape_cast %swap3A_216 : vector<1x16xi32> to vector<16xi32>
        %swap3A_218 = vector.shape_cast %and3A_213 : vector<16xi32> to vector<1x16xi32>
        tpu.vector_store %arg8[%swap3A_214, %swap3A_215], %swap3A_218 {strides = array<i32>} : memref<2x80xi32, #tpu.memory_space<vmem>>, vector<1x16xi32>,
        %get3A_219 = arith.index_cast %add3A_157 : i32 to index
        %get3A_220 = arith.constant 48 : index
        %get3A_221 = tpu.vector_load %arg6[%get3A_219, %get3A_220] {strides = array<i32>} : memref<125x80xi32, #tpu.memory_space<vmem>>, vector<1x16xi32>,
        %get3A_222 = vector.shape_cast %get3A_221 : vector<1x16xi32> to vector<16xi32>
        %shift_right_logical3A_223 = arith.constant 16 : i32
        %shift_right_logical3A_224 = vector.broadcast %shift_right_logical3A_223 : i32 to vector<16xi32>
        %shift_right_logical3A_225 = arith.shrui %get3A_222, %shift_right_logical3A_224 : vector<16xi32>
        %swap3A_226 = arith.index_cast %sub3A_158 : i32 to index
        %swap3A_227 = arith.constant 48 : index
        %swap3A_228 = tpu.vector_load %arg7[%swap3A_226, %swap3A_227] {strides = array<i32>} : memref<2x80xi32, #tpu.memory_space<vmem>>, vector<1x16xi32>,
        %swap3A_229 = vector.shape_cast %swap3A_228 : vector<1x16xi32> to vector<16xi32>
        %swap3A_230 = vector.shape_cast %shift_right_logical3A_225 : vector<16xi32> to vector<1x16xi32>
        tpu.vector_store %arg7[%swap3A_226, %swap3A_227], %swap3A_230 {strides = array<i32>} : memref<2x80xi32, #tpu.memory_space<vmem>>, vector<1x16xi32>,
        %and3A_231 = arith.constant 65535 : i32
        %and3A_232 = vector.broadcast %and3A_231 : i32 to vector<16xi32>
        %and3A_233 = arith.andi %get3A_222, %and3A_232 : vector<16xi32>
        %swap3A_234 = arith.index_cast %sub3A_158 : i32 to index
        %swap3A_235 = arith.constant 48 : index
        %swap3A_236 = tpu.vector_load %arg8[%swap3A_234, %swap3A_235] {strides = array<i32>} : memref<2x80xi32, #tpu.memory_space<vmem>>, vector<1x16xi32>,
        %swap3A_237 = vector.shape_cast %swap3A_236 : vector<1x16xi32> to vector<16xi32>
        %swap3A_238 = vector.shape_cast %and3A_233 : vector<16xi32> to vector<1x16xi32>
        tpu.vector_store %arg8[%swap3A_234, %swap3A_235], %swap3A_238 {strides = array<i32>} : memref<2x80xi32, #tpu.memory_space<vmem>>, vector<1x16xi32>,
        %get3A_239 = arith.index_cast %add3A_157 : i32 to index
        %get3A_240 = arith.constant 64 : index
        %get3A_241 = tpu.vector_load %arg6[%get3A_239, %get3A_240] {strides = array<i32>} : memref<125x80xi32, #tpu.memory_space<vmem>>, vector<1x16xi32>,
        %get3A_242 = vector.shape_cast %get3A_241 : vector<1x16xi32> to vector<16xi32>
        %shift_right_logical3A_243 = arith.constant 16 : i32
        %shift_right_logical3A_244 = vector.broadcast %shift_right_logical3A_243 : i32 to vector<16xi32>
        %shift_right_logical3A_245 = arith.shrui %get3A_242, %shift_right_logical3A_244 : vector<16xi32>
        %swap3A_246 = arith.index_cast %sub3A_158 : i32 to index
        %swap3A_247 = arith.constant 64 : index
        %swap3A_248 = tpu.vector_load %arg7[%swap3A_246, %swap3A_247] {strides = array<i32>} : memref<2x80xi32, #tpu.memory_space<vmem>>, vector<1x16xi32>,
        %swap3A_249 = vector.shape_cast %swap3A_248 : vector<1x16xi32> to vector<16xi32>
        %swap3A_250 = vector.shape_cast %shift_right_logical3A_245 : vector<16xi32> to vector<1x16xi32>
        tpu.vector_store %arg7[%swap3A_246, %swap3A_247], %swap3A_250 {strides = array<i32>} : memref<2x80xi32, #tpu.memory_space<vmem>>, vector<1x16xi32>,
        %and3A_251 = arith.constant 65535 : i32
        %and3A_252 = vector.broadcast %and3A_251 : i32 to vector<16xi32>
        %and3A_253 = arith.andi %get3A_242, %and3A_252 : vector<16xi32>
        %swap3A_254 = arith.index_cast %sub3A_158 : i32 to index
        %swap3A_255 = arith.constant 64 : index
        %swap3A_256 = tpu.vector_load %arg8[%swap3A_254, %swap3A_255] {strides = array<i32>} : memref<2x80xi32, #tpu.memory_space<vmem>>, vector<1x16xi32>,
        %swap3A_257 = vector.shape_cast %swap3A_256 : vector<1x16xi32> to vector<16xi32>
        %swap3A_258 = vector.shape_cast %and3A_253 : vector<16xi32> to vector<1x16xi32>
        tpu.vector_store %arg8[%swap3A_254, %swap3A_255], %swap3A_258 {strides = array<i32>} : memref<2x80xi32, #tpu.memory_space<vmem>>, vector<1x16xi32>,
        %sub3A_259 = arith.constant 1 : i32
        %sub3A_260 = arith.subi %sub3A_259, %rem3A_141 : i32
        %sub3A_261 = arith.constant 1 : i32
        %sub3A_262 = arith.subi %sub3A_261, %rem3A_141 : i32
        %dma_start3A_263 = arith.constant 0 : i32
        %dma_start3A_264 = arith.constant 0 : i32
        %dma_start3A_265 = tpu.memref_slice %arg9[%sub3A_262, %dma_start3A_263, %dma_start3A_264] : memref<2x80x128xf32, #tpu.memory_space<vmem>> -> memref<1x80x128xf32, #tpu.memory_space<vmem>>
        %dma_start3A_266 = tpu.memref_squeeze %dma_start3A_265 : memref<1x80x128xf32, #tpu.memory_space<vmem>> -> memref<80x128xf32, #tpu.memory_space<vmem>>
        %dma_start3A_267 = arith.constant 0 : i32
        %dma_start3A_268 = tpu.memref_slice %arg7[%sub3A_260, %dma_start3A_267] : memref<2x80xi32, #tpu.memory_space<vmem>> -> memref<1x80xi32, #tpu.memory_space<vmem>>
        %dma_start3A_269 = tpu.memref_squeeze %dma_start3A_268 : memref<1x80xi32, #tpu.memory_space<vmem>> -> memref<80xi32, #tpu.memory_space<vmem>>
        %dma_start3A_270 = arith.constant 0 : i32
        %dma_start3A_271 = arith.constant 0 : i32
        %dma_start3A_272 = tpu.memref_slice %arg4[%dma_start3A_270, %dma_start3A_271] : memref<10240x128xf32, #tpu.memory_space<hbm>> -> memref<10240x128xf32, #tpu.memory_space<hbm>>
        tpu.enqueue_indirect_dma source(%dma_start3A_272 : memref<10240x128xf32, #tpu.memory_space<hbm>>) target(%dma_start3A_266 : memref<80x128xf32, #tpu.memory_space<vmem>>) offsets(%dma_start3A_269 : memref<80xi32, #tpu.memory_space<vmem>>) semaphore(%arg11 : memref<!tpu.dma_semaphore, #tpu.memory_space<semaphore_mem>>)
      } else {
      }
      %dma_wait3A_146 = arith.constant 0 : i32
      %dma_wait3A_147 = arith.constant 0 : i32
      %dma_wait3A_148 = tpu.memref_slice %arg9[%rem3A_141, %dma_wait3A_146, %dma_wait3A_147] : memref<2x80x128xf32, #tpu.memory_space<vmem>> -> memref<1x80x128xf32, #tpu.memory_space<vmem>>
      %dma_wait3A_149 = tpu.memref_squeeze %dma_wait3A_148 : memref<1x80x128xf32, #tpu.memory_space<vmem>> -> memref<80x128xf32, #tpu.memory_space<vmem>>
      %dma_wait3A_150 = arith.constant 0 : i32
      %dma_wait3A_151 = tpu.memref_slice %arg7[%rem3A_141, %dma_wait3A_150] : memref<2x80xi32, #tpu.memory_space<vmem>> -> memref<1x80xi32, #tpu.memory_space<vmem>>
      %dma_wait3A_152 = tpu.memref_squeeze %dma_wait3A_151 : memref<1x80xi32, #tpu.memory_space<vmem>> -> memref<80xi32, #tpu.memory_space<vmem>>
      %dma_wait3A_153 = arith.constant 0 : i32
      %dma_wait3A_154 = arith.constant 0 : i32
      %dma_wait3A_155 = tpu.memref_slice %arg4[%dma_wait3A_153, %dma_wait3A_154] : memref<10240x128xf32, #tpu.memory_space<hbm>> -> memref<10240x128xf32, #tpu.memory_space<hbm>>
      tpu.wait_indirect_dma semaphore(%arg11 : memref<!tpu.dma_semaphore, #tpu.memory_space<semaphore_mem>>) src(%dma_wait3A_155 : memref<10240x128xf32, #tpu.memory_space<hbm>>) dst(%dma_wait3A_149 : memref<80x128xf32, #tpu.memory_space<vmem>>)
      "tpu.region"() ({
        %run_scoped3A = tpu.sem_alloc : memref<!tpu.dma_semaphore, #tpu.memory_space<semaphore_mem>>
        %dma_start3A_156 = arith.constant 0 : i32
        %dma_start3A_157 = arith.constant 0 : i32
        %dma_start3A_158 = tpu.memref_slice %arg9[%rem3A_141, %dma_start3A_156, %dma_start3A_157] : memref<2x80x128xf32, #tpu.memory_space<vmem>> -> memref<1x80x128xf32, #tpu.memory_space<vmem>>
        %dma_start3A_159 = tpu.memref_squeeze %dma_start3A_158 : memref<1x80x128xf32, #tpu.memory_space<vmem>> -> memref<80x128xf32, #tpu.memory_space<vmem>>
        %dma_start3A_160 = arith.constant 0 : i32
        %dma_start3A_161 = tpu.memref_slice %arg8[%rem3A_141, %dma_start3A_160] : memref<2x80xi32, #tpu.memory_space<vmem>> -> memref<1x80xi32, #tpu.memory_space<vmem>>
        %dma_start3A_162 = tpu.memref_squeeze %dma_start3A_161 : memref<1x80xi32, #tpu.memory_space<vmem>> -> memref<80xi32, #tpu.memory_space<vmem>>
        %dma_start3A_163 = arith.constant 0 : i32
        %dma_start3A_164 = arith.constant 0 : i32
        %dma_start3A_165 = tpu.memref_slice %arg10[%dma_start3A_163, %dma_start3A_164] : memref<10240x128xf32, #tpu.memory_space<vmem_shared>> -> memref<10240x128xf32, #tpu.memory_space<vmem_shared>>
        tpu.enqueue_indirect_dma source(%dma_start3A_159 : memref<80x128xf32, #tpu.memory_space<vmem>>) target(%dma_start3A_165 : memref<10240x128xf32, #tpu.memory_space<vmem_shared>>) offsets(%dma_start3A_162 : memref<80xi32, #tpu.memory_space<vmem>>) semaphore(%run_scoped3A : memref<!tpu.dma_semaphore, #tpu.memory_space<semaphore_mem>>) {add = true}
        %dma_wait3A_166 = arith.constant 0 : i32
        %dma_wait3A_167 = arith.constant 0 : i32
        %dma_wait3A_168 = tpu.memref_slice %arg9[%rem3A_141, %dma_wait3A_166, %dma_wait3A_167] : memref<2x80x128xf32, #tpu.memory_space<vmem>> -> memref<1x80x128xf32, #tpu.memory_space<vmem>>
        %dma_wait3A_169 = tpu.memref_squeeze %dma_wait3A_168 : memref<1x80x128xf32, #tpu.memory_space<vmem>> -> memref<80x128xf32, #tpu.memory_space<vmem>>
        %dma_wait3A_170 = arith.constant 0 : i32
        %dma_wait3A_171 = tpu.memref_slice %arg8[%rem3A_141, %dma_wait3A_170] : memref<2x80xi32, #tpu.memory_space<vmem>> -> memref<1x80xi32, #tpu.memory_space<vmem>>
        %dma_wait3A_172 = tpu.memref_squeeze %dma_wait3A_171 : memref<1x80xi32, #tpu.memory_space<vmem>> -> memref<80xi32, #tpu.memory_space<vmem>>
        %dma_wait3A_173 = arith.constant 0 : i32
        %dma_wait3A_174 = arith.constant 0 : i32
        %dma_wait3A_175 = tpu.memref_slice %arg10[%dma_wait3A_173, %dma_wait3A_174] : memref<10240x128xf32, #tpu.memory_space<vmem_shared>> -> memref<10240x128xf32, #tpu.memory_space<vmem_shared>>
        tpu.wait_indirect_dma semaphore(%run_scoped3A : memref<!tpu.dma_semaphore, #tpu.memory_space<semaphore_mem>>) src(%dma_wait3A_169 : memref<80x128xf32, #tpu.memory_space<vmem>>) dst(%dma_wait3A_175 : memref<10240x128xf32, #tpu.memory_space<vmem_shared>>)
        tpu.yield
      }) : () -> ()
    }
    %scan3A_134 = arith.constant 125 : i32
    %barrier3A_135 = arith.constant 0 : index
    tpu.barrier barrier_id(%barrier3A_135)
    %mul3A_136 = arith.constant 640 : i32
    %mul3A_137 = arith.muli %arg1, %mul3A_136 : i32
    %mul3A_138 = arith.constant 640 : i32
    %mul3A_139 = arith.muli %arg1, %mul3A_138 : i32
    "tpu.region"() ({
      %run_scoped3A = tpu.sem_alloc : memref<!tpu.dma_semaphore, #tpu.memory_space<semaphore_mem>>
      %dma_start3A_140 = arith.constant 0 : i32
      %dma_start3A_141 = tpu.memref_slice %arg5[%arg0, %mul3A_139, %dma_start3A_140] : memref<2x10240x128xf32, #tpu.memory_space<hbm>> -> memref<1x640x128xf32, #tpu.memory_space<hbm>>
      %dma_start3A_142 = tpu.memref_squeeze %dma_start3A_141 : memref<1x640x128xf32, #tpu.memory_space<hbm>> -> memref<640x128xf32, #tpu.memory_space<hbm>>
      %dma_start3A_143 = arith.constant 0 : i32
      %dma_start3A_144 = tpu.memref_slice %arg10[%mul3A_137, %dma_start3A_143] : memref<10240x128xf32, #tpu.memory_space<vmem_shared>> -> memref<640x128xf32, #tpu.memory_space<vmem_shared>>
      tpu.enqueue_dma source(%dma_start3A_144 : memref<640x128xf32, #tpu.memory_space<vmem_shared>>) target(%dma_start3A_142 : memref<640x128xf32, #tpu.memory_space<hbm>>) target_semaphore(%run_scoped3A : memref<!tpu.dma_semaphore, #tpu.memory_space<semaphore_mem>>)
      %dma_wait3A_145 = arith.constant 0 : i32
      %dma_wait3A_146 = tpu.memref_slice %arg5[%arg0, %mul3A_139, %dma_wait3A_145] : memref<2x10240x128xf32, #tpu.memory_space<hbm>> -> memref<1x640x128xf32, #tpu.memory_space<hbm>>
      %dma_wait3A_147 = tpu.memref_squeeze %dma_wait3A_146 : memref<1x640x128xf32, #tpu.memory_space<hbm>> -> memref<640x128xf32, #tpu.memory_space<hbm>>
      %dma_wait3A_148 = arith.constant 0 : i32
      %dma_wait3A_149 = tpu.memref_slice %arg10[%mul3A_137, %dma_wait3A_148] : memref<10240x128xf32, #tpu.memory_space<vmem_shared>> -> memref<640x128xf32, #tpu.memory_space<vmem_shared>>
      tpu.wait_dma2 semaphore(%run_scoped3A : memref<!tpu.dma_semaphore, #tpu.memory_space<semaphore_mem>>) src(%dma_wait3A_149 : memref<640x128xf32, #tpu.memory_space<vmem_shared>>) dst(%dma_wait3A_147 : memref<640x128xf32, #tpu.memory_space<hbm>>)
      tpu.yield
    }) : () -> ()
    return
  }
}

#map = affine_map<(d0, d1) -> (0, 0, 0)>
#map1 = affine_map<(d0, d1) -> (0, 0)>
module attributes {stable_mosaic.version = 14 : i64} {
  func.func @_agg_sc(%arg0: i32, %arg1: i32, %arg2: memref<32x125x80xi32, #tpu.memory_space<hbm>>, %arg3: memref<640x128xf32, #tpu.memory_space<hbm>>, %arg4: memref<10240x128xf32, #tpu.memory_space<hbm>>, %arg5: memref<2x10240x128xf32, #tpu.memory_space<hbm>>, %arg6: memref<125x80xi32, #tpu.memory_space<vmem>>, %arg7: memref<2x80xi32, #tpu.memory_space<vmem>>, %arg8: memref<2x80xi32, #tpu.memory_space<vmem>>, %arg9: memref<2x80x128xf32, #tpu.memory_space<vmem>>, %arg10: memref<10240x128xf32, #tpu.memory_space<vmem_shared>>, %arg11: memref<!tpu.dma_semaphore, #tpu.memory_space<semaphore_mem>>, %arg12: memref<!tpu.dma_semaphore, #tpu.memory_space<semaphore_mem>>, %arg13: memref<!tpu.dma_semaphore, #tpu.memory_space<semaphore_mem>>) attributes {dimension_semantics = [#tpu.dimension_semantics<core_parallel>, #tpu.dimension_semantics<subcore_parallel>], iteration_bounds = array<i64: 2, 16>, scalar_prefetch = 0 : i64, scratch_operands = 8 : i64, tpu.core_type = #tpu.core_type<sc_vector_subcore>, window_params = [{transform_indices = #map}, {transform_indices = #map1}, {transform_indices = #map1}, {transform_indices = #map}]} {
    %mul3A = arith.constant 2 : i32
    %mul3A_0 = arith.muli %arg1, %mul3A : i32
    %add3A = arith.addi %mul3A_0, %arg0 : i32
    %mul3A_1 = arith.constant 640 : i32
    %mul3A_2 = arith.muli %arg1, %mul3A_1 : i32
    %dma_start3A = arith.constant 0 : i32
    %dma_start3A_3 = tpu.memref_slice %arg10[%mul3A_2, %dma_start3A] : memref<10240x128xf32, #tpu.memory_space<vmem_shared>> -> memref<640x128xf32, #tpu.memory_space<vmem_shared>>
    tpu.enqueue_dma source(%arg3 : memref<640x128xf32, #tpu.memory_space<hbm>>) target(%dma_start3A_3 : memref<640x128xf32, #tpu.memory_space<vmem_shared>>) target_semaphore(%arg13 : memref<!tpu.dma_semaphore, #tpu.memory_space<semaphore_mem>>)
    "tpu.region"() ({
      %run_scoped3A = tpu.sem_alloc : memref<!tpu.dma_semaphore, #tpu.memory_space<semaphore_mem>>
      %dma_start3A_140 = arith.constant 0 : i32
      %dma_start3A_141 = arith.constant 0 : i32
      %dma_start3A_142 = tpu.memref_slice %arg2[%add3A, %dma_start3A_140, %dma_start3A_141] : memref<32x125x80xi32, #tpu.memory_space<hbm>> -> memref<1x125x80xi32, #tpu.memory_space<hbm>>
      %dma_start3A_143 = tpu.memref_squeeze %dma_start3A_142 : memref<1x125x80xi32, #tpu.memory_space<hbm>> -> memref<125x80xi32, #tpu.memory_space<hbm>>
      %dma_start3A_144 = arith.constant 0 : i32
      %dma_start3A_145 = arith.constant 0 : i32
      %dma_start3A_146 = tpu.memref_slice %arg2[%add3A, %dma_start3A_144, %dma_start3A_145] : memref<32x125x80xi32, #tpu.memory_space<hbm>> -> memref<1x125x80xi32, #tpu.memory_space<hbm>>
      %dma_start3A_147 = tpu.memref_squeeze %dma_start3A_146 : memref<1x125x80xi32, #tpu.memory_space<hbm>> -> memref<125x80xi32, #tpu.memory_space<hbm>>
      tpu.enqueue_dma source(%dma_start3A_147 : memref<125x80xi32, #tpu.memory_space<hbm>>) target(%arg6 : memref<125x80xi32, #tpu.memory_space<vmem>>) target_semaphore(%run_scoped3A : memref<!tpu.dma_semaphore, #tpu.memory_space<semaphore_mem>>)
      %dma_wait3A_148 = arith.constant 0 : i32
      %dma_wait3A_149 = arith.constant 0 : i32
      %dma_wait3A_150 = tpu.memref_slice %arg2[%add3A, %dma_wait3A_148, %dma_wait3A_149] : memref<32x125x80xi32, #tpu.memory_space<hbm>> -> memref<1x125x80xi32, #tpu.memory_space<hbm>>
      %dma_wait3A_151 = tpu.memref_squeeze %dma_wait3A_150 : memref<1x125x80xi32, #tpu.memory_space<hbm>> -> memref<125x80xi32, #tpu.memory_space<hbm>>
      %dma_wait3A_152 = arith.constant 0 : i32
      %dma_wait3A_153 = arith.constant 0 : i32
      %dma_wait3A_154 = tpu.memref_slice %arg2[%add3A, %dma_wait3A_152, %dma_wait3A_153] : memref<32x125x80xi32, #tpu.memory_space<hbm>> -> memref<1x125x80xi32, #tpu.memory_space<hbm>>
      %dma_wait3A_155 = tpu.memref_squeeze %dma_wait3A_154 : memref<1x125x80xi32, #tpu.memory_space<hbm>> -> memref<125x80xi32, #tpu.memory_space<hbm>>
      tpu.wait_dma2 semaphore(%run_scoped3A : memref<!tpu.dma_semaphore, #tpu.memory_space<semaphore_mem>>) src(%dma_wait3A_155 : memref<125x80xi32, #tpu.memory_space<hbm>>) dst(%arg6 : memref<125x80xi32, #tpu.memory_space<vmem>>)
      tpu.yield
    }) : () -> ()
    %get3A = arith.constant 0 : i32
    %get3A_4 = arith.index_cast %get3A : i32 to index
    %get3A_5 = arith.constant 0 : index
    %get3A_6 = tpu.vector_load %arg6[%get3A_4, %get3A_5] {strides = array<i32>} : memref<125x80xi32, #tpu.memory_space<vmem>>, vector<1x16xi32>,
    %get3A_7 = vector.shape_cast %get3A_6 : vector<1x16xi32> to vector<16xi32>
    %shift_right_logical3A = arith.constant 16 : i32
    %shift_right_logical3A_8 = vector.broadcast %shift_right_logical3A : i32 to vector<16xi32>
    %shift_right_logical3A_9 = arith.shrui %get3A_7, %shift_right_logical3A_8 : vector<16xi32>
    %swap3A = arith.constant 0 : i32
    %swap3A_10 = arith.index_cast %swap3A : i32 to index
    %swap3A_11 = arith.constant 0 : index
    %swap3A_12 = tpu.vector_load %arg7[%swap3A_10, %swap3A_11] {strides = array<i32>} : memref<2x80xi32, #tpu.memory_space<vmem>>, vector<1x16xi32>,
    %swap3A_13 = vector.shape_cast %swap3A_12 : vector<1x16xi32> to vector<16xi32>
    %swap3A_14 = vector.shape_cast %shift_right_logical3A_9 : vector<16xi32> to vector<1x16xi32>
    tpu.vector_store %arg7[%swap3A_10, %swap3A_11], %swap3A_14 {strides = array<i32>} : memref<2x80xi32, #tpu.memory_space<vmem>>, vector<1x16xi32>,
    %and3A = arith.constant 65535 : i32
    %and3A_15 = vector.broadcast %and3A : i32 to vector<16xi32>
    %and3A_16 = arith.andi %get3A_7, %and3A_15 : vector<16xi32>
    %swap3A_17 = arith.constant 0 : i32
    %swap3A_18 = arith.index_cast %swap3A_17 : i32 to index
    %swap3A_19 = arith.constant 0 : index
    %swap3A_20 = tpu.vector_load %arg8[%swap3A_18, %swap3A_19] {strides = array<i32>} : memref<2x80xi32, #tpu.memory_space<vmem>>, vector<1x16xi32>,
    %swap3A_21 = vector.shape_cast %swap3A_20 : vector<1x16xi32> to vector<16xi32>
    %swap3A_22 = vector.shape_cast %and3A_16 : vector<16xi32> to vector<1x16xi32>
    tpu.vector_store %arg8[%swap3A_18, %swap3A_19], %swap3A_22 {strides = array<i32>} : memref<2x80xi32, #tpu.memory_space<vmem>>, vector<1x16xi32>,
    %get3A_23 = arith.constant 0 : i32
    %get3A_24 = arith.index_cast %get3A_23 : i32 to index
    %get3A_25 = arith.constant 16 : index
    %get3A_26 = tpu.vector_load %arg6[%get3A_24, %get3A_25] {strides = array<i32>} : memref<125x80xi32, #tpu.memory_space<vmem>>, vector<1x16xi32>,
    %get3A_27 = vector.shape_cast %get3A_26 : vector<1x16xi32> to vector<16xi32>
    %shift_right_logical3A_28 = arith.constant 16 : i32
    %shift_right_logical3A_29 = vector.broadcast %shift_right_logical3A_28 : i32 to vector<16xi32>
    %shift_right_logical3A_30 = arith.shrui %get3A_27, %shift_right_logical3A_29 : vector<16xi32>
    %swap3A_31 = arith.constant 0 : i32
    %swap3A_32 = arith.index_cast %swap3A_31 : i32 to index
    %swap3A_33 = arith.constant 16 : index
    %swap3A_34 = tpu.vector_load %arg7[%swap3A_32, %swap3A_33] {strides = array<i32>} : memref<2x80xi32, #tpu.memory_space<vmem>>, vector<1x16xi32>,
    %swap3A_35 = vector.shape_cast %swap3A_34 : vector<1x16xi32> to vector<16xi32>
    %swap3A_36 = vector.shape_cast %shift_right_logical3A_30 : vector<16xi32> to vector<1x16xi32>
    tpu.vector_store %arg7[%swap3A_32, %swap3A_33], %swap3A_36 {strides = array<i32>} : memref<2x80xi32, #tpu.memory_space<vmem>>, vector<1x16xi32>,
    %and3A_37 = arith.constant 65535 : i32
    %and3A_38 = vector.broadcast %and3A_37 : i32 to vector<16xi32>
    %and3A_39 = arith.andi %get3A_27, %and3A_38 : vector<16xi32>
    %swap3A_40 = arith.constant 0 : i32
    %swap3A_41 = arith.index_cast %swap3A_40 : i32 to index
    %swap3A_42 = arith.constant 16 : index
    %swap3A_43 = tpu.vector_load %arg8[%swap3A_41, %swap3A_42] {strides = array<i32>} : memref<2x80xi32, #tpu.memory_space<vmem>>, vector<1x16xi32>,
    %swap3A_44 = vector.shape_cast %swap3A_43 : vector<1x16xi32> to vector<16xi32>
    %swap3A_45 = vector.shape_cast %and3A_39 : vector<16xi32> to vector<1x16xi32>
    tpu.vector_store %arg8[%swap3A_41, %swap3A_42], %swap3A_45 {strides = array<i32>} : memref<2x80xi32, #tpu.memory_space<vmem>>, vector<1x16xi32>,
    %get3A_46 = arith.constant 0 : i32
    %get3A_47 = arith.index_cast %get3A_46 : i32 to index
    %get3A_48 = arith.constant 32 : index
    %get3A_49 = tpu.vector_load %arg6[%get3A_47, %get3A_48] {strides = array<i32>} : memref<125x80xi32, #tpu.memory_space<vmem>>, vector<1x16xi32>,
    %get3A_50 = vector.shape_cast %get3A_49 : vector<1x16xi32> to vector<16xi32>
    %shift_right_logical3A_51 = arith.constant 16 : i32
    %shift_right_logical3A_52 = vector.broadcast %shift_right_logical3A_51 : i32 to vector<16xi32>
    %shift_right_logical3A_53 = arith.shrui %get3A_50, %shift_right_logical3A_52 : vector<16xi32>
    %swap3A_54 = arith.constant 0 : i32
    %swap3A_55 = arith.index_cast %swap3A_54 : i32 to index
    %swap3A_56 = arith.constant 32 : index
    %swap3A_57 = tpu.vector_load %arg7[%swap3A_55, %swap3A_56] {strides = array<i32>} : memref<2x80xi32, #tpu.memory_space<vmem>>, vector<1x16xi32>,
    %swap3A_58 = vector.shape_cast %swap3A_57 : vector<1x16xi32> to vector<16xi32>
    %swap3A_59 = vector.shape_cast %shift_right_logical3A_53 : vector<16xi32> to vector<1x16xi32>
    tpu.vector_store %arg7[%swap3A_55, %swap3A_56], %swap3A_59 {strides = array<i32>} : memref<2x80xi32, #tpu.memory_space<vmem>>, vector<1x16xi32>,
    %and3A_60 = arith.constant 65535 : i32
    %and3A_61 = vector.broadcast %and3A_60 : i32 to vector<16xi32>
    %and3A_62 = arith.andi %get3A_50, %and3A_61 : vector<16xi32>
    %swap3A_63 = arith.constant 0 : i32
    %swap3A_64 = arith.index_cast %swap3A_63 : i32 to index
    %swap3A_65 = arith.constant 32 : index
    %swap3A_66 = tpu.vector_load %arg8[%swap3A_64, %swap3A_65] {strides = array<i32>} : memref<2x80xi32, #tpu.memory_space<vmem>>, vector<1x16xi32>,
    %swap3A_67 = vector.shape_cast %swap3A_66 : vector<1x16xi32> to vector<16xi32>
    %swap3A_68 = vector.shape_cast %and3A_62 : vector<16xi32> to vector<1x16xi32>
    tpu.vector_store %arg8[%swap3A_64, %swap3A_65], %swap3A_68 {strides = array<i32>} : memref<2x80xi32, #tpu.memory_space<vmem>>, vector<1x16xi32>,
    %get3A_69 = arith.constant 0 : i32
    %get3A_70 = arith.index_cast %get3A_69 : i32 to index
    %get3A_71 = arith.constant 48 : index
    %get3A_72 = tpu.vector_load %arg6[%get3A_70, %get3A_71] {strides = array<i32>} : memref<125x80xi32, #tpu.memory_space<vmem>>, vector<1x16xi32>,
    %get3A_73 = vector.shape_cast %get3A_72 : vector<1x16xi32> to vector<16xi32>
    %shift_right_logical3A_74 = arith.constant 16 : i32
    %shift_right_logical3A_75 = vector.broadcast %shift_right_logical3A_74 : i32 to vector<16xi32>
    %shift_right_logical3A_76 = arith.shrui %get3A_73, %shift_right_logical3A_75 : vector<16xi32>
    %swap3A_77 = arith.constant 0 : i32
    %swap3A_78 = arith.index_cast %swap3A_77 : i32 to index
    %swap3A_79 = arith.constant 48 : index
    %swap3A_80 = tpu.vector_load %arg7[%swap3A_78, %swap3A_79] {strides = array<i32>} : memref<2x80xi32, #tpu.memory_space<vmem>>, vector<1x16xi32>,
    %swap3A_81 = vector.shape_cast %swap3A_80 : vector<1x16xi32> to vector<16xi32>
    %swap3A_82 = vector.shape_cast %shift_right_logical3A_76 : vector<16xi32> to vector<1x16xi32>
    tpu.vector_store %arg7[%swap3A_78, %swap3A_79], %swap3A_82 {strides = array<i32>} : memref<2x80xi32, #tpu.memory_space<vmem>>, vector<1x16xi32>,
    %and3A_83 = arith.constant 65535 : i32
    %and3A_84 = vector.broadcast %and3A_83 : i32 to vector<16xi32>
    %and3A_85 = arith.andi %get3A_73, %and3A_84 : vector<16xi32>
    %swap3A_86 = arith.constant 0 : i32
    %swap3A_87 = arith.index_cast %swap3A_86 : i32 to index
    %swap3A_88 = arith.constant 48 : index
    %swap3A_89 = tpu.vector_load %arg8[%swap3A_87, %swap3A_88] {strides = array<i32>} : memref<2x80xi32, #tpu.memory_space<vmem>>, vector<1x16xi32>,
    %swap3A_90 = vector.shape_cast %swap3A_89 : vector<1x16xi32> to vector<16xi32>
    %swap3A_91 = vector.shape_cast %and3A_85 : vector<16xi32> to vector<1x16xi32>
    tpu.vector_store %arg8[%swap3A_87, %swap3A_88], %swap3A_91 {strides = array<i32>} : memref<2x80xi32, #tpu.memory_space<vmem>>, vector<1x16xi32>,
    %get3A_92 = arith.constant 0 : i32
    %get3A_93 = arith.index_cast %get3A_92 : i32 to index
    %get3A_94 = arith.constant 64 : index
    %get3A_95 = tpu.vector_load %arg6[%get3A_93, %get3A_94] {strides = array<i32>} : memref<125x80xi32, #tpu.memory_space<vmem>>, vector<1x16xi32>,
    %get3A_96 = vector.shape_cast %get3A_95 : vector<1x16xi32> to vector<16xi32>
    %shift_right_logical3A_97 = arith.constant 16 : i32
    %shift_right_logical3A_98 = vector.broadcast %shift_right_logical3A_97 : i32 to vector<16xi32>
    %shift_right_logical3A_99 = arith.shrui %get3A_96, %shift_right_logical3A_98 : vector<16xi32>
    %swap3A_100 = arith.constant 0 : i32
    %swap3A_101 = arith.index_cast %swap3A_100 : i32 to index
    %swap3A_102 = arith.constant 64 : index
    %swap3A_103 = tpu.vector_load %arg7[%swap3A_101, %swap3A_102] {strides = array<i32>} : memref<2x80xi32, #tpu.memory_space<vmem>>, vector<1x16xi32>,
    %swap3A_104 = vector.shape_cast %swap3A_103 : vector<1x16xi32> to vector<16xi32>
    %swap3A_105 = vector.shape_cast %shift_right_logical3A_99 : vector<16xi32> to vector<1x16xi32>
    tpu.vector_store %arg7[%swap3A_101, %swap3A_102], %swap3A_105 {strides = array<i32>} : memref<2x80xi32, #tpu.memory_space<vmem>>, vector<1x16xi32>,
    %and3A_106 = arith.constant 65535 : i32
    %and3A_107 = vector.broadcast %and3A_106 : i32 to vector<16xi32>
    %and3A_108 = arith.andi %get3A_96, %and3A_107 : vector<16xi32>
    %swap3A_109 = arith.constant 0 : i32
    %swap3A_110 = arith.index_cast %swap3A_109 : i32 to index
    %swap3A_111 = arith.constant 64 : index
    %swap3A_112 = tpu.vector_load %arg8[%swap3A_110, %swap3A_111] {strides = array<i32>} : memref<2x80xi32, #tpu.memory_space<vmem>>, vector<1x16xi32>,
    %swap3A_113 = vector.shape_cast %swap3A_112 : vector<1x16xi32> to vector<16xi32>
    %swap3A_114 = vector.shape_cast %and3A_108 : vector<16xi32> to vector<1x16xi32>
    tpu.vector_store %arg8[%swap3A_110, %swap3A_111], %swap3A_114 {strides = array<i32>} : memref<2x80xi32, #tpu.memory_space<vmem>>, vector<1x16xi32>,
    %dma_start3A_115 = arith.constant 0 : i32
    %dma_start3A_116 = arith.constant 0 : i32
    %dma_start3A_117 = arith.constant 0 : i32
    %dma_start3A_118 = arith.constant 0 : i32
    %dma_start3A_119 = tpu.memref_slice %arg9[%dma_start3A_116, %dma_start3A_117, %dma_start3A_118] : memref<2x80x128xf32, #tpu.memory_space<vmem>> -> memref<1x80x128xf32, #tpu.memory_space<vmem>>
    %dma_start3A_120 = tpu.memref_squeeze %dma_start3A_119 : memref<1x80x128xf32, #tpu.memory_space<vmem>> -> memref<80x128xf32, #tpu.memory_space<vmem>>
    %dma_start3A_121 = arith.constant 0 : i32
    %dma_start3A_122 = tpu.memref_slice %arg7[%dma_start3A_115, %dma_start3A_121] : memref<2x80xi32, #tpu.memory_space<vmem>> -> memref<1x80xi32, #tpu.memory_space<vmem>>
    %dma_start3A_123 = tpu.memref_squeeze %dma_start3A_122 : memref<1x80xi32, #tpu.memory_space<vmem>> -> memref<80xi32, #tpu.memory_space<vmem>>
    %dma_start3A_124 = arith.constant 0 : i32
    %dma_start3A_125 = arith.constant 0 : i32
    %dma_start3A_126 = tpu.memref_slice %arg4[%dma_start3A_124, %dma_start3A_125] : memref<10240x128xf32, #tpu.memory_space<hbm>> -> memref<10240x128xf32, #tpu.memory_space<hbm>>
    tpu.enqueue_indirect_dma source(%dma_start3A_126 : memref<10240x128xf32, #tpu.memory_space<hbm>>) target(%dma_start3A_120 : memref<80x128xf32, #tpu.memory_space<vmem>>) offsets(%dma_start3A_123 : memref<80xi32, #tpu.memory_space<vmem>>) semaphore(%arg11 : memref<!tpu.dma_semaphore, #tpu.memory_space<semaphore_mem>>)
    %mul3A_127 = arith.constant 640 : i32
    %mul3A_128 = arith.muli %arg1, %mul3A_127 : i32
    %dma_wait3A = arith.constant 0 : i32
    %dma_wait3A_129 = tpu.memref_slice %arg10[%mul3A_128, %dma_wait3A] : memref<10240x128xf32, #tpu.memory_space<vmem_shared>> -> memref<640x128xf32, #tpu.memory_space<vmem_shared>>
    tpu.wait_dma2 semaphore(%arg13 : memref<!tpu.dma_semaphore, #tpu.memory_space<semaphore_mem>>) src(%arg3 : memref<640x128xf32, #tpu.memory_space<hbm>>) dst(%dma_wait3A_129 : memref<640x128xf32, #tpu.memory_space<vmem_shared>>)
    %barrier3A = arith.constant 0 : index
    tpu.barrier barrier_id(%barrier3A)
    %scan3A = arith.constant 0 : i32
    %scan3A_130 = arith.constant 0 : i32
    %scan3A_131 = arith.constant 125 : i32
    %scan3A_132 = arith.addi %scan3A_130, %scan3A_131 : i32
    %scan3A_133 = arith.constant 1 : i32
    scf.for %scan3A_140 = %scan3A_130 to %scan3A_132 step %scan3A_133  : i32 {
      %rem3A = arith.constant 2 : i32
      %rem3A_141 = arith.remsi %scan3A_140, %rem3A : i32
      %add3A_142 = arith.constant 1 : i32
      %add3A_143 = arith.addi %scan3A_140, %add3A_142 : i32
      %lt3A = arith.constant 125 : i32
      %lt3A_144 = arith.cmpi slt, %add3A_143, %lt3A : i32
      %convert_element_type3A = arith.extui %lt3A_144 : i1 to i32
      %cond3A = arith.constant 0 : i32
      %cond3A_145 = arith.cmpi ne, %convert_element_type3A, %cond3A : i32
      scf.if %cond3A_145 {
        %add3A_156 = arith.constant 1 : i32
        %add3A_157 = arith.addi %scan3A_140, %add3A_156 : i32
        %sub3A = arith.constant 1 : i32
        %sub3A_158 = arith.subi %sub3A, %rem3A_141 : i32
        %get3A_159 = arith.index_cast %add3A_157 : i32 to index
        %get3A_160 = arith.constant 0 : index
        %get3A_161 = tpu.vector_load %arg6[%get3A_159, %get3A_160] {strides = array<i32>} : memref<125x80xi32, #tpu.memory_space<vmem>>, vector<1x16xi32>,
        %get3A_162 = vector.shape_cast %get3A_161 : vector<1x16xi32> to vector<16xi32>
        %shift_right_logical3A_163 = arith.constant 16 : i32
        %shift_right_logical3A_164 = vector.broadcast %shift_right_logical3A_163 : i32 to vector<16xi32>
        %shift_right_logical3A_165 = arith.shrui %get3A_162, %shift_right_logical3A_164 : vector<16xi32>
        %swap3A_166 = arith.index_cast %sub3A_158 : i32 to index
        %swap3A_167 = arith.constant 0 : index
        %swap3A_168 = tpu.vector_load %arg7[%swap3A_166, %swap3A_167] {strides = array<i32>} : memref<2x80xi32, #tpu.memory_space<vmem>>, vector<1x16xi32>,
        %swap3A_169 = vector.shape_cast %swap3A_168 : vector<1x16xi32> to vector<16xi32>
        %swap3A_170 = vector.shape_cast %shift_right_logical3A_165 : vector<16xi32> to vector<1x16xi32>
        tpu.vector_store %arg7[%swap3A_166, %swap3A_167], %swap3A_170 {strides = array<i32>} : memref<2x80xi32, #tpu.memory_space<vmem>>, vector<1x16xi32>,
        %and3A_171 = arith.constant 65535 : i32
        %and3A_172 = vector.broadcast %and3A_171 : i32 to vector<16xi32>
        %and3A_173 = arith.andi %get3A_162, %and3A_172 : vector<16xi32>
        %swap3A_174 = arith.index_cast %sub3A_158 : i32 to index
        %swap3A_175 = arith.constant 0 : index
        %swap3A_176 = tpu.vector_load %arg8[%swap3A_174, %swap3A_175] {strides = array<i32>} : memref<2x80xi32, #tpu.memory_space<vmem>>, vector<1x16xi32>,
        %swap3A_177 = vector.shape_cast %swap3A_176 : vector<1x16xi32> to vector<16xi32>
        %swap3A_178 = vector.shape_cast %and3A_173 : vector<16xi32> to vector<1x16xi32>
        tpu.vector_store %arg8[%swap3A_174, %swap3A_175], %swap3A_178 {strides = array<i32>} : memref<2x80xi32, #tpu.memory_space<vmem>>, vector<1x16xi32>,
        %get3A_179 = arith.index_cast %add3A_157 : i32 to index
        %get3A_180 = arith.constant 16 : index
        %get3A_181 = tpu.vector_load %arg6[%get3A_179, %get3A_180] {strides = array<i32>} : memref<125x80xi32, #tpu.memory_space<vmem>>, vector<1x16xi32>,
        %get3A_182 = vector.shape_cast %get3A_181 : vector<1x16xi32> to vector<16xi32>
        %shift_right_logical3A_183 = arith.constant 16 : i32
        %shift_right_logical3A_184 = vector.broadcast %shift_right_logical3A_183 : i32 to vector<16xi32>
        %shift_right_logical3A_185 = arith.shrui %get3A_182, %shift_right_logical3A_184 : vector<16xi32>
        %swap3A_186 = arith.index_cast %sub3A_158 : i32 to index
        %swap3A_187 = arith.constant 16 : index
        %swap3A_188 = tpu.vector_load %arg7[%swap3A_186, %swap3A_187] {strides = array<i32>} : memref<2x80xi32, #tpu.memory_space<vmem>>, vector<1x16xi32>,
        %swap3A_189 = vector.shape_cast %swap3A_188 : vector<1x16xi32> to vector<16xi32>
        %swap3A_190 = vector.shape_cast %shift_right_logical3A_185 : vector<16xi32> to vector<1x16xi32>
        tpu.vector_store %arg7[%swap3A_186, %swap3A_187], %swap3A_190 {strides = array<i32>} : memref<2x80xi32, #tpu.memory_space<vmem>>, vector<1x16xi32>,
        %and3A_191 = arith.constant 65535 : i32
        %and3A_192 = vector.broadcast %and3A_191 : i32 to vector<16xi32>
        %and3A_193 = arith.andi %get3A_182, %and3A_192 : vector<16xi32>
        %swap3A_194 = arith.index_cast %sub3A_158 : i32 to index
        %swap3A_195 = arith.constant 16 : index
        %swap3A_196 = tpu.vector_load %arg8[%swap3A_194, %swap3A_195] {strides = array<i32>} : memref<2x80xi32, #tpu.memory_space<vmem>>, vector<1x16xi32>,
        %swap3A_197 = vector.shape_cast %swap3A_196 : vector<1x16xi32> to vector<16xi32>
        %swap3A_198 = vector.shape_cast %and3A_193 : vector<16xi32> to vector<1x16xi32>
        tpu.vector_store %arg8[%swap3A_194, %swap3A_195], %swap3A_198 {strides = array<i32>} : memref<2x80xi32, #tpu.memory_space<vmem>>, vector<1x16xi32>,
        %get3A_199 = arith.index_cast %add3A_157 : i32 to index
        %get3A_200 = arith.constant 32 : index
        %get3A_201 = tpu.vector_load %arg6[%get3A_199, %get3A_200] {strides = array<i32>} : memref<125x80xi32, #tpu.memory_space<vmem>>, vector<1x16xi32>,
        %get3A_202 = vector.shape_cast %get3A_201 : vector<1x16xi32> to vector<16xi32>
        %shift_right_logical3A_203 = arith.constant 16 : i32
        %shift_right_logical3A_204 = vector.broadcast %shift_right_logical3A_203 : i32 to vector<16xi32>
        %shift_right_logical3A_205 = arith.shrui %get3A_202, %shift_right_logical3A_204 : vector<16xi32>
        %swap3A_206 = arith.index_cast %sub3A_158 : i32 to index
        %swap3A_207 = arith.constant 32 : index
        %swap3A_208 = tpu.vector_load %arg7[%swap3A_206, %swap3A_207] {strides = array<i32>} : memref<2x80xi32, #tpu.memory_space<vmem>>, vector<1x16xi32>,
        %swap3A_209 = vector.shape_cast %swap3A_208 : vector<1x16xi32> to vector<16xi32>
        %swap3A_210 = vector.shape_cast %shift_right_logical3A_205 : vector<16xi32> to vector<1x16xi32>
        tpu.vector_store %arg7[%swap3A_206, %swap3A_207], %swap3A_210 {strides = array<i32>} : memref<2x80xi32, #tpu.memory_space<vmem>>, vector<1x16xi32>,
        %and3A_211 = arith.constant 65535 : i32
        %and3A_212 = vector.broadcast %and3A_211 : i32 to vector<16xi32>
        %and3A_213 = arith.andi %get3A_202, %and3A_212 : vector<16xi32>
        %swap3A_214 = arith.index_cast %sub3A_158 : i32 to index
        %swap3A_215 = arith.constant 32 : index
        %swap3A_216 = tpu.vector_load %arg8[%swap3A_214, %swap3A_215] {strides = array<i32>} : memref<2x80xi32, #tpu.memory_space<vmem>>, vector<1x16xi32>,
        %swap3A_217 = vector.shape_cast %swap3A_216 : vector<1x16xi32> to vector<16xi32>
        %swap3A_218 = vector.shape_cast %and3A_213 : vector<16xi32> to vector<1x16xi32>
        tpu.vector_store %arg8[%swap3A_214, %swap3A_215], %swap3A_218 {strides = array<i32>} : memref<2x80xi32, #tpu.memory_space<vmem>>, vector<1x16xi32>,
        %get3A_219 = arith.index_cast %add3A_157 : i32 to index
        %get3A_220 = arith.constant 48 : index
        %get3A_221 = tpu.vector_load %arg6[%get3A_219, %get3A_220] {strides = array<i32>} : memref<125x80xi32, #tpu.memory_space<vmem>>, vector<1x16xi32>,
        %get3A_222 = vector.shape_cast %get3A_221 : vector<1x16xi32> to vector<16xi32>
        %shift_right_logical3A_223 = arith.constant 16 : i32
        %shift_right_logical3A_224 = vector.broadcast %shift_right_logical3A_223 : i32 to vector<16xi32>
        %shift_right_logical3A_225 = arith.shrui %get3A_222, %shift_right_logical3A_224 : vector<16xi32>
        %swap3A_226 = arith.index_cast %sub3A_158 : i32 to index
        %swap3A_227 = arith.constant 48 : index
        %swap3A_228 = tpu.vector_load %arg7[%swap3A_226, %swap3A_227] {strides = array<i32>} : memref<2x80xi32, #tpu.memory_space<vmem>>, vector<1x16xi32>,
        %swap3A_229 = vector.shape_cast %swap3A_228 : vector<1x16xi32> to vector<16xi32>
        %swap3A_230 = vector.shape_cast %shift_right_logical3A_225 : vector<16xi32> to vector<1x16xi32>
        tpu.vector_store %arg7[%swap3A_226, %swap3A_227], %swap3A_230 {strides = array<i32>} : memref<2x80xi32, #tpu.memory_space<vmem>>, vector<1x16xi32>,
        %and3A_231 = arith.constant 65535 : i32
        %and3A_232 = vector.broadcast %and3A_231 : i32 to vector<16xi32>
        %and3A_233 = arith.andi %get3A_222, %and3A_232 : vector<16xi32>
        %swap3A_234 = arith.index_cast %sub3A_158 : i32 to index
        %swap3A_235 = arith.constant 48 : index
        %swap3A_236 = tpu.vector_load %arg8[%swap3A_234, %swap3A_235] {strides = array<i32>} : memref<2x80xi32, #tpu.memory_space<vmem>>, vector<1x16xi32>,
        %swap3A_237 = vector.shape_cast %swap3A_236 : vector<1x16xi32> to vector<16xi32>
        %swap3A_238 = vector.shape_cast %and3A_233 : vector<16xi32> to vector<1x16xi32>
        tpu.vector_store %arg8[%swap3A_234, %swap3A_235], %swap3A_238 {strides = array<i32>} : memref<2x80xi32, #tpu.memory_space<vmem>>, vector<1x16xi32>,
        %get3A_239 = arith.index_cast %add3A_157 : i32 to index
        %get3A_240 = arith.constant 64 : index
        %get3A_241 = tpu.vector_load %arg6[%get3A_239, %get3A_240] {strides = array<i32>} : memref<125x80xi32, #tpu.memory_space<vmem>>, vector<1x16xi32>,
        %get3A_242 = vector.shape_cast %get3A_241 : vector<1x16xi32> to vector<16xi32>
        %shift_right_logical3A_243 = arith.constant 16 : i32
        %shift_right_logical3A_244 = vector.broadcast %shift_right_logical3A_243 : i32 to vector<16xi32>
        %shift_right_logical3A_245 = arith.shrui %get3A_242, %shift_right_logical3A_244 : vector<16xi32>
        %swap3A_246 = arith.index_cast %sub3A_158 : i32 to index
        %swap3A_247 = arith.constant 64 : index
        %swap3A_248 = tpu.vector_load %arg7[%swap3A_246, %swap3A_247] {strides = array<i32>} : memref<2x80xi32, #tpu.memory_space<vmem>>, vector<1x16xi32>,
        %swap3A_249 = vector.shape_cast %swap3A_248 : vector<1x16xi32> to vector<16xi32>
        %swap3A_250 = vector.shape_cast %shift_right_logical3A_245 : vector<16xi32> to vector<1x16xi32>
        tpu.vector_store %arg7[%swap3A_246, %swap3A_247], %swap3A_250 {strides = array<i32>} : memref<2x80xi32, #tpu.memory_space<vmem>>, vector<1x16xi32>,
        %and3A_251 = arith.constant 65535 : i32
        %and3A_252 = vector.broadcast %and3A_251 : i32 to vector<16xi32>
        %and3A_253 = arith.andi %get3A_242, %and3A_252 : vector<16xi32>
        %swap3A_254 = arith.index_cast %sub3A_158 : i32 to index
        %swap3A_255 = arith.constant 64 : index
        %swap3A_256 = tpu.vector_load %arg8[%swap3A_254, %swap3A_255] {strides = array<i32>} : memref<2x80xi32, #tpu.memory_space<vmem>>, vector<1x16xi32>,
        %swap3A_257 = vector.shape_cast %swap3A_256 : vector<1x16xi32> to vector<16xi32>
        %swap3A_258 = vector.shape_cast %and3A_253 : vector<16xi32> to vector<1x16xi32>
        tpu.vector_store %arg8[%swap3A_254, %swap3A_255], %swap3A_258 {strides = array<i32>} : memref<2x80xi32, #tpu.memory_space<vmem>>, vector<1x16xi32>,
        %sub3A_259 = arith.constant 1 : i32
        %sub3A_260 = arith.subi %sub3A_259, %rem3A_141 : i32
        %sub3A_261 = arith.constant 1 : i32
        %sub3A_262 = arith.subi %sub3A_261, %rem3A_141 : i32
        %dma_start3A_263 = arith.constant 0 : i32
        %dma_start3A_264 = arith.constant 0 : i32
        %dma_start3A_265 = tpu.memref_slice %arg9[%sub3A_262, %dma_start3A_263, %dma_start3A_264] : memref<2x80x128xf32, #tpu.memory_space<vmem>> -> memref<1x80x128xf32, #tpu.memory_space<vmem>>
        %dma_start3A_266 = tpu.memref_squeeze %dma_start3A_265 : memref<1x80x128xf32, #tpu.memory_space<vmem>> -> memref<80x128xf32, #tpu.memory_space<vmem>>
        %dma_start3A_267 = arith.constant 0 : i32
        %dma_start3A_268 = tpu.memref_slice %arg7[%sub3A_260, %dma_start3A_267] : memref<2x80xi32, #tpu.memory_space<vmem>> -> memref<1x80xi32, #tpu.memory_space<vmem>>
        %dma_start3A_269 = tpu.memref_squeeze %dma_start3A_268 : memref<1x80xi32, #tpu.memory_space<vmem>> -> memref<80xi32, #tpu.memory_space<vmem>>
        %dma_start3A_270 = arith.constant 0 : i32
        %dma_start3A_271 = arith.constant 0 : i32
        %dma_start3A_272 = tpu.memref_slice %arg4[%dma_start3A_270, %dma_start3A_271] : memref<10240x128xf32, #tpu.memory_space<hbm>> -> memref<10240x128xf32, #tpu.memory_space<hbm>>
        tpu.enqueue_indirect_dma source(%dma_start3A_272 : memref<10240x128xf32, #tpu.memory_space<hbm>>) target(%dma_start3A_266 : memref<80x128xf32, #tpu.memory_space<vmem>>) offsets(%dma_start3A_269 : memref<80xi32, #tpu.memory_space<vmem>>) semaphore(%arg11 : memref<!tpu.dma_semaphore, #tpu.memory_space<semaphore_mem>>)
      } else {
      }
      %dma_wait3A_146 = arith.constant 0 : i32
      %dma_wait3A_147 = arith.constant 0 : i32
      %dma_wait3A_148 = tpu.memref_slice %arg9[%rem3A_141, %dma_wait3A_146, %dma_wait3A_147] : memref<2x80x128xf32, #tpu.memory_space<vmem>> -> memref<1x80x128xf32, #tpu.memory_space<vmem>>
      %dma_wait3A_149 = tpu.memref_squeeze %dma_wait3A_148 : memref<1x80x128xf32, #tpu.memory_space<vmem>> -> memref<80x128xf32, #tpu.memory_space<vmem>>
      %dma_wait3A_150 = arith.constant 0 : i32
      %dma_wait3A_151 = tpu.memref_slice %arg7[%rem3A_141, %dma_wait3A_150] : memref<2x80xi32, #tpu.memory_space<vmem>> -> memref<1x80xi32, #tpu.memory_space<vmem>>
      %dma_wait3A_152 = tpu.memref_squeeze %dma_wait3A_151 : memref<1x80xi32, #tpu.memory_space<vmem>> -> memref<80xi32, #tpu.memory_space<vmem>>
      %dma_wait3A_153 = arith.constant 0 : i32
      %dma_wait3A_154 = arith.constant 0 : i32
      %dma_wait3A_155 = tpu.memref_slice %arg4[%dma_wait3A_153, %dma_wait3A_154] : memref<10240x128xf32, #tpu.memory_space<hbm>> -> memref<10240x128xf32, #tpu.memory_space<hbm>>
      tpu.wait_indirect_dma semaphore(%arg11 : memref<!tpu.dma_semaphore, #tpu.memory_space<semaphore_mem>>) src(%dma_wait3A_155 : memref<10240x128xf32, #tpu.memory_space<hbm>>) dst(%dma_wait3A_149 : memref<80x128xf32, #tpu.memory_space<vmem>>)
      "tpu.region"() ({
        %run_scoped3A = tpu.sem_alloc : memref<!tpu.dma_semaphore, #tpu.memory_space<semaphore_mem>>
        %dma_start3A_156 = arith.constant 0 : i32
        %dma_start3A_157 = arith.constant 0 : i32
        %dma_start3A_158 = tpu.memref_slice %arg9[%rem3A_141, %dma_start3A_156, %dma_start3A_157] : memref<2x80x128xf32, #tpu.memory_space<vmem>> -> memref<1x80x128xf32, #tpu.memory_space<vmem>>
        %dma_start3A_159 = tpu.memref_squeeze %dma_start3A_158 : memref<1x80x128xf32, #tpu.memory_space<vmem>> -> memref<80x128xf32, #tpu.memory_space<vmem>>
        %dma_start3A_160 = arith.constant 0 : i32
        %dma_start3A_161 = tpu.memref_slice %arg8[%rem3A_141, %dma_start3A_160] : memref<2x80xi32, #tpu.memory_space<vmem>> -> memref<1x80xi32, #tpu.memory_space<vmem>>
        %dma_start3A_162 = tpu.memref_squeeze %dma_start3A_161 : memref<1x80xi32, #tpu.memory_space<vmem>> -> memref<80xi32, #tpu.memory_space<vmem>>
        %dma_start3A_163 = arith.constant 0 : i32
        %dma_start3A_164 = arith.constant 0 : i32
        %dma_start3A_165 = tpu.memref_slice %arg10[%dma_start3A_163, %dma_start3A_164] : memref<10240x128xf32, #tpu.memory_space<vmem_shared>> -> memref<10240x128xf32, #tpu.memory_space<vmem_shared>>
        tpu.enqueue_indirect_dma source(%dma_start3A_159 : memref<80x128xf32, #tpu.memory_space<vmem>>) target(%dma_start3A_165 : memref<10240x128xf32, #tpu.memory_space<vmem_shared>>) offsets(%dma_start3A_162 : memref<80xi32, #tpu.memory_space<vmem>>) semaphore(%run_scoped3A : memref<!tpu.dma_semaphore, #tpu.memory_space<semaphore_mem>>) {add = true}
        %dma_wait3A_166 = arith.constant 0 : i32
        %dma_wait3A_167 = arith.constant 0 : i32
        %dma_wait3A_168 = tpu.memref_slice %arg9[%rem3A_141, %dma_wait3A_166, %dma_wait3A_167] : memref<2x80x128xf32, #tpu.memory_space<vmem>> -> memref<1x80x128xf32, #tpu.memory_space<vmem>>
        %dma_wait3A_169 = tpu.memref_squeeze %dma_wait3A_168 : memref<1x80x128xf32, #tpu.memory_space<vmem>> -> memref<80x128xf32, #tpu.memory_space<vmem>>
        %dma_wait3A_170 = arith.constant 0 : i32
        %dma_wait3A_171 = tpu.memref_slice %arg8[%rem3A_141, %dma_wait3A_170] : memref<2x80xi32, #tpu.memory_space<vmem>> -> memref<1x80xi32, #tpu.memory_space<vmem>>
        %dma_wait3A_172 = tpu.memref_squeeze %dma_wait3A_171 : memref<1x80xi32, #tpu.memory_space<vmem>> -> memref<80xi32, #tpu.memory_space<vmem>>
        %dma_wait3A_173 = arith.constant 0 : i32
        %dma_wait3A_174 = arith.constant 0 : i32
        %dma_wait3A_175 = tpu.memref_slice %arg10[%dma_wait3A_173, %dma_wait3A_174] : memref<10240x128xf32, #tpu.memory_space<vmem_shared>> -> memref<10240x128xf32, #tpu.memory_space<vmem_shared>>
        tpu.wait_indirect_dma semaphore(%run_scoped3A : memref<!tpu.dma_semaphore, #tpu.memory_space<semaphore_mem>>) src(%dma_wait3A_169 : memref<80x128xf32, #tpu.memory_space<vmem>>) dst(%dma_wait3A_175 : memref<10240x128xf32, #tpu.memory_space<vmem_shared>>)
        tpu.yield
      }) : () -> ()
    }
    %scan3A_134 = arith.constant 125 : i32
    %barrier3A_135 = arith.constant 0 : index
    tpu.barrier barrier_id(%barrier3A_135)
    %mul3A_136 = arith.constant 640 : i32
    %mul3A_137 = arith.muli %arg1, %mul3A_136 : i32
    %mul3A_138 = arith.constant 640 : i32
    %mul3A_139 = arith.muli %arg1, %mul3A_138 : i32
    "tpu.region"() ({
      %run_scoped3A = tpu.sem_alloc : memref<!tpu.dma_semaphore, #tpu.memory_space<semaphore_mem>>
      %dma_start3A_140 = arith.constant 0 : i32
      %dma_start3A_141 = tpu.memref_slice %arg5[%arg0, %mul3A_139, %dma_start3A_140] : memref<2x10240x128xf32, #tpu.memory_space<hbm>> -> memref<1x640x128xf32, #tpu.memory_space<hbm>>
      %dma_start3A_142 = tpu.memref_squeeze %dma_start3A_141 : memref<1x640x128xf32, #tpu.memory_space<hbm>> -> memref<640x128xf32, #tpu.memory_space<hbm>>
      %dma_start3A_143 = arith.constant 0 : i32
      %dma_start3A_144 = tpu.memref_slice %arg10[%mul3A_137, %dma_start3A_143] : memref<10240x128xf32, #tpu.memory_space<vmem_shared>> -> memref<640x128xf32, #tpu.memory_space<vmem_shared>>
      tpu.enqueue_dma source(%dma_start3A_144 : memref<640x128xf32, #tpu.memory_space<vmem_shared>>) target(%dma_start3A_142 : memref<640x128xf32, #tpu.memory_space<hbm>>) target_semaphore(%run_scoped3A : memref<!tpu.dma_semaphore, #tpu.memory_space<semaphore_mem>>)
      %dma_wait3A_145 = arith.constant 0 : i32
      %dma_wait3A_146 = tpu.memref_slice %arg5[%arg0, %mul3A_139, %dma_wait3A_145] : memref<2x10240x128xf32, #tpu.memory_space<hbm>> -> memref<1x640x128xf32, #tpu.memory_space<hbm>>
      %dma_wait3A_147 = tpu.memref_squeeze %dma_wait3A_146 : memref<1x640x128xf32, #tpu.memory_space<hbm>> -> memref<640x128xf32, #tpu.memory_space<hbm>>
      %dma_wait3A_148 = arith.constant 0 : i32
      %dma_wait3A_149 = tpu.memref_slice %arg10[%mul3A_137, %dma_wait3A_148] : memref<10240x128xf32, #tpu.memory_space<vmem_shared>> -> memref<640x128xf32, #tpu.memory_space<vmem_shared>>
      tpu.wait_dma2 semaphore(%run_scoped3A : memref<!tpu.dma_semaphore, #tpu.memory_space<semaphore_mem>>) src(%dma_wait3A_149 : memref<640x128xf32, #tpu.memory_space<vmem_shared>>) dst(%dma_wait3A_147 : memref<640x128xf32, #tpu.memory_space<hbm>>)
      tpu.yield
    }) : () -> ()
    return
  }
}

module attributes {stable_mosaic.version = 14 : i64} {
  func.func @_first_tc_body(%arg0: i32, %arg1: memref<1024x4xf32, #tpu.memory_space<vmem>>, %arg2: memref<1024x128xf32, #tpu.memory_space<vmem>>, %arg3: memref<128x128xf32, #tpu.memory_space<vmem>>, %arg4: memref<1024x128xf32, #tpu.memory_space<vmem>>) attributes {dimension_semantics = [#tpu.dimension_semantics<arbitrary>], iteration_bounds = array<i64: 10>, scalar_prefetch = 0 : i64, scratch_operands = 0 : i64, tpu.core_type = #tpu.core_type<tc>, window_params = [{transform_indices = @transform_0, window_bounds = array<i64: 1024, 4>}, {transform_indices = @transform_1, window_bounds = array<i64: 1024, 128>}, {pipeline_mode = #tpu.pipeline_mode<synchronous>, transform_indices = @transform_2, window_bounds = array<i64: 128, 128>}, {transform_indices = @transform_3, window_bounds = array<i64: 1024, 128>}]} {
    %get3A = arith.constant 0 : index
    %get3A_0 = arith.constant 0 : index
    %get3A_1 = vector.load %arg1[%get3A, %get3A_0] : memref<1024x4xf32, #tpu.memory_space<vmem>>, vector<1024x1xf32>
    %get3A_2 = arith.constant 0 : index
    %get3A_3 = arith.constant 2 : index
    %get3A_4 = vector.load %arg1[%get3A_2, %get3A_3] : memref<1024x4xf32, #tpu.memory_space<vmem>>, vector<1024x1xf32>
    %add3A = arith.addf %get3A_1, %get3A_4 : vector<1024x1xf32>
    %max3A = arith.constant 1.000000e+00 : f32
    %max3A_5 = vector.broadcast %max3A : f32 to vector<1024x1xf32>
    %max3A_6 = arith.maximumf %add3A, %max3A_5 : vector<1024x1xf32>
    %rsqrt3A = math.rsqrt %max3A_6 : vector<1024x1xf32>
    %mul3A = arith.constant 5.000000e-01 : f32
    %mul3A_7 = vector.broadcast %mul3A : f32 to vector<1024x1xf32>
    %mul3A_8 = arith.mulf %mul3A_7, %max3A_6 : vector<1024x1xf32>
    %mul3A_9 = arith.mulf %mul3A_8, %rsqrt3A : vector<1024x1xf32>
    %mul3A_10 = arith.mulf %mul3A_9, %rsqrt3A : vector<1024x1xf32>
    %sub3A = arith.constant 1.500000e+00 : f32
    %sub3A_11 = vector.broadcast %sub3A : f32 to vector<1024x1xf32>
    %sub3A_12 = arith.subf %sub3A_11, %mul3A_10 : vector<1024x1xf32>
    %mul3A_13 = arith.mulf %rsqrt3A, %sub3A_12 : vector<1024x1xf32>
    %get3A_14 = arith.constant 0 : index
    %get3A_15 = arith.constant 0 : index
    %get3A_16 = vector.load %arg2[%get3A_14, %get3A_15] : memref<1024x128xf32, #tpu.memory_space<vmem>>, vector<1024x128xf32>
    %mul3A_17 = vector.broadcast %mul3A_13 : vector<1024x1xf32> to vector<1024x128xf32>
    %mul3A_18 = arith.mulf %get3A_16, %mul3A_17 : vector<1024x128xf32>
    %get3A_19 = arith.constant 0 : index
    %get3A_20 = arith.constant 0 : index
    %get3A_21 = vector.load %arg3[%get3A_19, %get3A_20] : memref<128x128xf32, #tpu.memory_space<vmem>>, vector<128x128xf32>
    %dot_general3A = arith.constant dense<0.000000e+00> : vector<1024x128xf32>
    %dot_general3A_22 = tpu.matmul %mul3A_18, %get3A_21, %dot_general3A {dimension_numbers = #tpu.dot_dimension_numbers<[1], [0], [0], [1], [0, 0, 1, 1], [], []>, precision = #tpu.contract_precision<fp32>, transpose_lhs_hint = false} : vector<1024x128xf32>, vector<128x128xf32>, vector<1024x128xf32> -> vector<1024x128xf32>
    %swap3A = arith.constant 0 : index
    %swap3A_23 = arith.constant 0 : index
    %swap3A_24 = vector.load %arg4[%swap3A, %swap3A_23] : memref<1024x128xf32, #tpu.memory_space<vmem>>, vector<1024x128xf32>
    tpu.vector_store %arg4[%swap3A, %swap3A_23], %dot_general3A_22 {strides = array<i32>} : memref<1024x128xf32, #tpu.memory_space<vmem>>, vector<1024x128xf32>,
    return
  }
  func.func @transform_0(%arg0: i32) -> (i32, i32) {
    %c0_i32 = arith.constant 0 : i32
    %c0_i32_0 = arith.constant 0 : i32
    return %arg0, %c0_i32 : i32, i32
  }
  func.func @transform_1(%arg0: i32) -> (i32, i32) {
    %c0_i32 = arith.constant 0 : i32
    %c0_i32_0 = arith.constant 0 : i32
    return %arg0, %c0_i32 : i32, i32
  }
  func.func @transform_2(%arg0: i32) -> (i32, i32) {
    %c0_i32 = arith.constant 0 : i32
    %c0_i32_0 = arith.constant 0 : i32
    %c0_i32_1 = arith.constant 0 : i32
    return %c0_i32, %c0_i32_0 : i32, i32
  }
  func.func @transform_3(%arg0: i32) -> (i32, i32) {
    %c0_i32 = arith.constant 0 : i32
    %c0_i32_0 = arith.constant 0 : i32
    return %arg0, %c0_i32 : i32, i32
  }
}

module attributes {stable_mosaic.version = 14 : i64} {
  func.func @_layer_tc_body(%arg0: i32, %arg1: memref<2x1024x128xf32, #tpu.memory_space<vmem>>, %arg2: memref<1024x4xf32, #tpu.memory_space<vmem>>, %arg3: memref<1x128xf32, #tpu.memory_space<vmem>>, %arg4: memref<128x128xf32, #tpu.memory_space<vmem>>, %arg5: memref<1024x128xf32, #tpu.memory_space<vmem>>) attributes {dimension_semantics = [#tpu.dimension_semantics<arbitrary>], iteration_bounds = array<i64: 10>, scalar_prefetch = 0 : i64, scratch_operands = 0 : i64, tpu.core_type = #tpu.core_type<tc>, window_params = [{transform_indices = @transform_0, window_bounds = array<i64: 2, 1024, 128>}, {transform_indices = @transform_1, window_bounds = array<i64: 1024, 4>}, {pipeline_mode = #tpu.pipeline_mode<synchronous>, transform_indices = @transform_2, window_bounds = array<i64: 1, 128>}, {pipeline_mode = #tpu.pipeline_mode<synchronous>, transform_indices = @transform_3, window_bounds = array<i64: 128, 128>}, {transform_indices = @transform_4, window_bounds = array<i64: 1024, 128>}]} {
    %get3A = arith.constant 0 : index
    %get3A_0 = arith.constant 0 : index
    %get3A_1 = arith.constant 0 : index
    %get3A_2 = vector.load %arg1[%get3A, %get3A_0, %get3A_1] : memref<2x1024x128xf32, #tpu.memory_space<vmem>>, vector<1x1024x128xf32>
    %get3A_3 = vector.shape_cast %get3A_2 : vector<1x1024x128xf32> to vector<1024x128xf32>
    %get3A_4 = arith.constant 1 : index
    %get3A_5 = arith.constant 0 : index
    %get3A_6 = arith.constant 0 : index
    %get3A_7 = vector.load %arg1[%get3A_4, %get3A_5, %get3A_6] : memref<2x1024x128xf32, #tpu.memory_space<vmem>>, vector<1x1024x128xf32>
    %get3A_8 = vector.shape_cast %get3A_7 : vector<1x1024x128xf32> to vector<1024x128xf32>
    %add3A = arith.addf %get3A_3, %get3A_8 : vector<1024x128xf32>
    %get3A_9 = arith.constant 0 : index
    %get3A_10 = arith.constant 1 : index
    %get3A_11 = vector.load %arg2[%get3A_9, %get3A_10] : memref<1024x4xf32, #tpu.memory_space<vmem>>, vector<1024x1xf32>
    %get3A_12 = arith.constant 0 : index
    %get3A_13 = arith.constant 3 : index
    %get3A_14 = vector.load %arg2[%get3A_12, %get3A_13] : memref<1024x4xf32, #tpu.memory_space<vmem>>, vector<1024x1xf32>
    %add3A_15 = arith.addf %get3A_11, %get3A_14 : vector<1024x1xf32>
    %max3A = arith.constant 1.000000e+00 : f32
    %max3A_16 = vector.broadcast %max3A : f32 to vector<1024x1xf32>
    %max3A_17 = arith.maximumf %add3A_15, %max3A_16 : vector<1024x1xf32>
    %rsqrt3A = math.rsqrt %max3A_17 : vector<1024x1xf32>
    %mul3A = arith.constant 5.000000e-01 : f32
    %mul3A_18 = vector.broadcast %mul3A : f32 to vector<1024x1xf32>
    %mul3A_19 = arith.mulf %mul3A_18, %max3A_17 : vector<1024x1xf32>
    %mul3A_20 = arith.mulf %mul3A_19, %rsqrt3A : vector<1024x1xf32>
    %mul3A_21 = arith.mulf %mul3A_20, %rsqrt3A : vector<1024x1xf32>
    %sub3A = arith.constant 1.500000e+00 : f32
    %sub3A_22 = vector.broadcast %sub3A : f32 to vector<1024x1xf32>
    %sub3A_23 = arith.subf %sub3A_22, %mul3A_21 : vector<1024x1xf32>
    %mul3A_24 = arith.mulf %rsqrt3A, %sub3A_23 : vector<1024x1xf32>
    %get3A_25 = arith.constant 0 : index
    %get3A_26 = arith.constant 0 : index
    %get3A_27 = vector.load %arg2[%get3A_25, %get3A_26] : memref<1024x4xf32, #tpu.memory_space<vmem>>, vector<1024x1xf32>
    %get3A_28 = arith.constant 0 : index
    %get3A_29 = arith.constant 2 : index
    %get3A_30 = vector.load %arg2[%get3A_28, %get3A_29] : memref<1024x4xf32, #tpu.memory_space<vmem>>, vector<1024x1xf32>
    %add3A_31 = arith.addf %get3A_27, %get3A_30 : vector<1024x1xf32>
    %max3A_32 = arith.constant 1.000000e+00 : f32
    %max3A_33 = vector.broadcast %max3A_32 : f32 to vector<1024x1xf32>
    %max3A_34 = arith.maximumf %add3A_31, %max3A_33 : vector<1024x1xf32>
    %rsqrt3A_35 = math.rsqrt %max3A_34 : vector<1024x1xf32>
    %mul3A_36 = arith.constant 5.000000e-01 : f32
    %mul3A_37 = vector.broadcast %mul3A_36 : f32 to vector<1024x1xf32>
    %mul3A_38 = arith.mulf %mul3A_37, %max3A_34 : vector<1024x1xf32>
    %mul3A_39 = arith.mulf %mul3A_38, %rsqrt3A_35 : vector<1024x1xf32>
    %mul3A_40 = arith.mulf %mul3A_39, %rsqrt3A_35 : vector<1024x1xf32>
    %sub3A_41 = arith.constant 1.500000e+00 : f32
    %sub3A_42 = vector.broadcast %sub3A_41 : f32 to vector<1024x1xf32>
    %sub3A_43 = arith.subf %sub3A_42, %mul3A_40 : vector<1024x1xf32>
    %mul3A_44 = arith.mulf %rsqrt3A_35, %sub3A_43 : vector<1024x1xf32>
    %mul3A_45 = vector.broadcast %mul3A_24 : vector<1024x1xf32> to vector<1024x128xf32>
    %mul3A_46 = arith.mulf %add3A, %mul3A_45 : vector<1024x128xf32>
    %get3A_47 = arith.constant 0 : index
    %get3A_48 = arith.constant 0 : index
    %get3A_49 = vector.load %arg3[%get3A_47, %get3A_48] : memref<1x128xf32, #tpu.memory_space<vmem>>, vector<1x128xf32>
    %add3A_50 = vector.broadcast %get3A_49 : vector<1x128xf32> to vector<1024x128xf32>
    %add3A_51 = arith.addf %mul3A_46, %add3A_50 : vector<1024x128xf32>
    %max3A_52 = arith.constant 0.000000e+00 : f32
    %max3A_53 = vector.broadcast %max3A_52 : f32 to vector<1024x128xf32>
    %max3A_54 = arith.maximumf %add3A_51, %max3A_53 : vector<1024x128xf32>
    %mul3A_55 = vector.broadcast %mul3A_44 : vector<1024x1xf32> to vector<1024x128xf32>
    %mul3A_56 = arith.mulf %max3A_54, %mul3A_55 : vector<1024x128xf32>
    %get3A_57 = arith.constant 0 : index
    %get3A_58 = arith.constant 0 : index
    %get3A_59 = vector.load %arg4[%get3A_57, %get3A_58] : memref<128x128xf32, #tpu.memory_space<vmem>>, vector<128x128xf32>
    %dot_general3A = arith.constant dense<0.000000e+00> : vector<1024x128xf32>
    %dot_general3A_60 = tpu.matmul %mul3A_56, %get3A_59, %dot_general3A {dimension_numbers = #tpu.dot_dimension_numbers<[1], [0], [0], [1], [0, 0, 1, 1], [], []>, precision = #tpu.contract_precision<fp32>, transpose_lhs_hint = false} : vector<1024x128xf32>, vector<128x128xf32>, vector<1024x128xf32> -> vector<1024x128xf32>
    %swap3A = arith.constant 0 : index
    %swap3A_61 = arith.constant 0 : index
    %swap3A_62 = vector.load %arg5[%swap3A, %swap3A_61] : memref<1024x128xf32, #tpu.memory_space<vmem>>, vector<1024x128xf32>
    tpu.vector_store %arg5[%swap3A, %swap3A_61], %dot_general3A_60 {strides = array<i32>} : memref<1024x128xf32, #tpu.memory_space<vmem>>, vector<1024x128xf32>,
    return
  }
  func.func @transform_0(%arg0: i32) -> (i32, i32, i32) {
    %c0_i32 = arith.constant 0 : i32
    %c0_i32_0 = arith.constant 0 : i32
    %c0_i32_1 = arith.constant 0 : i32
    return %c0_i32, %arg0, %c0_i32_0 : i32, i32, i32
  }
  func.func @transform_1(%arg0: i32) -> (i32, i32) {
    %c0_i32 = arith.constant 0 : i32
    %c0_i32_0 = arith.constant 0 : i32
    return %arg0, %c0_i32 : i32, i32
  }
  func.func @transform_2(%arg0: i32) -> (i32, i32) {
    %c0_i32 = arith.constant 0 : i32
    %c0_i32_0 = arith.constant 0 : i32
    %c0_i32_1 = arith.constant 0 : i32
    return %c0_i32, %c0_i32_0 : i32, i32
  }
  func.func @transform_3(%arg0: i32) -> (i32, i32) {
    %c0_i32 = arith.constant 0 : i32
    %c0_i32_0 = arith.constant 0 : i32
    %c0_i32_1 = arith.constant 0 : i32
    return %c0_i32, %c0_i32_0 : i32, i32
  }
  func.func @transform_4(%arg0: i32) -> (i32, i32) {
    %c0_i32 = arith.constant 0 : i32
    %c0_i32_0 = arith.constant 0 : i32
    return %arg0, %c0_i32 : i32, i32
  }
}

module attributes {stable_mosaic.version = 14 : i64} {
  func.func @_final_tc_body(%arg0: i32, %arg1: memref<2x1024x128xf32, #tpu.memory_space<vmem>>, %arg2: memref<1024x4xf32, #tpu.memory_space<vmem>>, %arg3: memref<1x128xf32, #tpu.memory_space<vmem>>, %arg4: memref<384x128xf32, #tpu.memory_space<vmem>>, %arg5: memref<1x128xf32, #tpu.memory_space<vmem>>, %arg6: memref<1x128xf32, #tpu.memory_space<vmem>>, %arg7: memref<1x128xf32, #tpu.memory_space<vmem>>, %arg8: memref<128x1xf32, #tpu.memory_space<vmem>>, %arg9: memref<1x1xf32, #tpu.memory_space<vmem>>, %arg10: memref<1x1xf32, #tpu.memory_space<vmem>>, %arg11: memref<8x128xf32, #tpu.memory_space<vmem>>, %arg12: memref<8x128xf32, #tpu.memory_space<vmem>>) attributes {dimension_semantics = [#tpu.dimension_semantics<arbitrary>], iteration_bounds = array<i64: 10>, scalar_prefetch = 0 : i64, scratch_operands = 2 : i64, tpu.core_type = #tpu.core_type<tc>, window_params = [{transform_indices = @transform_0, window_bounds = array<i64: 2, 1024, 128>}, {transform_indices = @transform_1, window_bounds = array<i64: 1024, 4>}, {pipeline_mode = #tpu.pipeline_mode<synchronous>, transform_indices = @transform_2, window_bounds = array<i64: 1, 128>}, {pipeline_mode = #tpu.pipeline_mode<synchronous>, transform_indices = @transform_3, window_bounds = array<i64: 384, 128>}, {pipeline_mode = #tpu.pipeline_mode<synchronous>, transform_indices = @transform_4, window_bounds = array<i64: 1, 128>}, {pipeline_mode = #tpu.pipeline_mode<synchronous>, transform_indices = @transform_5, window_bounds = array<i64: 1, 128>}, {pipeline_mode = #tpu.pipeline_mode<synchronous>, transform_indices = @transform_6, window_bounds = array<i64: 1, 128>}, {pipeline_mode = #tpu.pipeline_mode<synchronous>, transform_indices = @transform_7, window_bounds = array<i64: 128, 1>}, {pipeline_mode = #tpu.pipeline_mode<synchronous>, transform_indices = @transform_8, window_bounds = array<i64: 1, 1>}, {pipeline_mode = #tpu.pipeline_mode<synchronous>, transform_indices = @transform_9, window_bounds = array<i64: 1, 1>}]} {
    %get3A = arith.constant 0 : index
    %get3A_0 = arith.constant 0 : index
    %get3A_1 = arith.constant 0 : index
    %get3A_2 = vector.load %arg1[%get3A, %get3A_0, %get3A_1] : memref<2x1024x128xf32, #tpu.memory_space<vmem>>, vector<1x1024x128xf32>
    %get3A_3 = vector.shape_cast %get3A_2 : vector<1x1024x128xf32> to vector<1024x128xf32>
    %get3A_4 = arith.constant 1 : index
    %get3A_5 = arith.constant 0 : index
    %get3A_6 = arith.constant 0 : index
    %get3A_7 = vector.load %arg1[%get3A_4, %get3A_5, %get3A_6] : memref<2x1024x128xf32, #tpu.memory_space<vmem>>, vector<1x1024x128xf32>
    %get3A_8 = vector.shape_cast %get3A_7 : vector<1x1024x128xf32> to vector<1024x128xf32>
    %add3A = arith.addf %get3A_3, %get3A_8 : vector<1024x128xf32>
    %get3A_9 = arith.constant 0 : index
    %get3A_10 = arith.constant 1 : index
    %get3A_11 = vector.load %arg2[%get3A_9, %get3A_10] : memref<1024x4xf32, #tpu.memory_space<vmem>>, vector<1024x1xf32>
    %get3A_12 = arith.constant 0 : index
    %get3A_13 = arith.constant 3 : index
    %get3A_14 = vector.load %arg2[%get3A_12, %get3A_13] : memref<1024x4xf32, #tpu.memory_space<vmem>>, vector<1024x1xf32>
    %add3A_15 = arith.addf %get3A_11, %get3A_14 : vector<1024x1xf32>
    %max3A = arith.constant 1.000000e+00 : f32
    %max3A_16 = vector.broadcast %max3A : f32 to vector<1024x1xf32>
    %max3A_17 = arith.maximumf %add3A_15, %max3A_16 : vector<1024x1xf32>
    %rsqrt3A = math.rsqrt %max3A_17 : vector<1024x1xf32>
    %mul3A = arith.constant 5.000000e-01 : f32
    %mul3A_18 = vector.broadcast %mul3A : f32 to vector<1024x1xf32>
    %mul3A_19 = arith.mulf %mul3A_18, %max3A_17 : vector<1024x1xf32>
    %mul3A_20 = arith.mulf %mul3A_19, %rsqrt3A : vector<1024x1xf32>
    %mul3A_21 = arith.mulf %mul3A_20, %rsqrt3A : vector<1024x1xf32>
    %sub3A = arith.constant 1.500000e+00 : f32
    %sub3A_22 = vector.broadcast %sub3A : f32 to vector<1024x1xf32>
    %sub3A_23 = arith.subf %sub3A_22, %mul3A_21 : vector<1024x1xf32>
    %mul3A_24 = arith.mulf %rsqrt3A, %sub3A_23 : vector<1024x1xf32>
    %mul3A_25 = vector.broadcast %mul3A_24 : vector<1024x1xf32> to vector<1024x128xf32>
    %mul3A_26 = arith.mulf %add3A, %mul3A_25 : vector<1024x128xf32>
    %get3A_27 = arith.constant 0 : index
    %get3A_28 = arith.constant 0 : index
    %get3A_29 = vector.load %arg3[%get3A_27, %get3A_28] : memref<1x128xf32, #tpu.memory_space<vmem>>, vector<1x128xf32>
    %add3A_30 = vector.broadcast %get3A_29 : vector<1x128xf32> to vector<1024x128xf32>
    %add3A_31 = arith.addf %mul3A_26, %add3A_30 : vector<1024x128xf32>
    %max3A_32 = arith.constant 0.000000e+00 : f32
    %max3A_33 = vector.broadcast %max3A_32 : f32 to vector<1024x128xf32>
    %max3A_34 = arith.maximumf %add3A_31, %max3A_33 : vector<1024x128xf32>
    %mul3A_35 = arith.constant 1024 : i32
    %mul3A_36 = arith.muli %arg0, %mul3A_35 : i32
    %iota3A = tpu.iota {dimensions = array<i32: 0>} : vector<1024x1xi32>
    %add3A_37 = vector.broadcast %mul3A_36 : i32 to vector<1024x1xi32>
    %add3A_38 = arith.addi %add3A_37, %iota3A : vector<1024x1xi32>
    %lt3A = arith.constant 10000 : i32
    %lt3A_39 = vector.broadcast %lt3A : i32 to vector<1024x1xi32>
    %lt3A_40 = arith.cmpi slt, %add3A_38, %lt3A_39 : vector<1024x1xi32>
    %jit3A = arith.constant 0.000000e+00 : f32
    %broadcast_in_dim3A = vector.shape_cast %lt3A_40 : vector<1024x1xi1> to vector<1024x1xi1>
    %broadcast_in_dim3A_41 = vector.broadcast %broadcast_in_dim3A : vector<1024x1xi1> to vector<1024x128xi1>
    %broadcast_in_dim3A_42 = vector.broadcast %jit3A : f32 to vector<1024x128xf32>
    %select_n3A = arith.select %broadcast_in_dim3A_41, %max3A_34, %broadcast_in_dim3A_42 : vector<1024x128xi1>, vector<1024x128xf32>
    %jit3A_43 = arith.constant 0xFF800000 : f32
    %broadcast_in_dim3A_44 = vector.shape_cast %lt3A_40 : vector<1024x1xi1> to vector<1024x1xi1>
    %broadcast_in_dim3A_45 = vector.broadcast %broadcast_in_dim3A_44 : vector<1024x1xi1> to vector<1024x128xi1>
    %broadcast_in_dim3A_46 = vector.broadcast %jit3A_43 : f32 to vector<1024x128xf32>
    %select_n3A_47 = arith.select %broadcast_in_dim3A_45, %max3A_34, %broadcast_in_dim3A_46 : vector<1024x128xi1>, vector<1024x128xf32>
    %broadcast_in_dim3A_48 = arith.constant 1.000000e+00 : f32
    %broadcast_in_dim3A_49 = vector.broadcast %broadcast_in_dim3A_48 : f32 to vector<1x1024xf32>
    %dot_general3A = arith.constant dense<0.000000e+00> : vector<1x128xf32>
    %dot_general3A_50 = tpu.matmul %broadcast_in_dim3A_49, %select_n3A, %dot_general3A {dimension_numbers = #tpu.dot_dimension_numbers<[1], [0], [0], [1], [0, 0, 1, 1], [], []>, precision = #tpu.contract_precision<fp32>, transpose_lhs_hint = false} : vector<1x1024xf32>, vector<1024x128xf32>, vector<1x128xf32> -> vector<1x128xf32>
    %reduce_max3A = arith.constant dense<0xFF800000> : vector<128xf32>
    %reduce_max3A_51 = vector.multi_reduction <maximumf>, %select_n3A_47, %reduce_max3A [0] : vector<1024x128xf32> to vector<128xf32>
    %broadcast_in_dim3A_52 = vector.shape_cast %reduce_max3A_51 : vector<128xf32> to vector<1x128xf32>
    %eq3A = arith.constant 0 : i32
    %eq3A_53 = arith.cmpi eq, %arg0, %eq3A : i32
    %convert_element_type3A = arith.extui %eq3A_53 : i1 to i32
    %cond3A = arith.constant 0 : i32
    %cond3A_54 = arith.cmpi ne, %convert_element_type3A, %cond3A : i32
    scf.if %cond3A_54 {
      %swap3A = arith.constant 0 : index
      %swap3A_64 = arith.constant 0 : index
      %swap3A_65 = vector.load %arg11[%swap3A, %swap3A_64] : memref<8x128xf32, #tpu.memory_space<vmem>>, vector<1x128xf32>
      tpu.vector_store %arg11[%swap3A, %swap3A_64], %dot_general3A_50 {strides = array<i32>} : memref<8x128xf32, #tpu.memory_space<vmem>>, vector<1x128xf32>,
      %swap3A_66 = arith.constant 0 : index
      %swap3A_67 = arith.constant 0 : index
      %swap3A_68 = vector.load %arg12[%swap3A_66, %swap3A_67] : memref<8x128xf32, #tpu.memory_space<vmem>>, vector<1x128xf32>
      tpu.vector_store %arg12[%swap3A_66, %swap3A_67], %broadcast_in_dim3A_52 {strides = array<i32>} : memref<8x128xf32, #tpu.memory_space<vmem>>, vector<1x128xf32>,
    } else {
    }
    %gt3A = arith.constant 0 : i32
    %gt3A_55 = arith.cmpi sgt, %arg0, %gt3A : i32
    %convert_element_type3A_56 = arith.extui %gt3A_55 : i1 to i32
    %cond3A_57 = arith.constant 0 : i32
    %cond3A_58 = arith.cmpi ne, %convert_element_type3A_56, %cond3A_57 : i32
    scf.if %cond3A_58 {
      %get3A_64 = arith.constant 0 : index
      %get3A_65 = arith.constant 0 : index
      %get3A_66 = vector.load %arg11[%get3A_64, %get3A_65] : memref<8x128xf32, #tpu.memory_space<vmem>>, vector<1x128xf32>
      %add3A_67 = arith.addf %get3A_66, %dot_general3A_50 : vector<1x128xf32>
      %swap3A = arith.constant 0 : index
      %swap3A_68 = arith.constant 0 : index
      %swap3A_69 = vector.load %arg11[%swap3A, %swap3A_68] : memref<8x128xf32, #tpu.memory_space<vmem>>, vector<1x128xf32>
      tpu.vector_store %arg11[%swap3A, %swap3A_68], %add3A_67 {strides = array<i32>} : memref<8x128xf32, #tpu.memory_space<vmem>>, vector<1x128xf32>,
      %get3A_70 = arith.constant 0 : index
      %get3A_71 = arith.constant 0 : index
      %get3A_72 = vector.load %arg12[%get3A_70, %get3A_71] : memref<8x128xf32, #tpu.memory_space<vmem>>, vector<1x128xf32>
      %max3A_73 = arith.maximumf %get3A_72, %broadcast_in_dim3A_52 : vector<1x128xf32>
      %swap3A_74 = arith.constant 0 : index
      %swap3A_75 = arith.constant 0 : index
      %swap3A_76 = vector.load %arg12[%swap3A_74, %swap3A_75] : memref<8x128xf32, #tpu.memory_space<vmem>>, vector<1x128xf32>
      tpu.vector_store %arg12[%swap3A_74, %swap3A_75], %max3A_73 {strides = array<i32>} : memref<8x128xf32, #tpu.memory_space<vmem>>, vector<1x128xf32>,
    } else {
    }
    %eq3A_59 = arith.constant 9 : i32
    %eq3A_60 = arith.cmpi eq, %arg0, %eq3A_59 : i32
    %convert_element_type3A_61 = arith.extui %eq3A_60 : i1 to i32
    %cond3A_62 = arith.constant 0 : i32
    %cond3A_63 = arith.cmpi ne, %convert_element_type3A_61, %cond3A_62 : i32
    scf.if %cond3A_63 {
      %get3A_64 = arith.constant 0 : index
      %get3A_65 = arith.constant 0 : index
      %get3A_66 = vector.load %arg11[%get3A_64, %get3A_65] : memref<8x128xf32, #tpu.memory_space<vmem>>, vector<1x128xf32>
      %get3A_67 = arith.constant 0 : index
      %get3A_68 = arith.constant 0 : index
      %get3A_69 = vector.load %arg12[%get3A_67, %get3A_68] : memref<8x128xf32, #tpu.memory_space<vmem>>, vector<1x128xf32>
      %mul3A_70 = arith.constant 9.99999974E-5 : f32
      %mul3A_71 = vector.broadcast %mul3A_70 : f32 to vector<1x128xf32>
      %mul3A_72 = arith.mulf %get3A_66, %mul3A_71 : vector<1x128xf32>
      %concatenate3A = tpu.concatenate %get3A_66, %mul3A_72, %get3A_69 in 1 : vector<1x128xf32>, vector<1x128xf32>, vector<1x128xf32> -> vector<1x384xf32>
      %get3A_73 = arith.constant 0 : index
      %get3A_74 = arith.constant 0 : index
      %get3A_75 = vector.load %arg4[%get3A_73, %get3A_74] : memref<384x128xf32, #tpu.memory_space<vmem>>, vector<384x128xf32>
      %dot_general3A_76 = arith.constant dense<0.000000e+00> : vector<1x128xf32>
      %dot_general3A_77 = tpu.matmul %concatenate3A, %get3A_75, %dot_general3A_76 {dimension_numbers = #tpu.dot_dimension_numbers<[1], [0], [0], [1], [0, 0, 1, 1], [], []>, precision = #tpu.contract_precision<fp32>, transpose_lhs_hint = false} : vector<1x384xf32>, vector<384x128xf32>, vector<1x128xf32> -> vector<1x128xf32>
      %get3A_78 = arith.constant 0 : index
      %get3A_79 = arith.constant 0 : index
      %get3A_80 = vector.load %arg5[%get3A_78, %get3A_79] : memref<1x128xf32, #tpu.memory_space<vmem>>, vector<1x128xf32>
      %add3A_81 = arith.addf %dot_general3A_77, %get3A_80 : vector<1x128xf32>
      %get3A_82 = arith.constant 0 : index
      %get3A_83 = arith.constant 0 : index
      %get3A_84 = vector.load %arg6[%get3A_82, %get3A_83] : memref<1x128xf32, #tpu.memory_space<vmem>>, vector<1x128xf32>
      %sqrt3A = arith.constant 1.000010e+00 : f32
      %sqrt3A_85 = math.sqrt %sqrt3A : f32
      %div3A = arith.constant 1.000000e+00 : f32
      %div3A_86 = arith.divf %div3A, %sqrt3A_85 : f32
      %mul3A_87 = vector.broadcast %div3A_86 : f32 to vector<1x128xf32>
      %mul3A_88 = arith.mulf %get3A_84, %mul3A_87 : vector<1x128xf32>
      %mul3A_89 = arith.mulf %add3A_81, %mul3A_88 : vector<1x128xf32>
      %get3A_90 = arith.constant 0 : index
      %get3A_91 = arith.constant 0 : index
      %get3A_92 = vector.load %arg7[%get3A_90, %get3A_91] : memref<1x128xf32, #tpu.memory_space<vmem>>, vector<1x128xf32>
      %add3A_93 = arith.addf %mul3A_89, %get3A_92 : vector<1x128xf32>
      %max3A_94 = arith.constant 0.000000e+00 : f32
      %max3A_95 = vector.broadcast %max3A_94 : f32 to vector<1x128xf32>
      %max3A_96 = arith.maximumf %add3A_93, %max3A_95 : vector<1x128xf32>
      %get3A_97 = arith.constant 0 : index
      %get3A_98 = arith.constant 0 : index
      %get3A_99 = vector.load %arg8[%get3A_97, %get3A_98] : memref<128x1xf32, #tpu.memory_space<vmem>>, vector<128x1xf32>
      %dot_general3A_100 = arith.constant dense<0.000000e+00> : vector<1x1xf32>
      %dot_general3A_101 = tpu.matmul %max3A_96, %get3A_99, %dot_general3A_100 {dimension_numbers = #tpu.dot_dimension_numbers<[1], [0], [0], [1], [0, 0, 1, 1], [], []>, precision = #tpu.contract_precision<fp32>, transpose_lhs_hint = false} : vector<1x128xf32>, vector<128x1xf32>, vector<1x1xf32> -> vector<1x1xf32>
      %get3A_102 = arith.constant 0 : index
      %get3A_103 = arith.constant 0 : index
      %get3A_104 = vector.load %arg9[%get3A_102, %get3A_103] : memref<1x1xf32, #tpu.memory_space<vmem>>, vector<1x1xf32>
      %add3A_105 = arith.addf %dot_general3A_101, %get3A_104 : vector<1x1xf32>
      %swap3A = arith.constant 0 : index
      %swap3A_106 = arith.constant 0 : index
      %swap3A_107 = vector.load %arg10[%swap3A, %swap3A_106] : memref<1x1xf32, #tpu.memory_space<vmem>>, vector<1x1xf32>
      tpu.vector_store %arg10[%swap3A, %swap3A_106], %add3A_105 {strides = array<i32>} : memref<1x1xf32, #tpu.memory_space<vmem>>, vector<1x1xf32>,
    } else {
    }
    return
  }
  func.func @transform_0(%arg0: i32) -> (i32, i32, i32) {
    %c0_i32 = arith.constant 0 : i32
    %c0_i32_0 = arith.constant 0 : i32
    %c0_i32_1 = arith.constant 0 : i32
    return %c0_i32, %arg0, %c0_i32_0 : i32, i32, i32
  }
  func.func @transform_1(%arg0: i32) -> (i32, i32) {
    %c0_i32 = arith.constant 0 : i32
    %c0_i32_0 = arith.constant 0 : i32
    return %arg0, %c0_i32 : i32, i32
  }
  func.func @transform_2(%arg0: i32) -> (i32, i32) {
    %c0_i32 = arith.constant 0 : i32
    %c0_i32_0 = arith.constant 0 : i32
    %c0_i32_1 = arith.constant 0 : i32
    return %c0_i32, %c0_i32_0 : i32, i32
  }
  func.func @transform_3(%arg0: i32) -> (i32, i32) {
    %c0_i32 = arith.constant 0 : i32
    %c0_i32_0 = arith.constant 0 : i32
    %c0_i32_1 = arith.constant 0 : i32
    return %c0_i32, %c0_i32_0 : i32, i32
  }
  func.func @transform_4(%arg0: i32) -> (i32, i32) {
    %c0_i32 = arith.constant 0 : i32
    %c0_i32_0 = arith.constant 0 : i32
    %c0_i32_1 = arith.constant 0 : i32
    return %c0_i32, %c0_i32_0 : i32, i32
  }
  func.func @transform_5(%arg0: i32) -> (i32, i32) {
    %c0_i32 = arith.constant 0 : i32
    %c0_i32_0 = arith.constant 0 : i32
    %c0_i32_1 = arith.constant 0 : i32
    return %c0_i32, %c0_i32_0 : i32, i32
  }
  func.func @transform_6(%arg0: i32) -> (i32, i32) {
    %c0_i32 = arith.constant 0 : i32
    %c0_i32_0 = arith.constant 0 : i32
    %c0_i32_1 = arith.constant 0 : i32
    return %c0_i32, %c0_i32_0 : i32, i32
  }
  func.func @transform_7(%arg0: i32) -> (i32, i32) {
    %c0_i32 = arith.constant 0 : i32
    %c0_i32_0 = arith.constant 0 : i32
    %c0_i32_1 = arith.constant 0 : i32
    return %c0_i32, %c0_i32_0 : i32, i32
  }
  func.func @transform_8(%arg0: i32) -> (i32, i32) {
    %c0_i32 = arith.constant 0 : i32
    %c0_i32_0 = arith.constant 0 : i32
    %c0_i32_1 = arith.constant 0 : i32
    return %c0_i32, %c0_i32_0 : i32, i32
  }
  func.func @transform_9(%arg0: i32) -> (i32, i32) {
    %c0_i32 = arith.constant 0 : i32
    %c0_i32_0 = arith.constant 0 : i32
    %c0_i32_1 = arith.constant 0 : i32
    return %c0_i32, %c0_i32_0 : i32, i32
  }
}

</mosaic_0001>

<sc_bundles>
// kernel: kernel.14.cloned.1.call-start
scs
__scs_entry_jumppad:
0x0: {  	(pc) =	sbr.rel $0x88, $3  }
0x1: {  	(tag) =	ssettag $0x0;
	lr =	simm.s32 $0x1  }
0x2: {  	[smem:$0x3F8F] =	sst lr;
	_ =	strace $0xD0000000  }
0x3: {  	_ = 	snop  }
0x4: {  	_ = 	snop  }
0x5: {  	_ = 	snop  }
0x6: {  	_ = 	snop  }
0x7: {  	_ = 	snop  }
__scs_overlays_trampoline_lowered:
0x8: {  	[smem:$0x3F9E] =	sst s0  }
0x9: {  	[smem:$0x3F9F] =	sst s1  }
0xa: {  	[smem:$0x3FA0] =	sst s2  }
0xb: {  	[smem:$0x3FA1] =	sst s3  }
0xc: {  	[smem:$0x3FA2] =	sst s4  }
0xd: {  	[smem:$0x3FA3] =	sst s5  }
0xe: {  	[smem:$0x3FA4] =	sst s6  }
0xf: {  	[smem:$0x3FA5] =	sst s7  }
0x10: {  	[smem:$0x3FA6] =	sst s8  }
0x11: {  	[smem:$0x3FA7] =	sst s9;
	s0 =	simm.s32 @!p0 $0x0  }
0x12: {  	s1 =	sld [smem:$0x3F8D];
	s0 =	simm.s32 @p0 $0x1  }
0x13: {  	[smem:$0x3FA8] =	sst s0;
	s0 =	simm.s32 @!p1 $0x0  }
0x14: {  	s2 =	sld [smem:$0x3F8C];
	s0 =	simm.s32 @p1 $0x1  }
0x15: {  	[smem:$0x3FA9] =	sst s0;
	s0 =	simm.s32 @!p2 $0x0  }
0x16: {  	s3 =	sld [smem:$0x3FDB];
	s0 =	simm.s32 @p2 $0x1  }
0x17: {  	s4 =	simm.s32 $0x1BF5;
	[smem:$0x3FAB] =	sst s0  }
0x18: {  	s0 =	sld [smem:$0x3F8E];
	_ =	swait.ge [sflag:s4], $0x0  }
0x19: {  	s7 =	sld [smem:$0x3F8F]  }
0x1a: {  	s8 =	sadd.s32 $0xFFFFE003, lr  }
0x1b: {  	s9 =	sadd.s32 $0xFFFFFEF7, lr;
	s5 =	simm.s32 $0xFFFFFFFF;
	p2 =	slt.u32 s8, $0xFFFFF086  }
0x1c: {  	p1 =	slt.u32 s9, $0xF7A;
	s5 =	simm.s32 @!p2 $0x0  }
0x1d: {  	s5 =	simm.s32 @p1 $0x1;
	p0 =	seq.s32 s7, s2  }
0x1e: {  	s7 =	smul.u32 @!p0 $0xF7A, s2;
	p2 =	seq.s32 @!p0 s5, $0x0  }
0x1f: {  	s9 =	smul.u32 $0xF7A, s1;
	s8 =	simm.s32 @!p0 $0x1BF5;
	p2 =	por !p2, p0  }
0x20: {  	[sflag:s8] =	ssyncset.s32 @!p0 $0xFFFFF086;
	s6 =	sadd.s32 @!p0 s3, s7;
	s7 =	simm.s32 @!p0 $0x108  }
0x21: {  	s3 =	sadd.s32 s3, s9;
	s6 =	sadd.s32 @!p0 $0x88, s6;
	s7 =	simm.s32 @p2 $0x1082  }
0x22: {  	[simem:s7], [sflag:s8] =	dma.local @!p0 [hbm:s6], $0xF7A  }
0x23: {  	s9 =	sor.u32 $0xD0000000, s2;
	s6 =	simm.s32 $0x108;
	_ =	swait.ge @!p0 [sflag:s8], $0x0  }
0x24: {  	s3 =	sadd.s32 $0x88, s3;
	s6 =	simm.s32 @!p1 $0x1082;
	[sflag:s4] =	ssyncset.s32 $0xFFFFF086  }
0x25: {  	[simem:s6], [sflag:s4] =	dma.local [hbm:s3], $0xF7A  }
0x26: {  	[smem:$0x3F8F] =	sst s1;
	(tag) =	ssettag s2;
	_ =	strace s9  }
0x27: {  	s1 =	sld [smem:$0x3F9F]  }
0x28: {  	s2 =	sld [smem:$0x3FA0]  }
0x29: {  	s4 =	sld [smem:$0x3FA2]  }
0x2a: {  	p0 =	seq.s32 s5, $0x0;
	s5 =	sld [smem:$0x3FA3]  }
0x2b: {  	s6 =	sld [smem:$0x3FA4]  }
0x2c: {  	s7 =	sld [smem:$0x3FA5]  }
0x2d: {  	s3 =	simm.s32 $0x108;
	s8 =	sld [smem:$0x3FA6]  }
0x2e: {  	s3 =	simm.s32 @!p0 $0x1082;
	s9 =	sld [smem:$0x3FA7]  }
0x2f: {  	lr =	sadd.s32 s0, s3;
	s0 =	sld [smem:$0x3F9E]  }
0x30: {  	s3 =	sld [smem:$0x3FA1]  }
0x31: {  	[smem:$0x3FAA] =	sst s10  }
0x32: {  	s10 =	sld [smem:$0x3FA8];
	_ =	sdelay $0x3  }
0x33: {  	p0 =	seq.s32 s10, $0x1;
	s10 =	sld [smem:$0x3FAA];
	_ =	sdelay $0x3  }
0x34: {  	[smem:$0x3FAA] =	sst s10  }
0x35: {  	s10 =	sld [smem:$0x3FA9];
	_ =	sdelay $0x3  }
0x36: {  	p1 =	seq.s32 s10, $0x1;
	s10 =	sld [smem:$0x3FAA];
	_ =	sdelay $0x3  }
0x37: {  	[smem:$0x3FAA] =	sst s10  }
0x38: {  	s10 =	sld [smem:$0x3FAB]  }
0x39: {  	_ = 	snop;
	(pc) =	sbr.ind lr, $3  }
0x3a: {  	_ = 	snop  }
0x3b: {  	_ = 	snop  }
0x3c: {  	p2 =	seq.s32 s10, $0x1;
	s10 =	sld [smem:$0x3FAA]  }
0x3d: {  	_ =	shalt  }
0x3e: {  	_ =	shalt  }
0x3f: {  	_ =	shalt  }
0x40: {  	_ =	shalt  }
0x41: {  	_ =	shalt  }
0x42: {  	_ =	shalt  }
0x43: {  	_ =	shalt  }
0x44: {  	_ =	shalt  }
0x45: {  	_ =	shalt  }
0x46: {  	_ =	shalt  }
0x47: {  	_ =	shalt  }
0x48: {  	_ =	shalt  }
0x49: {  	_ =	shalt  }
0x4a: {  	_ =	shalt  }
0x4b: {  	_ =	shalt  }
0x4c: {  	_ =	shalt  }
0x4d: {  	_ =	shalt  }
0x4e: {  	_ =	shalt  }
0x4f: {  	_ =	shalt  }
0x50: {  	_ =	shalt  }
0x51: {  	_ =	shalt  }
0x52: {  	_ =	shalt  }
0x53: {  	_ =	shalt  }
0x54: {  	_ =	shalt  }
0x55: {  	_ =	shalt  }
0x56: {  	_ =	shalt  }
0x57: {  	_ =	shalt  }
0x58: {  	_ =	shalt  }
0x59: {  	_ =	shalt  }
0x5a: {  	_ =	shalt  }
0x5b: {  	_ =	shalt  }
0x5c: {  	_ =	shalt  }
0x5d: {  	_ =	shalt  }
0x5e: {  	_ =	shalt  }
0x5f: {  	_ =	shalt  }
0x60: {  	_ =	shalt  }
0x61: {  	_ =	shalt  }
0x62: {  	_ =	shalt  }
0x63: {  	_ =	shalt  }
0x64: {  	_ =	shalt  }
0x65: {  	_ =	shalt  }
0x66: {  	_ =	shalt  }
0x67: {  	_ =	shalt  }
0x68: {  	_ =	shalt  }
0x69: {  	_ =	shalt  }
0x6a: {  	_ =	shalt  }
0x6b: {  	_ =	shalt  }
0x6c: {  	_ =	shalt  }
0x6d: {  	_ =	shalt  }
0x6e: {  	_ =	shalt  }
0x6f: {  	_ =	shalt  }
0x70: {  	_ =	shalt  }
0x71: {  	_ =	shalt  }
0x72: {  	_ =	shalt  }
0x73: {  	_ =	shalt  }
0x74: {  	_ =	shalt  }
0x75: {  	_ =	shalt  }
0x76: {  	_ =	shalt  }
0x77: {  	_ =	shalt  }
0x78: {  	_ =	shalt  }
0x79: {  	_ =	shalt  }
0x7a: {  	_ =	shalt  }
0x7b: {  	_ =	shalt  }
0x7c: {  	_ =	shalt  }
0x7d: {  	_ =	shalt  }
0x7e: {  	_ =	shalt  }
0x7f: {  	_ =	shalt  }
0x80: {  	_ =	shalt  }
0x81: {  	_ =	shalt  }
0x82: {  	_ =	shalt  }
0x83: {  	_ =	shalt  }
0x84: {  	_ =	shalt  }
0x85: {  	_ =	shalt  }
0x86: {  	_ =	shalt  }
0x87: {  	_ =	shalt  }
.Lfunc_end0:
.L_simem_size_0:
called_computation_lowered:
.L_overlay_start_0:
0x88: {  	s2 =	sld [smem:$0x3FD9]  }
0x89: {  	s3 =	sld [smem:$0x3FFE];
	_ =	sdelay $0x1  }
0x8a: {  	s1 =	srdreg.scid  }
0x8b: {  	s0 =	sand.u32 $0x1, s1  }
0x8c: {  	s16 =	sshll.u32 s0, $0xA;
	s2 =	sadd.s32 s3, s2  }
0x8d: {  	s2 =	sadd.s32 s2, s16  }
0x8e: {  	[smem:$0x3FB6] =	sst s2  }
0x8f: {  	_ = 	snop  }
0x90: {  	(tm) =	ssettm $0x1  }
0x91: {  	s17 =	sld [smem:$0x3FFB];
	_ =	sdelay $0x3  }
0x92: {  	_ =	strace s17  }
0x93: {  	s2 =	sld [smem:$0x3FFC];
	_ =	sdelay $0x3  }
0x94: {  	_ =	strace s2  }
0x95: {  	s2 =	sld [smem:$0x3FFD];
	_ =	sdelay $0x3  }
0x96: {  	_ =	strace s2  }
0x97: {  	_ =	strace $0x8FFFFFFF  }
0x98: {  	s18 =	sld [smem:$0x3FDB];
	_ =	sdelay $0x1  }
0x99: {  	s19 =	simm.s32 $_scs_section_size  }
0x9a: {  	s4 =	simm.s32 $_size__tile_overlayer_lowered;
	s5 =	simm.s32 $_tile_overlayer_lowered  }
0x9b: {  	s22 =	simm.s32 $0x1BFF;
	s21 =	sshll.u32 s5, $0x1;
	s2 =	sadd.s32 s19, s18  }
0x9c: {  	s6 =	simm.s32 $0x0;
	s20 =	sshll.u32 s4, $0x1;
	s4 =	sadd.s32 s21, s2  }
0x9d: {  	[timem:s6], [sflag:s22] =	dma.local [hbm:s4], s20  }
0x9e: {  	_ =	swait.ge [sflag:s22], s20  }
0x9f: {  	s3 =	ssub.s32 $0x0, s20;
	[sflag:s22] =	ssyncset.done $0x0  }
0xa0: {  	[sflag:s22] =	ssyncadd.s32 s3;
	_ =	sdelay $0x1  }
0xa1: {  	s23 =	simm.s32 $0x1B8B  }
0xa2: {  	_ =	swait.ge [sflag:s23], $0x1  }
0xa3: {  	[sflag:s23] =	ssyncset.done $0x0  }
0xa4: {  	s25 =	simm.s32 $0x1B8E;
	s24 =	sld [smem:$0x3FFE];
	[sflag:s23] =	ssyncadd.s32 $0xFFFFFFFF  }
0xa5: {  	s26 =	simm.s32 $execute0_lowered;
	[smem:$0x3FD2] =	sst s25  }
0xa6: {  	s4 =	sshll.u32 s26, $0x1;
	_ =	strace $0x80000046;
	[dreg:$0x1] =	wrdreg $0xFFFFFFFF  }
0xa7: {  	s28 =	simm.s32 $_size_execute0_lowered;
	s2 =	sadd.s32 s2, s4;
	[dreg:$0x0] =	wrdreg $0x0  }
0xa8: {  	s4 =	sshll.u32 s28, $0x1;
	[dreg:$0x2] =	wrdreg s2  }
0xa9: {  	[dreg:$0x3] =	wrdreg s4  }
0xaa: {  	[dreg:$0x4] =	wrdreg $0xC0  }
0xab: {  	_ =	task [dreg:s6], $0x5FFFF  }
0xac: {  	[dreg:$0x1] =	wrdreg $0xFFFFFFFF  }
0xad: {  	[dreg:$0x0] =	wrdreg $0x60  }
0xae: {  	[dreg:$0x2] =	wrdreg s24  }
0xaf: {  	[dreg:$0x3] =	wrdreg $0x83000  }
0xb0: {  	[dreg:$0x4] =	wrdreg $0x85800  }
0xb1: {  	[dreg:$0x5] =	wrdreg $0x9  }
0xb2: {  	_ =	task.clear_ibuf [dreg:s6], $0x6FFFF;
	_ =	strace $0x90000046  }
0xb3: {  	s29 =	simm.s32 $0x9;
	_ =	strace $0x80000048  }
0xb4: {  	_ =	swait.ge [sflag:s29], $0x1  }
0xb5: {  	[sflag:s29] =	ssyncadd.s32 $0xFFFFFFFF  }
0xb6: {  	_ =	strace $0x90000048  }
0xb7: {  	_ =	sfence  }
0xb8: {  	s30 =	sld [smem:$0x0];
	_ =	sdelay $0x2  }
0xb9: {  	s31 =	sshll.u32 s1, $0xD;
	s1 =	sshrl.u32 s1, $0x2  }
0xba: {  	s3 =	sand.u32 $0x4000, s31;
	s1 =	sadd.s32 s1, s30  }
0xbb: {  	s0 =	sor.u32 s3, s0;
	s1 =	sshll.u32 s1, $0x11  }
0xbc: {  	s0 =	sor.u32 s1, s0  }
0xbd: {  	s0 =	sadd.s32 $0x8F2B, s0  }
0xbe: {  	[sflag:s0] =	ssyncadd.remote.s32 $0x1  }
0xbf: {  	_ =	sfence.sel $0xFFFF  }
0xc0: {  	[dreg:$0x0] =	wrdreg $0xFFFFFFFF;
	(pc) =	sbr.abs _section_cstart, $3  }
0xc1: {  	[dreg:$0x1] =	wrdreg $0xFFFFFFFF  }
0xc2: {  	_ =	task.clear_ibuf [dreg:s6], $0x2FFFF;
	_ =	strace $0x9FFFFFFF  }
0xc3: {  	(tm) =	ssettm $0x7FFFFFFF  }
tec
execute0_lowered:
.L_overlay_start_1:
0x0: {  	(tag) =	ssettag $0x1  }
0x1: {  	s5 =	rddreg [dreg:$0x0]  }
0x2: {  	s1 =	rddreg [dreg:$0x1]  }
0x3: {  	s2 =	rddreg [dreg:$0x2];
	s4 =	simm.s32 $0x0;
	s3 =	srdreg.scid  }
0x4: {  	s0 =	stileid.u32;
	s13 =	simm.s32 $0x4000;
	s14 =	simm.s32 $0x8080  }
0x5: {  	s15 =	simm.s32 $0x50;
	s16 =	simm.s32 $0x8000;
	s17 =	simm.s32 $0x80  }
0x6: {  	s18 =	simm.s32 $0x4080;
	s19 =	simm.s32 $0x100;
	s20 =	simm.s32 $0x4100  }
0x7: {  	s21 =	simm.s32 $0x180;
	s22 =	simm.s32 $0x4180;
	s23 =	simm.s32 $0x1  }
0x8: {  	s24 =	simm.s32 $0x20;
	s25 =	simm.s32 $0x10;
	s10 =	smul.u32 $0x500, s0  }
0x9: {  	s26 =	simm.s32 $0x0;
	s6 =	sand.u32 $0x1, s3;
	s31 =	smul.u32 $0x280, s0  }
0xa: {  	[smem:$0x7FF] =	sst s4;
	s8 =	sshll.u32 s0, $0xC;
	s7 =	smul.u32 $0x5000, s6  }
0xb: {  	s9 =	sshll.u32 s6, $0xB;
	_ =	strace $0x80000047;
	s6 =	ssub.s32 $0x2, s6  }
0xc: {  	s8 =	sor.u32 s9, s8;
	s30 =	sshrl.u32 s6, $0x1;
	s7 =	sadd.s32 s10, s7  }
0xd: {  	s8 =	sadd.s32 s8, s5;
	s12 =	ssub.s32 s6, s30;
	s7 =	sshrl.u32 s7, $0x3  }
0xe: {  	s6 =	sadd.s32 $0x14E00, s8;
	s11 =	sadd.s32 s7, s5;
	s5 =	sadd.s32 $0x4E00, s8  }
0xf: {  	s7 =	sadd.s32 s31, s1;
	s8 =	sadd.s32 s31, s2;
	s9 =	sadd.s32 $0x24E00, s11  }
0x10: {  	v0 =	vimm.f32 $1.000000000e+00;
	v1 =	vimm.f32 $0.0e+00;
	s10 =	sadd.s32 $0x24E10, s11;
	s11 =	smax.u32 s12, $0x1;
	s12 =	simm.s32 $0x2  }
.LBB2_1:
0x11: {  	[tilespmem:$0x8000] =	vst v0  }
0x12: {  	[tilespmem:$0x8010] =	vst v0  }
0x13: {  	[tilespmem:$0x8020] =	vst v0  }
0x14: {  	[tilespmem:$0x8030] =	vst v0  }
0x15: {  	[tilespmem:$0x8040] =	vst v0  }
0x16: {  	[tilespmem:$0x8080] =	vst v1  }
0x17: {  	[tilespmem:$0x8090] =	vst v1  }
0x18: {  	[tilespmem:$0x80A0] =	vst v1  }
0x19: {  	[tilespmem:$0x80B0] =	vst v1  }
0x1a: {  	[tilespmem:$0x80C0] =	vst v1  }
0x1b: {  	[tilespmem:$0x80D0] =	vst v1  }
0x1c: {  	[tilespmem:$0x80E0] =	vst v1  }
0x1d: {  	[tilespmem:$0x80F0] =	vst v1  }
0x1e: {  	[tilespmem:$0x8100] =	vst v1  }
0x1f: {  	[tilespmem:$0x8110] =	vst v1  }
0x20: {  	[tilespmem:$0x8120] =	vst v1  }
0x21: {  	[tilespmem:$0x8130] =	vst v1  }
0x22: {  	[tilespmem:$0x8140] =	vst v1  }
0x23: {  	[tilespmem:$0x8150] =	vst v1  }
0x24: {  	[tilespmem:$0x8160] =	vst v1  }
0x25: {  	[tilespmem:$0x8170] =	vst v1  }
0x26: {  	[tilespmem:$0x8180] =	vst v1  }
0x27: {  	[tilespmem:$0x8190] =	vst v1  }
0x28: {  	[tilespmem:$0x81A0] =	vst v1  }
0x29: {  	[tilespmem:$0x81B0] =	vst v1  }
0x2a: {  	[tilespmem:$0x81C0] =	vst v1  }
0x2b: {  	[tilespmem:$0x81D0] =	vst v1  }
0x2c: {  	[tilespmem:$0x81E0] =	vst v1  }
0x2d: {  	[tilespmem:$0x81F0] =	vst v1  }
0x2e: {  	[tilespmem:$0x8200] =	vst v1  }
0x2f: {  	[tilespmem:$0x8210] =	vst v1  }
0x30: {  	[tilespmem:$0x8220] =	vst v1  }
0x31: {  	[tilespmem:$0x8230] =	vst v1  }
0x32: {  	[tilespmem:$0x8240] =	vst v1  }
0x33: {  	[tilespmem:$0x8250] =	vst v1  }
0x34: {  	[tilespmem:$0x8260] =	vst v1  }
0x35: {  	[tilespmem:$0x8270] =	vst v1  }
0x36: {  	[tilespmem:$0x8280] =	vst v1  }
0x37: {  	[tilespmem:$0x8290] =	vst v1  }
0x38: {  	[tilespmem:$0x82A0] =	vst v1  }
0x39: {  	[tilespmem:$0x82B0] =	vst v1  }
0x3a: {  	[tilespmem:$0x82C0] =	vst v1  }
0x3b: {  	[tilespmem:$0x82D0] =	vst v1  }
0x3c: {  	[tilespmem:$0x82E0] =	vst v1  }
0x3d: {  	[tilespmem:$0x82F0] =	vst v1  }
0x3e: {  	[tilespmem:s4], [sflag:$0x2] =	stream.linear.gather [hbm4b:s5+s4], $0x3E80, $0x38;
	[tilespmem:$0x8800] =	vst v63  }
0x3f: {  	_ =	swait.ge [sflag:s12], $0x3E80  }
0x40: {  	[sflag:s12] =	ssyncset.done $0x0  }
0x41: {  	[sflag:s12] =	ssyncadd.s32 $0xFFFFC180  }
0x42: {  	[tilespmem:s13], [sflag:$0x2] =	stream.linear.gather [hbm4b:s6+s4], $0x3E80, $0x38;
	[tilespmem:$0x8800] =	vst v63  }
0x43: {  	_ =	swait.ge [sflag:s12], $0x3E80  }
0x44: {  	[sflag:s12] =	ssyncset.done $0x0  }
0x45: {  	[sflag:s12] =	ssyncadd.s32 $0xFFFFC180  }
0x46: {  	[spmem:s7] =	stream.linear.scatter [tilespmem:s14], [sflag:$0x2], $0x280, $0x38;
	[tilespmem:$0x8800] =	vst v63  }
0x47: {  	_ =	swait.ge [sflag:s12], $0x280  }
0x48: {  	[sflag:s12] =	ssyncset.done $0x0  }
0x49: {  	[sflag:s12] =	ssyncadd.s32 $0xFFFFFD80  }
0x4a: {  	[spmem:s8] =	stream.linear.scatter [tilespmem:s14], [sflag:$0x2], $0x280, $0x38;
	[tilespmem:$0x8800] =	vst v63  }
0x4b: {  	_ =	swait.ge [sflag:s12], $0x280  }
0x4c: {  	[sflag:s12] =	ssyncset.done $0x0  }
0x4d: {  	[sflag:s12] =	ssyncadd.s32 $0xFFFFFD80  }
0x4e: {  	[bflag:$0x0] =	sbarrier.arrive $0xFFFF  }
0x4f: {  	[spmem:s1] =	stream.indirect.scatter.add.f32 [tilespmem:s16], [sflag:$0x1], $0x1, s4, s15, $0xb8;
	[tilespmem:$0x8800] =	vst v63  }
0x50: {  	_ = 	snop  }
0x51: {  	[spmem:s2] =	stream.indirect.scatter.add.f32 [tilespmem:s16], [sflag:$0x1], $0x1, s13, s15, $0xb8;
	[tilespmem:$0x8800] =	vst v63  }
0x52: {  	_ = 	snop  }
0x53: {  	[spmem:s1] =	stream.indirect.scatter.add.f32 [tilespmem:s16], [sflag:$0x1], $0x1, s17, s15, $0xb8;
	[tilespmem:$0x8800] =	vst v63  }
0x54: {  	_ = 	snop  }
0x55: {  	[spmem:s2] =	stream.indirect.scatter.add.f32 [tilespmem:s16], [sflag:$0x1], $0x1, s18, s15, $0xb8;
	[tilespmem:$0x8800] =	vst v63  }
0x56: {  	_ = 	snop  }
0x57: {  	[spmem:s1] =	stream.indirect.scatter.add.f32 [tilespmem:s16], [sflag:$0x1], $0x1, s19, s15, $0xb8;
	[tilespmem:$0x8800] =	vst v63  }
0x58: {  	_ = 	snop  }
0x59: {  	[spmem:s2] =	stream.indirect.scatter.add.f32 [tilespmem:s16], [sflag:$0x1], $0x1, s20, s15, $0xb8;
	[tilespmem:$0x8800] =	vst v63  }
0x5a: {  	_ = 	snop  }
0x5b: {  	[spmem:s1] =	stream.indirect.scatter.add.f32 [tilespmem:s16], [sflag:$0x1], $0x1, s21, s15, $0xb8;
	[tilespmem:$0x8800] =	vst v63  }
0x5c: {  	p0 =	por $0x0, $0x0  }
0x5d: {  	[spmem:s2] =	stream.indirect.scatter.add.f32 [tilespmem:s16], [sflag:$0x1], $0x1, s22, s15, $0xb8;
	[tilespmem:$0x8800] =	vst v63  }
0x5e: {  	s28 =	simm.s32 $0x200;
	s29 =	simm.s32 @!p0 $0x50;
	s30 =	simm.s32 @!p0 $0x8000  }
0x5f: {  	[spmem:s1] =	stream.indirect.scatter.add.f32 @!p0 [tilespmem:s30], [sflag:$0x1], $0x1, s28, s29, $0xb8;
	[tilespmem:$0x8800] =	vst v63  }
0x60: {  	s28 =	simm.s32 $0x4200  }
0x61: {  	[spmem:s2] =	stream.indirect.scatter.add.f32 @!p0 [tilespmem:s30], [sflag:$0x1], $0x1, s28, s29, $0xb8;
	[tilespmem:$0x8800] =	vst v63  }
0x62: {  	_ =	swait.ge [sflag:s23], $0x50  }
0x63: {  	[sflag:s23] =	ssyncset.done $0x0  }
0x64: {  	[sflag:s23] =	ssyncadd.s32 $0xFFFFFFB0  }
0x65: {  	s29 =	simm.s32 $0x6;
	s28 =	simm.s32 $0x4280;
	_ =	swait.ge [sflag:s23], $0x50  }
0x66: {  	p0 =	por $0x0, $0x0;
	s30 =	simm.s32 $0x280;
	[sflag:s23] =	ssyncset.done $0x0  }
.LBB2_2:
0x67: {  	s31 =	simm.s32 @!p0 $0x50;
	s0 =	simm.s32 @!p0 $0x8000  }
0x68: {  	[sflag:s23] =	ssyncadd.s32 $0xFFFFFFB0;
	s3 =	smov.u32 s29;
	s29 =	sadd.s32 $0x1, s29  }
0x69: {  	[spmem:s1] =	stream.indirect.scatter.add.f32 @!p0 [tilespmem:s0], [sflag:$0x1], $0x1, s30, s31, $0xb8;
	[tilespmem:$0x8800] =	vst v63  }
0x6a: {  	p1 =	sne.s32 s29, $0x81  }
0x6b: {  	[spmem:s2] =	stream.indirect.scatter.add.f32 @!p0 [tilespmem:s0], [sflag:$0x1], $0x1, s28, s31, $0xb8;
	[tilespmem:$0x8800] =	vst v63  }
.Ltmp0:
0x6c: {  	_ =	swait.ge [sflag:s23], $0x50;
	(pc) =	sbr.rel @p1 .LBB2_2-.Ltmp0, $4  }
0x6d: {  	[sflag:s23] =	ssyncset.done $0x0  }
0x6e: {  	[sflag:s23] =	ssyncadd.s32 $0xFFFFFFB0  }
0x6f: {  	s28 =	sadd.s32 $0x80, s28;
	_ =	swait.ge [sflag:s23], $0x50  }
0x70: {  	s30 =	sadd.s32 $0x80, s30;
	p0 =	sgt.u32 s3, $0x7C;
	[sflag:s23] =	ssyncset.done $0x0  }
0x71: {  	s0 =	simm.s32 @!p0 $0x50;
	s3 =	simm.s32 @!p0 $0x8000;
	[sflag:s23] =	ssyncadd.s32 $0xFFFFFFB0  }
0x72: {  	[spmem:s1] =	stream.indirect.scatter.add.f32 @!p0 [tilespmem:s3], [sflag:$0x1], $0x1, s30, s0, $0xb8;
	[tilespmem:$0x8800] =	vst v63  }
0x73: {  	_ = 	snop  }
0x74: {  	[spmem:s2] =	stream.indirect.scatter.add.f32 @!p0 [tilespmem:s3], [sflag:$0x1], $0x1, s28, s0, $0xb8;
	[tilespmem:$0x8800] =	vst v63  }
0x75: {  	_ =	swait.ge [sflag:s23], $0x50  }
0x76: {  	[sflag:s23] =	ssyncset.done $0x0  }
0x77: {  	[sflag:s23] =	ssyncadd.s32 $0xFFFFFFB0  }
0x78: {  	_ =	swait.ge [sflag:s23], $0x50  }
0x79: {  	s29 =	stileid.u32;
	[sflag:s23] =	ssyncset.done $0x0  }
0x7a: {  	s0 =	sshll.u32 s29, $0x6;
	[sflag:s23] =	ssyncadd.s32 $0xFFFFFFB0  }
0x7b: {  	s30 =	sshrl.u32 s7, $0x3;
	s0 =	sor.u32 $0x1C02, s0;
	[bflag:$0x0] =	sbarrier.arrive $0xFFFF  }
0x7c: {  	[hbm:s9@s24], [sflag:s0] =	dma.strided [spmem:s30@s25], $0x50, s23, $0x10   }
0x7d: {  	s26 =	sadd.s32 $0x1, s26;
	_ =	swait.ge [sflag:s12], $0x50  }
0x7e: {  	p0 =	sne.s32 s26, s11;
	[sflag:s12] =	ssyncset.done $0x0  }
.Ltmp1:
0x7f: {  	s31 =	sshrl.u32 s8, $0x3;
	[sflag:s12] =	ssyncadd.s32 $0xFFFFFFB0;
	(pc) =	sbr.rel @p0 .LBB2_1-.Ltmp1, $4  }
0x80: {  	[hbm:s10@s24], [sflag:s0] =	dma.strided [spmem:s31@s25], $0x50, s23, $0x10   }
0x81: {  	_ =	swait.ge [sflag:s12], $0x50  }
0x82: {  	[sflag:s12] =	ssyncset.done $0x0  }
0x83: {  	[sflag:s12] =	ssyncadd.s32 $0xFFFFFFB0  }
0x84: {  	_ =	sfence.sel $0x180000  }
0x85: {  	[bflag:$0x0] =	sbarrier.arrive $0xFFFF  }
0x86: {  	_ =	strace $0x90000047  }
0x87: {  	s0 =	stileid.u32;
	[bflag:$0x2] =	sbarrier.arrive $0xFFFF  }
0x88: {  	p0 =	sne.s32 s0, $0x0;
	s0 =	rddreg [dreg:$0x3]  }
0x89: {  	s0 =	sadd.s32 @!p0 $0x100000, s0  }
0x8a: {  	[sflag:s0] =	ssyncadd.tile.s32 @!p0 $0x1;
	_ =	shalt  }
.Lfunc_end2:
_tile_overlayer_lowered:
.L_overlay_start_2:
0x8b: {  	(tag) =	ssettag $0x2  }
0x8c: {  	s0 =	rddreg [dreg:$0x0];
	s2 =	stileid.u32  }
0x8d: {  	s1 =	rddreg [dreg:$0x1];
	p0 =	sne.s32 s2, $0x0  }
0x8e: {  	s3 =	rddreg [dreg:$0x2];
	[bflag:$0x3] =	sbarrier.arrive $0xFFFF;
	s2 =	simm.s32 @!p0 $0x1C02  }
0x8f: {  	[timem:s3], [sflag:s2] =	dma.local @!p0 [hbm:s0], s1  }
0x90: {  	s0 =	simm.s32 @!p0 $0x2  }
0x91: {  	_ =	swait.ge @!p0 [sflag:s0], s1  }
0x92: {  	s1 =	ssub.s32 @!p0 $0x0, s1;
	[sflag:s0] =	ssyncset.done @!p0 $0x0  }
0x93: {  	[sflag:s0] =	ssyncadd.s32 @!p0 s1  }
0x94: {  	[bflag:$0x3] =	sbarrier.arrive $0xFFFF  }
0x95: {  	_ =	shalt  }

// kernel: kernel.17.cloned.1.call-start
scs
__scs_entry_jumppad:
0x0: {  	(pc) =	sbr.rel $0x88, $3  }
0x1: {  	(tag) =	ssettag $0x0;
	lr =	simm.s32 $0x1  }
0x2: {  	[smem:$0x3F8F] =	sst lr;
	_ =	strace $0xD0000000  }
0x3: {  	_ = 	snop  }
0x4: {  	_ = 	snop  }
0x5: {  	_ = 	snop  }
0x6: {  	_ = 	snop  }
0x7: {  	_ = 	snop  }
__scs_overlays_trampoline_lowered:
0x8: {  	[smem:$0x3F9E] =	sst s0  }
0x9: {  	[smem:$0x3F9F] =	sst s1  }
0xa: {  	[smem:$0x3FA0] =	sst s2  }
0xb: {  	[smem:$0x3FA1] =	sst s3  }
0xc: {  	[smem:$0x3FA2] =	sst s4  }
0xd: {  	[smem:$0x3FA3] =	sst s5  }
0xe: {  	[smem:$0x3FA4] =	sst s6  }
0xf: {  	[smem:$0x3FA5] =	sst s7  }
0x10: {  	[smem:$0x3FA6] =	sst s8  }
0x11: {  	[smem:$0x3FA7] =	sst s9;
	s0 =	simm.s32 @!p0 $0x0  }
0x12: {  	s1 =	sld [smem:$0x3F8D];
	s0 =	simm.s32 @p0 $0x1  }
0x13: {  	[smem:$0x3FA8] =	sst s0;
	s0 =	simm.s32 @!p1 $0x0  }
0x14: {  	s2 =	sld [smem:$0x3F8C];
	s0 =	simm.s32 @p1 $0x1  }
0x15: {  	[smem:$0x3FA9] =	sst s0;
	s0 =	simm.s32 @!p2 $0x0  }
0x16: {  	s3 =	sld [smem:$0x3FDB];
	s0 =	simm.s32 @p2 $0x1  }
0x17: {  	s4 =	simm.s32 $0x1BF5;
	[smem:$0x3FAB] =	sst s0  }
0x18: {  	s0 =	sld [smem:$0x3F8E];
	_ =	swait.ge [sflag:s4], $0x0  }
0x19: {  	s7 =	sld [smem:$0x3F8F]  }
0x1a: {  	s8 =	sadd.s32 $0xFFFFE003, lr  }
0x1b: {  	s9 =	sadd.s32 $0xFFFFFEF7, lr;
	s5 =	simm.s32 $0xFFFFFFFF;
	p2 =	slt.u32 s8, $0xFFFFF086  }
0x1c: {  	p1 =	slt.u32 s9, $0xF7A;
	s5 =	simm.s32 @!p2 $0x0  }
0x1d: {  	s5 =	simm.s32 @p1 $0x1;
	p0 =	seq.s32 s7, s2  }
0x1e: {  	s7 =	smul.u32 @!p0 $0xF7A, s2;
	p2 =	seq.s32 @!p0 s5, $0x0  }
0x1f: {  	s9 =	smul.u32 $0xF7A, s1;
	s8 =	simm.s32 @!p0 $0x1BF5;
	p2 =	por !p2, p0  }
0x20: {  	[sflag:s8] =	ssyncset.s32 @!p0 $0xFFFFF086;
	s6 =	sadd.s32 @!p0 s3, s7;
	s7 =	simm.s32 @!p0 $0x108  }
0x21: {  	s3 =	sadd.s32 s3, s9;
	s6 =	sadd.s32 @!p0 $0x88, s6;
	s7 =	simm.s32 @p2 $0x1082  }
0x22: {  	[simem:s7], [sflag:s8] =	dma.local @!p0 [hbm:s6], $0xF7A  }
0x23: {  	s9 =	sor.u32 $0xD0000000, s2;
	s6 =	simm.s32 $0x108;
	_ =	swait.ge @!p0 [sflag:s8], $0x0  }
0x24: {  	s3 =	sadd.s32 $0x88, s3;
	s6 =	simm.s32 @!p1 $0x1082;
	[sflag:s4] =	ssyncset.s32 $0xFFFFF086  }
0x25: {  	[simem:s6], [sflag:s4] =	dma.local [hbm:s3], $0xF7A  }
0x26: {  	[smem:$0x3F8F] =	sst s1;
	(tag) =	ssettag s2;
	_ =	strace s9  }
0x27: {  	s1 =	sld [smem:$0x3F9F]  }
0x28: {  	s2 =	sld [smem:$0x3FA0]  }
0x29: {  	s4 =	sld [smem:$0x3FA2]  }
0x2a: {  	p0 =	seq.s32 s5, $0x0;
	s5 =	sld [smem:$0x3FA3]  }
0x2b: {  	s6 =	sld [smem:$0x3FA4]  }
0x2c: {  	s7 =	sld [smem:$0x3FA5]  }
0x2d: {  	s3 =	simm.s32 $0x108;
	s8 =	sld [smem:$0x3FA6]  }
0x2e: {  	s3 =	simm.s32 @!p0 $0x1082;
	s9 =	sld [smem:$0x3FA7]  }
0x2f: {  	lr =	sadd.s32 s0, s3;
	s0 =	sld [smem:$0x3F9E]  }
0x30: {  	s3 =	sld [smem:$0x3FA1]  }
0x31: {  	[smem:$0x3FAA] =	sst s10  }
0x32: {  	s10 =	sld [smem:$0x3FA8];
	_ =	sdelay $0x3  }
0x33: {  	p0 =	seq.s32 s10, $0x1;
	s10 =	sld [smem:$0x3FAA];
	_ =	sdelay $0x3  }
0x34: {  	[smem:$0x3FAA] =	sst s10  }
0x35: {  	s10 =	sld [smem:$0x3FA9];
	_ =	sdelay $0x3  }
0x36: {  	p1 =	seq.s32 s10, $0x1;
	s10 =	sld [smem:$0x3FAA];
	_ =	sdelay $0x3  }
0x37: {  	[smem:$0x3FAA] =	sst s10  }
0x38: {  	s10 =	sld [smem:$0x3FAB]  }
0x39: {  	_ = 	snop;
	(pc) =	sbr.ind lr, $3  }
0x3a: {  	_ = 	snop  }
0x3b: {  	_ = 	snop  }
0x3c: {  	p2 =	seq.s32 s10, $0x1;
	s10 =	sld [smem:$0x3FAA]  }
0x3d: {  	_ =	shalt  }
0x3e: {  	_ =	shalt  }
0x3f: {  	_ =	shalt  }
0x40: {  	_ =	shalt  }
0x41: {  	_ =	shalt  }
0x42: {  	_ =	shalt  }
0x43: {  	_ =	shalt  }
0x44: {  	_ =	shalt  }
0x45: {  	_ =	shalt  }
0x46: {  	_ =	shalt  }
0x47: {  	_ =	shalt  }
0x48: {  	_ =	shalt  }
0x49: {  	_ =	shalt  }
0x4a: {  	_ =	shalt  }
0x4b: {  	_ =	shalt  }
0x4c: {  	_ =	shalt  }
0x4d: {  	_ =	shalt  }
0x4e: {  	_ =	shalt  }
0x4f: {  	_ =	shalt  }
0x50: {  	_ =	shalt  }
0x51: {  	_ =	shalt  }
0x52: {  	_ =	shalt  }
0x53: {  	_ =	shalt  }
0x54: {  	_ =	shalt  }
0x55: {  	_ =	shalt  }
0x56: {  	_ =	shalt  }
0x57: {  	_ =	shalt  }
0x58: {  	_ =	shalt  }
0x59: {  	_ =	shalt  }
0x5a: {  	_ =	shalt  }
0x5b: {  	_ =	shalt  }
0x5c: {  	_ =	shalt  }
0x5d: {  	_ =	shalt  }
0x5e: {  	_ =	shalt  }
0x5f: {  	_ =	shalt  }
0x60: {  	_ =	shalt  }
0x61: {  	_ =	shalt  }
0x62: {  	_ =	shalt  }
0x63: {  	_ =	shalt  }
0x64: {  	_ =	shalt  }
0x65: {  	_ =	shalt  }
0x66: {  	_ =	shalt  }
0x67: {  	_ =	shalt  }
0x68: {  	_ =	shalt  }
0x69: {  	_ =	shalt  }
0x6a: {  	_ =	shalt  }
0x6b: {  	_ =	shalt  }
0x6c: {  	_ =	shalt  }
0x6d: {  	_ =	shalt  }
0x6e: {  	_ =	shalt  }
0x6f: {  	_ =	shalt  }
0x70: {  	_ =	shalt  }
0x71: {  	_ =	shalt  }
0x72: {  	_ =	shalt  }
0x73: {  	_ =	shalt  }
0x74: {  	_ =	shalt  }
0x75: {  	_ =	shalt  }
0x76: {  	_ =	shalt  }
0x77: {  	_ =	shalt  }
0x78: {  	_ =	shalt  }
0x79: {  	_ =	shalt  }
0x7a: {  	_ =	shalt  }
0x7b: {  	_ =	shalt  }
0x7c: {  	_ =	shalt  }
0x7d: {  	_ =	shalt  }
0x7e: {  	_ =	shalt  }
0x7f: {  	_ =	shalt  }
0x80: {  	_ =	shalt  }
0x81: {  	_ =	shalt  }
0x82: {  	_ =	shalt  }
0x83: {  	_ =	shalt  }
0x84: {  	_ =	shalt  }
0x85: {  	_ =	shalt  }
0x86: {  	_ =	shalt  }
0x87: {  	_ =	shalt  }
.Lfunc_end0:
.L_simem_size_0:
called_computation.1_lowered:
.L_overlay_start_0:
0x88: {  	s2 =	sld [smem:$0x3FD9]  }
0x89: {  	s3 =	sld [smem:$0x3FFE];
	_ =	sdelay $0x1  }
0x8a: {  	s1 =	srdreg.scid  }
0x8b: {  	s0 =	sand.u32 $0x1, s1  }
0x8c: {  	s16 =	sshll.u32 s0, $0xA;
	s2 =	sadd.s32 s3, s2  }
0x8d: {  	s2 =	sadd.s32 s2, s16  }
0x8e: {  	[smem:$0x3FB6] =	sst s2  }
0x8f: {  	_ = 	snop  }
0x90: {  	(tm) =	ssettm $0x1  }
0x91: {  	s17 =	sld [smem:$0x3FFB];
	_ =	sdelay $0x3  }
0x92: {  	_ =	strace s17  }
0x93: {  	s2 =	sld [smem:$0x3FFC];
	_ =	sdelay $0x3  }
0x94: {  	_ =	strace s2  }
0x95: {  	s2 =	sld [smem:$0x3FFD];
	_ =	sdelay $0x3  }
0x96: {  	_ =	strace s2  }
0x97: {  	_ =	strace $0x8FFFFFFF  }
0x98: {  	s18 =	sld [smem:$0x3FDB];
	_ =	sdelay $0x1  }
0x99: {  	s19 =	simm.s32 $_scs_section_size  }
0x9a: {  	s4 =	simm.s32 $_size__tile_overlayer_lowered;
	s5 =	simm.s32 $_tile_overlayer_lowered  }
0x9b: {  	s22 =	simm.s32 $0x1BFF;
	s21 =	sshll.u32 s5, $0x1;
	s2 =	sadd.s32 s19, s18  }
0x9c: {  	s6 =	simm.s32 $0x0;
	s20 =	sshll.u32 s4, $0x1;
	s4 =	sadd.s32 s21, s2  }
0x9d: {  	[timem:s6], [sflag:s22] =	dma.local [hbm:s4], s20  }
0x9e: {  	_ =	swait.ge [sflag:s22], s20  }
0x9f: {  	s3 =	ssub.s32 $0x0, s20;
	[sflag:s22] =	ssyncset.done $0x0  }
0xa0: {  	[sflag:s22] =	ssyncadd.s32 s3;
	_ =	sdelay $0x1  }
0xa1: {  	s23 =	simm.s32 $0x1B8B  }
0xa2: {  	_ =	swait.ge [sflag:s23], $0x1  }
0xa3: {  	[sflag:s23] =	ssyncset.done $0x0  }
0xa4: {  	s25 =	simm.s32 $0x1B8E;
	s24 =	sld [smem:$0x3FFE];
	[sflag:s23] =	ssyncadd.s32 $0xFFFFFFFF  }
0xa5: {  	s26 =	simm.s32 $execute0_lowered;
	[smem:$0x3FD2] =	sst s25  }
0xa6: {  	s4 =	sshll.u32 s26, $0x1;
	_ =	strace $0x80000049;
	[dreg:$0x1] =	wrdreg $0xFFFFFFFF  }
0xa7: {  	s28 =	simm.s32 $_size_execute0_lowered;
	s2 =	sadd.s32 s2, s4;
	[dreg:$0x0] =	wrdreg $0x0  }
0xa8: {  	s4 =	sshll.u32 s28, $0x1;
	[dreg:$0x2] =	wrdreg s2  }
0xa9: {  	[dreg:$0x3] =	wrdreg s4  }
0xaa: {  	[dreg:$0x4] =	wrdreg $0xC0  }
0xab: {  	_ =	task [dreg:s6], $0x5FFFF  }
0xac: {  	[dreg:$0x1] =	wrdreg $0xFFFFFFFF  }
0xad: {  	[dreg:$0x0] =	wrdreg $0x60  }
0xae: {  	[dreg:$0x2] =	wrdreg s24  }
0xaf: {  	[dreg:$0x3] =	wrdreg $0x92000  }
0xb0: {  	[dreg:$0x4] =	wrdreg $0x9  }
0xb1: {  	_ =	task.clear_ibuf [dreg:s6], $0x5FFFF;
	_ =	strace $0x90000049  }
0xb2: {  	s29 =	simm.s32 $0x9;
	_ =	strace $0x8000004B  }
0xb3: {  	_ =	swait.ge [sflag:s29], $0x1  }
0xb4: {  	[sflag:s29] =	ssyncadd.s32 $0xFFFFFFFF  }
0xb5: {  	_ =	strace $0x9000004B  }
0xb6: {  	_ =	sfence  }
0xb7: {  	s30 =	sld [smem:$0x0];
	_ =	sdelay $0x2  }
0xb8: {  	s31 =	sshll.u32 s1, $0xD;
	s1 =	sshrl.u32 s1, $0x2  }
0xb9: {  	s3 =	sand.u32 $0x4000, s31;
	s1 =	sadd.s32 s1, s30  }
0xba: {  	s0 =	sor.u32 s3, s0;
	s1 =	sshll.u32 s1, $0x11  }
0xbb: {  	s0 =	sor.u32 s1, s0  }
0xbc: {  	s0 =	sadd.s32 $0x8F2B, s0  }
0xbd: {  	[sflag:s0] =	ssyncadd.remote.s32 $0x1  }
0xbe: {  	_ =	sfence.sel $0xFFFF  }
0xbf: {  	[dreg:$0x0] =	wrdreg $0xFFFFFFFF;
	(pc) =	sbr.abs _section_cstart, $3  }
0xc0: {  	[dreg:$0x1] =	wrdreg $0xFFFFFFFF  }
0xc1: {  	_ =	task.clear_ibuf [dreg:s6], $0x2FFFF;
	_ =	strace $0x9FFFFFFF  }
0xc2: {  	(tm) =	ssettm $0x7FFFFFFF  }
0xc3: {  	_ =	shalt  }
tec
execute0_lowered:
.L_overlay_start_1:
0x0: {  	(tag) =	ssettag $0x1  }
0x1: {  	s6 =	rddreg [dreg:$0x0]  }
0x2: {  	s1 =	rddreg [dreg:$0x1]  }
0x3: {  	s2 =	srdreg.scid;
	s0 =	rddreg [dreg:$0x2];
	s3 =	simm.s32 $0x0  }
0x4: {  	s12 =	simm.s32 $0x50;
	s13 =	simm.s32 $0x4000;
	s14 =	simm.s32 $0x4200  }
0x5: {  	s15 =	simm.s32 $0x2;
	s16 =	simm.s32 $0x1;
	s17 =	simm.s32 $0x4100  }
0x6: {  	s19 =	simm.s32 $0x0;
	s7 =	sand.u32 $0x1, s2;
	s2 =	stileid.u32  }
0x7: {  	[smem:$0x7FF] =	sst s3;
	s5 =	sadd.s32 $0x36200, s6;
	s8 =	smul.u32 $0x140000, s7  }
0x8: {  	s4 =	sshll.u32 s7, $0xB;
	s9 =	smul.u32 $0x14000, s2;
	_ =	strace $0x8000004A  }
0x9: {  	s7 =	ssub.s32 $0x2, s7;
	s11 =	smul.u32 $0x50000, s2;
	s30 =	sshll.u32 s2, $0xC  }
0xa: {  	s18 =	sshll.u32 s2, $0x6;
	s10 =	sadd.s32 s4, s6;
	s29 =	sshrl.u32 s7, $0x1  }
0xb: {  	s4 =	sadd.s32 $0x4E00, s6;
	s8 =	sadd.s32 s9, s8;
	s9 =	ssub.s32 s7, s29  }
0xc: {  	s31 =	sshrl.u32 s11, $0x2;
	s10 =	sadd.s32 s30, s10;
	s8 =	sshrl.u32 s8, $0x3  }
0xd: {  	s11 =	sadd.s32 s31, s1;
	s7 =	sadd.s32 $0x26200, s10;
	s9 =	smax.u32 s9, $0x1  }
0xe: {  	s8 =	sadd.s32 s8, s6;
	s6 =	sor.u32 $0x1C02, s18;
	s10 =	sshrl.u32 s11, $0x3  }
0xf: {  	s11 =	simm.s32 $0x3;
	s18 =	sor.u32 $0x1C03, s18;
	s8 =	sadd.s32 $0x5E200, s8  }
.LBB2_1:
0x10: {  	[spmem:s10], [sflag:s6] =	dma.local [hbm:s4], $0x2800  }
0x11: {  	[tilespmem:s3], [sflag:$0x3] =	stream.linear.gather [hbm4b:s7+s3], $0x3E80, $0x38;
	[tilespmem:$0x1D200] =	vst v63  }
0x12: {  	_ =	swait.ge [sflag:s11], $0x3E80  }
0x13: {  	[sflag:s11] =	ssyncset.done $0x0  }
0x14: {  	[sflag:s11] =	ssyncadd.s32 $0xFFFFC180  }
0x15: {  	v0 =	vld [tilespmem:$0x0];
	_ =	sdelay $0x1  }
0x16: {  	v1 =	vld [tilespmem:$0x10];
	_ =	sdelay $0x1  }
0x17: {  	v2 =	vld [tilespmem:$0x20]  }
0x18: {  	v3 =	vshrl.u32 v0, $0x10  }
0x19: {  	v48 =	vld [tilespmem:$0x30];
	v0 =	vand.u32 $0xFFFF, v0;
	[tilespmem:$0x4000] =	vst v3  }
0x1a: {  	v49 =	vshrl.u32 v1, $0x10;
	[tilespmem:$0x4100] =	vst v0  }
0x1b: {  	v51 =	vld [tilespmem:$0x40];
	v50 =	vand.u32 $0xFFFF, v1;
	[tilespmem:$0x4010] =	vst v49  }
0x1c: {  	v52 =	vshrl.u32 v2, $0x10;
	[tilespmem:$0x4110] =	vst v50  }
0x1d: {  	v53 =	vand.u32 $0xFFFF, v2;
	[tilespmem:$0x4020] =	vst v52  }
0x1e: {  	v54 =	vshrl.u32 v48, $0x10;
	[tilespmem:$0x4120] =	vst v53  }
0x1f: {  	v55 =	vand.u32 $0xFFFF, v48;
	[tilespmem:$0x4030] =	vst v54  }
0x20: {  	v56 =	vshrl.u32 v51, $0x10;
	[tilespmem:$0x4130] =	vst v55  }
0x21: {  	v57 =	vand.u32 $0xFFFF, v51;
	[tilespmem:$0x4040] =	vst v56  }
0x22: {  	[tilespmem:$0x4140] =	vst v57  }
0x23: {  	[tilespmem:s14], [sflag:$0x1] =	stream.indirect.gather [hbm4b:s5+s12], $0x80, s13, s12, $0xb8;
	[tilespmem:$0x1D200] =	vst v63  }
0x24: {  	_ =	swait.ge [sflag:s15], $0x2800  }
0x25: {  	[sflag:s15] =	ssyncset.done $0x0  }
0x26: {  	[sflag:s15] =	ssyncadd.s32 $0xFFFFD800  }
0x27: {  	s20 =	simm.s32 $0xC0;
	[bflag:$0x0] =	sbarrier.arrive $0xFFFF  }
0x28: {  	v58 =	vld [tilespmem:s20+$0xFFFFFFC0];
	_ =	sdelay $0x2  }
0x29: {  	s22 =	sand.u32 $0x1, s3  }
0x2a: {  	s21 =	sxor.u32 $0x1, s22  }
0x2b: {  	s23 =	sshll.u32 s21, $0x7;
	v59 =	vshrl.u32 v58, $0x10  }
0x2c: {  	v0 =	vand.u32 $0xFFFF, v58;
	[tilespmem:s23+$0x4000] =	vst v59  }
0x2d: {  	[tilespmem:s23+$0x4100] =	vst v0  }
0x2e: {  	v0 =	vld [tilespmem:s20+$0xFFFFFFD0];
	_ =	sdelay $0x4  }
0x2f: {  	v60 =	vshrl.u32 v0, $0x10  }
0x30: {  	v0 =	vand.u32 $0xFFFF, v0;
	[tilespmem:s23+$0x4010] =	vst v60  }
0x31: {  	[tilespmem:s23+$0x4110] =	vst v0  }
0x32: {  	v0 =	vld [tilespmem:s20+$0xFFFFFFE0];
	_ =	sdelay $0x4  }
0x33: {  	v61 =	vshrl.u32 v0, $0x10  }
0x34: {  	v0 =	vand.u32 $0xFFFF, v0;
	[tilespmem:s23+$0x4020] =	vst v61  }
0x35: {  	[tilespmem:s23+$0x4120] =	vst v0  }
0x36: {  	v0 =	vld [tilespmem:s20+$0xFFFFFFF0];
	_ =	sdelay $0x4  }
0x37: {  	v62 =	vshrl.u32 v0, $0x10  }
0x38: {  	v0 =	vand.u32 $0xFFFF, v0;
	[tilespmem:s23+$0x4030] =	vst v62  }
0x39: {  	[tilespmem:s23+$0x4130] =	vst v0  }
0x3a: {  	v0 =	vld [tilespmem:s20+$0x0];
	_ =	sdelay $0x3  }
0x3b: {  	s21 =	smul.u32 $0xA000, s21  }
0x3c: {  	s24 =	smul.u32 $0xA000, s22;
	s22 =	sshll.u32 s22, $0x7;
	v63 =	vshrl.u32 v0, $0x10  }
0x3d: {  	s22 =	sor.u32 $0x4100, s22;
	s21 =	sshrl.u32 s21, $0x2;
	v0 =	vand.u32 $0xFFFF, v0;
	[tilespmem:s23+$0x4040] =	vst v63  }
0x3e: {  	s25 =	sor.u32 $0x4000, s23;
	s31 =	sshrl.u32 s24, $0x2;
	s21 =	sor.u32 $0x4200, s21;
	[tilespmem:s23+$0x4140] =	vst v0  }
0x3f: {  	[tilespmem:s21], [sflag:$0x1] =	stream.indirect.gather [hbm4b:s5+s12], $0x80, s25, s12, $0xb8;
	[tilespmem:$0x1D200] =	vst v63  }
0x40: {  	s24 =	sor.u32 $0x4200, s31;
	s21 =	simm.s32 $0x1;
	_ =	swait.ge [sflag:s16], $0x2800  }
.LBB2_2:
0x41: {  	p0 =	sne.s32 s21, $0x7B;
	[sflag:s16] =	ssyncset.done $0x0;
	s20 =	sadd.s32 $0x80, s20  }
0x42: {  	s23 =	smov.u32 s21;
	s21 =	sadd.s32 $0x1, s21;
	[sflag:s16] =	ssyncadd.s32 $0xFFFFD800  }
0x43: {  	[spmem:s1] =	stream.indirect.scatter.add.f32 [tilespmem:s24], [sflag:$0x3], $0x80, s22, s12, $0xb8;
	[tilespmem:$0x1D200] =	vst v63  }
0x44: {  	_ =	swait.ge [sflag:s11], $0x2800  }
0x45: {  	[sflag:s11] =	ssyncset.done $0x0  }
0x46: {  	[sflag:s11] =	ssyncadd.s32 $0xFFFFD800  }
0x47: {  	v0 =	vld [tilespmem:s20+$0xFFFFFFC0];
	_ =	sdelay $0x2  }
0x48: {  	s22 =	sand.u32 $0x1, s23  }
0x49: {  	s24 =	sxor.u32 $0x1, s22;
	s25 =	smul.u32 $0xA000, s22;
	s22 =	sshll.u32 s22, $0x7  }
0x4a: {  	s23 =	sshll.u32 s24, $0x7;
	s24 =	smul.u32 $0xA000, s24;
	v1 =	vshrl.u32 v0, $0x10;
	v0 =	vand.u32 $0xFFFF, v0  }
0x4b: {  	s25 =	sshrl.u32 s25, $0x2;
	[tilespmem:s23+$0x4000] =	vst v1  }
0x4c: {  	s24 =	sshrl.u32 s24, $0x2;
	[tilespmem:s23+$0x4100] =	vst v0  }
0x4d: {  	v0 =	vld [tilespmem:s20+$0xFFFFFFD0];
	_ =	sdelay $0x4  }
0x4e: {  	v1 =	vshrl.u32 v0, $0x10;
	v0 =	vand.u32 $0xFFFF, v0  }
0x4f: {  	[tilespmem:s23+$0x4010] =	vst v1  }
0x50: {  	[tilespmem:s23+$0x4110] =	vst v0  }
0x51: {  	v0 =	vld [tilespmem:s20+$0xFFFFFFE0];
	_ =	sdelay $0x4  }
0x52: {  	v1 =	vshrl.u32 v0, $0x10;
	v0 =	vand.u32 $0xFFFF, v0  }
0x53: {  	[tilespmem:s23+$0x4020] =	vst v1  }
0x54: {  	[tilespmem:s23+$0x4120] =	vst v0  }
0x55: {  	v0 =	vld [tilespmem:s20+$0xFFFFFFF0];
	_ =	sdelay $0x4  }
0x56: {  	v1 =	vshrl.u32 v0, $0x10;
	v0 =	vand.u32 $0xFFFF, v0  }
0x57: {  	[tilespmem:s23+$0x4030] =	vst v1  }
0x58: {  	[tilespmem:s23+$0x4130] =	vst v0  }
0x59: {  	v0 =	vld [tilespmem:s20+$0x0];
	_ =	sdelay $0x1  }
0x5a: {  	s26 =	sor.u32 $0x4000, s23;
	s28 =	sor.u32 $0x4200, s24;
	_ =	sdelay $0x2  }
.Ltmp0:
0x5b: {  	v1 =	vshrl.u32 v0, $0x10;
	v0 =	vand.u32 $0xFFFF, v0;
	(pc) =	sbr.rel @p0 .LBB2_2-.Ltmp0, $4  }
0x5c: {  	s22 =	sor.u32 $0x4100, s22;
	s24 =	sor.u32 $0x4200, s25;
	[tilespmem:s23+$0x4040] =	vst v1  }
0x5d: {  	[tilespmem:s23+$0x4140] =	vst v0  }
0x5e: {  	[tilespmem:s28], [sflag:$0x1] =	stream.indirect.gather [hbm4b:s5+s12], $0x80, s26, s12, $0xb8;
	[tilespmem:$0x1D200] =	vst v63  }
0x5f: {  	_ =	swait.ge [sflag:s16], $0x2800  }
0x60: {  	[sflag:s16] =	ssyncset.done $0x0  }
0x61: {  	[sflag:s16] =	ssyncadd.s32 $0xFFFFD800  }
0x62: {  	[spmem:s1] =	stream.indirect.scatter.add.f32 [tilespmem:s24], [sflag:$0x3], $0x80, s22, s12, $0xb8;
	[tilespmem:$0x1D200] =	vst v63  }
0x63: {  	_ =	swait.ge [sflag:s11], $0x2800  }
0x64: {  	[sflag:s11] =	ssyncset.done $0x0  }
0x65: {  	[sflag:s11] =	ssyncadd.s32 $0xFFFFD800  }
0x66: {  	_ =	swait.ge [sflag:s16], $0x2800  }
0x67: {  	[sflag:s16] =	ssyncset.done $0x0  }
0x68: {  	[sflag:s16] =	ssyncadd.s32 $0xFFFFD800  }
0x69: {  	[spmem:s1] =	stream.indirect.scatter.add.f32 [tilespmem:s14], [sflag:$0x3], $0x80, s17, s12, $0xb8;
	[tilespmem:$0x1D200] =	vst v63  }
0x6a: {  	_ =	swait.ge [sflag:s11], $0x2800  }
0x6b: {  	s19 =	sadd.s32 $0x1, s19;
	[sflag:s11] =	ssyncset.done $0x0  }
0x6c: {  	p0 =	sne.s32 s19, s9;
	[sflag:s11] =	ssyncadd.s32 $0xFFFFD800  }
.Ltmp1:
0x6d: {  	[bflag:$0x0] =	sbarrier.arrive $0xFFFF;
	(pc) =	sbr.rel @p0 .LBB2_1-.Ltmp1, $4  }
0x6e: {  	[hbm:s8], [sflag:s18] =	dma.local [spmem:s10], $0x2800  }
0x6f: {  	_ =	swait.ge [sflag:s11], $0x2800  }
0x70: {  	[sflag:s11] =	ssyncset.done $0x0  }
0x71: {  	[sflag:s11] =	ssyncadd.s32 $0xFFFFD800  }
0x72: {  	_ =	sfence.sel $0x180000  }
0x73: {  	[bflag:$0x0] =	sbarrier.arrive $0xFFFF  }
0x74: {  	p0 =	sne.s32 s2, $0x0;
	_ =	strace $0x9000004A  }
0x75: {  	s0 =	sadd.s32 @!p0 $0x100000, s0;
	[bflag:$0x2] =	sbarrier.arrive $0xFFFF  }
0x76: {  	[sflag:s0] =	ssyncadd.tile.s32 @!p0 $0x1;
	_ =	shalt  }
.Lfunc_end2:
_tile_overlayer_lowered:
.L_overlay_start_2:
0x77: {  	(tag) =	ssettag $0x2  }
0x78: {  	s0 =	rddreg [dreg:$0x0];
	s2 =	stileid.u32  }
0x79: {  	s1 =	rddreg [dreg:$0x1];
	p0 =	sne.s32 s2, $0x0  }
0x7a: {  	s3 =	rddreg [dreg:$0x2];
	[bflag:$0x3] =	sbarrier.arrive $0xFFFF;
	s2 =	simm.s32 @!p0 $0x1C03  }
0x7b: {  	[timem:s3], [sflag:s2] =	dma.local @!p0 [hbm:s0], s1  }
0x7c: {  	s0 =	simm.s32 @!p0 $0x3  }
0x7d: {  	_ =	swait.ge @!p0 [sflag:s0], s1  }
0x7e: {  	s1 =	ssub.s32 @!p0 $0x0, s1;
	[sflag:s0] =	ssyncset.done @!p0 $0x0  }
0x7f: {  	[sflag:s0] =	ssyncadd.s32 @!p0 s1  }
0x80: {  	[bflag:$0x3] =	sbarrier.arrive $0xFFFF  }
0x81: {  	_ =	shalt  }

// kernel: kernel.20.cloned.1.call-start
scs
__scs_entry_jumppad:
0x0: {  	(pc) =	sbr.rel $0x88, $3  }
0x1: {  	(tag) =	ssettag $0x0;
	lr =	simm.s32 $0x1  }
0x2: {  	[smem:$0x3F8F] =	sst lr;
	_ =	strace $0xD0000000  }
0x3: {  	_ = 	snop  }
0x4: {  	_ = 	snop  }
0x5: {  	_ = 	snop  }
0x6: {  	_ = 	snop  }
0x7: {  	_ = 	snop  }
__scs_overlays_trampoline_lowered:
0x8: {  	[smem:$0x3F9E] =	sst s0  }
0x9: {  	[smem:$0x3F9F] =	sst s1  }
0xa: {  	[smem:$0x3FA0] =	sst s2  }
0xb: {  	[smem:$0x3FA1] =	sst s3  }
0xc: {  	[smem:$0x3FA2] =	sst s4  }
0xd: {  	[smem:$0x3FA3] =	sst s5  }
0xe: {  	[smem:$0x3FA4] =	sst s6  }
0xf: {  	[smem:$0x3FA5] =	sst s7  }
0x10: {  	[smem:$0x3FA6] =	sst s8  }
0x11: {  	[smem:$0x3FA7] =	sst s9;
	s0 =	simm.s32 @!p0 $0x0  }
0x12: {  	s1 =	sld [smem:$0x3F8D];
	s0 =	simm.s32 @p0 $0x1  }
0x13: {  	[smem:$0x3FA8] =	sst s0;
	s0 =	simm.s32 @!p1 $0x0  }
0x14: {  	s2 =	sld [smem:$0x3F8C];
	s0 =	simm.s32 @p1 $0x1  }
0x15: {  	[smem:$0x3FA9] =	sst s0;
	s0 =	simm.s32 @!p2 $0x0  }
0x16: {  	s3 =	sld [smem:$0x3FDB];
	s0 =	simm.s32 @p2 $0x1  }
0x17: {  	s4 =	simm.s32 $0x1BF5;
	[smem:$0x3FAB] =	sst s0  }
0x18: {  	s0 =	sld [smem:$0x3F8E];
	_ =	swait.ge [sflag:s4], $0x0  }
0x19: {  	s7 =	sld [smem:$0x3F8F]  }
0x1a: {  	s8 =	sadd.s32 $0xFFFFE003, lr  }
0x1b: {  	s9 =	sadd.s32 $0xFFFFFEF7, lr;
	s5 =	simm.s32 $0xFFFFFFFF;
	p2 =	slt.u32 s8, $0xFFFFF086  }
0x1c: {  	p1 =	slt.u32 s9, $0xF7A;
	s5 =	simm.s32 @!p2 $0x0  }
0x1d: {  	s5 =	simm.s32 @p1 $0x1;
	p0 =	seq.s32 s7, s2  }
0x1e: {  	s7 =	smul.u32 @!p0 $0xF7A, s2;
	p2 =	seq.s32 @!p0 s5, $0x0  }
0x1f: {  	s9 =	smul.u32 $0xF7A, s1;
	s8 =	simm.s32 @!p0 $0x1BF5;
	p2 =	por !p2, p0  }
0x20: {  	[sflag:s8] =	ssyncset.s32 @!p0 $0xFFFFF086;
	s6 =	sadd.s32 @!p0 s3, s7;
	s7 =	simm.s32 @!p0 $0x108  }
0x21: {  	s3 =	sadd.s32 s3, s9;
	s6 =	sadd.s32 @!p0 $0x88, s6;
	s7 =	simm.s32 @p2 $0x1082  }
0x22: {  	[simem:s7], [sflag:s8] =	dma.local @!p0 [hbm:s6], $0xF7A  }
0x23: {  	s9 =	sor.u32 $0xD0000000, s2;
	s6 =	simm.s32 $0x108;
	_ =	swait.ge @!p0 [sflag:s8], $0x0  }
0x24: {  	s3 =	sadd.s32 $0x88, s3;
	s6 =	simm.s32 @!p1 $0x1082;
	[sflag:s4] =	ssyncset.s32 $0xFFFFF086  }
0x25: {  	[simem:s6], [sflag:s4] =	dma.local [hbm:s3], $0xF7A  }
0x26: {  	[smem:$0x3F8F] =	sst s1;
	(tag) =	ssettag s2;
	_ =	strace s9  }
0x27: {  	s1 =	sld [smem:$0x3F9F]  }
0x28: {  	s2 =	sld [smem:$0x3FA0]  }
0x29: {  	s4 =	sld [smem:$0x3FA2]  }
0x2a: {  	p0 =	seq.s32 s5, $0x0;
	s5 =	sld [smem:$0x3FA3]  }
0x2b: {  	s6 =	sld [smem:$0x3FA4]  }
0x2c: {  	s7 =	sld [smem:$0x3FA5]  }
0x2d: {  	s3 =	simm.s32 $0x108;
	s8 =	sld [smem:$0x3FA6]  }
0x2e: {  	s3 =	simm.s32 @!p0 $0x1082;
	s9 =	sld [smem:$0x3FA7]  }
0x2f: {  	lr =	sadd.s32 s0, s3;
	s0 =	sld [smem:$0x3F9E]  }
0x30: {  	s3 =	sld [smem:$0x3FA1]  }
0x31: {  	[smem:$0x3FAA] =	sst s10  }
0x32: {  	s10 =	sld [smem:$0x3FA8];
	_ =	sdelay $0x3  }
0x33: {  	p0 =	seq.s32 s10, $0x1;
	s10 =	sld [smem:$0x3FAA];
	_ =	sdelay $0x3  }
0x34: {  	[smem:$0x3FAA] =	sst s10  }
0x35: {  	s10 =	sld [smem:$0x3FA9];
	_ =	sdelay $0x3  }
0x36: {  	p1 =	seq.s32 s10, $0x1;
	s10 =	sld [smem:$0x3FAA];
	_ =	sdelay $0x3  }
0x37: {  	[smem:$0x3FAA] =	sst s10  }
0x38: {  	s10 =	sld [smem:$0x3FAB]  }
0x39: {  	_ = 	snop;
	(pc) =	sbr.ind lr, $3  }
0x3a: {  	_ = 	snop  }
0x3b: {  	_ = 	snop  }
0x3c: {  	p2 =	seq.s32 s10, $0x1;
	s10 =	sld [smem:$0x3FAA]  }
0x3d: {  	_ =	shalt  }
0x3e: {  	_ =	shalt  }
0x3f: {  	_ =	shalt  }
0x40: {  	_ =	shalt  }
0x41: {  	_ =	shalt  }
0x42: {  	_ =	shalt  }
0x43: {  	_ =	shalt  }
0x44: {  	_ =	shalt  }
0x45: {  	_ =	shalt  }
0x46: {  	_ =	shalt  }
0x47: {  	_ =	shalt  }
0x48: {  	_ =	shalt  }
0x49: {  	_ =	shalt  }
0x4a: {  	_ =	shalt  }
0x4b: {  	_ =	shalt  }
0x4c: {  	_ =	shalt  }
0x4d: {  	_ =	shalt  }
0x4e: {  	_ =	shalt  }
0x4f: {  	_ =	shalt  }
0x50: {  	_ =	shalt  }
0x51: {  	_ =	shalt  }
0x52: {  	_ =	shalt  }
0x53: {  	_ =	shalt  }
0x54: {  	_ =	shalt  }
0x55: {  	_ =	shalt  }
0x56: {  	_ =	shalt  }
0x57: {  	_ =	shalt  }
0x58: {  	_ =	shalt  }
0x59: {  	_ =	shalt  }
0x5a: {  	_ =	shalt  }
0x5b: {  	_ =	shalt  }
0x5c: {  	_ =	shalt  }
0x5d: {  	_ =	shalt  }
0x5e: {  	_ =	shalt  }
0x5f: {  	_ =	shalt  }
0x60: {  	_ =	shalt  }
0x61: {  	_ =	shalt  }
0x62: {  	_ =	shalt  }
0x63: {  	_ =	shalt  }
0x64: {  	_ =	shalt  }
0x65: {  	_ =	shalt  }
0x66: {  	_ =	shalt  }
0x67: {  	_ =	shalt  }
0x68: {  	_ =	shalt  }
0x69: {  	_ =	shalt  }
0x6a: {  	_ =	shalt  }
0x6b: {  	_ =	shalt  }
0x6c: {  	_ =	shalt  }
0x6d: {  	_ =	shalt  }
0x6e: {  	_ =	shalt  }
0x6f: {  	_ =	shalt  }
0x70: {  	_ =	shalt  }
0x71: {  	_ =	shalt  }
0x72: {  	_ =	shalt  }
0x73: {  	_ =	shalt  }
0x74: {  	_ =	shalt  }
0x75: {  	_ =	shalt  }
0x76: {  	_ =	shalt  }
0x77: {  	_ =	shalt  }
0x78: {  	_ =	shalt  }
0x79: {  	_ =	shalt  }
0x7a: {  	_ =	shalt  }
0x7b: {  	_ =	shalt  }
0x7c: {  	_ =	shalt  }
0x7d: {  	_ =	shalt  }
0x7e: {  	_ =	shalt  }
0x7f: {  	_ =	shalt  }
0x80: {  	_ =	shalt  }
0x81: {  	_ =	shalt  }
0x82: {  	_ =	shalt  }
0x83: {  	_ =	shalt  }
0x84: {  	_ =	shalt  }
0x85: {  	_ =	shalt  }
0x86: {  	_ =	shalt  }
0x87: {  	_ =	shalt  }
.Lfunc_end0:
.L_simem_size_0:
called_computation.2_lowered:
.L_overlay_start_0:
0x88: {  	s2 =	sld [smem:$0x3FD9]  }
0x89: {  	s3 =	sld [smem:$0x3FFE];
	_ =	sdelay $0x1  }
0x8a: {  	s1 =	srdreg.scid  }
0x8b: {  	s0 =	sand.u32 $0x1, s1  }
0x8c: {  	s16 =	sshll.u32 s0, $0xA;
	s2 =	sadd.s32 s3, s2  }
0x8d: {  	s2 =	sadd.s32 s2, s16  }
0x8e: {  	[smem:$0x3FB6] =	sst s2  }
0x8f: {  	_ = 	snop  }
0x90: {  	(tm) =	ssettm $0x1  }
0x91: {  	s17 =	sld [smem:$0x3FFB];
	_ =	sdelay $0x3  }
0x92: {  	_ =	strace s17  }
0x93: {  	s2 =	sld [smem:$0x3FFC];
	_ =	sdelay $0x3  }
0x94: {  	_ =	strace s2  }
0x95: {  	s2 =	sld [smem:$0x3FFD];
	_ =	sdelay $0x3  }
0x96: {  	_ =	strace s2  }
0x97: {  	_ =	strace $0x8FFFFFFF  }
0x98: {  	s18 =	sld [smem:$0x3FDB];
	_ =	sdelay $0x1  }
0x99: {  	s19 =	simm.s32 $_scs_section_size  }
0x9a: {  	s4 =	simm.s32 $_size__tile_overlayer_lowered;
	s5 =	simm.s32 $_tile_overlayer_lowered  }
0x9b: {  	s22 =	simm.s32 $0x1BFF;
	s21 =	sshll.u32 s5, $0x1;
	s2 =	sadd.s32 s19, s18  }
0x9c: {  	s6 =	simm.s32 $0x0;
	s20 =	sshll.u32 s4, $0x1;
	s4 =	sadd.s32 s21, s2  }
0x9d: {  	[timem:s6], [sflag:s22] =	dma.local [hbm:s4], s20  }
0x9e: {  	_ =	swait.ge [sflag:s22], s20  }
0x9f: {  	s3 =	ssub.s32 $0x0, s20;
	[sflag:s22] =	ssyncset.done $0x0  }
0xa0: {  	[sflag:s22] =	ssyncadd.s32 s3;
	_ =	sdelay $0x1  }
0xa1: {  	s23 =	simm.s32 $0x1B8B  }
0xa2: {  	_ =	swait.ge [sflag:s23], $0x1  }
0xa3: {  	[sflag:s23] =	ssyncset.done $0x0  }
0xa4: {  	s25 =	simm.s32 $0x1B8E;
	s24 =	sld [smem:$0x3FFE];
	[sflag:s23] =	ssyncadd.s32 $0xFFFFFFFF  }
0xa5: {  	s26 =	simm.s32 $execute0_lowered;
	[smem:$0x3FD2] =	sst s25  }
0xa6: {  	s4 =	sshll.u32 s26, $0x1;
	_ =	strace $0x8000004C;
	[dreg:$0x1] =	wrdreg $0xFFFFFFFF  }
0xa7: {  	s28 =	simm.s32 $_size_execute0_lowered;
	s2 =	sadd.s32 s2, s4;
	[dreg:$0x0] =	wrdreg $0x0  }
0xa8: {  	s4 =	sshll.u32 s28, $0x1;
	[dreg:$0x2] =	wrdreg s2  }
0xa9: {  	[dreg:$0x3] =	wrdreg s4  }
0xaa: {  	[dreg:$0x4] =	wrdreg $0xC0  }
0xab: {  	_ =	task [dreg:s6], $0x5FFFF  }
0xac: {  	[dreg:$0x1] =	wrdreg $0xFFFFFFFF  }
0xad: {  	[dreg:$0x0] =	wrdreg $0x60  }
0xae: {  	[dreg:$0x2] =	wrdreg s24  }
0xaf: {  	[dreg:$0x3] =	wrdreg $0x92000  }
0xb0: {  	[dreg:$0x4] =	wrdreg $0x9  }
0xb1: {  	_ =	task.clear_ibuf [dreg:s6], $0x5FFFF;
	_ =	strace $0x9000004C  }
0xb2: {  	s29 =	simm.s32 $0x9;
	_ =	strace $0x8000004E  }
0xb3: {  	_ =	swait.ge [sflag:s29], $0x1  }
0xb4: {  	[sflag:s29] =	ssyncadd.s32 $0xFFFFFFFF  }
0xb5: {  	_ =	strace $0x9000004E  }
0xb6: {  	_ =	sfence  }
0xb7: {  	s30 =	sld [smem:$0x0];
	_ =	sdelay $0x2  }
0xb8: {  	s31 =	sshll.u32 s1, $0xD;
	s1 =	sshrl.u32 s1, $0x2  }
0xb9: {  	s3 =	sand.u32 $0x4000, s31;
	s1 =	sadd.s32 s1, s30  }
0xba: {  	s0 =	sor.u32 s3, s0;
	s1 =	sshll.u32 s1, $0x11  }
0xbb: {  	s0 =	sor.u32 s1, s0  }
0xbc: {  	s0 =	sadd.s32 $0x8F2B, s0  }
0xbd: {  	[sflag:s0] =	ssyncadd.remote.s32 $0x1  }
0xbe: {  	_ =	sfence.sel $0xFFFF  }
0xbf: {  	[dreg:$0x0] =	wrdreg $0xFFFFFFFF;
	(pc) =	sbr.abs _section_cstart, $3  }
0xc0: {  	[dreg:$0x1] =	wrdreg $0xFFFFFFFF  }
0xc1: {  	_ =	task.clear_ibuf [dreg:s6], $0x2FFFF;
	_ =	strace $0x9FFFFFFF  }
0xc2: {  	(tm) =	ssettm $0x7FFFFFFF  }
0xc3: {  	_ =	shalt  }
tec
execute0_lowered:
.L_overlay_start_1:
0x0: {  	(tag) =	ssettag $0x1  }
0x1: {  	s6 =	rddreg [dreg:$0x0]  }
0x2: {  	s1 =	rddreg [dreg:$0x1]  }
0x3: {  	s2 =	srdreg.scid;
	s0 =	rddreg [dreg:$0x2];
	s3 =	simm.s32 $0x0  }
0x4: {  	s12 =	simm.s32 $0x50;
	s13 =	simm.s32 $0x4000;
	s14 =	simm.s32 $0x4200  }
0x5: {  	s15 =	simm.s32 $0x2;
	s16 =	simm.s32 $0x1;
	s17 =	simm.s32 $0x4100  }
0x6: {  	s19 =	simm.s32 $0x0;
	s7 =	sand.u32 $0x1, s2;
	s2 =	stileid.u32  }
0x7: {  	[smem:$0x7FF] =	sst s3;
	s5 =	sadd.s32 $0x36200, s6;
	s8 =	smul.u32 $0x140000, s7  }
0x8: {  	s4 =	sshll.u32 s7, $0xB;
	s9 =	smul.u32 $0x14000, s2;
	_ =	strace $0x8000004D  }
0x9: {  	s7 =	ssub.s32 $0x2, s7;
	s11 =	smul.u32 $0x50000, s2;
	s30 =	sshll.u32 s2, $0xC  }
0xa: {  	s18 =	sshll.u32 s2, $0x6;
	s10 =	sadd.s32 s4, s6;
	s29 =	sshrl.u32 s7, $0x1  }
0xb: {  	s4 =	sadd.s32 $0x4E00, s6;
	s8 =	sadd.s32 s9, s8;
	s9 =	ssub.s32 s7, s29  }
0xc: {  	s31 =	sshrl.u32 s11, $0x2;
	s10 =	sadd.s32 s30, s10;
	s8 =	sshrl.u32 s8, $0x3  }
0xd: {  	s11 =	sadd.s32 s31, s1;
	s7 =	sadd.s32 $0x26200, s10;
	s9 =	smax.u32 s9, $0x1  }
0xe: {  	s8 =	sadd.s32 s8, s6;
	s6 =	sor.u32 $0x1C02, s18;
	s10 =	sshrl.u32 s11, $0x3  }
0xf: {  	s11 =	simm.s32 $0x3;
	s18 =	sor.u32 $0x1C03, s18;
	s8 =	sadd.s32 $0x5E200, s8  }
.LBB2_1:
0x10: {  	[spmem:s10], [sflag:s6] =	dma.local [hbm:s4], $0x2800  }
0x11: {  	[tilespmem:s3], [sflag:$0x3] =	stream.linear.gather [hbm4b:s7+s3], $0x3E80, $0x38;
	[tilespmem:$0x1D200] =	vst v63  }
0x12: {  	_ =	swait.ge [sflag:s11], $0x3E80  }
0x13: {  	[sflag:s11] =	ssyncset.done $0x0  }
0x14: {  	[sflag:s11] =	ssyncadd.s32 $0xFFFFC180  }
0x15: {  	v0 =	vld [tilespmem:$0x0];
	_ =	sdelay $0x1  }
0x16: {  	v1 =	vld [tilespmem:$0x10];
	_ =	sdelay $0x1  }
0x17: {  	v2 =	vld [tilespmem:$0x20]  }
0x18: {  	v3 =	vshrl.u32 v0, $0x10  }
0x19: {  	v48 =	vld [tilespmem:$0x30];
	v0 =	vand.u32 $0xFFFF, v0;
	[tilespmem:$0x4000] =	vst v3  }
0x1a: {  	v49 =	vshrl.u32 v1, $0x10;
	[tilespmem:$0x4100] =	vst v0  }
0x1b: {  	v51 =	vld [tilespmem:$0x40];
	v50 =	vand.u32 $0xFFFF, v1;
	[tilespmem:$0x4010] =	vst v49  }
0x1c: {  	v52 =	vshrl.u32 v2, $0x10;
	[tilespmem:$0x4110] =	vst v50  }
0x1d: {  	v53 =	vand.u32 $0xFFFF, v2;
	[tilespmem:$0x4020] =	vst v52  }
0x1e: {  	v54 =	vshrl.u32 v48, $0x10;
	[tilespmem:$0x4120] =	vst v53  }
0x1f: {  	v55 =	vand.u32 $0xFFFF, v48;
	[tilespmem:$0x4030] =	vst v54  }
0x20: {  	v56 =	vshrl.u32 v51, $0x10;
	[tilespmem:$0x4130] =	vst v55  }
0x21: {  	v57 =	vand.u32 $0xFFFF, v51;
	[tilespmem:$0x4040] =	vst v56  }
0x22: {  	[tilespmem:$0x4140] =	vst v57  }
0x23: {  	[tilespmem:s14], [sflag:$0x1] =	stream.indirect.gather [hbm4b:s5+s12], $0x80, s13, s12, $0xb8;
	[tilespmem:$0x1D200] =	vst v63  }
0x24: {  	_ =	swait.ge [sflag:s15], $0x2800  }
0x25: {  	[sflag:s15] =	ssyncset.done $0x0  }
0x26: {  	[sflag:s15] =	ssyncadd.s32 $0xFFFFD800  }
0x27: {  	s20 =	simm.s32 $0xC0;
	[bflag:$0x0] =	sbarrier.arrive $0xFFFF  }
0x28: {  	v58 =	vld [tilespmem:s20+$0xFFFFFFC0];
	_ =	sdelay $0x2  }
0x29: {  	s22 =	sand.u32 $0x1, s3  }
0x2a: {  	s21 =	sxor.u32 $0x1, s22  }
0x2b: {  	s23 =	sshll.u32 s21, $0x7;
	v59 =	vshrl.u32 v58, $0x10  }
0x2c: {  	v0 =	vand.u32 $0xFFFF, v58;
	[tilespmem:s23+$0x4000] =	vst v59  }
0x2d: {  	[tilespmem:s23+$0x4100] =	vst v0  }
0x2e: {  	v0 =	vld [tilespmem:s20+$0xFFFFFFD0];
	_ =	sdelay $0x4  }
0x2f: {  	v60 =	vshrl.u32 v0, $0x10  }
0x30: {  	v0 =	vand.u32 $0xFFFF, v0;
	[tilespmem:s23+$0x4010] =	vst v60  }
0x31: {  	[tilespmem:s23+$0x4110] =	vst v0  }
0x32: {  	v0 =	vld [tilespmem:s20+$0xFFFFFFE0];
	_ =	sdelay $0x4  }
0x33: {  	v61 =	vshrl.u32 v0, $0x10  }
0x34: {  	v0 =	vand.u32 $0xFFFF, v0;
	[tilespmem:s23+$0x4020] =	vst v61  }
0x35: {  	[tilespmem:s23+$0x4120] =	vst v0  }
0x36: {  	v0 =	vld [tilespmem:s20+$0xFFFFFFF0];
	_ =	sdelay $0x4  }
0x37: {  	v62 =	vshrl.u32 v0, $0x10  }
0x38: {  	v0 =	vand.u32 $0xFFFF, v0;
	[tilespmem:s23+$0x4030] =	vst v62  }
0x39: {  	[tilespmem:s23+$0x4130] =	vst v0  }
0x3a: {  	v0 =	vld [tilespmem:s20+$0x0];
	_ =	sdelay $0x3  }
0x3b: {  	s21 =	smul.u32 $0xA000, s21  }
0x3c: {  	s24 =	smul.u32 $0xA000, s22;
	s22 =	sshll.u32 s22, $0x7;
	v63 =	vshrl.u32 v0, $0x10  }
0x3d: {  	s22 =	sor.u32 $0x4100, s22;
	s21 =	sshrl.u32 s21, $0x2;
	v0 =	vand.u32 $0xFFFF, v0;
	[tilespmem:s23+$0x4040] =	vst v63  }
0x3e: {  	s25 =	sor.u32 $0x4000, s23;
	s31 =	sshrl.u32 s24, $0x2;
	s21 =	sor.u32 $0x4200, s21;
	[tilespmem:s23+$0x4140] =	vst v0  }
0x3f: {  	[tilespmem:s21], [sflag:$0x1] =	stream.indirect.gather [hbm4b:s5+s12], $0x80, s25, s12, $0xb8;
	[tilespmem:$0x1D200] =	vst v63  }
0x40: {  	s24 =	sor.u32 $0x4200, s31;
	s21 =	simm.s32 $0x1;
	_ =	swait.ge [sflag:s16], $0x2800  }
.LBB2_2:
0x41: {  	p0 =	sne.s32 s21, $0x7B;
	[sflag:s16] =	ssyncset.done $0x0;
	s20 =	sadd.s32 $0x80, s20  }
0x42: {  	s23 =	smov.u32 s21;
	s21 =	sadd.s32 $0x1, s21;
	[sflag:s16] =	ssyncadd.s32 $0xFFFFD800  }
0x43: {  	[spmem:s1] =	stream.indirect.scatter.add.f32 [tilespmem:s24], [sflag:$0x3], $0x80, s22, s12, $0xb8;
	[tilespmem:$0x1D200] =	vst v63  }
0x44: {  	_ =	swait.ge [sflag:s11], $0x2800  }
0x45: {  	[sflag:s11] =	ssyncset.done $0x0  }
0x46: {  	[sflag:s11] =	ssyncadd.s32 $0xFFFFD800  }
0x47: {  	v0 =	vld [tilespmem:s20+$0xFFFFFFC0];
	_ =	sdelay $0x2  }
0x48: {  	s22 =	sand.u32 $0x1, s23  }
0x49: {  	s24 =	sxor.u32 $0x1, s22;
	s25 =	smul.u32 $0xA000, s22;
	s22 =	sshll.u32 s22, $0x7  }
0x4a: {  	s23 =	sshll.u32 s24, $0x7;
	s24 =	smul.u32 $0xA000, s24;
	v1 =	vshrl.u32 v0, $0x10;
	v0 =	vand.u32 $0xFFFF, v0  }
0x4b: {  	s25 =	sshrl.u32 s25, $0x2;
	[tilespmem:s23+$0x4000] =	vst v1  }
0x4c: {  	s24 =	sshrl.u32 s24, $0x2;
	[tilespmem:s23+$0x4100] =	vst v0  }
0x4d: {  	v0 =	vld [tilespmem:s20+$0xFFFFFFD0];
	_ =	sdelay $0x4  }
0x4e: {  	v1 =	vshrl.u32 v0, $0x10;
	v0 =	vand.u32 $0xFFFF, v0  }
0x4f: {  	[tilespmem:s23+$0x4010] =	vst v1  }
0x50: {  	[tilespmem:s23+$0x4110] =	vst v0  }
0x51: {  	v0 =	vld [tilespmem:s20+$0xFFFFFFE0];
	_ =	sdelay $0x4  }
0x52: {  	v1 =	vshrl.u32 v0, $0x10;
	v0 =	vand.u32 $0xFFFF, v0  }
0x53: {  	[tilespmem:s23+$0x4020] =	vst v1  }
0x54: {  	[tilespmem:s23+$0x4120] =	vst v0  }
0x55: {  	v0 =	vld [tilespmem:s20+$0xFFFFFFF0];
	_ =	sdelay $0x4  }
0x56: {  	v1 =	vshrl.u32 v0, $0x10;
	v0 =	vand.u32 $0xFFFF, v0  }
0x57: {  	[tilespmem:s23+$0x4030] =	vst v1  }
0x58: {  	[tilespmem:s23+$0x4130] =	vst v0  }
0x59: {  	v0 =	vld [tilespmem:s20+$0x0];
	_ =	sdelay $0x1  }
0x5a: {  	s26 =	sor.u32 $0x4000, s23;
	s28 =	sor.u32 $0x4200, s24;
	_ =	sdelay $0x2  }
.Ltmp0:
0x5b: {  	v1 =	vshrl.u32 v0, $0x10;
	v0 =	vand.u32 $0xFFFF, v0;
	(pc) =	sbr.rel @p0 .LBB2_2-.Ltmp0, $4  }
0x5c: {  	s22 =	sor.u32 $0x4100, s22;
	s24 =	sor.u32 $0x4200, s25;
	[tilespmem:s23+$0x4040] =	vst v1  }
0x5d: {  	[tilespmem:s23+$0x4140] =	vst v0  }
0x5e: {  	[tilespmem:s28], [sflag:$0x1] =	stream.indirect.gather [hbm4b:s5+s12], $0x80, s26, s12, $0xb8;
	[tilespmem:$0x1D200] =	vst v63  }
0x5f: {  	_ =	swait.ge [sflag:s16], $0x2800  }
0x60: {  	[sflag:s16] =	ssyncset.done $0x0  }
0x61: {  	[sflag:s16] =	ssyncadd.s32 $0xFFFFD800  }
0x62: {  	[spmem:s1] =	stream.indirect.scatter.add.f32 [tilespmem:s24], [sflag:$0x3], $0x80, s22, s12, $0xb8;
	[tilespmem:$0x1D200] =	vst v63  }
0x63: {  	_ =	swait.ge [sflag:s11], $0x2800  }
0x64: {  	[sflag:s11] =	ssyncset.done $0x0  }
0x65: {  	[sflag:s11] =	ssyncadd.s32 $0xFFFFD800  }
0x66: {  	_ =	swait.ge [sflag:s16], $0x2800  }
0x67: {  	[sflag:s16] =	ssyncset.done $0x0  }
0x68: {  	[sflag:s16] =	ssyncadd.s32 $0xFFFFD800  }
0x69: {  	[spmem:s1] =	stream.indirect.scatter.add.f32 [tilespmem:s14], [sflag:$0x3], $0x80, s17, s12, $0xb8;
	[tilespmem:$0x1D200] =	vst v63  }
0x6a: {  	_ =	swait.ge [sflag:s11], $0x2800  }
0x6b: {  	s19 =	sadd.s32 $0x1, s19;
	[sflag:s11] =	ssyncset.done $0x0  }
0x6c: {  	p0 =	sne.s32 s19, s9;
	[sflag:s11] =	ssyncadd.s32 $0xFFFFD800  }
.Ltmp1:
0x6d: {  	[bflag:$0x0] =	sbarrier.arrive $0xFFFF;
	(pc) =	sbr.rel @p0 .LBB2_1-.Ltmp1, $4  }
0x6e: {  	[hbm:s8], [sflag:s18] =	dma.local [spmem:s10], $0x2800  }
0x6f: {  	_ =	swait.ge [sflag:s11], $0x2800  }
0x70: {  	[sflag:s11] =	ssyncset.done $0x0  }
0x71: {  	[sflag:s11] =	ssyncadd.s32 $0xFFFFD800  }
0x72: {  	_ =	sfence.sel $0x180000  }
0x73: {  	[bflag:$0x0] =	sbarrier.arrive $0xFFFF  }
0x74: {  	p0 =	sne.s32 s2, $0x0;
	_ =	strace $0x9000004D  }
0x75: {  	s0 =	sadd.s32 @!p0 $0x100000, s0;
	[bflag:$0x2] =	sbarrier.arrive $0xFFFF  }
0x76: {  	[sflag:s0] =	ssyncadd.tile.s32 @!p0 $0x1;
	_ =	shalt  }
.Lfunc_end2:
_tile_overlayer_lowered:
.L_overlay_start_2:
0x77: {  	(tag) =	ssettag $0x2  }
0x78: {  	s0 =	rddreg [dreg:$0x0];
	s2 =	stileid.u32  }
0x79: {  	s1 =	rddreg [dreg:$0x1];
	p0 =	sne.s32 s2, $0x0  }
0x7a: {  	s3 =	rddreg [dreg:$0x2];
	[bflag:$0x3] =	sbarrier.arrive $0xFFFF;
	s2 =	simm.s32 @!p0 $0x1C03  }
0x7b: {  	[timem:s3], [sflag:s2] =	dma.local @!p0 [hbm:s0], s1  }
0x7c: {  	s0 =	simm.s32 @!p0 $0x3  }
0x7d: {  	_ =	swait.ge @!p0 [sflag:s0], s1  }
0x7e: {  	s1 =	ssub.s32 @!p0 $0x0, s1;
	[sflag:s0] =	ssyncset.done @!p0 $0x0  }
0x7f: {  	[sflag:s0] =	ssyncadd.s32 @!p0 s1  }
0x80: {  	[bflag:$0x3] =	sbarrier.arrive $0xFFFF  }
0x81: {  	_ =	shalt  }

// kernel: kernel.23.cloned.1.call-start
scs
__scs_entry_jumppad:
0x0: {  	(pc) =	sbr.rel $0x88, $3  }
0x1: {  	(tag) =	ssettag $0x0;
	lr =	simm.s32 $0x1  }
0x2: {  	[smem:$0x3F8F] =	sst lr;
	_ =	strace $0xD0000000  }
0x3: {  	_ = 	snop  }
0x4: {  	_ = 	snop  }
0x5: {  	_ = 	snop  }
0x6: {  	_ = 	snop  }
0x7: {  	_ = 	snop  }
__scs_overlays_trampoline_lowered:
0x8: {  	[smem:$0x3F9E] =	sst s0  }
0x9: {  	[smem:$0x3F9F] =	sst s1  }
0xa: {  	[smem:$0x3FA0] =	sst s2  }
0xb: {  	[smem:$0x3FA1] =	sst s3  }
0xc: {  	[smem:$0x3FA2] =	sst s4  }
0xd: {  	[smem:$0x3FA3] =	sst s5  }
0xe: {  	[smem:$0x3FA4] =	sst s6  }
0xf: {  	[smem:$0x3FA5] =	sst s7  }
0x10: {  	[smem:$0x3FA6] =	sst s8  }
0x11: {  	[smem:$0x3FA7] =	sst s9;
	s0 =	simm.s32 @!p0 $0x0  }
0x12: {  	s1 =	sld [smem:$0x3F8D];
	s0 =	simm.s32 @p0 $0x1  }
0x13: {  	[smem:$0x3FA8] =	sst s0;
	s0 =	simm.s32 @!p1 $0x0  }
0x14: {  	s2 =	sld [smem:$0x3F8C];
	s0 =	simm.s32 @p1 $0x1  }
0x15: {  	[smem:$0x3FA9] =	sst s0;
	s0 =	simm.s32 @!p2 $0x0  }
0x16: {  	s3 =	sld [smem:$0x3FDB];
	s0 =	simm.s32 @p2 $0x1  }
0x17: {  	s4 =	simm.s32 $0x1BF5;
	[smem:$0x3FAB] =	sst s0  }
0x18: {  	s0 =	sld [smem:$0x3F8E];
	_ =	swait.ge [sflag:s4], $0x0  }
0x19: {  	s7 =	sld [smem:$0x3F8F]  }
0x1a: {  	s8 =	sadd.s32 $0xFFFFE003, lr  }
0x1b: {  	s9 =	sadd.s32 $0xFFFFFEF7, lr;
	s5 =	simm.s32 $0xFFFFFFFF;
	p2 =	slt.u32 s8, $0xFFFFF086  }
0x1c: {  	p1 =	slt.u32 s9, $0xF7A;
	s5 =	simm.s32 @!p2 $0x0  }
0x1d: {  	s5 =	simm.s32 @p1 $0x1;
	p0 =	seq.s32 s7, s2  }
0x1e: {  	s7 =	smul.u32 @!p0 $0xF7A, s2;
	p2 =	seq.s32 @!p0 s5, $0x0  }
0x1f: {  	s9 =	smul.u32 $0xF7A, s1;
	s8 =	simm.s32 @!p0 $0x1BF5;
	p2 =	por !p2, p0  }
0x20: {  	[sflag:s8] =	ssyncset.s32 @!p0 $0xFFFFF086;
	s6 =	sadd.s32 @!p0 s3, s7;
	s7 =	simm.s32 @!p0 $0x108  }
0x21: {  	s3 =	sadd.s32 s3, s9;
	s6 =	sadd.s32 @!p0 $0x88, s6;
	s7 =	simm.s32 @p2 $0x1082  }
0x22: {  	[simem:s7], [sflag:s8] =	dma.local @!p0 [hbm:s6], $0xF7A  }
0x23: {  	s9 =	sor.u32 $0xD0000000, s2;
	s6 =	simm.s32 $0x108;
	_ =	swait.ge @!p0 [sflag:s8], $0x0  }
0x24: {  	s3 =	sadd.s32 $0x88, s3;
	s6 =	simm.s32 @!p1 $0x1082;
	[sflag:s4] =	ssyncset.s32 $0xFFFFF086  }
0x25: {  	[simem:s6], [sflag:s4] =	dma.local [hbm:s3], $0xF7A  }
0x26: {  	[smem:$0x3F8F] =	sst s1;
	(tag) =	ssettag s2;
	_ =	strace s9  }
0x27: {  	s1 =	sld [smem:$0x3F9F]  }
0x28: {  	s2 =	sld [smem:$0x3FA0]  }
0x29: {  	s4 =	sld [smem:$0x3FA2]  }
0x2a: {  	p0 =	seq.s32 s5, $0x0;
	s5 =	sld [smem:$0x3FA3]  }
0x2b: {  	s6 =	sld [smem:$0x3FA4]  }
0x2c: {  	s7 =	sld [smem:$0x3FA5]  }
0x2d: {  	s3 =	simm.s32 $0x108;
	s8 =	sld [smem:$0x3FA6]  }
0x2e: {  	s3 =	simm.s32 @!p0 $0x1082;
	s9 =	sld [smem:$0x3FA7]  }
0x2f: {  	lr =	sadd.s32 s0, s3;
	s0 =	sld [smem:$0x3F9E]  }
0x30: {  	s3 =	sld [smem:$0x3FA1]  }
0x31: {  	[smem:$0x3FAA] =	sst s10  }
0x32: {  	s10 =	sld [smem:$0x3FA8];
	_ =	sdelay $0x3  }
0x33: {  	p0 =	seq.s32 s10, $0x1;
	s10 =	sld [smem:$0x3FAA];
	_ =	sdelay $0x3  }
0x34: {  	[smem:$0x3FAA] =	sst s10  }
0x35: {  	s10 =	sld [smem:$0x3FA9];
	_ =	sdelay $0x3  }
0x36: {  	p1 =	seq.s32 s10, $0x1;
	s10 =	sld [smem:$0x3FAA];
	_ =	sdelay $0x3  }
0x37: {  	[smem:$0x3FAA] =	sst s10  }
0x38: {  	s10 =	sld [smem:$0x3FAB]  }
0x39: {  	_ = 	snop;
	(pc) =	sbr.ind lr, $3  }
0x3a: {  	_ = 	snop  }
0x3b: {  	_ = 	snop  }
0x3c: {  	p2 =	seq.s32 s10, $0x1;
	s10 =	sld [smem:$0x3FAA]  }
0x3d: {  	_ =	shalt  }
0x3e: {  	_ =	shalt  }
0x3f: {  	_ =	shalt  }
0x40: {  	_ =	shalt  }
0x41: {  	_ =	shalt  }
0x42: {  	_ =	shalt  }
0x43: {  	_ =	shalt  }
0x44: {  	_ =	shalt  }
0x45: {  	_ =	shalt  }
0x46: {  	_ =	shalt  }
0x47: {  	_ =	shalt  }
0x48: {  	_ =	shalt  }
0x49: {  	_ =	shalt  }
0x4a: {  	_ =	shalt  }
0x4b: {  	_ =	shalt  }
0x4c: {  	_ =	shalt  }
0x4d: {  	_ =	shalt  }
0x4e: {  	_ =	shalt  }
0x4f: {  	_ =	shalt  }
0x50: {  	_ =	shalt  }
0x51: {  	_ =	shalt  }
0x52: {  	_ =	shalt  }
0x53: {  	_ =	shalt  }
0x54: {  	_ =	shalt  }
0x55: {  	_ =	shalt  }
0x56: {  	_ =	shalt  }
0x57: {  	_ =	shalt  }
0x58: {  	_ =	shalt  }
0x59: {  	_ =	shalt  }
0x5a: {  	_ =	shalt  }
0x5b: {  	_ =	shalt  }
0x5c: {  	_ =	shalt  }
0x5d: {  	_ =	shalt  }
0x5e: {  	_ =	shalt  }
0x5f: {  	_ =	shalt  }
0x60: {  	_ =	shalt  }
0x61: {  	_ =	shalt  }
0x62: {  	_ =	shalt  }
0x63: {  	_ =	shalt  }
0x64: {  	_ =	shalt  }
0x65: {  	_ =	shalt  }
0x66: {  	_ =	shalt  }
0x67: {  	_ =	shalt  }
0x68: {  	_ =	shalt  }
0x69: {  	_ =	shalt  }
0x6a: {  	_ =	shalt  }
0x6b: {  	_ =	shalt  }
0x6c: {  	_ =	shalt  }
0x6d: {  	_ =	shalt  }
0x6e: {  	_ =	shalt  }
0x6f: {  	_ =	shalt  }
0x70: {  	_ =	shalt  }
0x71: {  	_ =	shalt  }
0x72: {  	_ =	shalt  }
0x73: {  	_ =	shalt  }
0x74: {  	_ =	shalt  }
0x75: {  	_ =	shalt  }
0x76: {  	_ =	shalt  }
0x77: {  	_ =	shalt  }
0x78: {  	_ =	shalt  }
0x79: {  	_ =	shalt  }
0x7a: {  	_ =	shalt  }
0x7b: {  	_ =	shalt  }
0x7c: {  	_ =	shalt  }
0x7d: {  	_ =	shalt  }
0x7e: {  	_ =	shalt  }
0x7f: {  	_ =	shalt  }
0x80: {  	_ =	shalt  }
0x81: {  	_ =	shalt  }
0x82: {  	_ =	shalt  }
0x83: {  	_ =	shalt  }
0x84: {  	_ =	shalt  }
0x85: {  	_ =	shalt  }
0x86: {  	_ =	shalt  }
0x87: {  	_ =	shalt  }
.Lfunc_end0:
.L_simem_size_0:
called_computation.3_lowered:
.L_overlay_start_0:
0x88: {  	s2 =	sld [smem:$0x3FD9]  }
0x89: {  	s3 =	sld [smem:$0x3FFE];
	_ =	sdelay $0x1  }
0x8a: {  	s1 =	srdreg.scid  }
0x8b: {  	s0 =	sand.u32 $0x1, s1  }
0x8c: {  	s16 =	sshll.u32 s0, $0xA;
	s2 =	sadd.s32 s3, s2  }
0x8d: {  	s2 =	sadd.s32 s2, s16  }
0x8e: {  	[smem:$0x3FB6] =	sst s2  }
0x8f: {  	_ = 	snop  }
0x90: {  	(tm) =	ssettm $0x1  }
0x91: {  	s17 =	sld [smem:$0x3FFB];
	_ =	sdelay $0x3  }
0x92: {  	_ =	strace s17  }
0x93: {  	s2 =	sld [smem:$0x3FFC];
	_ =	sdelay $0x3  }
0x94: {  	_ =	strace s2  }
0x95: {  	s2 =	sld [smem:$0x3FFD];
	_ =	sdelay $0x3  }
0x96: {  	_ =	strace s2  }
0x97: {  	_ =	strace $0x8FFFFFFF  }
0x98: {  	s18 =	sld [smem:$0x3FDB];
	_ =	sdelay $0x1  }
0x99: {  	s19 =	simm.s32 $_scs_section_size  }
0x9a: {  	s4 =	simm.s32 $_size__tile_overlayer_lowered;
	s5 =	simm.s32 $_tile_overlayer_lowered  }
0x9b: {  	s22 =	simm.s32 $0x1BFF;
	s21 =	sshll.u32 s5, $0x1;
	s2 =	sadd.s32 s19, s18  }
0x9c: {  	s6 =	simm.s32 $0x0;
	s20 =	sshll.u32 s4, $0x1;
	s4 =	sadd.s32 s21, s2  }
0x9d: {  	[timem:s6], [sflag:s22] =	dma.local [hbm:s4], s20  }
0x9e: {  	_ =	swait.ge [sflag:s22], s20  }
0x9f: {  	s3 =	ssub.s32 $0x0, s20;
	[sflag:s22] =	ssyncset.done $0x0  }
0xa0: {  	[sflag:s22] =	ssyncadd.s32 s3;
	_ =	sdelay $0x1  }
0xa1: {  	s23 =	simm.s32 $0x1B8B  }
0xa2: {  	_ =	swait.ge [sflag:s23], $0x1  }
0xa3: {  	[sflag:s23] =	ssyncset.done $0x0  }
0xa4: {  	s25 =	simm.s32 $0x1B8E;
	s24 =	sld [smem:$0x3FFE];
	[sflag:s23] =	ssyncadd.s32 $0xFFFFFFFF  }
0xa5: {  	s26 =	simm.s32 $execute0_lowered;
	[smem:$0x3FD2] =	sst s25  }
0xa6: {  	s4 =	sshll.u32 s26, $0x1;
	_ =	strace $0x8000004F;
	[dreg:$0x1] =	wrdreg $0xFFFFFFFF  }
0xa7: {  	s28 =	simm.s32 $_size_execute0_lowered;
	s2 =	sadd.s32 s2, s4;
	[dreg:$0x0] =	wrdreg $0x0  }
0xa8: {  	s4 =	sshll.u32 s28, $0x1;
	[dreg:$0x2] =	wrdreg s2  }
0xa9: {  	[dreg:$0x3] =	wrdreg s4  }
0xaa: {  	[dreg:$0x4] =	wrdreg $0xC0  }
0xab: {  	_ =	task [dreg:s6], $0x5FFFF  }
0xac: {  	[dreg:$0x1] =	wrdreg $0xFFFFFFFF  }
0xad: {  	[dreg:$0x0] =	wrdreg $0x60  }
0xae: {  	[dreg:$0x2] =	wrdreg s24  }
0xaf: {  	[dreg:$0x3] =	wrdreg $0x92000  }
0xb0: {  	[dreg:$0x4] =	wrdreg $0x9  }
0xb1: {  	_ =	task.clear_ibuf [dreg:s6], $0x5FFFF;
	_ =	strace $0x9000004F  }
0xb2: {  	s29 =	simm.s32 $0x9;
	_ =	strace $0x80000051  }
0xb3: {  	_ =	swait.ge [sflag:s29], $0x1  }
0xb4: {  	[sflag:s29] =	ssyncadd.s32 $0xFFFFFFFF  }
0xb5: {  	_ =	strace $0x90000051  }
0xb6: {  	_ =	sfence  }
0xb7: {  	s30 =	sld [smem:$0x0];
	_ =	sdelay $0x2  }
0xb8: {  	s31 =	sshll.u32 s1, $0xD;
	s1 =	sshrl.u32 s1, $0x2  }
0xb9: {  	s3 =	sand.u32 $0x4000, s31;
	s1 =	sadd.s32 s1, s30  }
0xba: {  	s0 =	sor.u32 s3, s0;
	s1 =	sshll.u32 s1, $0x11  }
0xbb: {  	s0 =	sor.u32 s1, s0  }
0xbc: {  	s0 =	sadd.s32 $0x8F2B, s0  }
0xbd: {  	[sflag:s0] =	ssyncadd.remote.s32 $0x1  }
0xbe: {  	_ =	sfence.sel $0xFFFF  }
0xbf: {  	[dreg:$0x0] =	wrdreg $0xFFFFFFFF;
	(pc) =	sbr.abs _section_cstart, $3  }
0xc0: {  	[dreg:$0x1] =	wrdreg $0xFFFFFFFF  }
0xc1: {  	_ =	task.clear_ibuf [dreg:s6], $0x2FFFF;
	_ =	strace $0x9FFFFFFF  }
0xc2: {  	(tm) =	ssettm $0x7FFFFFFF  }
0xc3: {  	_ =	shalt  }
tec
execute0_lowered:
.L_overlay_start_1:
0x0: {  	(tag) =	ssettag $0x1  }
0x1: {  	s6 =	rddreg [dreg:$0x0]  }
0x2: {  	s1 =	rddreg [dreg:$0x1]  }
0x3: {  	s2 =	srdreg.scid;
	s0 =	rddreg [dreg:$0x2];
	s3 =	simm.s32 $0x0  }
0x4: {  	s12 =	simm.s32 $0x50;
	s13 =	simm.s32 $0x4000;
	s14 =	simm.s32 $0x4200  }
0x5: {  	s15 =	simm.s32 $0x2;
	s16 =	simm.s32 $0x1;
	s17 =	simm.s32 $0x4100  }
0x6: {  	s19 =	simm.s32 $0x0;
	s7 =	sand.u32 $0x1, s2;
	s2 =	stileid.u32  }
0x7: {  	[smem:$0x7FF] =	sst s3;
	s5 =	sadd.s32 $0x36200, s6;
	s8 =	smul.u32 $0x140000, s7  }
0x8: {  	s4 =	sshll.u32 s7, $0xB;
	s9 =	smul.u32 $0x14000, s2;
	_ =	strace $0x80000050  }
0x9: {  	s7 =	ssub.s32 $0x2, s7;
	s11 =	smul.u32 $0x50000, s2;
	s30 =	sshll.u32 s2, $0xC  }
0xa: {  	s18 =	sshll.u32 s2, $0x6;
	s10 =	sadd.s32 s4, s6;
	s29 =	sshrl.u32 s7, $0x1  }
0xb: {  	s4 =	sadd.s32 $0x4E00, s6;
	s8 =	sadd.s32 s9, s8;
	s9 =	ssub.s32 s7, s29  }
0xc: {  	s31 =	sshrl.u32 s11, $0x2;
	s10 =	sadd.s32 s30, s10;
	s8 =	sshrl.u32 s8, $0x3  }
0xd: {  	s11 =	sadd.s32 s31, s1;
	s7 =	sadd.s32 $0x26200, s10;
	s9 =	smax.u32 s9, $0x1  }
0xe: {  	s8 =	sadd.s32 s8, s6;
	s6 =	sor.u32 $0x1C02, s18;
	s10 =	sshrl.u32 s11, $0x3  }
0xf: {  	s11 =	simm.s32 $0x3;
	s18 =	sor.u32 $0x1C03, s18;
	s8 =	sadd.s32 $0x5E200, s8  }
.LBB2_1:
0x10: {  	[spmem:s10], [sflag:s6] =	dma.local [hbm:s4], $0x2800  }
0x11: {  	[tilespmem:s3], [sflag:$0x3] =	stream.linear.gather [hbm4b:s7+s3], $0x3E80, $0x38;
	[tilespmem:$0x1D200] =	vst v63  }
0x12: {  	_ =	swait.ge [sflag:s11], $0x3E80  }
0x13: {  	[sflag:s11] =	ssyncset.done $0x0  }
0x14: {  	[sflag:s11] =	ssyncadd.s32 $0xFFFFC180  }
0x15: {  	v0 =	vld [tilespmem:$0x0];
	_ =	sdelay $0x1  }
0x16: {  	v1 =	vld [tilespmem:$0x10];
	_ =	sdelay $0x1  }
0x17: {  	v2 =	vld [tilespmem:$0x20]  }
0x18: {  	v3 =	vshrl.u32 v0, $0x10  }
0x19: {  	v48 =	vld [tilespmem:$0x30];
	v0 =	vand.u32 $0xFFFF, v0;
	[tilespmem:$0x4000] =	vst v3  }
0x1a: {  	v49 =	vshrl.u32 v1, $0x10;
	[tilespmem:$0x4100] =	vst v0  }
0x1b: {  	v51 =	vld [tilespmem:$0x40];
	v50 =	vand.u32 $0xFFFF, v1;
	[tilespmem:$0x4010] =	vst v49  }
0x1c: {  	v52 =	vshrl.u32 v2, $0x10;
	[tilespmem:$0x4110] =	vst v50  }
0x1d: {  	v53 =	vand.u32 $0xFFFF, v2;
	[tilespmem:$0x4020] =	vst v52  }
0x1e: {  	v54 =	vshrl.u32 v48, $0x10;
	[tilespmem:$0x4120] =	vst v53  }
0x1f: {  	v55 =	vand.u32 $0xFFFF, v48;
	[tilespmem:$0x4030] =	vst v54  }
0x20: {  	v56 =	vshrl.u32 v51, $0x10;
	[tilespmem:$0x4130] =	vst v55  }
0x21: {  	v57 =	vand.u32 $0xFFFF, v51;
	[tilespmem:$0x4040] =	vst v56  }
0x22: {  	[tilespmem:$0x4140] =	vst v57  }
0x23: {  	[tilespmem:s14], [sflag:$0x1] =	stream.indirect.gather [hbm4b:s5+s12], $0x80, s13, s12, $0xb8;
	[tilespmem:$0x1D200] =	vst v63  }
0x24: {  	_ =	swait.ge [sflag:s15], $0x2800  }
0x25: {  	[sflag:s15] =	ssyncset.done $0x0  }
0x26: {  	[sflag:s15] =	ssyncadd.s32 $0xFFFFD800  }
0x27: {  	s20 =	simm.s32 $0xC0;
	[bflag:$0x0] =	sbarrier.arrive $0xFFFF  }
0x28: {  	v58 =	vld [tilespmem:s20+$0xFFFFFFC0];
	_ =	sdelay $0x2  }
0x29: {  	s22 =	sand.u32 $0x1, s3  }
0x2a: {  	s21 =	sxor.u32 $0x1, s22  }
0x2b: {  	s23 =	sshll.u32 s21, $0x7;
	v59 =	vshrl.u32 v58, $0x10  }
0x2c: {  	v0 =	vand.u32 $0xFFFF, v58;
	[tilespmem:s23+$0x4000] =	vst v59  }
0x2d: {  	[tilespmem:s23+$0x4100] =	vst v0  }
0x2e: {  	v0 =	vld [tilespmem:s20+$0xFFFFFFD0];
	_ =	sdelay $0x4  }
0x2f: {  	v60 =	vshrl.u32 v0, $0x10  }
0x30: {  	v0 =	vand.u32 $0xFFFF, v0;
	[tilespmem:s23+$0x4010] =	vst v60  }
0x31: {  	[tilespmem:s23+$0x4110] =	vst v0  }
0x32: {  	v0 =	vld [tilespmem:s20+$0xFFFFFFE0];
	_ =	sdelay $0x4  }
0x33: {  	v61 =	vshrl.u32 v0, $0x10  }
0x34: {  	v0 =	vand.u32 $0xFFFF, v0;
	[tilespmem:s23+$0x4020] =	vst v61  }
0x35: {  	[tilespmem:s23+$0x4120] =	vst v0  }
0x36: {  	v0 =	vld [tilespmem:s20+$0xFFFFFFF0];
	_ =	sdelay $0x4  }
0x37: {  	v62 =	vshrl.u32 v0, $0x10  }
0x38: {  	v0 =	vand.u32 $0xFFFF, v0;
	[tilespmem:s23+$0x4030] =	vst v62  }
0x39: {  	[tilespmem:s23+$0x4130] =	vst v0  }
0x3a: {  	v0 =	vld [tilespmem:s20+$0x0];
	_ =	sdelay $0x3  }
0x3b: {  	s21 =	smul.u32 $0xA000, s21  }
0x3c: {  	s24 =	smul.u32 $0xA000, s22;
	s22 =	sshll.u32 s22, $0x7;
	v63 =	vshrl.u32 v0, $0x10  }
0x3d: {  	s22 =	sor.u32 $0x4100, s22;
	s21 =	sshrl.u32 s21, $0x2;
	v0 =	vand.u32 $0xFFFF, v0;
	[tilespmem:s23+$0x4040] =	vst v63  }
0x3e: {  	s25 =	sor.u32 $0x4000, s23;
	s31 =	sshrl.u32 s24, $0x2;
	s21 =	sor.u32 $0x4200, s21;
	[tilespmem:s23+$0x4140] =	vst v0  }
0x3f: {  	[tilespmem:s21], [sflag:$0x1] =	stream.indirect.gather [hbm4b:s5+s12], $0x80, s25, s12, $0xb8;
	[tilespmem:$0x1D200] =	vst v63  }
0x40: {  	s24 =	sor.u32 $0x4200, s31;
	s21 =	simm.s32 $0x1;
	_ =	swait.ge [sflag:s16], $0x2800  }
.LBB2_2:
0x41: {  	p0 =	sne.s32 s21, $0x7B;
	[sflag:s16] =	ssyncset.done $0x0;
	s20 =	sadd.s32 $0x80, s20  }
0x42: {  	s23 =	smov.u32 s21;
	s21 =	sadd.s32 $0x1, s21;
	[sflag:s16] =	ssyncadd.s32 $0xFFFFD800  }
0x43: {  	[spmem:s1] =	stream.indirect.scatter.add.f32 [tilespmem:s24], [sflag:$0x3], $0x80, s22, s12, $0xb8;
	[tilespmem:$0x1D200] =	vst v63  }
0x44: {  	_ =	swait.ge [sflag:s11], $0x2800  }
0x45: {  	[sflag:s11] =	ssyncset.done $0x0  }
0x46: {  	[sflag:s11] =	ssyncadd.s32 $0xFFFFD800  }
0x47: {  	v0 =	vld [tilespmem:s20+$0xFFFFFFC0];
	_ =	sdelay $0x2  }
0x48: {  	s22 =	sand.u32 $0x1, s23  }
0x49: {  	s24 =	sxor.u32 $0x1, s22;
	s25 =	smul.u32 $0xA000, s22;
	s22 =	sshll.u32 s22, $0x7  }
0x4a: {  	s23 =	sshll.u32 s24, $0x7;
	s24 =	smul.u32 $0xA000, s24;
	v1 =	vshrl.u32 v0, $0x10;
	v0 =	vand.u32 $0xFFFF, v0  }
0x4b: {  	s25 =	sshrl.u32 s25, $0x2;
	[tilespmem:s23+$0x4000] =	vst v1  }
0x4c: {  	s24 =	sshrl.u32 s24, $0x2;
	[tilespmem:s23+$0x4100] =	vst v0  }
0x4d: {  	v0 =	vld [tilespmem:s20+$0xFFFFFFD0];
	_ =	sdelay $0x4  }
0x4e: {  	v1 =	vshrl.u32 v0, $0x10;
	v0 =	vand.u32 $0xFFFF, v0  }
0x4f: {  	[tilespmem:s23+$0x4010] =	vst v1  }
0x50: {  	[tilespmem:s23+$0x4110] =	vst v0  }
0x51: {  	v0 =	vld [tilespmem:s20+$0xFFFFFFE0];
	_ =	sdelay $0x4  }
0x52: {  	v1 =	vshrl.u32 v0, $0x10;
	v0 =	vand.u32 $0xFFFF, v0  }
0x53: {  	[tilespmem:s23+$0x4020] =	vst v1  }
0x54: {  	[tilespmem:s23+$0x4120] =	vst v0  }
0x55: {  	v0 =	vld [tilespmem:s20+$0xFFFFFFF0];
	_ =	sdelay $0x4  }
0x56: {  	v1 =	vshrl.u32 v0, $0x10;
	v0 =	vand.u32 $0xFFFF, v0  }
0x57: {  	[tilespmem:s23+$0x4030] =	vst v1  }
0x58: {  	[tilespmem:s23+$0x4130] =	vst v0  }
0x59: {  	v0 =	vld [tilespmem:s20+$0x0];
	_ =	sdelay $0x1  }
0x5a: {  	s26 =	sor.u32 $0x4000, s23;
	s28 =	sor.u32 $0x4200, s24;
	_ =	sdelay $0x2  }
.Ltmp0:
0x5b: {  	v1 =	vshrl.u32 v0, $0x10;
	v0 =	vand.u32 $0xFFFF, v0;
	(pc) =	sbr.rel @p0 .LBB2_2-.Ltmp0, $4  }
0x5c: {  	s22 =	sor.u32 $0x4100, s22;
	s24 =	sor.u32 $0x4200, s25;
	[tilespmem:s23+$0x4040] =	vst v1  }
0x5d: {  	[tilespmem:s23+$0x4140] =	vst v0  }
0x5e: {  	[tilespmem:s28], [sflag:$0x1] =	stream.indirect.gather [hbm4b:s5+s12], $0x80, s26, s12, $0xb8;
	[tilespmem:$0x1D200] =	vst v63  }
0x5f: {  	_ =	swait.ge [sflag:s16], $0x2800  }
0x60: {  	[sflag:s16] =	ssyncset.done $0x0  }
0x61: {  	[sflag:s16] =	ssyncadd.s32 $0xFFFFD800  }
0x62: {  	[spmem:s1] =	stream.indirect.scatter.add.f32 [tilespmem:s24], [sflag:$0x3], $0x80, s22, s12, $0xb8;
	[tilespmem:$0x1D200] =	vst v63  }
0x63: {  	_ =	swait.ge [sflag:s11], $0x2800  }
0x64: {  	[sflag:s11] =	ssyncset.done $0x0  }
0x65: {  	[sflag:s11] =	ssyncadd.s32 $0xFFFFD800  }
0x66: {  	_ =	swait.ge [sflag:s16], $0x2800  }
0x67: {  	[sflag:s16] =	ssyncset.done $0x0  }
0x68: {  	[sflag:s16] =	ssyncadd.s32 $0xFFFFD800  }
0x69: {  	[spmem:s1] =	stream.indirect.scatter.add.f32 [tilespmem:s14], [sflag:$0x3], $0x80, s17, s12, $0xb8;
	[tilespmem:$0x1D200] =	vst v63  }
0x6a: {  	_ =	swait.ge [sflag:s11], $0x2800  }
0x6b: {  	s19 =	sadd.s32 $0x1, s19;
	[sflag:s11] =	ssyncset.done $0x0  }
0x6c: {  	p0 =	sne.s32 s19, s9;
	[sflag:s11] =	ssyncadd.s32 $0xFFFFD800  }
.Ltmp1:
0x6d: {  	[bflag:$0x0] =	sbarrier.arrive $0xFFFF;
	(pc) =	sbr.rel @p0 .LBB2_1-.Ltmp1, $4  }
0x6e: {  	[hbm:s8], [sflag:s18] =	dma.local [spmem:s10], $0x2800  }
0x6f: {  	_ =	swait.ge [sflag:s11], $0x2800  }
0x70: {  	[sflag:s11] =	ssyncset.done $0x0  }
0x71: {  	[sflag:s11] =	ssyncadd.s32 $0xFFFFD800  }
0x72: {  	_ =	sfence.sel $0x180000  }
0x73: {  	[bflag:$0x0] =	sbarrier.arrive $0xFFFF  }
0x74: {  	p0 =	sne.s32 s2, $0x0;
	_ =	strace $0x90000050  }
0x75: {  	s0 =	sadd.s32 @!p0 $0x100000, s0;
	[bflag:$0x2] =	sbarrier.arrive $0xFFFF  }
0x76: {  	[sflag:s0] =	ssyncadd.tile.s32 @!p0 $0x1;
	_ =	shalt  }
.Lfunc_end2:
_tile_overlayer_lowered:
.L_overlay_start_2:
0x77: {  	(tag) =	ssettag $0x2  }
0x78: {  	s0 =	rddreg [dreg:$0x0];
	s2 =	stileid.u32  }
0x79: {  	s1 =	rddreg [dreg:$0x1];
	p0 =	sne.s32 s2, $0x0  }
0x7a: {  	s3 =	rddreg [dreg:$0x2];
	[bflag:$0x3] =	sbarrier.arrive $0xFFFF;
	s2 =	simm.s32 @!p0 $0x1C03  }
0x7b: {  	[timem:s3], [sflag:s2] =	dma.local @!p0 [hbm:s0], s1  }
0x7c: {  	s0 =	simm.s32 @!p0 $0x3  }
0x7d: {  	_ =	swait.ge @!p0 [sflag:s0], s1  }
0x7e: {  	s1 =	ssub.s32 @!p0 $0x0, s1;
	[sflag:s0] =	ssyncset.done @!p0 $0x0  }
0x7f: {  	[sflag:s0] =	ssyncadd.s32 @!p0 s1  }
0x80: {  	[bflag:$0x3] =	sbarrier.arrive $0xFFFF  }
0x81: {  	_ =	shalt  }

// kernel: kernel.26.cloned.1.call-start
scs
__scs_entry_jumppad:
0x0: {  	(pc) =	sbr.rel $0x88, $3  }
0x1: {  	(tag) =	ssettag $0x0;
	lr =	simm.s32 $0x1  }
0x2: {  	[smem:$0x3F8F] =	sst lr;
	_ =	strace $0xD0000000  }
0x3: {  	_ = 	snop  }
0x4: {  	_ = 	snop  }
0x5: {  	_ = 	snop  }
0x6: {  	_ = 	snop  }
0x7: {  	_ = 	snop  }
__scs_overlays_trampoline_lowered:
0x8: {  	[smem:$0x3F9E] =	sst s0  }
0x9: {  	[smem:$0x3F9F] =	sst s1  }
0xa: {  	[smem:$0x3FA0] =	sst s2  }
0xb: {  	[smem:$0x3FA1] =	sst s3  }
0xc: {  	[smem:$0x3FA2] =	sst s4  }
0xd: {  	[smem:$0x3FA3] =	sst s5  }
0xe: {  	[smem:$0x3FA4] =	sst s6  }
0xf: {  	[smem:$0x3FA5] =	sst s7  }
0x10: {  	[smem:$0x3FA6] =	sst s8  }
0x11: {  	[smem:$0x3FA7] =	sst s9;
	s0 =	simm.s32 @!p0 $0x0  }
0x12: {  	s1 =	sld [smem:$0x3F8D];
	s0 =	simm.s32 @p0 $0x1  }
0x13: {  	[smem:$0x3FA8] =	sst s0;
	s0 =	simm.s32 @!p1 $0x0  }
0x14: {  	s2 =	sld [smem:$0x3F8C];
	s0 =	simm.s32 @p1 $0x1  }
0x15: {  	[smem:$0x3FA9] =	sst s0;
	s0 =	simm.s32 @!p2 $0x0  }
0x16: {  	s3 =	sld [smem:$0x3FDB];
	s0 =	simm.s32 @p2 $0x1  }
0x17: {  	s4 =	simm.s32 $0x1BF5;
	[smem:$0x3FAB] =	sst s0  }
0x18: {  	s0 =	sld [smem:$0x3F8E];
	_ =	swait.ge [sflag:s4], $0x0  }
0x19: {  	s7 =	sld [smem:$0x3F8F]  }
0x1a: {  	s8 =	sadd.s32 $0xFFFFE003, lr  }
0x1b: {  	s9 =	sadd.s32 $0xFFFFFEF7, lr;
	s5 =	simm.s32 $0xFFFFFFFF;
	p2 =	slt.u32 s8, $0xFFFFF086  }
0x1c: {  	p1 =	slt.u32 s9, $0xF7A;
	s5 =	simm.s32 @!p2 $0x0  }
0x1d: {  	s5 =	simm.s32 @p1 $0x1;
	p0 =	seq.s32 s7, s2  }
0x1e: {  	s7 =	smul.u32 @!p0 $0xF7A, s2;
	p2 =	seq.s32 @!p0 s5, $0x0  }
0x1f: {  	s9 =	smul.u32 $0xF7A, s1;
	s8 =	simm.s32 @!p0 $0x1BF5;
	p2 =	por !p2, p0  }
0x20: {  	[sflag:s8] =	ssyncset.s32 @!p0 $0xFFFFF086;
	s6 =	sadd.s32 @!p0 s3, s7;
	s7 =	simm.s32 @!p0 $0x108  }
0x21: {  	s3 =	sadd.s32 s3, s9;
	s6 =	sadd.s32 @!p0 $0x88, s6;
	s7 =	simm.s32 @p2 $0x1082  }
0x22: {  	[simem:s7], [sflag:s8] =	dma.local @!p0 [hbm:s6], $0xF7A  }
0x23: {  	s9 =	sor.u32 $0xD0000000, s2;
	s6 =	simm.s32 $0x108;
	_ =	swait.ge @!p0 [sflag:s8], $0x0  }
0x24: {  	s3 =	sadd.s32 $0x88, s3;
	s6 =	simm.s32 @!p1 $0x1082;
	[sflag:s4] =	ssyncset.s32 $0xFFFFF086  }
0x25: {  	[simem:s6], [sflag:s4] =	dma.local [hbm:s3], $0xF7A  }
0x26: {  	[smem:$0x3F8F] =	sst s1;
	(tag) =	ssettag s2;
	_ =	strace s9  }
0x27: {  	s1 =	sld [smem:$0x3F9F]  }
0x28: {  	s2 =	sld [smem:$0x3FA0]  }
0x29: {  	s4 =	sld [smem:$0x3FA2]  }
0x2a: {  	p0 =	seq.s32 s5, $0x0;
	s5 =	sld [smem:$0x3FA3]  }
0x2b: {  	s6 =	sld [smem:$0x3FA4]  }
0x2c: {  	s7 =	sld [smem:$0x3FA5]  }
0x2d: {  	s3 =	simm.s32 $0x108;
	s8 =	sld [smem:$0x3FA6]  }
0x2e: {  	s3 =	simm.s32 @!p0 $0x1082;
	s9 =	sld [smem:$0x3FA7]  }
0x2f: {  	lr =	sadd.s32 s0, s3;
	s0 =	sld [smem:$0x3F9E]  }
0x30: {  	s3 =	sld [smem:$0x3FA1]  }
0x31: {  	[smem:$0x3FAA] =	sst s10  }
0x32: {  	s10 =	sld [smem:$0x3FA8];
	_ =	sdelay $0x3  }
0x33: {  	p0 =	seq.s32 s10, $0x1;
	s10 =	sld [smem:$0x3FAA];
	_ =	sdelay $0x3  }
0x34: {  	[smem:$0x3FAA] =	sst s10  }
0x35: {  	s10 =	sld [smem:$0x3FA9];
	_ =	sdelay $0x3  }
0x36: {  	p1 =	seq.s32 s10, $0x1;
	s10 =	sld [smem:$0x3FAA];
	_ =	sdelay $0x3  }
0x37: {  	[smem:$0x3FAA] =	sst s10  }
0x38: {  	s10 =	sld [smem:$0x3FAB]  }
0x39: {  	_ = 	snop;
	(pc) =	sbr.ind lr, $3  }
0x3a: {  	_ = 	snop  }
0x3b: {  	_ = 	snop  }
0x3c: {  	p2 =	seq.s32 s10, $0x1;
	s10 =	sld [smem:$0x3FAA]  }
0x3d: {  	_ =	shalt  }
0x3e: {  	_ =	shalt  }
0x3f: {  	_ =	shalt  }
0x40: {  	_ =	shalt  }
0x41: {  	_ =	shalt  }
0x42: {  	_ =	shalt  }
0x43: {  	_ =	shalt  }
0x44: {  	_ =	shalt  }
0x45: {  	_ =	shalt  }
0x46: {  	_ =	shalt  }
0x47: {  	_ =	shalt  }
0x48: {  	_ =	shalt  }
0x49: {  	_ =	shalt  }
0x4a: {  	_ =	shalt  }
0x4b: {  	_ =	shalt  }
0x4c: {  	_ =	shalt  }
0x4d: {  	_ =	shalt  }
0x4e: {  	_ =	shalt  }
0x4f: {  	_ =	shalt  }
0x50: {  	_ =	shalt  }
0x51: {  	_ =	shalt  }
0x52: {  	_ =	shalt  }
0x53: {  	_ =	shalt  }
0x54: {  	_ =	shalt  }
0x55: {  	_ =	shalt  }
0x56: {  	_ =	shalt  }
0x57: {  	_ =	shalt  }
0x58: {  	_ =	shalt  }
0x59: {  	_ =	shalt  }
0x5a: {  	_ =	shalt  }
0x5b: {  	_ =	shalt  }
0x5c: {  	_ =	shalt  }
0x5d: {  	_ =	shalt  }
0x5e: {  	_ =	shalt  }
0x5f: {  	_ =	shalt  }
0x60: {  	_ =	shalt  }
0x61: {  	_ =	shalt  }
0x62: {  	_ =	shalt  }
0x63: {  	_ =	shalt  }
0x64: {  	_ =	shalt  }
0x65: {  	_ =	shalt  }
0x66: {  	_ =	shalt  }
0x67: {  	_ =	shalt  }
0x68: {  	_ =	shalt  }
0x69: {  	_ =	shalt  }
0x6a: {  	_ =	shalt  }
0x6b: {  	_ =	shalt  }
0x6c: {  	_ =	shalt  }
0x6d: {  	_ =	shalt  }
0x6e: {  	_ =	shalt  }
0x6f: {  	_ =	shalt  }
0x70: {  	_ =	shalt  }
0x71: {  	_ =	shalt  }
0x72: {  	_ =	shalt  }
0x73: {  	_ =	shalt  }
0x74: {  	_ =	shalt  }
0x75: {  	_ =	shalt  }
0x76: {  	_ =	shalt  }
0x77: {  	_ =	shalt  }
0x78: {  	_ =	shalt  }
0x79: {  	_ =	shalt  }
0x7a: {  	_ =	shalt  }
0x7b: {  	_ =	shalt  }
0x7c: {  	_ =	shalt  }
0x7d: {  	_ =	shalt  }
0x7e: {  	_ =	shalt  }
0x7f: {  	_ =	shalt  }
0x80: {  	_ =	shalt  }
0x81: {  	_ =	shalt  }
0x82: {  	_ =	shalt  }
0x83: {  	_ =	shalt  }
0x84: {  	_ =	shalt  }
0x85: {  	_ =	shalt  }
0x86: {  	_ =	shalt  }
0x87: {  	_ =	shalt  }
.Lfunc_end0:
.L_simem_size_0:
called_computation.4_lowered:
.L_overlay_start_0:
0x88: {  	s2 =	sld [smem:$0x3FD9]  }
0x89: {  	s3 =	sld [smem:$0x3FFE];
	_ =	sdelay $0x1  }
0x8a: {  	s1 =	srdreg.scid  }
0x8b: {  	s0 =	sand.u32 $0x1, s1  }
0x8c: {  	s16 =	sshll.u32 s0, $0xA;
	s2 =	sadd.s32 s3, s2  }
0x8d: {  	s2 =	sadd.s32 s2, s16  }
0x8e: {  	[smem:$0x3FB6] =	sst s2  }
0x8f: {  	_ = 	snop  }
0x90: {  	(tm) =	ssettm $0x1  }
0x91: {  	s17 =	sld [smem:$0x3FFB];
	_ =	sdelay $0x3  }
0x92: {  	_ =	strace s17  }
0x93: {  	s2 =	sld [smem:$0x3FFC];
	_ =	sdelay $0x3  }
0x94: {  	_ =	strace s2  }
0x95: {  	s2 =	sld [smem:$0x3FFD];
	_ =	sdelay $0x3  }
0x96: {  	_ =	strace s2  }
0x97: {  	_ =	strace $0x8FFFFFFF  }
0x98: {  	s18 =	sld [smem:$0x3FDB];
	_ =	sdelay $0x1  }
0x99: {  	s19 =	simm.s32 $_scs_section_size  }
0x9a: {  	s4 =	simm.s32 $_size__tile_overlayer_lowered;
	s5 =	simm.s32 $_tile_overlayer_lowered  }
0x9b: {  	s22 =	simm.s32 $0x1BFF;
	s21 =	sshll.u32 s5, $0x1;
	s2 =	sadd.s32 s19, s18  }
0x9c: {  	s6 =	simm.s32 $0x0;
	s20 =	sshll.u32 s4, $0x1;
	s4 =	sadd.s32 s21, s2  }
0x9d: {  	[timem:s6], [sflag:s22] =	dma.local [hbm:s4], s20  }
0x9e: {  	_ =	swait.ge [sflag:s22], s20  }
0x9f: {  	s3 =	ssub.s32 $0x0, s20;
	[sflag:s22] =	ssyncset.done $0x0  }
0xa0: {  	[sflag:s22] =	ssyncadd.s32 s3;
	_ =	sdelay $0x1  }
0xa1: {  	s23 =	simm.s32 $0x1B8B  }
0xa2: {  	_ =	swait.ge [sflag:s23], $0x1  }
0xa3: {  	[sflag:s23] =	ssyncset.done $0x0  }
0xa4: {  	s25 =	simm.s32 $0x1B8E;
	s24 =	sld [smem:$0x3FFE];
	[sflag:s23] =	ssyncadd.s32 $0xFFFFFFFF  }
0xa5: {  	s26 =	simm.s32 $execute0_lowered;
	[smem:$0x3FD2] =	sst s25  }
0xa6: {  	s4 =	sshll.u32 s26, $0x1;
	_ =	strace $0x80000052;
	[dreg:$0x1] =	wrdreg $0xFFFFFFFF  }
0xa7: {  	s28 =	simm.s32 $_size_execute0_lowered;
	s2 =	sadd.s32 s2, s4;
	[dreg:$0x0] =	wrdreg $0x0  }
0xa8: {  	s4 =	sshll.u32 s28, $0x1;
	[dreg:$0x2] =	wrdreg s2  }
0xa9: {  	[dreg:$0x3] =	wrdreg s4  }
0xaa: {  	[dreg:$0x4] =	wrdreg $0xC0  }
0xab: {  	_ =	task [dreg:s6], $0x5FFFF  }
0xac: {  	[dreg:$0x1] =	wrdreg $0xFFFFFFFF  }
0xad: {  	[dreg:$0x0] =	wrdreg $0x60  }
0xae: {  	[dreg:$0x2] =	wrdreg s24  }
0xaf: {  	[dreg:$0x3] =	wrdreg $0x92000  }
0xb0: {  	[dreg:$0x4] =	wrdreg $0x9  }
0xb1: {  	_ =	task.clear_ibuf [dreg:s6], $0x5FFFF;
	_ =	strace $0x90000052  }
0xb2: {  	s29 =	simm.s32 $0x9;
	_ =	strace $0x80000054  }
0xb3: {  	_ =	swait.ge [sflag:s29], $0x1  }
0xb4: {  	[sflag:s29] =	ssyncadd.s32 $0xFFFFFFFF  }
0xb5: {  	_ =	strace $0x90000054  }
0xb6: {  	_ =	sfence  }
0xb7: {  	s30 =	sld [smem:$0x0];
	_ =	sdelay $0x2  }
0xb8: {  	s31 =	sshll.u32 s1, $0xD;
	s1 =	sshrl.u32 s1, $0x2  }
0xb9: {  	s3 =	sand.u32 $0x4000, s31;
	s1 =	sadd.s32 s1, s30  }
0xba: {  	s0 =	sor.u32 s3, s0;
	s1 =	sshll.u32 s1, $0x11  }
0xbb: {  	s0 =	sor.u32 s1, s0  }
0xbc: {  	s0 =	sadd.s32 $0x8F2B, s0  }
0xbd: {  	[sflag:s0] =	ssyncadd.remote.s32 $0x1  }
0xbe: {  	_ =	sfence.sel $0xFFFF  }
0xbf: {  	[dreg:$0x0] =	wrdreg $0xFFFFFFFF;
	(pc) =	sbr.abs _section_cstart, $3  }
0xc0: {  	[dreg:$0x1] =	wrdreg $0xFFFFFFFF  }
0xc1: {  	_ =	task.clear_ibuf [dreg:s6], $0x2FFFF;
	_ =	strace $0x9FFFFFFF  }
0xc2: {  	(tm) =	ssettm $0x7FFFFFFF  }
0xc3: {  	_ =	shalt  }
tec
execute0_lowered:
.L_overlay_start_1:
0x0: {  	(tag) =	ssettag $0x1  }
0x1: {  	s6 =	rddreg [dreg:$0x0]  }
0x2: {  	s1 =	rddreg [dreg:$0x1]  }
0x3: {  	s2 =	srdreg.scid;
	s0 =	rddreg [dreg:$0x2];
	s3 =	simm.s32 $0x0  }
0x4: {  	s12 =	simm.s32 $0x50;
	s13 =	simm.s32 $0x4000;
	s14 =	simm.s32 $0x4200  }
0x5: {  	s15 =	simm.s32 $0x2;
	s16 =	simm.s32 $0x1;
	s17 =	simm.s32 $0x4100  }
0x6: {  	s19 =	simm.s32 $0x0;
	s7 =	sand.u32 $0x1, s2;
	s2 =	stileid.u32  }
0x7: {  	[smem:$0x7FF] =	sst s3;
	s5 =	sadd.s32 $0x36200, s6;
	s8 =	smul.u32 $0x140000, s7  }
0x8: {  	s4 =	sshll.u32 s7, $0xB;
	s9 =	smul.u32 $0x14000, s2;
	_ =	strace $0x80000053  }
0x9: {  	s7 =	ssub.s32 $0x2, s7;
	s11 =	smul.u32 $0x50000, s2;
	s30 =	sshll.u32 s2, $0xC  }
0xa: {  	s18 =	sshll.u32 s2, $0x6;
	s10 =	sadd.s32 s4, s6;
	s29 =	sshrl.u32 s7, $0x1  }
0xb: {  	s4 =	sadd.s32 $0x4E00, s6;
	s8 =	sadd.s32 s9, s8;
	s9 =	ssub.s32 s7, s29  }
0xc: {  	s31 =	sshrl.u32 s11, $0x2;
	s10 =	sadd.s32 s30, s10;
	s8 =	sshrl.u32 s8, $0x3  }
0xd: {  	s11 =	sadd.s32 s31, s1;
	s7 =	sadd.s32 $0x26200, s10;
	s9 =	smax.u32 s9, $0x1  }
0xe: {  	s8 =	sadd.s32 s8, s6;
	s6 =	sor.u32 $0x1C02, s18;
	s10 =	sshrl.u32 s11, $0x3  }
0xf: {  	s11 =	simm.s32 $0x3;
	s18 =	sor.u32 $0x1C03, s18;
	s8 =	sadd.s32 $0x5E200, s8  }
.LBB2_1:
0x10: {  	[spmem:s10], [sflag:s6] =	dma.local [hbm:s4], $0x2800  }
0x11: {  	[tilespmem:s3], [sflag:$0x3] =	stream.linear.gather [hbm4b:s7+s3], $0x3E80, $0x38;
	[tilespmem:$0x1D200] =	vst v63  }
0x12: {  	_ =	swait.ge [sflag:s11], $0x3E80  }
0x13: {  	[sflag:s11] =	ssyncset.done $0x0  }
0x14: {  	[sflag:s11] =	ssyncadd.s32 $0xFFFFC180  }
0x15: {  	v0 =	vld [tilespmem:$0x0];
	_ =	sdelay $0x1  }
0x16: {  	v1 =	vld [tilespmem:$0x10];
	_ =	sdelay $0x1  }
0x17: {  	v2 =	vld [tilespmem:$0x20]  }
0x18: {  	v3 =	vshrl.u32 v0, $0x10  }
0x19: {  	v48 =	vld [tilespmem:$0x30];
	v0 =	vand.u32 $0xFFFF, v0;
	[tilespmem:$0x4000] =	vst v3  }
0x1a: {  	v49 =	vshrl.u32 v1, $0x10;
	[tilespmem:$0x4100] =	vst v0  }
0x1b: {  	v51 =	vld [tilespmem:$0x40];
	v50 =	vand.u32 $0xFFFF, v1;
	[tilespmem:$0x4010] =	vst v49  }
0x1c: {  	v52 =	vshrl.u32 v2, $0x10;
	[tilespmem:$0x4110] =	vst v50  }
0x1d: {  	v53 =	vand.u32 $0xFFFF, v2;
	[tilespmem:$0x4020] =	vst v52  }
0x1e: {  	v54 =	vshrl.u32 v48, $0x10;
	[tilespmem:$0x4120] =	vst v53  }
0x1f: {  	v55 =	vand.u32 $0xFFFF, v48;
	[tilespmem:$0x4030] =	vst v54  }
0x20: {  	v56 =	vshrl.u32 v51, $0x10;
	[tilespmem:$0x4130] =	vst v55  }
0x21: {  	v57 =	vand.u32 $0xFFFF, v51;
	[tilespmem:$0x4040] =	vst v56  }
0x22: {  	[tilespmem:$0x4140] =	vst v57  }
0x23: {  	[tilespmem:s14], [sflag:$0x1] =	stream.indirect.gather [hbm4b:s5+s12], $0x80, s13, s12, $0xb8;
	[tilespmem:$0x1D200] =	vst v63  }
0x24: {  	_ =	swait.ge [sflag:s15], $0x2800  }
0x25: {  	[sflag:s15] =	ssyncset.done $0x0  }
0x26: {  	[sflag:s15] =	ssyncadd.s32 $0xFFFFD800  }
0x27: {  	s20 =	simm.s32 $0xC0;
	[bflag:$0x0] =	sbarrier.arrive $0xFFFF  }
0x28: {  	v58 =	vld [tilespmem:s20+$0xFFFFFFC0];
	_ =	sdelay $0x2  }
0x29: {  	s22 =	sand.u32 $0x1, s3  }
0x2a: {  	s21 =	sxor.u32 $0x1, s22  }
0x2b: {  	s23 =	sshll.u32 s21, $0x7;
	v59 =	vshrl.u32 v58, $0x10  }
0x2c: {  	v0 =	vand.u32 $0xFFFF, v58;
	[tilespmem:s23+$0x4000] =	vst v59  }
0x2d: {  	[tilespmem:s23+$0x4100] =	vst v0  }
0x2e: {  	v0 =	vld [tilespmem:s20+$0xFFFFFFD0];
	_ =	sdelay $0x4  }
0x2f: {  	v60 =	vshrl.u32 v0, $0x10  }
0x30: {  	v0 =	vand.u32 $0xFFFF, v0;
	[tilespmem:s23+$0x4010] =	vst v60  }
0x31: {  	[tilespmem:s23+$0x4110] =	vst v0  }
0x32: {  	v0 =	vld [tilespmem:s20+$0xFFFFFFE0];
	_ =	sdelay $0x4  }
0x33: {  	v61 =	vshrl.u32 v0, $0x10  }
0x34: {  	v0 =	vand.u32 $0xFFFF, v0;
	[tilespmem:s23+$0x4020] =	vst v61  }
0x35: {  	[tilespmem:s23+$0x4120] =	vst v0  }
0x36: {  	v0 =	vld [tilespmem:s20+$0xFFFFFFF0];
	_ =	sdelay $0x4  }
0x37: {  	v62 =	vshrl.u32 v0, $0x10  }
0x38: {  	v0 =	vand.u32 $0xFFFF, v0;
	[tilespmem:s23+$0x4030] =	vst v62  }
0x39: {  	[tilespmem:s23+$0x4130] =	vst v0  }
0x3a: {  	v0 =	vld [tilespmem:s20+$0x0];
	_ =	sdelay $0x3  }
0x3b: {  	s21 =	smul.u32 $0xA000, s21  }
0x3c: {  	s24 =	smul.u32 $0xA000, s22;
	s22 =	sshll.u32 s22, $0x7;
	v63 =	vshrl.u32 v0, $0x10  }
0x3d: {  	s22 =	sor.u32 $0x4100, s22;
	s21 =	sshrl.u32 s21, $0x2;
	v0 =	vand.u32 $0xFFFF, v0;
	[tilespmem:s23+$0x4040] =	vst v63  }
0x3e: {  	s25 =	sor.u32 $0x4000, s23;
	s31 =	sshrl.u32 s24, $0x2;
	s21 =	sor.u32 $0x4200, s21;
	[tilespmem:s23+$0x4140] =	vst v0  }
0x3f: {  	[tilespmem:s21], [sflag:$0x1] =	stream.indirect.gather [hbm4b:s5+s12], $0x80, s25, s12, $0xb8;
	[tilespmem:$0x1D200] =	vst v63  }
0x40: {  	s24 =	sor.u32 $0x4200, s31;
	s21 =	simm.s32 $0x1;
	_ =	swait.ge [sflag:s16], $0x2800  }
.LBB2_2:
0x41: {  	p0 =	sne.s32 s21, $0x7B;
	[sflag:s16] =	ssyncset.done $0x0;
	s20 =	sadd.s32 $0x80, s20  }
0x42: {  	s23 =	smov.u32 s21;
	s21 =	sadd.s32 $0x1, s21;
	[sflag:s16] =	ssyncadd.s32 $0xFFFFD800  }
0x43: {  	[spmem:s1] =	stream.indirect.scatter.add.f32 [tilespmem:s24], [sflag:$0x3], $0x80, s22, s12, $0xb8;
	[tilespmem:$0x1D200] =	vst v63  }
0x44: {  	_ =	swait.ge [sflag:s11], $0x2800  }
0x45: {  	[sflag:s11] =	ssyncset.done $0x0  }
0x46: {  	[sflag:s11] =	ssyncadd.s32 $0xFFFFD800  }
0x47: {  	v0 =	vld [tilespmem:s20+$0xFFFFFFC0];
	_ =	sdelay $0x2  }
0x48: {  	s22 =	sand.u32 $0x1, s23  }
0x49: {  	s24 =	sxor.u32 $0x1, s22;
	s25 =	smul.u32 $0xA000, s22;
	s22 =	sshll.u32 s22, $0x7  }
0x4a: {  	s23 =	sshll.u32 s24, $0x7;
	s24 =	smul.u32 $0xA000, s24;
	v1 =	vshrl.u32 v0, $0x10;
	v0 =	vand.u32 $0xFFFF, v0  }
0x4b: {  	s25 =	sshrl.u32 s25, $0x2;
	[tilespmem:s23+$0x4000] =	vst v1  }
0x4c: {  	s24 =	sshrl.u32 s24, $0x2;
	[tilespmem:s23+$0x4100] =	vst v0  }
0x4d: {  	v0 =	vld [tilespmem:s20+$0xFFFFFFD0];
	_ =	sdelay $0x4  }
0x4e: {  	v1 =	vshrl.u32 v0, $0x10;
	v0 =	vand.u32 $0xFFFF, v0  }
0x4f: {  	[tilespmem:s23+$0x4010] =	vst v1  }
0x50: {  	[tilespmem:s23+$0x4110] =	vst v0  }
0x51: {  	v0 =	vld [tilespmem:s20+$0xFFFFFFE0];
	_ =	sdelay $0x4  }
0x52: {  	v1 =	vshrl.u32 v0, $0x10;
	v0 =	vand.u32 $0xFFFF, v0  }
0x53: {  	[tilespmem:s23+$0x4020] =	vst v1  }
0x54: {  	[tilespmem:s23+$0x4120] =	vst v0  }
0x55: {  	v0 =	vld [tilespmem:s20+$0xFFFFFFF0];
	_ =	sdelay $0x4  }
0x56: {  	v1 =	vshrl.u32 v0, $0x10;
	v0 =	vand.u32 $0xFFFF, v0  }
0x57: {  	[tilespmem:s23+$0x4030] =	vst v1  }
0x58: {  	[tilespmem:s23+$0x4130] =	vst v0  }
0x59: {  	v0 =	vld [tilespmem:s20+$0x0];
	_ =	sdelay $0x1  }
0x5a: {  	s26 =	sor.u32 $0x4000, s23;
	s28 =	sor.u32 $0x4200, s24;
	_ =	sdelay $0x2  }
.Ltmp0:
0x5b: {  	v1 =	vshrl.u32 v0, $0x10;
	v0 =	vand.u32 $0xFFFF, v0;
	(pc) =	sbr.rel @p0 .LBB2_2-.Ltmp0, $4  }
0x5c: {  	s22 =	sor.u32 $0x4100, s22;
	s24 =	sor.u32 $0x4200, s25;
	[tilespmem:s23+$0x4040] =	vst v1  }
0x5d: {  	[tilespmem:s23+$0x4140] =	vst v0  }
0x5e: {  	[tilespmem:s28], [sflag:$0x1] =	stream.indirect.gather [hbm4b:s5+s12], $0x80, s26, s12, $0xb8;
	[tilespmem:$0x1D200] =	vst v63  }
0x5f: {  	_ =	swait.ge [sflag:s16], $0x2800  }
0x60: {  	[sflag:s16] =	ssyncset.done $0x0  }
0x61: {  	[sflag:s16] =	ssyncadd.s32 $0xFFFFD800  }
0x62: {  	[spmem:s1] =	stream.indirect.scatter.add.f32 [tilespmem:s24], [sflag:$0x3], $0x80, s22, s12, $0xb8;
	[tilespmem:$0x1D200] =	vst v63  }
0x63: {  	_ =	swait.ge [sflag:s11], $0x2800  }
0x64: {  	[sflag:s11] =	ssyncset.done $0x0  }
0x65: {  	[sflag:s11] =	ssyncadd.s32 $0xFFFFD800  }
0x66: {  	_ =	swait.ge [sflag:s16], $0x2800  }
0x67: {  	[sflag:s16] =	ssyncset.done $0x0  }
0x68: {  	[sflag:s16] =	ssyncadd.s32 $0xFFFFD800  }
0x69: {  	[spmem:s1] =	stream.indirect.scatter.add.f32 [tilespmem:s14], [sflag:$0x3], $0x80, s17, s12, $0xb8;
	[tilespmem:$0x1D200] =	vst v63  }
0x6a: {  	_ =	swait.ge [sflag:s11], $0x2800  }
0x6b: {  	s19 =	sadd.s32 $0x1, s19;
	[sflag:s11] =	ssyncset.done $0x0  }
0x6c: {  	p0 =	sne.s32 s19, s9;
	[sflag:s11] =	ssyncadd.s32 $0xFFFFD800  }
.Ltmp1:
0x6d: {  	[bflag:$0x0] =	sbarrier.arrive $0xFFFF;
	(pc) =	sbr.rel @p0 .LBB2_1-.Ltmp1, $4  }
0x6e: {  	[hbm:s8], [sflag:s18] =	dma.local [spmem:s10], $0x2800  }
0x6f: {  	_ =	swait.ge [sflag:s11], $0x2800  }
0x70: {  	[sflag:s11] =	ssyncset.done $0x0  }
0x71: {  	[sflag:s11] =	ssyncadd.s32 $0xFFFFD800  }
0x72: {  	_ =	sfence.sel $0x180000  }
0x73: {  	[bflag:$0x0] =	sbarrier.arrive $0xFFFF  }
0x74: {  	p0 =	sne.s32 s2, $0x0;
	_ =	strace $0x90000053  }
0x75: {  	s0 =	sadd.s32 @!p0 $0x100000, s0;
	[bflag:$0x2] =	sbarrier.arrive $0xFFFF  }
0x76: {  	[sflag:s0] =	ssyncadd.tile.s32 @!p0 $0x1;
	_ =	shalt  }
.Lfunc_end2:
_tile_overlayer_lowered:
.L_overlay_start_2:
0x77: {  	(tag) =	ssettag $0x2  }
0x78: {  	s0 =	rddreg [dreg:$0x0];
	s2 =	stileid.u32  }
0x79: {  	s1 =	rddreg [dreg:$0x1];
	p0 =	sne.s32 s2, $0x0  }
0x7a: {  	s3 =	rddreg [dreg:$0x2];
	[bflag:$0x3] =	sbarrier.arrive $0xFFFF;
	s2 =	simm.s32 @!p0 $0x1C03  }
0x7b: {  	[timem:s3], [sflag:s2] =	dma.local @!p0 [hbm:s0], s1  }
0x7c: {  	s0 =	simm.s32 @!p0 $0x3  }
0x7d: {  	_ =	swait.ge @!p0 [sflag:s0], s1  }
0x7e: {  	s1 =	ssub.s32 @!p0 $0x0, s1;
	[sflag:s0] =	ssyncset.done @!p0 $0x0  }
0x7f: {  	[sflag:s0] =	ssyncadd.s32 @!p0 s1  }
0x80: {  	[bflag:$0x3] =	sbarrier.arrive $0xFFFF  }
0x81: {  	_ =	shalt  }

// kernel: kernel.29.cloned.1.call-start
scs
__scs_entry_jumppad:
0x0: {  	(pc) =	sbr.rel $0x88, $3  }
0x1: {  	(tag) =	ssettag $0x0;
	lr =	simm.s32 $0x1  }
0x2: {  	[smem:$0x3F8F] =	sst lr;
	_ =	strace $0xD0000000  }
0x3: {  	_ = 	snop  }
0x4: {  	_ = 	snop  }
0x5: {  	_ = 	snop  }
0x6: {  	_ = 	snop  }
0x7: {  	_ = 	snop  }
__scs_overlays_trampoline_lowered:
0x8: {  	[smem:$0x3F9E] =	sst s0  }
0x9: {  	[smem:$0x3F9F] =	sst s1  }
0xa: {  	[smem:$0x3FA0] =	sst s2  }
0xb: {  	[smem:$0x3FA1] =	sst s3  }
0xc: {  	[smem:$0x3FA2] =	sst s4  }
0xd: {  	[smem:$0x3FA3] =	sst s5  }
0xe: {  	[smem:$0x3FA4] =	sst s6  }
0xf: {  	[smem:$0x3FA5] =	sst s7  }
0x10: {  	[smem:$0x3FA6] =	sst s8  }
0x11: {  	[smem:$0x3FA7] =	sst s9;
	s0 =	simm.s32 @!p0 $0x0  }
0x12: {  	s1 =	sld [smem:$0x3F8D];
	s0 =	simm.s32 @p0 $0x1  }
0x13: {  	[smem:$0x3FA8] =	sst s0;
	s0 =	simm.s32 @!p1 $0x0  }
0x14: {  	s2 =	sld [smem:$0x3F8C];
	s0 =	simm.s32 @p1 $0x1  }
0x15: {  	[smem:$0x3FA9] =	sst s0;
	s0 =	simm.s32 @!p2 $0x0  }
0x16: {  	s3 =	sld [smem:$0x3FDB];
	s0 =	simm.s32 @p2 $0x1  }
0x17: {  	s4 =	simm.s32 $0x1BF5;
	[smem:$0x3FAB] =	sst s0  }
0x18: {  	s0 =	sld [smem:$0x3F8E];
	_ =	swait.ge [sflag:s4], $0x0  }
0x19: {  	s7 =	sld [smem:$0x3F8F]  }
0x1a: {  	s8 =	sadd.s32 $0xFFFFE003, lr  }
0x1b: {  	s9 =	sadd.s32 $0xFFFFFEF7, lr;
	s5 =	simm.s32 $0xFFFFFFFF;
	p2 =	slt.u32 s8, $0xFFFFF086  }
0x1c: {  	p1 =	slt.u32 s9, $0xF7A;
	s5 =	simm.s32 @!p2 $0x0  }
0x1d: {  	s5 =	simm.s32 @p1 $0x1;
	p0 =	seq.s32 s7, s2  }
0x1e: {  	s7 =	smul.u32 @!p0 $0xF7A, s2;
	p2 =	seq.s32 @!p0 s5, $0x0  }
0x1f: {  	s9 =	smul.u32 $0xF7A, s1;
	s8 =	simm.s32 @!p0 $0x1BF5;
	p2 =	por !p2, p0  }
0x20: {  	[sflag:s8] =	ssyncset.s32 @!p0 $0xFFFFF086;
	s6 =	sadd.s32 @!p0 s3, s7;
	s7 =	simm.s32 @!p0 $0x108  }
0x21: {  	s3 =	sadd.s32 s3, s9;
	s6 =	sadd.s32 @!p0 $0x88, s6;
	s7 =	simm.s32 @p2 $0x1082  }
0x22: {  	[simem:s7], [sflag:s8] =	dma.local @!p0 [hbm:s6], $0xF7A  }
0x23: {  	s9 =	sor.u32 $0xD0000000, s2;
	s6 =	simm.s32 $0x108;
	_ =	swait.ge @!p0 [sflag:s8], $0x0  }
0x24: {  	s3 =	sadd.s32 $0x88, s3;
	s6 =	simm.s32 @!p1 $0x1082;
	[sflag:s4] =	ssyncset.s32 $0xFFFFF086  }
0x25: {  	[simem:s6], [sflag:s4] =	dma.local [hbm:s3], $0xF7A  }
0x26: {  	[smem:$0x3F8F] =	sst s1;
	(tag) =	ssettag s2;
	_ =	strace s9  }
0x27: {  	s1 =	sld [smem:$0x3F9F]  }
0x28: {  	s2 =	sld [smem:$0x3FA0]  }
0x29: {  	s4 =	sld [smem:$0x3FA2]  }
0x2a: {  	p0 =	seq.s32 s5, $0x0;
	s5 =	sld [smem:$0x3FA3]  }
0x2b: {  	s6 =	sld [smem:$0x3FA4]  }
0x2c: {  	s7 =	sld [smem:$0x3FA5]  }
0x2d: {  	s3 =	simm.s32 $0x108;
	s8 =	sld [smem:$0x3FA6]  }
0x2e: {  	s3 =	simm.s32 @!p0 $0x1082;
	s9 =	sld [smem:$0x3FA7]  }
0x2f: {  	lr =	sadd.s32 s0, s3;
	s0 =	sld [smem:$0x3F9E]  }
0x30: {  	s3 =	sld [smem:$0x3FA1]  }
0x31: {  	[smem:$0x3FAA] =	sst s10  }
0x32: {  	s10 =	sld [smem:$0x3FA8];
	_ =	sdelay $0x3  }
0x33: {  	p0 =	seq.s32 s10, $0x1;
	s10 =	sld [smem:$0x3FAA];
	_ =	sdelay $0x3  }
0x34: {  	[smem:$0x3FAA] =	sst s10  }
0x35: {  	s10 =	sld [smem:$0x3FA9];
	_ =	sdelay $0x3  }
0x36: {  	p1 =	seq.s32 s10, $0x1;
	s10 =	sld [smem:$0x3FAA];
	_ =	sdelay $0x3  }
0x37: {  	[smem:$0x3FAA] =	sst s10  }
0x38: {  	s10 =	sld [smem:$0x3FAB]  }
0x39: {  	_ = 	snop;
	(pc) =	sbr.ind lr, $3  }
0x3a: {  	_ = 	snop  }
0x3b: {  	_ = 	snop  }
0x3c: {  	p2 =	seq.s32 s10, $0x1;
	s10 =	sld [smem:$0x3FAA]  }
0x3d: {  	_ =	shalt  }
0x3e: {  	_ =	shalt  }
0x3f: {  	_ =	shalt  }
0x40: {  	_ =	shalt  }
0x41: {  	_ =	shalt  }
0x42: {  	_ =	shalt  }
0x43: {  	_ =	shalt  }
0x44: {  	_ =	shalt  }
0x45: {  	_ =	shalt  }
0x46: {  	_ =	shalt  }
0x47: {  	_ =	shalt  }
0x48: {  	_ =	shalt  }
0x49: {  	_ =	shalt  }
0x4a: {  	_ =	shalt  }
0x4b: {  	_ =	shalt  }
0x4c: {  	_ =	shalt  }
0x4d: {  	_ =	shalt  }
0x4e: {  	_ =	shalt  }
0x4f: {  	_ =	shalt  }
0x50: {  	_ =	shalt  }
0x51: {  	_ =	shalt  }
0x52: {  	_ =	shalt  }
0x53: {  	_ =	shalt  }
0x54: {  	_ =	shalt  }
0x55: {  	_ =	shalt  }
0x56: {  	_ =	shalt  }
0x57: {  	_ =	shalt  }
0x58: {  	_ =	shalt  }
0x59: {  	_ =	shalt  }
0x5a: {  	_ =	shalt  }
0x5b: {  	_ =	shalt  }
0x5c: {  	_ =	shalt  }
0x5d: {  	_ =	shalt  }
0x5e: {  	_ =	shalt  }
0x5f: {  	_ =	shalt  }
0x60: {  	_ =	shalt  }
0x61: {  	_ =	shalt  }
0x62: {  	_ =	shalt  }
0x63: {  	_ =	shalt  }
0x64: {  	_ =	shalt  }
0x65: {  	_ =	shalt  }
0x66: {  	_ =	shalt  }
0x67: {  	_ =	shalt  }
0x68: {  	_ =	shalt  }
0x69: {  	_ =	shalt  }
0x6a: {  	_ =	shalt  }
0x6b: {  	_ =	shalt  }
0x6c: {  	_ =	shalt  }
0x6d: {  	_ =	shalt  }
0x6e: {  	_ =	shalt  }
0x6f: {  	_ =	shalt  }
0x70: {  	_ =	shalt  }
0x71: {  	_ =	shalt  }
0x72: {  	_ =	shalt  }
0x73: {  	_ =	shalt  }
0x74: {  	_ =	shalt  }
0x75: {  	_ =	shalt  }
0x76: {  	_ =	shalt  }
0x77: {  	_ =	shalt  }
0x78: {  	_ =	shalt  }
0x79: {  	_ =	shalt  }
0x7a: {  	_ =	shalt  }
0x7b: {  	_ =	shalt  }
0x7c: {  	_ =	shalt  }
0x7d: {  	_ =	shalt  }
0x7e: {  	_ =	shalt  }
0x7f: {  	_ =	shalt  }
0x80: {  	_ =	shalt  }
0x81: {  	_ =	shalt  }
0x82: {  	_ =	shalt  }
0x83: {  	_ =	shalt  }
0x84: {  	_ =	shalt  }
0x85: {  	_ =	shalt  }
0x86: {  	_ =	shalt  }
0x87: {  	_ =	shalt  }
.Lfunc_end0:
.L_simem_size_0:
called_computation.5_lowered:
.L_overlay_start_0:
0x88: {  	s2 =	sld [smem:$0x3FD9]  }
0x89: {  	s3 =	sld [smem:$0x3FFE];
	_ =	sdelay $0x1  }
0x8a: {  	s1 =	srdreg.scid  }
0x8b: {  	s0 =	sand.u32 $0x1, s1  }
0x8c: {  	s16 =	sshll.u32 s0, $0xA;
	s2 =	sadd.s32 s3, s2  }
0x8d: {  	s2 =	sadd.s32 s2, s16  }
0x8e: {  	[smem:$0x3FB6] =	sst s2  }
0x8f: {  	_ = 	snop  }
0x90: {  	(tm) =	ssettm $0x1  }
0x91: {  	s17 =	sld [smem:$0x3FFB];
	_ =	sdelay $0x3  }
0x92: {  	_ =	strace s17  }
0x93: {  	s2 =	sld [smem:$0x3FFC];
	_ =	sdelay $0x3  }
0x94: {  	_ =	strace s2  }
0x95: {  	s2 =	sld [smem:$0x3FFD];
	_ =	sdelay $0x3  }
0x96: {  	_ =	strace s2  }
0x97: {  	_ =	strace $0x8FFFFFFF  }
0x98: {  	s18 =	sld [smem:$0x3FDB];
	_ =	sdelay $0x1  }
0x99: {  	s19 =	simm.s32 $_scs_section_size  }
0x9a: {  	s4 =	simm.s32 $_size__tile_overlayer_lowered;
	s5 =	simm.s32 $_tile_overlayer_lowered  }
0x9b: {  	s22 =	simm.s32 $0x1BFF;
	s21 =	sshll.u32 s5, $0x1;
	s2 =	sadd.s32 s19, s18  }
0x9c: {  	s6 =	simm.s32 $0x0;
	s20 =	sshll.u32 s4, $0x1;
	s4 =	sadd.s32 s21, s2  }
0x9d: {  	[timem:s6], [sflag:s22] =	dma.local [hbm:s4], s20  }
0x9e: {  	_ =	swait.ge [sflag:s22], s20  }
0x9f: {  	s3 =	ssub.s32 $0x0, s20;
	[sflag:s22] =	ssyncset.done $0x0  }
0xa0: {  	[sflag:s22] =	ssyncadd.s32 s3;
	_ =	sdelay $0x1  }
0xa1: {  	s23 =	simm.s32 $0x1B8B  }
0xa2: {  	_ =	swait.ge [sflag:s23], $0x1  }
0xa3: {  	[sflag:s23] =	ssyncset.done $0x0  }
0xa4: {  	s25 =	simm.s32 $0x1B8E;
	s24 =	sld [smem:$0x3FFE];
	[sflag:s23] =	ssyncadd.s32 $0xFFFFFFFF  }
0xa5: {  	s26 =	simm.s32 $execute0_lowered;
	[smem:$0x3FD2] =	sst s25  }
0xa6: {  	s4 =	sshll.u32 s26, $0x1;
	_ =	strace $0x80000055;
	[dreg:$0x1] =	wrdreg $0xFFFFFFFF  }
0xa7: {  	s28 =	simm.s32 $_size_execute0_lowered;
	s2 =	sadd.s32 s2, s4;
	[dreg:$0x0] =	wrdreg $0x0  }
0xa8: {  	s4 =	sshll.u32 s28, $0x1;
	[dreg:$0x2] =	wrdreg s2  }
0xa9: {  	[dreg:$0x3] =	wrdreg s4  }
0xaa: {  	[dreg:$0x4] =	wrdreg $0xC0  }
0xab: {  	_ =	task [dreg:s6], $0x5FFFF  }
0xac: {  	[dreg:$0x1] =	wrdreg $0xFFFFFFFF  }
0xad: {  	[dreg:$0x0] =	wrdreg $0x60  }
0xae: {  	[dreg:$0x2] =	wrdreg s24  }
0xaf: {  	[dreg:$0x3] =	wrdreg $0x92000  }
0xb0: {  	[dreg:$0x4] =	wrdreg $0x9  }
0xb1: {  	_ =	task.clear_ibuf [dreg:s6], $0x5FFFF;
	_ =	strace $0x90000055  }
0xb2: {  	s29 =	simm.s32 $0x9;
	_ =	strace $0x80000057  }
0xb3: {  	_ =	swait.ge [sflag:s29], $0x1  }
0xb4: {  	[sflag:s29] =	ssyncadd.s32 $0xFFFFFFFF  }
0xb5: {  	_ =	strace $0x90000057  }
0xb6: {  	_ =	sfence  }
0xb7: {  	s30 =	sld [smem:$0x0];
	_ =	sdelay $0x2  }
0xb8: {  	s31 =	sshll.u32 s1, $0xD;
	s1 =	sshrl.u32 s1, $0x2  }
0xb9: {  	s3 =	sand.u32 $0x4000, s31;
	s1 =	sadd.s32 s1, s30  }
0xba: {  	s0 =	sor.u32 s3, s0;
	s1 =	sshll.u32 s1, $0x11  }
0xbb: {  	s0 =	sor.u32 s1, s0  }
0xbc: {  	s0 =	sadd.s32 $0x8F2B, s0  }
0xbd: {  	[sflag:s0] =	ssyncadd.remote.s32 $0x1  }
0xbe: {  	_ =	sfence.sel $0xFFFF  }
0xbf: {  	[dreg:$0x0] =	wrdreg $0xFFFFFFFF;
	(pc) =	sbr.abs _section_cstart, $3  }
0xc0: {  	[dreg:$0x1] =	wrdreg $0xFFFFFFFF  }
0xc1: {  	_ =	task.clear_ibuf [dreg:s6], $0x2FFFF;
	_ =	strace $0x9FFFFFFF  }
0xc2: {  	(tm) =	ssettm $0x7FFFFFFF  }
0xc3: {  	_ =	shalt  }
tec
execute0_lowered:
.L_overlay_start_1:
0x0: {  	(tag) =	ssettag $0x1  }
0x1: {  	s6 =	rddreg [dreg:$0x0]  }
0x2: {  	s1 =	rddreg [dreg:$0x1]  }
0x3: {  	s2 =	srdreg.scid;
	s0 =	rddreg [dreg:$0x2];
	s3 =	simm.s32 $0x0  }
0x4: {  	s12 =	simm.s32 $0x50;
	s13 =	simm.s32 $0x4000;
	s14 =	simm.s32 $0x4200  }
0x5: {  	s15 =	simm.s32 $0x2;
	s16 =	simm.s32 $0x1;
	s17 =	simm.s32 $0x4100  }
0x6: {  	s19 =	simm.s32 $0x0;
	s7 =	sand.u32 $0x1, s2;
	s2 =	stileid.u32  }
0x7: {  	[smem:$0x7FF] =	sst s3;
	s5 =	sadd.s32 $0x36200, s6;
	s8 =	smul.u32 $0x140000, s7  }
0x8: {  	s4 =	sshll.u32 s7, $0xB;
	s9 =	smul.u32 $0x14000, s2;
	_ =	strace $0x80000056  }
0x9: {  	s7 =	ssub.s32 $0x2, s7;
	s11 =	smul.u32 $0x50000, s2;
	s30 =	sshll.u32 s2, $0xC  }
0xa: {  	s18 =	sshll.u32 s2, $0x6;
	s10 =	sadd.s32 s4, s6;
	s29 =	sshrl.u32 s7, $0x1  }
0xb: {  	s4 =	sadd.s32 $0x4E00, s6;
	s8 =	sadd.s32 s9, s8;
	s9 =	ssub.s32 s7, s29  }
0xc: {  	s31 =	sshrl.u32 s11, $0x2;
	s10 =	sadd.s32 s30, s10;
	s8 =	sshrl.u32 s8, $0x3  }
0xd: {  	s11 =	sadd.s32 s31, s1;
	s7 =	sadd.s32 $0x26200, s10;
	s9 =	smax.u32 s9, $0x1  }
0xe: {  	s8 =	sadd.s32 s8, s6;
	s6 =	sor.u32 $0x1C02, s18;
	s10 =	sshrl.u32 s11, $0x3  }
0xf: {  	s11 =	simm.s32 $0x3;
	s18 =	sor.u32 $0x1C03, s18;
	s8 =	sadd.s32 $0x5E200, s8  }
.LBB2_1:
0x10: {  	[spmem:s10], [sflag:s6] =	dma.local [hbm:s4], $0x2800  }
0x11: {  	[tilespmem:s3], [sflag:$0x3] =	stream.linear.gather [hbm4b:s7+s3], $0x3E80, $0x38;
	[tilespmem:$0x1D200] =	vst v63  }
0x12: {  	_ =	swait.ge [sflag:s11], $0x3E80  }
0x13: {  	[sflag:s11] =	ssyncset.done $0x0  }
0x14: {  	[sflag:s11] =	ssyncadd.s32 $0xFFFFC180  }
0x15: {  	v0 =	vld [tilespmem:$0x0];
	_ =	sdelay $0x1  }
0x16: {  	v1 =	vld [tilespmem:$0x10];
	_ =	sdelay $0x1  }
0x17: {  	v2 =	vld [tilespmem:$0x20]  }
0x18: {  	v3 =	vshrl.u32 v0, $0x10  }
0x19: {  	v48 =	vld [tilespmem:$0x30];
	v0 =	vand.u32 $0xFFFF, v0;
	[tilespmem:$0x4000] =	vst v3  }
0x1a: {  	v49 =	vshrl.u32 v1, $0x10;
	[tilespmem:$0x4100] =	vst v0  }
0x1b: {  	v51 =	vld [tilespmem:$0x40];
	v50 =	vand.u32 $0xFFFF, v1;
	[tilespmem:$0x4010] =	vst v49  }
0x1c: {  	v52 =	vshrl.u32 v2, $0x10;
	[tilespmem:$0x4110] =	vst v50  }
0x1d: {  	v53 =	vand.u32 $0xFFFF, v2;
	[tilespmem:$0x4020] =	vst v52  }
0x1e: {  	v54 =	vshrl.u32 v48, $0x10;
	[tilespmem:$0x4120] =	vst v53  }
0x1f: {  	v55 =	vand.u32 $0xFFFF, v48;
	[tilespmem:$0x4030] =	vst v54  }
0x20: {  	v56 =	vshrl.u32 v51, $0x10;
	[tilespmem:$0x4130] =	vst v55  }
0x21: {  	v57 =	vand.u32 $0xFFFF, v51;
	[tilespmem:$0x4040] =	vst v56  }
0x22: {  	[tilespmem:$0x4140] =	vst v57  }
0x23: {  	[tilespmem:s14], [sflag:$0x1] =	stream.indirect.gather [hbm4b:s5+s12], $0x80, s13, s12, $0xb8;
	[tilespmem:$0x1D200] =	vst v63  }
0x24: {  	_ =	swait.ge [sflag:s15], $0x2800  }
0x25: {  	[sflag:s15] =	ssyncset.done $0x0  }
0x26: {  	[sflag:s15] =	ssyncadd.s32 $0xFFFFD800  }
0x27: {  	s20 =	simm.s32 $0xC0;
	[bflag:$0x0] =	sbarrier.arrive $0xFFFF  }
0x28: {  	v58 =	vld [tilespmem:s20+$0xFFFFFFC0];
	_ =	sdelay $0x2  }
0x29: {  	s22 =	sand.u32 $0x1, s3  }
0x2a: {  	s21 =	sxor.u32 $0x1, s22  }
0x2b: {  	s23 =	sshll.u32 s21, $0x7;
	v59 =	vshrl.u32 v58, $0x10  }
0x2c: {  	v0 =	vand.u32 $0xFFFF, v58;
	[tilespmem:s23+$0x4000] =	vst v59  }
0x2d: {  	[tilespmem:s23+$0x4100] =	vst v0  }
0x2e: {  	v0 =	vld [tilespmem:s20+$0xFFFFFFD0];
	_ =	sdelay $0x4  }
0x2f: {  	v60 =	vshrl.u32 v0, $0x10  }
0x30: {  	v0 =	vand.u32 $0xFFFF, v0;
	[tilespmem:s23+$0x4010] =	vst v60  }
0x31: {  	[tilespmem:s23+$0x4110] =	vst v0  }
0x32: {  	v0 =	vld [tilespmem:s20+$0xFFFFFFE0];
	_ =	sdelay $0x4  }
0x33: {  	v61 =	vshrl.u32 v0, $0x10  }
0x34: {  	v0 =	vand.u32 $0xFFFF, v0;
	[tilespmem:s23+$0x4020] =	vst v61  }
0x35: {  	[tilespmem:s23+$0x4120] =	vst v0  }
0x36: {  	v0 =	vld [tilespmem:s20+$0xFFFFFFF0];
	_ =	sdelay $0x4  }
0x37: {  	v62 =	vshrl.u32 v0, $0x10  }
0x38: {  	v0 =	vand.u32 $0xFFFF, v0;
	[tilespmem:s23+$0x4030] =	vst v62  }
0x39: {  	[tilespmem:s23+$0x4130] =	vst v0  }
0x3a: {  	v0 =	vld [tilespmem:s20+$0x0];
	_ =	sdelay $0x3  }
0x3b: {  	s21 =	smul.u32 $0xA000, s21  }
0x3c: {  	s24 =	smul.u32 $0xA000, s22;
	s22 =	sshll.u32 s22, $0x7;
	v63 =	vshrl.u32 v0, $0x10  }
0x3d: {  	s22 =	sor.u32 $0x4100, s22;
	s21 =	sshrl.u32 s21, $0x2;
	v0 =	vand.u32 $0xFFFF, v0;
	[tilespmem:s23+$0x4040] =	vst v63  }
0x3e: {  	s25 =	sor.u32 $0x4000, s23;
	s31 =	sshrl.u32 s24, $0x2;
	s21 =	sor.u32 $0x4200, s21;
	[tilespmem:s23+$0x4140] =	vst v0  }
0x3f: {  	[tilespmem:s21], [sflag:$0x1] =	stream.indirect.gather [hbm4b:s5+s12], $0x80, s25, s12, $0xb8;
	[tilespmem:$0x1D200] =	vst v63  }
0x40: {  	s24 =	sor.u32 $0x4200, s31;
	s21 =	simm.s32 $0x1;
	_ =	swait.ge [sflag:s16], $0x2800  }
.LBB2_2:
0x41: {  	p0 =	sne.s32 s21, $0x7B;
	[sflag:s16] =	ssyncset.done $0x0;
	s20 =	sadd.s32 $0x80, s20  }
0x42: {  	s23 =	smov.u32 s21;
	s21 =	sadd.s32 $0x1, s21;
	[sflag:s16] =	ssyncadd.s32 $0xFFFFD800  }
0x43: {  	[spmem:s1] =	stream.indirect.scatter.add.f32 [tilespmem:s24], [sflag:$0x3], $0x80, s22, s12, $0xb8;
	[tilespmem:$0x1D200] =	vst v63  }
0x44: {  	_ =	swait.ge [sflag:s11], $0x2800  }
0x45: {  	[sflag:s11] =	ssyncset.done $0x0  }
0x46: {  	[sflag:s11] =	ssyncadd.s32 $0xFFFFD800  }
0x47: {  	v0 =	vld [tilespmem:s20+$0xFFFFFFC0];
	_ =	sdelay $0x2  }
0x48: {  	s22 =	sand.u32 $0x1, s23  }
0x49: {  	s24 =	sxor.u32 $0x1, s22;
	s25 =	smul.u32 $0xA000, s22;
	s22 =	sshll.u32 s22, $0x7  }
0x4a: {  	s23 =	sshll.u32 s24, $0x7;
	s24 =	smul.u32 $0xA000, s24;
	v1 =	vshrl.u32 v0, $0x10;
	v0 =	vand.u32 $0xFFFF, v0  }
0x4b: {  	s25 =	sshrl.u32 s25, $0x2;
	[tilespmem:s23+$0x4000] =	vst v1  }
0x4c: {  	s24 =	sshrl.u32 s24, $0x2;
	[tilespmem:s23+$0x4100] =	vst v0  }
0x4d: {  	v0 =	vld [tilespmem:s20+$0xFFFFFFD0];
	_ =	sdelay $0x4  }
0x4e: {  	v1 =	vshrl.u32 v0, $0x10;
	v0 =	vand.u32 $0xFFFF, v0  }
0x4f: {  	[tilespmem:s23+$0x4010] =	vst v1  }
0x50: {  	[tilespmem:s23+$0x4110] =	vst v0  }
0x51: {  	v0 =	vld [tilespmem:s20+$0xFFFFFFE0];
	_ =	sdelay $0x4  }
0x52: {  	v1 =	vshrl.u32 v0, $0x10;
	v0 =	vand.u32 $0xFFFF, v0  }
0x53: {  	[tilespmem:s23+$0x4020] =	vst v1  }
0x54: {  	[tilespmem:s23+$0x4120] =	vst v0  }
0x55: {  	v0 =	vld [tilespmem:s20+$0xFFFFFFF0];
	_ =	sdelay $0x4  }
0x56: {  	v1 =	vshrl.u32 v0, $0x10;
	v0 =	vand.u32 $0xFFFF, v0  }
0x57: {  	[tilespmem:s23+$0x4030] =	vst v1  }
0x58: {  	[tilespmem:s23+$0x4130] =	vst v0  }
0x59: {  	v0 =	vld [tilespmem:s20+$0x0];
	_ =	sdelay $0x1  }
0x5a: {  	s26 =	sor.u32 $0x4000, s23;
	s28 =	sor.u32 $0x4200, s24;
	_ =	sdelay $0x2  }
.Ltmp0:
0x5b: {  	v1 =	vshrl.u32 v0, $0x10;
	v0 =	vand.u32 $0xFFFF, v0;
	(pc) =	sbr.rel @p0 .LBB2_2-.Ltmp0, $4  }
0x5c: {  	s22 =	sor.u32 $0x4100, s22;
	s24 =	sor.u32 $0x4200, s25;
	[tilespmem:s23+$0x4040] =	vst v1  }
0x5d: {  	[tilespmem:s23+$0x4140] =	vst v0  }
0x5e: {  	[tilespmem:s28], [sflag:$0x1] =	stream.indirect.gather [hbm4b:s5+s12], $0x80, s26, s12, $0xb8;
	[tilespmem:$0x1D200] =	vst v63  }
0x5f: {  	_ =	swait.ge [sflag:s16], $0x2800  }
0x60: {  	[sflag:s16] =	ssyncset.done $0x0  }
0x61: {  	[sflag:s16] =	ssyncadd.s32 $0xFFFFD800  }
0x62: {  	[spmem:s1] =	stream.indirect.scatter.add.f32 [tilespmem:s24], [sflag:$0x3], $0x80, s22, s12, $0xb8;
	[tilespmem:$0x1D200] =	vst v63  }
0x63: {  	_ =	swait.ge [sflag:s11], $0x2800  }
0x64: {  	[sflag:s11] =	ssyncset.done $0x0  }
0x65: {  	[sflag:s11] =	ssyncadd.s32 $0xFFFFD800  }
0x66: {  	_ =	swait.ge [sflag:s16], $0x2800  }
0x67: {  	[sflag:s16] =	ssyncset.done $0x0  }
0x68: {  	[sflag:s16] =	ssyncadd.s32 $0xFFFFD800  }
0x69: {  	[spmem:s1] =	stream.indirect.scatter.add.f32 [tilespmem:s14], [sflag:$0x3], $0x80, s17, s12, $0xb8;
	[tilespmem:$0x1D200] =	vst v63  }
0x6a: {  	_ =	swait.ge [sflag:s11], $0x2800  }
0x6b: {  	s19 =	sadd.s32 $0x1, s19;
	[sflag:s11] =	ssyncset.done $0x0  }
0x6c: {  	p0 =	sne.s32 s19, s9;
	[sflag:s11] =	ssyncadd.s32 $0xFFFFD800  }
.Ltmp1:
0x6d: {  	[bflag:$0x0] =	sbarrier.arrive $0xFFFF;
	(pc) =	sbr.rel @p0 .LBB2_1-.Ltmp1, $4  }
0x6e: {  	[hbm:s8], [sflag:s18] =	dma.local [spmem:s10], $0x2800  }
0x6f: {  	_ =	swait.ge [sflag:s11], $0x2800  }
0x70: {  	[sflag:s11] =	ssyncset.done $0x0  }
0x71: {  	[sflag:s11] =	ssyncadd.s32 $0xFFFFD800  }
0x72: {  	_ =	sfence.sel $0x180000  }
0x73: {  	[bflag:$0x0] =	sbarrier.arrive $0xFFFF  }
0x74: {  	p0 =	sne.s32 s2, $0x0;
	_ =	strace $0x90000056  }
0x75: {  	s0 =	sadd.s32 @!p0 $0x100000, s0;
	[bflag:$0x2] =	sbarrier.arrive $0xFFFF  }
0x76: {  	[sflag:s0] =	ssyncadd.tile.s32 @!p0 $0x1;
	_ =	shalt  }
.Lfunc_end2:
_tile_overlayer_lowered:
.L_overlay_start_2:
0x77: {  	(tag) =	ssettag $0x2  }
0x78: {  	s0 =	rddreg [dreg:$0x0];
	s2 =	stileid.u32  }
0x79: {  	s1 =	rddreg [dreg:$0x1];
	p0 =	sne.s32 s2, $0x0  }
0x7a: {  	s3 =	rddreg [dreg:$0x2];
	[bflag:$0x3] =	sbarrier.arrive $0xFFFF;
	s2 =	simm.s32 @!p0 $0x1C03  }
0x7b: {  	[timem:s3], [sflag:s2] =	dma.local @!p0 [hbm:s0], s1  }
0x7c: {  	s0 =	simm.s32 @!p0 $0x3  }
0x7d: {  	_ =	swait.ge @!p0 [sflag:s0], s1  }
0x7e: {  	s1 =	ssub.s32 @!p0 $0x0, s1;
	[sflag:s0] =	ssyncset.done @!p0 $0x0  }
0x7f: {  	[sflag:s0] =	ssyncadd.s32 @!p0 s1  }
0x80: {  	[bflag:$0x3] =	sbarrier.arrive $0xFFFF  }
0x81: {  	_ =	shalt  }

</sc_bundles>
